<compile_context>
chip_gen: v7x
topology: tpu7x:2x2x1
jax: 0.10.2.dev20260603
libtpu: 0.0.44.dev20260713+nightly
codegen_flags: <defaults>
</compile_context>

<pallas_src>
import jax
import jax.numpy as jnp
from jax import lax
from jax.experimental import pallas as pl
from jax.experimental.pallas import tpu as pltpu
from jax.experimental.pallas import tpu_sc as plsc

N = 10000
E = 160000
D = 128
B = 128
NEG_SLOPE = 0.01

NPAD = 10240
EPAD = 163840
NC = 2
NS = 16
NW = NC * NS
EW = EPAD // NW
C1 = 32
C3 = 64
C4 = 64
QCOLS = 256




def _hdot(a, b):
  return jax.lax.dot_general(a, b, (((a.ndim - 1,), (0,)), ((), ())),
                             precision=jax.lax.Precision.HIGHEST,
                             preferred_element_type=jnp.float32)

def _t0_body(wq_ref, wk_ref, qst_ref, qr_ref, m_ref, qtab_ref, u_ref, v_ref):
  wq = wq_ref[...]
  wk = wk_ref[...]
  m = jax.lax.dot_general(wq, wk, (((0,), (0,)), ((), ())),
                          precision=jax.lax.Precision.HIGHEST,
                          preferred_element_type=jnp.float32)
  m_ref[...] = m

  qst = qst_ref[...]
  qr = qr_ref[...]

  def blk(a, b):
    return m[a * D:(a + 1) * D, b * D:(b + 1) * D]

  h2 = (_hdot(qst, blk(1, 2).T) + _hdot(qr, blk(1, 3).T)
        + _hdot(qst, blk(2, 1)) + _hdot(qr, blk(3, 1)))
  c = (jnp.sum(qst * (_hdot(qst, blk(2, 2).T) + _hdot(qr, blk(2, 3).T)), axis=1)
       + jnp.sum(qr * (_hdot(qst, blk(3, 2).T) + _hdot(qr, blk(3, 3).T)), axis=1))
  u = _hdot(qst, blk(0, 2).T) + _hdot(qr, blk(0, 3).T)
  v = _hdot(qst, blk(2, 0)) + _hdot(qr, blk(3, 0))
  qtab_ref[...] = jnp.concatenate(
      [h2, c[:, None], jnp.zeros((B, QCOLS - D - 1), jnp.float32)], axis=1)
  u_ref[...] = u
  v_ref[...] = v


def _tables_small(Wq, Wk, qst, qr):
  return pl.pallas_call(
      _t0_body,
      out_shape=(
          jax.ShapeDtypeStruct((4 * D, 4 * D), jnp.float32),
          jax.ShapeDtypeStruct((B, QCOLS), jnp.float32),
          jax.ShapeDtypeStruct((B, D), jnp.float32),
          jax.ShapeDtypeStruct((B, D), jnp.float32),
      ),
  )(Wq, Wk, qst, qr)


def _t1_body(nb_ref, m_ref, u_ref, v_ref, tsrc_ref, tdst_ref):
  nb = nb_ref[...]
  m = m_ref[...]

  def blk(a, b):
    return m[a * D:(a + 1) * D, b * D:(b + 1) * D]

  gp = _hdot(nb, blk(0, 1))
  p = _hdot(nb, blk(0, 0))
  x = _hdot(nb, u_ref[...].T)
  g = _hdot(nb, blk(1, 0).T)
  y = _hdot(nb, v_ref[...].T)
  tsrc_ref[...] = jnp.concatenate([gp, p, x], axis=1)
  tdst_ref[...] = jnp.concatenate([g, nb, y], axis=1)


def _tables_node(node_pad, M, U, V):
  grid = NPAD // 512
  return pl.pallas_call(
      _t1_body,
      grid=(grid,),
      in_specs=[
          pl.BlockSpec((512, D), lambda i: (i, 0)),
          pl.BlockSpec((4 * D, 4 * D), lambda i: (0, 0)),
          pl.BlockSpec((B, D), lambda i: (0, 0)),
          pl.BlockSpec((B, D), lambda i: (0, 0)),
      ],
      out_specs=(
          pl.BlockSpec((512, 3 * D), lambda i: (i, 0)),
          pl.BlockSpec((512, 3 * D), lambda i: (i, 0)),
      ),
      out_shape=(
          jax.ShapeDtypeStruct((NPAD, 3 * D), jnp.float32),
          jax.ShapeDtypeStruct((NPAD, 3 * D), jnp.float32),
      ),
  )(node_pad, M, U, V)


def _t2_body(rel_ref, m11_ref, z_ref):
  relb = rel_ref[...]
  m11 = m11_ref[...]
  t = jax.lax.dot_general(relb, m11, (((2,), (1,)), ((), ())),
                          precision=jax.lax.Precision.HIGHEST,
                          preferred_element_type=jnp.float32)
  z_ref[...] = jnp.sum(relb * t, axis=2)


def _quad_form(rel3, M11):
  grid = 25
  return pl.pallas_call(
      _t2_body,
      grid=(grid,),
      in_specs=[
          pl.BlockSpec((40, 160, D), lambda i: (i, 0, 0)),
          pl.BlockSpec((D, D), lambda i: (0, 0)),
      ],
      out_specs=pl.BlockSpec((40, 160), lambda i: (i, 0)),
      out_shape=jax.ShapeDtypeStruct((1000, 160), jnp.float32),
  )(rel3, M11)


def _t5_body(ag_ref, sc_ref, ms_ref, nb_ref, w_ref, b_ref, out_ref, score_ref):
  agg = ag_ref[0] + ag_ref[1]
  mask = ms_ref[...]
  upd = agg + mask * nb_ref[...]
  uu = jax.lax.bitcast_convert_type(upd, jnp.int32)
  ur = (uu + 0x7FFF + ((uu >> 16) & 1)) & jnp.int32(-65536)
  updr = jax.lax.bitcast_convert_type(ur, jnp.float32)
  out = _hdot(updr, w_ref[...].T) + b_ref[...]
  out_ref[...] = jnp.where(out >= 0.0, out, NEG_SLOPE * out)
  score_ref[...] = sc_ref[0] + sc_ref[1]


def _finalize(agg2, score2r, ms2d, node_pad, W_lin, b_lin2):
  grid = NPAD // 512
  return pl.pallas_call(
      _t5_body,
      grid=(grid,),
      in_specs=[
          pl.BlockSpec((2, 512, D), lambda i: (0, i, 0)),
          pl.BlockSpec((2, 1, 1, 512), lambda i: (0, i, 0, 0)),
          pl.BlockSpec((512, 1), lambda i: (i, 0)),
          pl.BlockSpec((512, D), lambda i: (i, 0)),
          pl.BlockSpec((D, D), lambda i: (0, 0)),
          pl.BlockSpec((1, D), lambda i: (0, 0)),
      ],
      out_specs=(
          pl.BlockSpec((512, D), lambda i: (i, 0)),
          pl.BlockSpec((1, 1, 512), lambda i: (i, 0, 0)),
      ),
      out_shape=(
          jax.ShapeDtypeStruct((NPAD, D), jnp.float32),
          jax.ShapeDtypeStruct((NPAD // 512, 1, 512), jnp.float32),
      ),
  )(agg2, score2r, ms2d, node_pad, W_lin, b_lin2)



_MESH = plsc.VectorSubcoreMesh(core_axis_name="c", subcore_axis_name="s")


def _wid():
  return lax.axis_index("s") * NC + lax.axis_index("c")


def _iota16():
  return lax.iota(jnp.int32, 16)


def _splat(x):
  return jnp.broadcast_to(x, (16,))



def _p1_body(tsrc, tdst, qtab, relh, esh, edh, qih, zh,
             logits_out, lmax_out,
             bufS0, bufS1, bufD0, bufD1, relb0, relb1, eid0, eid1,
             esv, edv, qiv, zv, bufQ, lgbuf, kscr, vscr, lmax,
             smS0, smS1, smD0, smD1, smR0, smR1):
  wid = _wid()
  ebase = wid * EW
  bufS_ = (bufS0, bufS1)
  bufD_ = (bufD0, bufD1)
  relb_ = (relb0, relb1)
  eid_ = (eid0, eid1)
  smS_ = (smS0, smS1)
  smD_ = (smD0, smD1)
  smR_ = (smR0, smR1)
  ROUNDS = EW // C1

  neg = jnp.full((16,), -1e30, jnp.float32)

  def init_body(k, _):
    lmax[pl.ds(k * 16, 16)] = neg
    return 0

  lax.fori_loop(0, NPAD // 16, init_body, 0)

  pltpu.sync_copy(qtab, bufQ)
  pltpu.sync_copy(esh.at[pl.ds(ebase, EW)], esv)
  pltpu.sync_copy(edh.at[pl.ds(ebase, EW)], edv)
  pltpu.sync_copy(qih.at[pl.ds(ebase, EW)], qiv)
  pltpu.sync_copy(zh.at[pl.ds(ebase, EW)], zv)

  iota = _iota16()
  emax = _splat(E - 1)

  def issue(r, b):
    lb = r * C1
    for g in range(C1 // 16):
      eid_[b][pl.ds(g * 16, 16)] = jnp.minimum(
          _splat(ebase + lb + g * 16) + iota, emax)
    pltpu.async_copy(tsrc.at[esv.at[pl.ds(lb, C1)]], bufS_[b], smS_[b])
    pltpu.async_copy(tdst.at[edv.at[pl.ds(lb, C1)]], bufD_[b], smD_[b])
    pltpu.async_copy(relh.at[eid_[b]], relb_[b], smR_[b])

  def drain(b):
    pltpu.make_async_copy(tsrc.at[pl.ds(0, C1)], bufS_[b], smS_[b]).wait()
    pltpu.make_async_copy(tdst.at[pl.ds(0, C1)], bufD_[b], smD_[b]).wait()
    pltpu.make_async_copy(relh.at[pl.ds(0, C1)], relb_[b], smR_[b]).wait()

  def compute(r, b):
    lb = r * C1
    bufS = bufS_[b]
    bufD = bufD_[b]
    relbuf = relb_[b]
    for g in range(C1 // 16):
      lane = iota + (g * 16)
      s16 = esv[pl.ds(lb + g * 16, 16)]
      iq16 = qiv[pl.ds(lb + g * 16, 16)]
      z16 = zv[pl.ds(lb + g * 16, 16)]
      c16 = plsc.load_gather(bufQ, [iq16, _splat(D)])
      x16 = plsc.load_gather(bufS, [lane, _splat(2 * D) + iq16])
      y16 = plsc.load_gather(bufD, [lane, _splat(2 * D) + iq16])
      acc0 = z16 + c16 + x16 + y16

      def dot_body(j, acc):
        for jj in range(4):
          jb = _splat(j * 4 + jj)
          r16 = plsc.load_gather(relbuf, [lane, jb])
          gp16 = plsc.load_gather(bufS, [lane, jb])
          p16 = plsc.load_gather(bufS, [lane, _splat(D) + jb])
          g16 = plsc.load_gather(bufD, [lane, jb])
          nr16 = plsc.load_gather(bufD, [lane, _splat(D) + jb])
          h16 = plsc.load_gather(bufQ, [iq16, jb])
          acc = acc + r16 * (gp16 + g16 + h16) + p16 * nr16
        return acc

      acc = lax.fori_loop(0, D // 4, dot_body, acc0)
      lgbuf[pl.ds(g * 16, 16)] = acc

      key, val = plsc.sort_key_val(s16, acc)
      for sh in (1, 2, 4, 8):
        kscr[...] = key
        vscr[...] = val
        back = jnp.maximum(iota - sh, 0)
        kb = plsc.load_gather(kscr, [back])
        vb = plsc.load_gather(vscr, [back])
        same = jnp.logical_and(kb == key, iota >= sh)
        val = jnp.where(same, jnp.maximum(val, vb), val)
      kscr[...] = key
      nxt = jnp.minimum(iota + 1, 15)
      kn = plsc.load_gather(kscr, [nxt])
      is_last = jnp.logical_or(kn != key, iota == 15)
      cur = plsc.load_gather(lmax, [key])
      plsc.store_scatter(lmax, [key], jnp.maximum(cur, val), mask=is_last)

    pltpu.sync_copy(lgbuf, logits_out.at[pl.ds(ebase + lb, C1)])

  issue(jnp.int32(0), 0)
  last = jnp.int32(ROUNDS - 1)

  def pair_body(h, _):
    r0 = h * 2
    drain(0)
    issue(r0 + 1, 1)
    compute(r0, 0)
    drain(1)
    issue(jnp.minimum(r0 + 2, last), 0)
    compute(r0 + 1, 1)
    return 0

  lax.fori_loop(0, ROUNDS // 2, pair_body, 0)
  drain(0)
  pltpu.sync_copy(lmax, lmax_out.at[wid])


def _run_p1(tsrc, tdst, qtab, relh, esh, edh, qih, zh):
  return pl.kernel(
      _p1_body,
      out_type=(
          jax.ShapeDtypeStruct((EPAD,), jnp.float32),
          jax.ShapeDtypeStruct((NW, NPAD), jnp.float32),
      ),
      mesh=_MESH,
      compiler_params=pltpu.CompilerParams(use_tc_tiling_on_sc=False, needs_layout_passes=False),
      scratch_types=[
          pltpu.VMEM((C1, 3 * D), jnp.float32),
          pltpu.VMEM((C1, 3 * D), jnp.float32),
          pltpu.VMEM((C1, 3 * D), jnp.float32),
          pltpu.VMEM((C1, 3 * D), jnp.float32),
          pltpu.VMEM((C1, D), jnp.float32),
          pltpu.VMEM((C1, D), jnp.float32),
          pltpu.VMEM((C1,), jnp.int32),
          pltpu.VMEM((C1,), jnp.int32),
          pltpu.VMEM((EW,), jnp.int32),
          pltpu.VMEM((EW,), jnp.int32),
          pltpu.VMEM((EW,), jnp.int32),
          pltpu.VMEM((EW,), jnp.float32),
          pltpu.VMEM((B, QCOLS), jnp.float32),
          pltpu.VMEM((C1,), jnp.float32),
          pltpu.VMEM((16,), jnp.int32),
          pltpu.VMEM((16,), jnp.float32),
          pltpu.VMEM((NPAD,), jnp.float32),
          pltpu.SemaphoreType.DMA,
          pltpu.SemaphoreType.DMA,
          pltpu.SemaphoreType.DMA,
          pltpu.SemaphoreType.DMA,
          pltpu.SemaphoreType.DMA,
          pltpu.SemaphoreType.DMA,
      ],
  )(tsrc, tdst, qtab, relh, esh, edh, qih, zh)



def _p3_body(lmaxh, logitsh, esh, exh, denomh,
             gmax, mbuf, lgbuf, exbuf, isrcv, zv, denom_sp):
  cid = lax.axis_index("c")
  sid = lax.axis_index("s")
  wid = sid * NC + cid
  ebase = wid * EW

  zero = jnp.zeros((16,), jnp.float32)

  def z_body(k, _):
    zv[pl.ds(k * 16, 16)] = zero
    return 0

  lax.fori_loop(0, (NPAD // NS) // 16, z_body, 0)
  pltpu.sync_copy(zv, denom_sp.at[pl.ds(sid * (NPAD // NS), NPAD // NS)])

  def cmb_outer(kk, _):
    pltpu.sync_copy(lmaxh.at[:, pl.ds(kk * 2048, 2048)], mbuf)

    def cmb_inner(j, _):
      m = mbuf[0, pl.ds(j * 16, 16)]
      for w in range(1, NW):
        m = jnp.maximum(m, mbuf[w, pl.ds(j * 16, 16)])
      gmax[pl.ds(kk * 2048 + j * 16, 16)] = m
      return 0

    lax.fori_loop(0, 2048 // 16, cmb_inner, 0)
    return 0

  lax.fori_loop(0, NPAD // 2048, cmb_outer, 0)
  plsc.subcore_barrier()

  def round_body(r, _):
    base = ebase + r * C3
    pltpu.sync_copy(logitsh.at[pl.ds(base, C3)], lgbuf)
    pltpu.sync_copy(esh.at[pl.ds(base, C3)], isrcv)
    for g in range(C3 // 16):
      lg16 = lgbuf[pl.ds(g * 16, 16)]
      s16 = isrcv[pl.ds(g * 16, 16)]
      gm16 = plsc.load_gather(gmax, [s16])
      exbuf[pl.ds(g * 16, 16)] = jnp.exp(lg16 - gm16)
    pltpu.sync_copy(exbuf, exh.at[pl.ds(base, C3)])
    pltpu.sync_copy(exbuf, denom_sp.at[isrcv], add=True)
    return 0

  lax.fori_loop(0, EW // C3, round_body, 0)
  plsc.subcore_barrier()
  sl = pl.ds(sid * (NPAD // NS), NPAD // NS)
  pltpu.sync_copy(denom_sp.at[sl], denomh.at[cid, sl])


def _run_p3(lmaxh, logitsh, esh):
  return pl.kernel(
      _p3_body,
      out_type=(
          jax.ShapeDtypeStruct((EPAD,), jnp.float32),
          jax.ShapeDtypeStruct((NC, NPAD), jnp.float32),
      ),
      mesh=_MESH,
      compiler_params=pltpu.CompilerParams(use_tc_tiling_on_sc=False, needs_layout_passes=False),
      scratch_types=[
          pltpu.VMEM((NPAD,), jnp.float32),
          pltpu.VMEM((NW, 2048), jnp.float32),
          pltpu.VMEM((C3,), jnp.float32),
          pltpu.VMEM((C3,), jnp.float32),
          pltpu.VMEM((C3,), jnp.int32),
          pltpu.VMEM((NPAD // NS,), jnp.float32),
          pltpu.VMEM_SHARED((NPAD,), jnp.float32),
      ],
  )(lmaxh, logitsh, esh)



def _p4_body(exh, esh, edh, denomh, vnsh, nodeh,
             scoreh, aggh, msh,
             denv, vnsv, dbuf, exbuf0, exbuf1, sbuf0, sbuf1,
             isrcv0, isrcv1, idstv0, idstv1, ndbuf0, ndbuf1,
             zrows, msv, score_sp, agg_sp, semN0, semN1):
  cid = lax.axis_index("c")
  sid = lax.axis_index("s")
  wid = sid * NC + cid
  ebase = wid * EW
  rows = NPAD // NS

  zero = jnp.zeros((16,), jnp.float32)

  def zr_body(k, _):
    for jj in range(D // 16):
      zrows[k, pl.ds(jj * 16, 16)] = zero
    return 0

  lax.fori_loop(0, 40, zr_body, 0)

  def zv_body(k, _):
    msv[pl.ds(k * 16, 16)] = zero
    return 0

  lax.fori_loop(0, rows // 16, zv_body, 0)
  pltpu.sync_copy(msv, score_sp.at[pl.ds(sid * rows, rows)])
  for t in range(16):
    pltpu.sync_copy(zrows, agg_sp.at[pl.ds(sid * rows + t * 40, 40), :])

  def den_outer(kk, _):
    pltpu.sync_copy(denomh.at[:, pl.ds(kk * 2048, 2048)], dbuf)

    def den_inner(j, _):
      denv[pl.ds(kk * 2048 + j * 16, 16)] = (
          dbuf[0, pl.ds(j * 16, 16)] + dbuf[1, pl.ds(j * 16, 16)])
      return 0

    lax.fori_loop(0, 2048 // 16, den_inner, 0)
    return 0

  lax.fori_loop(0, NPAD // 2048, den_outer, 0)
  pltpu.sync_copy(vnsh, vnsv)
  plsc.subcore_barrier()

  iota = _iota16()
  exbuf_ = (exbuf0, exbuf1)
  sbuf_ = (sbuf0, sbuf1)
  isrcv_ = (isrcv0, isrcv1)
  idstv_ = (idstv0, idstv1)
  ndbuf_ = (ndbuf0, ndbuf1)
  semN_ = (semN0, semN1)
  ROUNDS4 = EW // C4

  def issue(r, b):
    base = ebase + r * C4
    pltpu.sync_copy(exh.at[pl.ds(base, C4)], exbuf_[b])
    pltpu.sync_copy(esh.at[pl.ds(base, C4)], isrcv_[b])
    pltpu.sync_copy(edh.at[pl.ds(base, C4)], idstv_[b])
    pltpu.async_copy(nodeh.at[idstv_[b]], ndbuf_[b], semN_[b])

  def drain(b):
    pltpu.make_async_copy(nodeh.at[pl.ds(0, C4)], ndbuf_[b], semN_[b]).wait()

  def compute(r, b):
    exbuf = exbuf_[b]
    sbuf = sbuf_[b]
    isrcv = isrcv_[b]
    idstv = idstv_[b]
    ndbuf = ndbuf_[b]
    sms = []
    for g in range(C4 // 16):
      e16 = exbuf[pl.ds(g * 16, 16)]
      s16 = isrcv[pl.ds(g * 16, 16)]
      den16 = plsc.load_gather(denv, [s16])
      sm16 = e16 / (den16 + 1e-16)
      vn16 = plsc.load_gather(vnsv, [s16])
      sbuf[pl.ds(g * 16, 16)] = sm16 * vn16
      sms.append(sm16)

    def sc_body(j, _):
      jb = _splat(j)
      for g in range(C4 // 16):
        lane = iota + (g * 16)
        val = plsc.load_gather(ndbuf, [lane, jb]) * sms[g]
        plsc.store_scatter(ndbuf, [lane, jb], val)
      return 0

    lax.fori_loop(0, D, sc_body, 0)
    pltpu.sync_copy(ndbuf, agg_sp.at[isrcv], add=True)
    pltpu.sync_copy(sbuf, score_sp.at[idstv], add=True)

  issue(jnp.int32(0), 0)
  last4 = jnp.int32(ROUNDS4 - 1)

  def pair_body(h, _):
    r0 = h * 2
    drain(0)
    issue(r0 + 1, 1)
    compute(r0, 0)
    drain(1)
    issue(jnp.minimum(r0 + 2, last4), 0)
    compute(r0 + 1, 1)
    return 0

  lax.fori_loop(0, ROUNDS4 // 2, pair_body, 0)
  drain(0)

  def ms_body(k, _):
    d16 = denv[pl.ds(sid * rows + k * 16, 16)]
    msv[pl.ds(k * 16, 16)] = jnp.where(d16 > 0.0, 0.0, 1.0)
    return 0

  lax.fori_loop(0, rows // 16, ms_body, 0)

  plsc.subcore_barrier()
  sl = pl.ds(sid * rows, rows)
  pltpu.sync_copy(score_sp.at[sl], scoreh.at[cid, sl])
  pltpu.sync_copy(agg_sp.at[sl, :], aggh.at[cid, sl, :])

  @pl.when(cid == 0)
  def _():
    pltpu.sync_copy(msv, msh.at[sl])


def _run_p4(exh, esh, edh, denomh, vnsh, nodeh):
  return pl.kernel(
      _p4_body,
      out_type=(
          jax.ShapeDtypeStruct((NC, NPAD), jnp.float32),
          jax.ShapeDtypeStruct((NC, NPAD, D), jnp.float32),
          jax.ShapeDtypeStruct((NPAD,), jnp.float32),
      ),
      mesh=_MESH,
      compiler_params=pltpu.CompilerParams(use_tc_tiling_on_sc=False, needs_layout_passes=False),
      scratch_types=[
          pltpu.VMEM((NPAD,), jnp.float32),
          pltpu.VMEM((NPAD,), jnp.float32),
          pltpu.VMEM((NC, 2048), jnp.float32),
          pltpu.VMEM((C4,), jnp.float32),
          pltpu.VMEM((C4,), jnp.float32),
          pltpu.VMEM((C4,), jnp.float32),
          pltpu.VMEM((C4,), jnp.float32),
          pltpu.VMEM((C4,), jnp.int32),
          pltpu.VMEM((C4,), jnp.int32),
          pltpu.VMEM((C4,), jnp.int32),
          pltpu.VMEM((C4,), jnp.int32),
          pltpu.VMEM((C4, D), jnp.float32),
          pltpu.VMEM((C4, D), jnp.float32),
          pltpu.VMEM((40, D), jnp.float32),
          pltpu.VMEM((NPAD // NS,), jnp.float32),
          pltpu.VMEM_SHARED((NPAD,), jnp.float32),
          pltpu.VMEM_SHARED((NPAD, D), jnp.float32),
          pltpu.SemaphoreType.DMA,
          pltpu.SemaphoreType.DMA,
      ],
  )(exh, esh, edh, denomh, vnsh, nodeh)



@jax.jit
def kernel(node_repr, rel_emb, query_src_ts_emb, query_rel_emb,
           visited_node_score, Wq, Wk, W_lin, b_lin,
           edge_src, edge_dst, query_idx):
  def _r(x):
    u = jax.lax.bitcast_convert_type(x, jnp.int32)
    r = (u + 0x7FFF + ((u >> 16) & 1)) & jnp.int32(-65536)
    return jax.lax.bitcast_convert_type(r, jnp.float32)

  node_pad = jnp.concatenate(
      [node_repr, jnp.zeros((NPAD - N, D), jnp.float32)], axis=0)
  node_pad_r = _r(node_pad)
  rel_r = _r(rel_emb)
  vns_pad = jnp.concatenate(
      [visited_node_score, jnp.zeros((NPAD - N,), jnp.float32)])
  pad_i = jnp.full((EPAD - E,), N, jnp.int32)
  es_pad = jnp.concatenate([edge_src, pad_i])
  ed_pad = jnp.concatenate([edge_dst, pad_i])
  qi_pad = jnp.concatenate([query_idx, jnp.zeros((EPAD - E,), jnp.int32)])

  M, qtab, U, V = _tables_small(_r(Wq), _r(Wk), _r(query_src_ts_emb),
                                _r(query_rel_emb))
  tsrc, tdst = _tables_node(node_pad_r, M, U, V)
  z2d = _quad_form(rel_r.reshape(1000, 160, D), M[D:2 * D, D:2 * D])
  z_pad = jnp.concatenate(
      [z2d.reshape(E), jnp.zeros((EPAD - E,), jnp.float32)])

  logits, lmaxh = _run_p1(tsrc, tdst, qtab, rel_r,
                          es_pad, ed_pad, qi_pad, z_pad)
  exh, denomh = _run_p3(lmaxh, logits, es_pad)
  scoreh, aggh, msh = _run_p4(exh, es_pad, ed_pad, denomh, vns_pad, node_pad)

  out_repr_pad, score2d = _finalize(
      aggh, scoreh.reshape(NC, NPAD // 512, 1, 512), msh.reshape(NPAD, 1),
      node_pad, _r(W_lin), b_lin.reshape(1, D))
  return score2d.reshape(NPAD)[:N], out_repr_pad[:N]

# --- scband reference (transcript-rebuilt; emitter-appended) ---
"""Pipeline reference for scband-rgtsr-49143015801113 (READ-ONLY COPY).

The authoritative reference and input builder live on the scoring server;
editing this copy changes nothing except your own understanding.
"""

import jax, jax.numpy as jnp
import numpy as np

N = 10000
E = 160000
D = 128
B = 128
RATIO_UPDATE = 0.0
NEG_SLOPE = 0.01


def segment_softmax(logits, seg, num_segments):
    seg_max = jax.ops.segment_max(logits, seg, num_segments=num_segments)
    seg_max = jnp.where(jnp.isfinite(seg_max), seg_max, 0.0)
    ex = jnp.exp(logits - seg_max[seg])
    denom = jax.ops.segment_sum(ex, seg, num_segments=num_segments)
    return ex / (denom[seg] + 1e-16)


def setup_inputs(seed: int = 0) -> dict:
    key = jax.random.key(seed)
    ks = jax.random.split(key, 12)
    node_repr = jax.random.normal(ks[0], (N, D), dtype=jnp.float32)
    rel_emb = jax.random.normal(ks[1], (E, D), dtype=jnp.float32)
    query_src_ts_emb = jax.random.normal(ks[2], (B, D), dtype=jnp.float32)
    query_rel_emb = jax.random.normal(ks[3], (B, D), dtype=jnp.float32)
    visited_node_score = jax.random.uniform(ks[4], (N,), dtype=jnp.float32)
    edge_src = jax.random.randint(ks[5], (E,), 0, N, dtype=jnp.int32)
    edge_dst = jax.random.randint(ks[6], (E,), 0, N, dtype=jnp.int32)
    query_idx = jax.random.randint(ks[7], (E,), 0, B, dtype=jnp.int32)
    # G3 projections over concatenated (hidden, rel, query_src_ts, query_rel) -> 4*D in/out
    Wq = jax.random.normal(ks[8], (4 * D, 4 * D), dtype=jnp.float32) * np.sqrt(2.0 / (4 * D))
    Wk = jax.random.normal(ks[9], (4 * D, 4 * D), dtype=jnp.float32) * np.sqrt(2.0 / (4 * D))
    # linear_between_steps (xavier normal)
    W_lin = jax.random.normal(ks[10], (D, D), dtype=jnp.float32) * np.sqrt(2.0 / (D + D))
    b_lin = jnp.zeros((D,), dtype=jnp.float32)
    return {
        'node_repr': node_repr, 'rel_emb': rel_emb,
        'query_src_ts_emb': query_src_ts_emb, 'query_rel_emb': query_rel_emb,
        'visited_node_score': visited_node_score,
        'Wq': Wq, 'Wk': Wk, 'W_lin': W_lin, 'b_lin': b_lin,
        'edge_src': edge_src, 'edge_dst': edge_dst, 'query_idx': query_idx,
    }


def reference(node_repr, rel_emb, query_src_ts_emb, query_rel_emb,
              visited_node_score, Wq, Wk, W_lin, b_lin,
              edge_src, edge_dst, query_idx):
    # _cal_attention_score: gather endpoint reprs and per-query embeddings
    hidden_vi = node_repr[edge_src]
    hidden_vj = node_repr[edge_dst]
    qst = query_src_ts_emb[query_idx]
    qr = query_rel_emb[query_idx]
    # G3.forward: concat then dot of query/key projections
    left_x = jnp.concatenate([hidden_vi, rel_emb, qst, qr], axis=-1)
    right_x = jnp.concatenate([hidden_vj, rel_emb, qst, qr], axis=-1)
    transition_logits = jnp.sum((left_x @ Wq.T) * (right_x @ Wk.T), axis=-1)
    # segment_softmax_op_v2 over source node segments
    transition_softmax = segment_softmax(transition_logits, edge_src, N)
    src_score = visited_node_score[edge_src]
    target_score = transition_softmax * src_score
    # node score aggregation ('sum'): sparse mm == scatter-add by dst node
    updated_node_score = jax.ops.segment_sum(target_score, edge_dst, num_segments=N)
    # _update_node_repr: sparse [N,N] mm with identity rows for untouched nodes
    deg = jnp.zeros((N,), dtype=jnp.float32).at[edge_src].add(1.0)
    in_src = deg > 0
    agg = jax.ops.segment_sum((1.0 - RATIO_UPDATE) * transition_softmax[:, None] * hidden_vj,
                              edge_src, num_segments=N)
    updated_repr = jnp.where(in_src[:, None], RATIO_UPDATE * node_repr + agg, node_repr)
    # bypass_forward: LeakyReLU(Linear(.))
    out_repr = jax.nn.leaky_relu(updated_repr @ W_lin.T + b_lin, negative_slope=NEG_SLOPE)
    return updated_node_score, out_repr

if __name__ == "__main__":
    import jax
    _d = setup_inputs()
    print(jax.jit(kernel)(*tuple(_d.values())))

</pallas_src>

<mosaic_0001>
#map = affine_map<(d0, d1) -> (0)>
#map1 = affine_map<(d0, d1) -> (0, 0)>
#map2 = affine_map<(d0, d1) -> (0, 0, 0)>
module attributes {stable_mosaic.version = 14 : i64} {
  func.func @_p4_body(%arg0: i32, %arg1: i32, %arg2: memref<163840xf32, #tpu.memory_space<hbm>>, %arg3: memref<163840xi32, #tpu.memory_space<hbm>>, %arg4: memref<163840xi32, #tpu.memory_space<hbm>>, %arg5: memref<2x10240xf32, #tpu.memory_space<hbm>>, %arg6: memref<10240xf32, #tpu.memory_space<hbm>>, %arg7: memref<10240x128xf32, #tpu.memory_space<hbm>>, %arg8: memref<2x10240xf32, #tpu.memory_space<hbm>>, %arg9: memref<2x10240x128xf32, #tpu.memory_space<hbm>>, %arg10: memref<10240xf32, #tpu.memory_space<hbm>>, %arg11: memref<10240xf32, #tpu.memory_space<vmem>>, %arg12: memref<10240xf32, #tpu.memory_space<vmem>>, %arg13: memref<2x2048xf32, #tpu.memory_space<vmem>>, %arg14: memref<64xf32, #tpu.memory_space<vmem>>, %arg15: memref<64xf32, #tpu.memory_space<vmem>>, %arg16: memref<64xf32, #tpu.memory_space<vmem>>, %arg17: memref<64xf32, #tpu.memory_space<vmem>>, %arg18: memref<64xi32, #tpu.memory_space<vmem>>, %arg19: memref<64xi32, #tpu.memory_space<vmem>>, %arg20: memref<64xi32, #tpu.memory_space<vmem>>, %arg21: memref<64xi32, #tpu.memory_space<vmem>>, %arg22: memref<64x128xf32, #tpu.memory_space<vmem>>, %arg23: memref<64x128xf32, #tpu.memory_space<vmem>>, %arg24: memref<40x128xf32, #tpu.memory_space<vmem>>, %arg25: memref<640xf32, #tpu.memory_space<vmem>>, %arg26: memref<10240xf32, #tpu.memory_space<vmem_shared>>, %arg27: memref<10240x128xf32, #tpu.memory_space<vmem_shared>>, %arg28: memref<!tpu.dma_semaphore, #tpu.memory_space<semaphore_mem>>, %arg29: memref<!tpu.dma_semaphore, #tpu.memory_space<semaphore_mem>>) attributes {dimension_semantics = [#tpu.dimension_semantics<core_parallel>, #tpu.dimension_semantics<subcore_parallel>], iteration_bounds = array<i64: 2, 16>, scalar_prefetch = 0 : i64, scratch_operands = 19 : i64, tpu.core_type = #tpu.core_type<sc_vector_subcore>, window_params = [{transform_indices = #map}, {transform_indices = #map}, {transform_indices = #map}, {transform_indices = #map1}, {transform_indices = #map}, {transform_indices = #map1}, {transform_indices = #map1}, {transform_indices = #map2}, {transform_indices = #map}]} {
    %mul3A = arith.constant 2 : i32
    %mul3A_0 = arith.muli %arg1, %mul3A : i32
    %add3A = arith.addi %mul3A_0, %arg0 : i32
    %mul3A_1 = arith.constant 5120 : i32
    %mul3A_2 = arith.muli %add3A, %mul3A_1 : i32
    %broadcast_in_dim3A = arith.constant 0.000000e+00 : f32
    %broadcast_in_dim3A_3 = vector.broadcast %broadcast_in_dim3A : f32 to vector<16xf32>
    %scan3A = arith.constant 0 : i32
    %scan3A_4 = arith.constant 0 : i32
    %scan3A_5 = arith.constant 40 : i32
    %scan3A_6 = arith.addi %scan3A_4, %scan3A_5 : i32
    %scan3A_7 = arith.constant 1 : i32
    %scan3A_8 = scf.for %scan3A_121 = %scan3A_4 to %scan3A_6 step %scan3A_7 iter_args(%scan3A_122 = %scan3A) -> (i32)  : i32 {
      %swap3A = arith.index_cast %scan3A_121 : i32 to index
      %swap3A_123 = arith.constant 0 : index
      %swap3A_124 = tpu.vector_load %arg24[%swap3A, %swap3A_123] {strides = array<i32>} : memref<40x128xf32, #tpu.memory_space<vmem>>, vector<16xf32>,
      tpu.vector_store %arg24[%swap3A, %swap3A_123], %broadcast_in_dim3A_3 {strides = array<i32>} : memref<40x128xf32, #tpu.memory_space<vmem>>, vector<16xf32>,
      %swap3A_125 = arith.index_cast %scan3A_121 : i32 to index
      %swap3A_126 = arith.constant 16 : index
      %swap3A_127 = tpu.vector_load %arg24[%swap3A_125, %swap3A_126] {strides = array<i32>} : memref<40x128xf32, #tpu.memory_space<vmem>>, vector<16xf32>,
      tpu.vector_store %arg24[%swap3A_125, %swap3A_126], %broadcast_in_dim3A_3 {strides = array<i32>} : memref<40x128xf32, #tpu.memory_space<vmem>>, vector<16xf32>,
      %swap3A_128 = arith.index_cast %scan3A_121 : i32 to index
      %swap3A_129 = arith.constant 32 : index
      %swap3A_130 = tpu.vector_load %arg24[%swap3A_128, %swap3A_129] {strides = array<i32>} : memref<40x128xf32, #tpu.memory_space<vmem>>, vector<16xf32>,
      tpu.vector_store %arg24[%swap3A_128, %swap3A_129], %broadcast_in_dim3A_3 {strides = array<i32>} : memref<40x128xf32, #tpu.memory_space<vmem>>, vector<16xf32>,
      %swap3A_131 = arith.index_cast %scan3A_121 : i32 to index
      %swap3A_132 = arith.constant 48 : index
      %swap3A_133 = tpu.vector_load %arg24[%swap3A_131, %swap3A_132] {strides = array<i32>} : memref<40x128xf32, #tpu.memory_space<vmem>>, vector<16xf32>,
      tpu.vector_store %arg24[%swap3A_131, %swap3A_132], %broadcast_in_dim3A_3 {strides = array<i32>} : memref<40x128xf32, #tpu.memory_space<vmem>>, vector<16xf32>,
      %swap3A_134 = arith.index_cast %scan3A_121 : i32 to index
      %swap3A_135 = arith.constant 64 : index
      %swap3A_136 = tpu.vector_load %arg24[%swap3A_134, %swap3A_135] {strides = array<i32>} : memref<40x128xf32, #tpu.memory_space<vmem>>, vector<16xf32>,
      tpu.vector_store %arg24[%swap3A_134, %swap3A_135], %broadcast_in_dim3A_3 {strides = array<i32>} : memref<40x128xf32, #tpu.memory_space<vmem>>, vector<16xf32>,
      %swap3A_137 = arith.index_cast %scan3A_121 : i32 to index
      %swap3A_138 = arith.constant 80 : index
      %swap3A_139 = tpu.vector_load %arg24[%swap3A_137, %swap3A_138] {strides = array<i32>} : memref<40x128xf32, #tpu.memory_space<vmem>>, vector<16xf32>,
      tpu.vector_store %arg24[%swap3A_137, %swap3A_138], %broadcast_in_dim3A_3 {strides = array<i32>} : memref<40x128xf32, #tpu.memory_space<vmem>>, vector<16xf32>,
      %swap3A_140 = arith.index_cast %scan3A_121 : i32 to index
      %swap3A_141 = arith.constant 96 : index
      %swap3A_142 = tpu.vector_load %arg24[%swap3A_140, %swap3A_141] {strides = array<i32>} : memref<40x128xf32, #tpu.memory_space<vmem>>, vector<16xf32>,
      tpu.vector_store %arg24[%swap3A_140, %swap3A_141], %broadcast_in_dim3A_3 {strides = array<i32>} : memref<40x128xf32, #tpu.memory_space<vmem>>, vector<16xf32>,
      %swap3A_143 = arith.index_cast %scan3A_121 : i32 to index
      %swap3A_144 = arith.constant 112 : index
      %swap3A_145 = tpu.vector_load %arg24[%swap3A_143, %swap3A_144] {strides = array<i32>} : memref<40x128xf32, #tpu.memory_space<vmem>>, vector<16xf32>,
      tpu.vector_store %arg24[%swap3A_143, %swap3A_144], %broadcast_in_dim3A_3 {strides = array<i32>} : memref<40x128xf32, #tpu.memory_space<vmem>>, vector<16xf32>,
      %scan3A_146 = arith.constant 0 : i32
      scf.yield %scan3A_146 : i32
    }
    %scan3A_9 = arith.constant 40 : i32
    %scan3A_10 = arith.constant 0 : i32
    %scan3A_11 = arith.constant 0 : i32
    %scan3A_12 = arith.constant 40 : i32
    %scan3A_13 = arith.addi %scan3A_11, %scan3A_12 : i32
    %scan3A_14 = arith.constant 1 : i32
    %scan3A_15 = scf.for %scan3A_121 = %scan3A_11 to %scan3A_13 step %scan3A_14 iter_args(%scan3A_122 = %scan3A_10) -> (i32)  : i32 {
      %mul3A_123 = arith.constant 16 : i32
      %mul3A_124 = arith.muli %scan3A_121, %mul3A_123 : i32
      %swap3A = arith.index_cast %mul3A_124 : i32 to index
      %swap3A_125 = tpu.vector_load %arg25[%swap3A] {strides = array<i32>} : memref<640xf32, #tpu.memory_space<vmem>>, vector<16xf32>,
      tpu.vector_store %arg25[%swap3A], %broadcast_in_dim3A_3 {strides = array<i32>} : memref<640xf32, #tpu.memory_space<vmem>>, vector<16xf32>,
      %scan3A_126 = arith.constant 0 : i32
      scf.yield %scan3A_126 : i32
    }
    %scan3A_16 = arith.constant 40 : i32
    %mul3A_17 = arith.constant 640 : i32
    %mul3A_18 = arith.muli %arg1, %mul3A_17 : i32
    "tpu.region"() ({
      %run_scoped3A = tpu.sem_alloc : memref<!tpu.dma_semaphore, #tpu.memory_space<semaphore_mem>>
      %dma_start3A_121 = tpu.memref_slice %arg26[%mul3A_18] : memref<10240xf32, #tpu.memory_space<vmem_shared>> -> memref<640xf32, #tpu.memory_space<vmem_shared>>
      %dma_start3A_122 = tpu.memref_slice %arg26[%mul3A_18] : memref<10240xf32, #tpu.memory_space<vmem_shared>> -> memref<640xf32, #tpu.memory_space<vmem_shared>>
      tpu.enqueue_dma source(%arg25 : memref<640xf32, #tpu.memory_space<vmem>>) target(%dma_start3A_122 : memref<640xf32, #tpu.memory_space<vmem_shared>>) target_semaphore(%run_scoped3A : memref<!tpu.dma_semaphore, #tpu.memory_space<semaphore_mem>>)
      %dma_wait3A_123 = tpu.memref_slice %arg26[%mul3A_18] : memref<10240xf32, #tpu.memory_space<vmem_shared>> -> memref<640xf32, #tpu.memory_space<vmem_shared>>
      %dma_wait3A_124 = tpu.memref_slice %arg26[%mul3A_18] : memref<10240xf32, #tpu.memory_space<vmem_shared>> -> memref<640xf32, #tpu.memory_space<vmem_shared>>
      tpu.wait_dma2 semaphore(%run_scoped3A : memref<!tpu.dma_semaphore, #tpu.memory_space<semaphore_mem>>) src(%arg25 : memref<640xf32, #tpu.memory_space<vmem>>) dst(%dma_wait3A_124 : memref<640xf32, #tpu.memory_space<vmem_shared>>)
      tpu.yield
    }) : () -> ()
    %mul3A_19 = arith.constant 640 : i32
    %mul3A_20 = arith.muli %arg1, %mul3A_19 : i32
    %add3A_21 = arith.constant 0 : i32
    %add3A_22 = arith.addi %mul3A_20, %add3A_21 : i32
    "tpu.region"() ({
      %run_scoped3A = tpu.sem_alloc : memref<!tpu.dma_semaphore, #tpu.memory_space<semaphore_mem>>
      %dma_start3A_121 = arith.constant 0 : i32
      %dma_start3A_122 = tpu.memref_slice %arg27[%add3A_22, %dma_start3A_121] : memref<10240x128xf32, #tpu.memory_space<vmem_shared>> -> memref<40x128xf32, #tpu.memory_space<vmem_shared>>
      %dma_start3A_123 = arith.constant 0 : i32
      %dma_start3A_124 = tpu.memref_slice %arg27[%add3A_22, %dma_start3A_123] : memref<10240x128xf32, #tpu.memory_space<vmem_shared>> -> memref<40x128xf32, #tpu.memory_space<vmem_shared>>
      tpu.enqueue_dma source(%arg24 : memref<40x128xf32, #tpu.memory_space<vmem>>) target(%dma_start3A_124 : memref<40x128xf32, #tpu.memory_space<vmem_shared>>) target_semaphore(%run_scoped3A : memref<!tpu.dma_semaphore, #tpu.memory_space<semaphore_mem>>)
      %dma_wait3A_125 = arith.constant 0 : i32
      %dma_wait3A_126 = tpu.memref_slice %arg27[%add3A_22, %dma_wait3A_125] : memref<10240x128xf32, #tpu.memory_space<vmem_shared>> -> memref<40x128xf32, #tpu.memory_space<vmem_shared>>
      %dma_wait3A_127 = arith.constant 0 : i32
      %dma_wait3A_128 = tpu.memref_slice %arg27[%add3A_22, %dma_wait3A_127] : memref<10240x128xf32, #tpu.memory_space<vmem_shared>> -> memref<40x128xf32, #tpu.memory_space<vmem_shared>>
      tpu.wait_dma2 semaphore(%run_scoped3A : memref<!tpu.dma_semaphore, #tpu.memory_space<semaphore_mem>>) src(%arg24 : memref<40x128xf32, #tpu.memory_space<vmem>>) dst(%dma_wait3A_128 : memref<40x128xf32, #tpu.memory_space<vmem_shared>>)
      tpu.yield
    }) : () -> ()
    %mul3A_23 = arith.constant 640 : i32
    %mul3A_24 = arith.muli %arg1, %mul3A_23 : i32
    %add3A_25 = arith.constant 40 : i32
    %add3A_26 = arith.addi %mul3A_24, %add3A_25 : i32
    "tpu.region"() ({
      %run_scoped3A = tpu.sem_alloc : memref<!tpu.dma_semaphore, #tpu.memory_space<semaphore_mem>>
      %dma_start3A_121 = arith.constant 0 : i32
      %dma_start3A_122 = tpu.memref_slice %arg27[%add3A_26, %dma_start3A_121] : memref<10240x128xf32, #tpu.memory_space<vmem_shared>> -> memref<40x128xf32, #tpu.memory_space<vmem_shared>>
      %dma_start3A_123 = arith.constant 0 : i32
      %dma_start3A_124 = tpu.memref_slice %arg27[%add3A_26, %dma_start3A_123] : memref<10240x128xf32, #tpu.memory_space<vmem_shared>> -> memref<40x128xf32, #tpu.memory_space<vmem_shared>>
      tpu.enqueue_dma source(%arg24 : memref<40x128xf32, #tpu.memory_space<vmem>>) target(%dma_start3A_124 : memref<40x128xf32, #tpu.memory_space<vmem_shared>>) target_semaphore(%run_scoped3A : memref<!tpu.dma_semaphore, #tpu.memory_space<semaphore_mem>>)
      %dma_wait3A_125 = arith.constant 0 : i32
      %dma_wait3A_126 = tpu.memref_slice %arg27[%add3A_26, %dma_wait3A_125] : memref<10240x128xf32, #tpu.memory_space<vmem_shared>> -> memref<40x128xf32, #tpu.memory_space<vmem_shared>>
      %dma_wait3A_127 = arith.constant 0 : i32
      %dma_wait3A_128 = tpu.memref_slice %arg27[%add3A_26, %dma_wait3A_127] : memref<10240x128xf32, #tpu.memory_space<vmem_shared>> -> memref<40x128xf32, #tpu.memory_space<vmem_shared>>
      tpu.wait_dma2 semaphore(%run_scoped3A : memref<!tpu.dma_semaphore, #tpu.memory_space<semaphore_mem>>) src(%arg24 : memref<40x128xf32, #tpu.memory_space<vmem>>) dst(%dma_wait3A_128 : memref<40x128xf32, #tpu.memory_space<vmem_shared>>)
      tpu.yield
    }) : () -> ()
    %mul3A_27 = arith.constant 640 : i32
    %mul3A_28 = arith.muli %arg1, %mul3A_27 : i32
    %add3A_29 = arith.constant 80 : i32
    %add3A_30 = arith.addi %mul3A_28, %add3A_29 : i32
    "tpu.region"() ({
      %run_scoped3A = tpu.sem_alloc : memref<!tpu.dma_semaphore, #tpu.memory_space<semaphore_mem>>
      %dma_start3A_121 = arith.constant 0 : i32
      %dma_start3A_122 = tpu.memref_slice %arg27[%add3A_30, %dma_start3A_121] : memref<10240x128xf32, #tpu.memory_space<vmem_shared>> -> memref<40x128xf32, #tpu.memory_space<vmem_shared>>
      %dma_start3A_123 = arith.constant 0 : i32
      %dma_start3A_124 = tpu.memref_slice %arg27[%add3A_30, %dma_start3A_123] : memref<10240x128xf32, #tpu.memory_space<vmem_shared>> -> memref<40x128xf32, #tpu.memory_space<vmem_shared>>
      tpu.enqueue_dma source(%arg24 : memref<40x128xf32, #tpu.memory_space<vmem>>) target(%dma_start3A_124 : memref<40x128xf32, #tpu.memory_space<vmem_shared>>) target_semaphore(%run_scoped3A : memref<!tpu.dma_semaphore, #tpu.memory_space<semaphore_mem>>)
      %dma_wait3A_125 = arith.constant 0 : i32
      %dma_wait3A_126 = tpu.memref_slice %arg27[%add3A_30, %dma_wait3A_125] : memref<10240x128xf32, #tpu.memory_space<vmem_shared>> -> memref<40x128xf32, #tpu.memory_space<vmem_shared>>
      %dma_wait3A_127 = arith.constant 0 : i32
      %dma_wait3A_128 = tpu.memref_slice %arg27[%add3A_30, %dma_wait3A_127] : memref<10240x128xf32, #tpu.memory_space<vmem_shared>> -> memref<40x128xf32, #tpu.memory_space<vmem_shared>>
      tpu.wait_dma2 semaphore(%run_scoped3A : memref<!tpu.dma_semaphore, #tpu.memory_space<semaphore_mem>>) src(%arg24 : memref<40x128xf32, #tpu.memory_space<vmem>>) dst(%dma_wait3A_128 : memref<40x128xf32, #tpu.memory_space<vmem_shared>>)
      tpu.yield
    }) : () -> ()
    %mul3A_31 = arith.constant 640 : i32
    %mul3A_32 = arith.muli %arg1, %mul3A_31 : i32
    %add3A_33 = arith.constant 120 : i32
    %add3A_34 = arith.addi %mul3A_32, %add3A_33 : i32
    "tpu.region"() ({
      %run_scoped3A = tpu.sem_alloc : memref<!tpu.dma_semaphore, #tpu.memory_space<semaphore_mem>>
      %dma_start3A_121 = arith.constant 0 : i32
      %dma_start3A_122 = tpu.memref_slice %arg27[%add3A_34, %dma_start3A_121] : memref<10240x128xf32, #tpu.memory_space<vmem_shared>> -> memref<40x128xf32, #tpu.memory_space<vmem_shared>>
      %dma_start3A_123 = arith.constant 0 : i32
      %dma_start3A_124 = tpu.memref_slice %arg27[%add3A_34, %dma_start3A_123] : memref<10240x128xf32, #tpu.memory_space<vmem_shared>> -> memref<40x128xf32, #tpu.memory_space<vmem_shared>>
      tpu.enqueue_dma source(%arg24 : memref<40x128xf32, #tpu.memory_space<vmem>>) target(%dma_start3A_124 : memref<40x128xf32, #tpu.memory_space<vmem_shared>>) target_semaphore(%run_scoped3A : memref<!tpu.dma_semaphore, #tpu.memory_space<semaphore_mem>>)
      %dma_wait3A_125 = arith.constant 0 : i32
      %dma_wait3A_126 = tpu.memref_slice %arg27[%add3A_34, %dma_wait3A_125] : memref<10240x128xf32, #tpu.memory_space<vmem_shared>> -> memref<40x128xf32, #tpu.memory_space<vmem_shared>>
      %dma_wait3A_127 = arith.constant 0 : i32
      %dma_wait3A_128 = tpu.memref_slice %arg27[%add3A_34, %dma_wait3A_127] : memref<10240x128xf32, #tpu.memory_space<vmem_shared>> -> memref<40x128xf32, #tpu.memory_space<vmem_shared>>
      tpu.wait_dma2 semaphore(%run_scoped3A : memref<!tpu.dma_semaphore, #tpu.memory_space<semaphore_mem>>) src(%arg24 : memref<40x128xf32, #tpu.memory_space<vmem>>) dst(%dma_wait3A_128 : memref<40x128xf32, #tpu.memory_space<vmem_shared>>)
      tpu.yield
    }) : () -> ()
    %mul3A_35 = arith.constant 640 : i32
    %mul3A_36 = arith.muli %arg1, %mul3A_35 : i32
    %add3A_37 = arith.constant 160 : i32
    %add3A_38 = arith.addi %mul3A_36, %add3A_37 : i32
    "tpu.region"() ({
      %run_scoped3A = tpu.sem_alloc : memref<!tpu.dma_semaphore, #tpu.memory_space<semaphore_mem>>
      %dma_start3A_121 = arith.constant 0 : i32
      %dma_start3A_122 = tpu.memref_slice %arg27[%add3A_38, %dma_start3A_121] : memref<10240x128xf32, #tpu.memory_space<vmem_shared>> -> memref<40x128xf32, #tpu.memory_space<vmem_shared>>
      %dma_start3A_123 = arith.constant 0 : i32
      %dma_start3A_124 = tpu.memref_slice %arg27[%add3A_38, %dma_start3A_123] : memref<10240x128xf32, #tpu.memory_space<vmem_shared>> -> memref<40x128xf32, #tpu.memory_space<vmem_shared>>
      tpu.enqueue_dma source(%arg24 : memref<40x128xf32, #tpu.memory_space<vmem>>) target(%dma_start3A_124 : memref<40x128xf32, #tpu.memory_space<vmem_shared>>) target_semaphore(%run_scoped3A : memref<!tpu.dma_semaphore, #tpu.memory_space<semaphore_mem>>)
      %dma_wait3A_125 = arith.constant 0 : i32
      %dma_wait3A_126 = tpu.memref_slice %arg27[%add3A_38, %dma_wait3A_125] : memref<10240x128xf32, #tpu.memory_space<vmem_shared>> -> memref<40x128xf32, #tpu.memory_space<vmem_shared>>
      %dma_wait3A_127 = arith.constant 0 : i32
      %dma_wait3A_128 = tpu.memref_slice %arg27[%add3A_38, %dma_wait3A_127] : memref<10240x128xf32, #tpu.memory_space<vmem_shared>> -> memref<40x128xf32, #tpu.memory_space<vmem_shared>>
      tpu.wait_dma2 semaphore(%run_scoped3A : memref<!tpu.dma_semaphore, #tpu.memory_space<semaphore_mem>>) src(%arg24 : memref<40x128xf32, #tpu.memory_space<vmem>>) dst(%dma_wait3A_128 : memref<40x128xf32, #tpu.memory_space<vmem_shared>>)
      tpu.yield
    }) : () -> ()
    %mul3A_39 = arith.constant 640 : i32
    %mul3A_40 = arith.muli %arg1, %mul3A_39 : i32
    %add3A_41 = arith.constant 200 : i32
    %add3A_42 = arith.addi %mul3A_40, %add3A_41 : i32
    "tpu.region"() ({
      %run_scoped3A = tpu.sem_alloc : memref<!tpu.dma_semaphore, #tpu.memory_space<semaphore_mem>>
      %dma_start3A_121 = arith.constant 0 : i32
      %dma_start3A_122 = tpu.memref_slice %arg27[%add3A_42, %dma_start3A_121] : memref<10240x128xf32, #tpu.memory_space<vmem_shared>> -> memref<40x128xf32, #tpu.memory_space<vmem_shared>>
      %dma_start3A_123 = arith.constant 0 : i32
      %dma_start3A_124 = tpu.memref_slice %arg27[%add3A_42, %dma_start3A_123] : memref<10240x128xf32, #tpu.memory_space<vmem_shared>> -> memref<40x128xf32, #tpu.memory_space<vmem_shared>>
      tpu.enqueue_dma source(%arg24 : memref<40x128xf32, #tpu.memory_space<vmem>>) target(%dma_start3A_124 : memref<40x128xf32, #tpu.memory_space<vmem_shared>>) target_semaphore(%run_scoped3A : memref<!tpu.dma_semaphore, #tpu.memory_space<semaphore_mem>>)
      %dma_wait3A_125 = arith.constant 0 : i32
      %dma_wait3A_126 = tpu.memref_slice %arg27[%add3A_42, %dma_wait3A_125] : memref<10240x128xf32, #tpu.memory_space<vmem_shared>> -> memref<40x128xf32, #tpu.memory_space<vmem_shared>>
      %dma_wait3A_127 = arith.constant 0 : i32
      %dma_wait3A_128 = tpu.memref_slice %arg27[%add3A_42, %dma_wait3A_127] : memref<10240x128xf32, #tpu.memory_space<vmem_shared>> -> memref<40x128xf32, #tpu.memory_space<vmem_shared>>
      tpu.wait_dma2 semaphore(%run_scoped3A : memref<!tpu.dma_semaphore, #tpu.memory_space<semaphore_mem>>) src(%arg24 : memref<40x128xf32, #tpu.memory_space<vmem>>) dst(%dma_wait3A_128 : memref<40x128xf32, #tpu.memory_space<vmem_shared>>)
      tpu.yield
    }) : () -> ()
    %mul3A_43 = arith.constant 640 : i32
    %mul3A_44 = arith.muli %arg1, %mul3A_43 : i32
    %add3A_45 = arith.constant 240 : i32
    %add3A_46 = arith.addi %mul3A_44, %add3A_45 : i32
    "tpu.region"() ({
      %run_scoped3A = tpu.sem_alloc : memref<!tpu.dma_semaphore, #tpu.memory_space<semaphore_mem>>
      %dma_start3A_121 = arith.constant 0 : i32
      %dma_start3A_122 = tpu.memref_slice %arg27[%add3A_46, %dma_start3A_121] : memref<10240x128xf32, #tpu.memory_space<vmem_shared>> -> memref<40x128xf32, #tpu.memory_space<vmem_shared>>
      %dma_start3A_123 = arith.constant 0 : i32
      %dma_start3A_124 = tpu.memref_slice %arg27[%add3A_46, %dma_start3A_123] : memref<10240x128xf32, #tpu.memory_space<vmem_shared>> -> memref<40x128xf32, #tpu.memory_space<vmem_shared>>
      tpu.enqueue_dma source(%arg24 : memref<40x128xf32, #tpu.memory_space<vmem>>) target(%dma_start3A_124 : memref<40x128xf32, #tpu.memory_space<vmem_shared>>) target_semaphore(%run_scoped3A : memref<!tpu.dma_semaphore, #tpu.memory_space<semaphore_mem>>)
      %dma_wait3A_125 = arith.constant 0 : i32
      %dma_wait3A_126 = tpu.memref_slice %arg27[%add3A_46, %dma_wait3A_125] : memref<10240x128xf32, #tpu.memory_space<vmem_shared>> -> memref<40x128xf32, #tpu.memory_space<vmem_shared>>
      %dma_wait3A_127 = arith.constant 0 : i32
      %dma_wait3A_128 = tpu.memref_slice %arg27[%add3A_46, %dma_wait3A_127] : memref<10240x128xf32, #tpu.memory_space<vmem_shared>> -> memref<40x128xf32, #tpu.memory_space<vmem_shared>>
      tpu.wait_dma2 semaphore(%run_scoped3A : memref<!tpu.dma_semaphore, #tpu.memory_space<semaphore_mem>>) src(%arg24 : memref<40x128xf32, #tpu.memory_space<vmem>>) dst(%dma_wait3A_128 : memref<40x128xf32, #tpu.memory_space<vmem_shared>>)
      tpu.yield
    }) : () -> ()
    %mul3A_47 = arith.constant 640 : i32
    %mul3A_48 = arith.muli %arg1, %mul3A_47 : i32
    %add3A_49 = arith.constant 280 : i32
    %add3A_50 = arith.addi %mul3A_48, %add3A_49 : i32
    "tpu.region"() ({
      %run_scoped3A = tpu.sem_alloc : memref<!tpu.dma_semaphore, #tpu.memory_space<semaphore_mem>>
      %dma_start3A_121 = arith.constant 0 : i32
      %dma_start3A_122 = tpu.memref_slice %arg27[%add3A_50, %dma_start3A_121] : memref<10240x128xf32, #tpu.memory_space<vmem_shared>> -> memref<40x128xf32, #tpu.memory_space<vmem_shared>>
      %dma_start3A_123 = arith.constant 0 : i32
      %dma_start3A_124 = tpu.memref_slice %arg27[%add3A_50, %dma_start3A_123] : memref<10240x128xf32, #tpu.memory_space<vmem_shared>> -> memref<40x128xf32, #tpu.memory_space<vmem_shared>>
      tpu.enqueue_dma source(%arg24 : memref<40x128xf32, #tpu.memory_space<vmem>>) target(%dma_start3A_124 : memref<40x128xf32, #tpu.memory_space<vmem_shared>>) target_semaphore(%run_scoped3A : memref<!tpu.dma_semaphore, #tpu.memory_space<semaphore_mem>>)
      %dma_wait3A_125 = arith.constant 0 : i32
      %dma_wait3A_126 = tpu.memref_slice %arg27[%add3A_50, %dma_wait3A_125] : memref<10240x128xf32, #tpu.memory_space<vmem_shared>> -> memref<40x128xf32, #tpu.memory_space<vmem_shared>>
      %dma_wait3A_127 = arith.constant 0 : i32
      %dma_wait3A_128 = tpu.memref_slice %arg27[%add3A_50, %dma_wait3A_127] : memref<10240x128xf32, #tpu.memory_space<vmem_shared>> -> memref<40x128xf32, #tpu.memory_space<vmem_shared>>
      tpu.wait_dma2 semaphore(%run_scoped3A : memref<!tpu.dma_semaphore, #tpu.memory_space<semaphore_mem>>) src(%arg24 : memref<40x128xf32, #tpu.memory_space<vmem>>) dst(%dma_wait3A_128 : memref<40x128xf32, #tpu.memory_space<vmem_shared>>)
      tpu.yield
    }) : () -> ()
    %mul3A_51 = arith.constant 640 : i32
    %mul3A_52 = arith.muli %arg1, %mul3A_51 : i32
    %add3A_53 = arith.constant 320 : i32
    %add3A_54 = arith.addi %mul3A_52, %add3A_53 : i32
    "tpu.region"() ({
      %run_scoped3A = tpu.sem_alloc : memref<!tpu.dma_semaphore, #tpu.memory_space<semaphore_mem>>
      %dma_start3A_121 = arith.constant 0 : i32
      %dma_start3A_122 = tpu.memref_slice %arg27[%add3A_54, %dma_start3A_121] : memref<10240x128xf32, #tpu.memory_space<vmem_shared>> -> memref<40x128xf32, #tpu.memory_space<vmem_shared>>
      %dma_start3A_123 = arith.constant 0 : i32
      %dma_start3A_124 = tpu.memref_slice %arg27[%add3A_54, %dma_start3A_123] : memref<10240x128xf32, #tpu.memory_space<vmem_shared>> -> memref<40x128xf32, #tpu.memory_space<vmem_shared>>
      tpu.enqueue_dma source(%arg24 : memref<40x128xf32, #tpu.memory_space<vmem>>) target(%dma_start3A_124 : memref<40x128xf32, #tpu.memory_space<vmem_shared>>) target_semaphore(%run_scoped3A : memref<!tpu.dma_semaphore, #tpu.memory_space<semaphore_mem>>)
      %dma_wait3A_125 = arith.constant 0 : i32
      %dma_wait3A_126 = tpu.memref_slice %arg27[%add3A_54, %dma_wait3A_125] : memref<10240x128xf32, #tpu.memory_space<vmem_shared>> -> memref<40x128xf32, #tpu.memory_space<vmem_shared>>
      %dma_wait3A_127 = arith.constant 0 : i32
      %dma_wait3A_128 = tpu.memref_slice %arg27[%add3A_54, %dma_wait3A_127] : memref<10240x128xf32, #tpu.memory_space<vmem_shared>> -> memref<40x128xf32, #tpu.memory_space<vmem_shared>>
      tpu.wait_dma2 semaphore(%run_scoped3A : memref<!tpu.dma_semaphore, #tpu.memory_space<semaphore_mem>>) src(%arg24 : memref<40x128xf32, #tpu.memory_space<vmem>>) dst(%dma_wait3A_128 : memref<40x128xf32, #tpu.memory_space<vmem_shared>>)
      tpu.yield
    }) : () -> ()
    %mul3A_55 = arith.constant 640 : i32
    %mul3A_56 = arith.muli %arg1, %mul3A_55 : i32
    %add3A_57 = arith.constant 360 : i32
    %add3A_58 = arith.addi %mul3A_56, %add3A_57 : i32
    "tpu.region"() ({
      %run_scoped3A = tpu.sem_alloc : memref<!tpu.dma_semaphore, #tpu.memory_space<semaphore_mem>>
      %dma_start3A_121 = arith.constant 0 : i32
      %dma_start3A_122 = tpu.memref_slice %arg27[%add3A_58, %dma_start3A_121] : memref<10240x128xf32, #tpu.memory_space<vmem_shared>> -> memref<40x128xf32, #tpu.memory_space<vmem_shared>>
      %dma_start3A_123 = arith.constant 0 : i32
      %dma_start3A_124 = tpu.memref_slice %arg27[%add3A_58, %dma_start3A_123] : memref<10240x128xf32, #tpu.memory_space<vmem_shared>> -> memref<40x128xf32, #tpu.memory_space<vmem_shared>>
      tpu.enqueue_dma source(%arg24 : memref<40x128xf32, #tpu.memory_space<vmem>>) target(%dma_start3A_124 : memref<40x128xf32, #tpu.memory_space<vmem_shared>>) target_semaphore(%run_scoped3A : memref<!tpu.dma_semaphore, #tpu.memory_space<semaphore_mem>>)
      %dma_wait3A_125 = arith.constant 0 : i32
      %dma_wait3A_126 = tpu.memref_slice %arg27[%add3A_58, %dma_wait3A_125] : memref<10240x128xf32, #tpu.memory_space<vmem_shared>> -> memref<40x128xf32, #tpu.memory_space<vmem_shared>>
      %dma_wait3A_127 = arith.constant 0 : i32
      %dma_wait3A_128 = tpu.memref_slice %arg27[%add3A_58, %dma_wait3A_127] : memref<10240x128xf32, #tpu.memory_space<vmem_shared>> -> memref<40x128xf32, #tpu.memory_space<vmem_shared>>
      tpu.wait_dma2 semaphore(%run_scoped3A : memref<!tpu.dma_semaphore, #tpu.memory_space<semaphore_mem>>) src(%arg24 : memref<40x128xf32, #tpu.memory_space<vmem>>) dst(%dma_wait3A_128 : memref<40x128xf32, #tpu.memory_space<vmem_shared>>)
      tpu.yield
    }) : () -> ()
    %mul3A_59 = arith.constant 640 : i32
    %mul3A_60 = arith.muli %arg1, %mul3A_59 : i32
    %add3A_61 = arith.constant 400 : i32
    %add3A_62 = arith.addi %mul3A_60, %add3A_61 : i32
    "tpu.region"() ({
      %run_scoped3A = tpu.sem_alloc : memref<!tpu.dma_semaphore, #tpu.memory_space<semaphore_mem>>
      %dma_start3A_121 = arith.constant 0 : i32
      %dma_start3A_122 = tpu.memref_slice %arg27[%add3A_62, %dma_start3A_121] : memref<10240x128xf32, #tpu.memory_space<vmem_shared>> -> memref<40x128xf32, #tpu.memory_space<vmem_shared>>
      %dma_start3A_123 = arith.constant 0 : i32
      %dma_start3A_124 = tpu.memref_slice %arg27[%add3A_62, %dma_start3A_123] : memref<10240x128xf32, #tpu.memory_space<vmem_shared>> -> memref<40x128xf32, #tpu.memory_space<vmem_shared>>
      tpu.enqueue_dma source(%arg24 : memref<40x128xf32, #tpu.memory_space<vmem>>) target(%dma_start3A_124 : memref<40x128xf32, #tpu.memory_space<vmem_shared>>) target_semaphore(%run_scoped3A : memref<!tpu.dma_semaphore, #tpu.memory_space<semaphore_mem>>)
      %dma_wait3A_125 = arith.constant 0 : i32
      %dma_wait3A_126 = tpu.memref_slice %arg27[%add3A_62, %dma_wait3A_125] : memref<10240x128xf32, #tpu.memory_space<vmem_shared>> -> memref<40x128xf32, #tpu.memory_space<vmem_shared>>
      %dma_wait3A_127 = arith.constant 0 : i32
      %dma_wait3A_128 = tpu.memref_slice %arg27[%add3A_62, %dma_wait3A_127] : memref<10240x128xf32, #tpu.memory_space<vmem_shared>> -> memref<40x128xf32, #tpu.memory_space<vmem_shared>>
      tpu.wait_dma2 semaphore(%run_scoped3A : memref<!tpu.dma_semaphore, #tpu.memory_space<semaphore_mem>>) src(%arg24 : memref<40x128xf32, #tpu.memory_space<vmem>>) dst(%dma_wait3A_128 : memref<40x128xf32, #tpu.memory_space<vmem_shared>>)
      tpu.yield
    }) : () -> ()
    %mul3A_63 = arith.constant 640 : i32
    %mul3A_64 = arith.muli %arg1, %mul3A_63 : i32
    %add3A_65 = arith.constant 440 : i32
    %add3A_66 = arith.addi %mul3A_64, %add3A_65 : i32
    "tpu.region"() ({
      %run_scoped3A = tpu.sem_alloc : memref<!tpu.dma_semaphore, #tpu.memory_space<semaphore_mem>>
      %dma_start3A_121 = arith.constant 0 : i32
      %dma_start3A_122 = tpu.memref_slice %arg27[%add3A_66, %dma_start3A_121] : memref<10240x128xf32, #tpu.memory_space<vmem_shared>> -> memref<40x128xf32, #tpu.memory_space<vmem_shared>>
      %dma_start3A_123 = arith.constant 0 : i32
      %dma_start3A_124 = tpu.memref_slice %arg27[%add3A_66, %dma_start3A_123] : memref<10240x128xf32, #tpu.memory_space<vmem_shared>> -> memref<40x128xf32, #tpu.memory_space<vmem_shared>>
      tpu.enqueue_dma source(%arg24 : memref<40x128xf32, #tpu.memory_space<vmem>>) target(%dma_start3A_124 : memref<40x128xf32, #tpu.memory_space<vmem_shared>>) target_semaphore(%run_scoped3A : memref<!tpu.dma_semaphore, #tpu.memory_space<semaphore_mem>>)
      %dma_wait3A_125 = arith.constant 0 : i32
      %dma_wait3A_126 = tpu.memref_slice %arg27[%add3A_66, %dma_wait3A_125] : memref<10240x128xf32, #tpu.memory_space<vmem_shared>> -> memref<40x128xf32, #tpu.memory_space<vmem_shared>>
      %dma_wait3A_127 = arith.constant 0 : i32
      %dma_wait3A_128 = tpu.memref_slice %arg27[%add3A_66, %dma_wait3A_127] : memref<10240x128xf32, #tpu.memory_space<vmem_shared>> -> memref<40x128xf32, #tpu.memory_space<vmem_shared>>
      tpu.wait_dma2 semaphore(%run_scoped3A : memref<!tpu.dma_semaphore, #tpu.memory_space<semaphore_mem>>) src(%arg24 : memref<40x128xf32, #tpu.memory_space<vmem>>) dst(%dma_wait3A_128 : memref<40x128xf32, #tpu.memory_space<vmem_shared>>)
      tpu.yield
    }) : () -> ()
    %mul3A_67 = arith.constant 640 : i32
    %mul3A_68 = arith.muli %arg1, %mul3A_67 : i32
    %add3A_69 = arith.constant 480 : i32
    %add3A_70 = arith.addi %mul3A_68, %add3A_69 : i32
    "tpu.region"() ({
      %run_scoped3A = tpu.sem_alloc : memref<!tpu.dma_semaphore, #tpu.memory_space<semaphore_mem>>
      %dma_start3A_121 = arith.constant 0 : i32
      %dma_start3A_122 = tpu.memref_slice %arg27[%add3A_70, %dma_start3A_121] : memref<10240x128xf32, #tpu.memory_space<vmem_shared>> -> memref<40x128xf32, #tpu.memory_space<vmem_shared>>
      %dma_start3A_123 = arith.constant 0 : i32
      %dma_start3A_124 = tpu.memref_slice %arg27[%add3A_70, %dma_start3A_123] : memref<10240x128xf32, #tpu.memory_space<vmem_shared>> -> memref<40x128xf32, #tpu.memory_space<vmem_shared>>
      tpu.enqueue_dma source(%arg24 : memref<40x128xf32, #tpu.memory_space<vmem>>) target(%dma_start3A_124 : memref<40x128xf32, #tpu.memory_space<vmem_shared>>) target_semaphore(%run_scoped3A : memref<!tpu.dma_semaphore, #tpu.memory_space<semaphore_mem>>)
      %dma_wait3A_125 = arith.constant 0 : i32
      %dma_wait3A_126 = tpu.memref_slice %arg27[%add3A_70, %dma_wait3A_125] : memref<10240x128xf32, #tpu.memory_space<vmem_shared>> -> memref<40x128xf32, #tpu.memory_space<vmem_shared>>
      %dma_wait3A_127 = arith.constant 0 : i32
      %dma_wait3A_128 = tpu.memref_slice %arg27[%add3A_70, %dma_wait3A_127] : memref<10240x128xf32, #tpu.memory_space<vmem_shared>> -> memref<40x128xf32, #tpu.memory_space<vmem_shared>>
      tpu.wait_dma2 semaphore(%run_scoped3A : memref<!tpu.dma_semaphore, #tpu.memory_space<semaphore_mem>>) src(%arg24 : memref<40x128xf32, #tpu.memory_space<vmem>>) dst(%dma_wait3A_128 : memref<40x128xf32, #tpu.memory_space<vmem_shared>>)
      tpu.yield
    }) : () -> ()
    %mul3A_71 = arith.constant 640 : i32
    %mul3A_72 = arith.muli %arg1, %mul3A_71 : i32
    %add3A_73 = arith.constant 520 : i32
    %add3A_74 = arith.addi %mul3A_72, %add3A_73 : i32
    "tpu.region"() ({
      %run_scoped3A = tpu.sem_alloc : memref<!tpu.dma_semaphore, #tpu.memory_space<semaphore_mem>>
      %dma_start3A_121 = arith.constant 0 : i32
      %dma_start3A_122 = tpu.memref_slice %arg27[%add3A_74, %dma_start3A_121] : memref<10240x128xf32, #tpu.memory_space<vmem_shared>> -> memref<40x128xf32, #tpu.memory_space<vmem_shared>>
      %dma_start3A_123 = arith.constant 0 : i32
      %dma_start3A_124 = tpu.memref_slice %arg27[%add3A_74, %dma_start3A_123] : memref<10240x128xf32, #tpu.memory_space<vmem_shared>> -> memref<40x128xf32, #tpu.memory_space<vmem_shared>>
      tpu.enqueue_dma source(%arg24 : memref<40x128xf32, #tpu.memory_space<vmem>>) target(%dma_start3A_124 : memref<40x128xf32, #tpu.memory_space<vmem_shared>>) target_semaphore(%run_scoped3A : memref<!tpu.dma_semaphore, #tpu.memory_space<semaphore_mem>>)
      %dma_wait3A_125 = arith.constant 0 : i32
      %dma_wait3A_126 = tpu.memref_slice %arg27[%add3A_74, %dma_wait3A_125] : memref<10240x128xf32, #tpu.memory_space<vmem_shared>> -> memref<40x128xf32, #tpu.memory_space<vmem_shared>>
      %dma_wait3A_127 = arith.constant 0 : i32
      %dma_wait3A_128 = tpu.memref_slice %arg27[%add3A_74, %dma_wait3A_127] : memref<10240x128xf32, #tpu.memory_space<vmem_shared>> -> memref<40x128xf32, #tpu.memory_space<vmem_shared>>
      tpu.wait_dma2 semaphore(%run_scoped3A : memref<!tpu.dma_semaphore, #tpu.memory_space<semaphore_mem>>) src(%arg24 : memref<40x128xf32, #tpu.memory_space<vmem>>) dst(%dma_wait3A_128 : memref<40x128xf32, #tpu.memory_space<vmem_shared>>)
      tpu.yield
    }) : () -> ()
    %mul3A_75 = arith.constant 640 : i32
    %mul3A_76 = arith.muli %arg1, %mul3A_75 : i32
    %add3A_77 = arith.constant 560 : i32
    %add3A_78 = arith.addi %mul3A_76, %add3A_77 : i32
    "tpu.region"() ({
      %run_scoped3A = tpu.sem_alloc : memref<!tpu.dma_semaphore, #tpu.memory_space<semaphore_mem>>
      %dma_start3A_121 = arith.constant 0 : i32
      %dma_start3A_122 = tpu.memref_slice %arg27[%add3A_78, %dma_start3A_121] : memref<10240x128xf32, #tpu.memory_space<vmem_shared>> -> memref<40x128xf32, #tpu.memory_space<vmem_shared>>
      %dma_start3A_123 = arith.constant 0 : i32
      %dma_start3A_124 = tpu.memref_slice %arg27[%add3A_78, %dma_start3A_123] : memref<10240x128xf32, #tpu.memory_space<vmem_shared>> -> memref<40x128xf32, #tpu.memory_space<vmem_shared>>
      tpu.enqueue_dma source(%arg24 : memref<40x128xf32, #tpu.memory_space<vmem>>) target(%dma_start3A_124 : memref<40x128xf32, #tpu.memory_space<vmem_shared>>) target_semaphore(%run_scoped3A : memref<!tpu.dma_semaphore, #tpu.memory_space<semaphore_mem>>)
      %dma_wait3A_125 = arith.constant 0 : i32
      %dma_wait3A_126 = tpu.memref_slice %arg27[%add3A_78, %dma_wait3A_125] : memref<10240x128xf32, #tpu.memory_space<vmem_shared>> -> memref<40x128xf32, #tpu.memory_space<vmem_shared>>
      %dma_wait3A_127 = arith.constant 0 : i32
      %dma_wait3A_128 = tpu.memref_slice %arg27[%add3A_78, %dma_wait3A_127] : memref<10240x128xf32, #tpu.memory_space<vmem_shared>> -> memref<40x128xf32, #tpu.memory_space<vmem_shared>>
      tpu.wait_dma2 semaphore(%run_scoped3A : memref<!tpu.dma_semaphore, #tpu.memory_space<semaphore_mem>>) src(%arg24 : memref<40x128xf32, #tpu.memory_space<vmem>>) dst(%dma_wait3A_128 : memref<40x128xf32, #tpu.memory_space<vmem_shared>>)
      tpu.yield
    }) : () -> ()
    %mul3A_79 = arith.constant 640 : i32
    %mul3A_80 = arith.muli %arg1, %mul3A_79 : i32
    %add3A_81 = arith.constant 600 : i32
    %add3A_82 = arith.addi %mul3A_80, %add3A_81 : i32
    "tpu.region"() ({
      %run_scoped3A = tpu.sem_alloc : memref<!tpu.dma_semaphore, #tpu.memory_space<semaphore_mem>>
      %dma_start3A_121 = arith.constant 0 : i32
      %dma_start3A_122 = tpu.memref_slice %arg27[%add3A_82, %dma_start3A_121] : memref<10240x128xf32, #tpu.memory_space<vmem_shared>> -> memref<40x128xf32, #tpu.memory_space<vmem_shared>>
      %dma_start3A_123 = arith.constant 0 : i32
      %dma_start3A_124 = tpu.memref_slice %arg27[%add3A_82, %dma_start3A_123] : memref<10240x128xf32, #tpu.memory_space<vmem_shared>> -> memref<40x128xf32, #tpu.memory_space<vmem_shared>>
      tpu.enqueue_dma source(%arg24 : memref<40x128xf32, #tpu.memory_space<vmem>>) target(%dma_start3A_124 : memref<40x128xf32, #tpu.memory_space<vmem_shared>>) target_semaphore(%run_scoped3A : memref<!tpu.dma_semaphore, #tpu.memory_space<semaphore_mem>>)
      %dma_wait3A_125 = arith.constant 0 : i32
      %dma_wait3A_126 = tpu.memref_slice %arg27[%add3A_82, %dma_wait3A_125] : memref<10240x128xf32, #tpu.memory_space<vmem_shared>> -> memref<40x128xf32, #tpu.memory_space<vmem_shared>>
      %dma_wait3A_127 = arith.constant 0 : i32
      %dma_wait3A_128 = tpu.memref_slice %arg27[%add3A_82, %dma_wait3A_127] : memref<10240x128xf32, #tpu.memory_space<vmem_shared>> -> memref<40x128xf32, #tpu.memory_space<vmem_shared>>
      tpu.wait_dma2 semaphore(%run_scoped3A : memref<!tpu.dma_semaphore, #tpu.memory_space<semaphore_mem>>) src(%arg24 : memref<40x128xf32, #tpu.memory_space<vmem>>) dst(%dma_wait3A_128 : memref<40x128xf32, #tpu.memory_space<vmem_shared>>)
      tpu.yield
    }) : () -> ()
    %scan3A_83 = arith.constant 0 : i32
    %scan3A_84 = arith.constant 0 : i32
    %scan3A_85 = arith.constant 5 : i32
    %scan3A_86 = arith.addi %scan3A_84, %scan3A_85 : i32
    %scan3A_87 = arith.constant 1 : i32
    %scan3A_88 = scf.for %scan3A_121 = %scan3A_84 to %scan3A_86 step %scan3A_87 iter_args(%scan3A_122 = %scan3A_83) -> (i32)  : i32 {
      %mul3A_123 = arith.constant 2048 : i32
      %mul3A_124 = arith.muli %scan3A_121, %mul3A_123 : i32
      "tpu.region"() ({
        %run_scoped3A = tpu.sem_alloc : memref<!tpu.dma_semaphore, #tpu.memory_space<semaphore_mem>>
        %dma_start3A_133 = arith.constant 0 : i32
        %dma_start3A_134 = tpu.memref_slice %arg5[%dma_start3A_133, %mul3A_124] : memref<2x10240xf32, #tpu.memory_space<hbm>> -> memref<2x2048xf32, #tpu.memory_space<hbm>>
        %dma_start3A_135 = arith.constant 0 : i32
        %dma_start3A_136 = tpu.memref_slice %arg5[%dma_start3A_135, %mul3A_124] : memref<2x10240xf32, #tpu.memory_space<hbm>> -> memref<2x2048xf32, #tpu.memory_space<hbm>>
        tpu.enqueue_dma source(%dma_start3A_136 : memref<2x2048xf32, #tpu.memory_space<hbm>>) target(%arg13 : memref<2x2048xf32, #tpu.memory_space<vmem>>) target_semaphore(%run_scoped3A : memref<!tpu.dma_semaphore, #tpu.memory_space<semaphore_mem>>)
        %dma_wait3A_137 = arith.constant 0 : i32
        %dma_wait3A_138 = tpu.memref_slice %arg5[%dma_wait3A_137, %mul3A_124] : memref<2x10240xf32, #tpu.memory_space<hbm>> -> memref<2x2048xf32, #tpu.memory_space<hbm>>
        %dma_wait3A_139 = arith.constant 0 : i32
        %dma_wait3A_140 = tpu.memref_slice %arg5[%dma_wait3A_139, %mul3A_124] : memref<2x10240xf32, #tpu.memory_space<hbm>> -> memref<2x2048xf32, #tpu.memory_space<hbm>>
        tpu.wait_dma2 semaphore(%run_scoped3A : memref<!tpu.dma_semaphore, #tpu.memory_space<semaphore_mem>>) src(%dma_wait3A_140 : memref<2x2048xf32, #tpu.memory_space<hbm>>) dst(%arg13 : memref<2x2048xf32, #tpu.memory_space<vmem>>)
        tpu.yield
      }) : () -> ()
      %scan3A_125 = arith.constant 0 : i32
      %scan3A_126 = arith.constant 0 : i32
      %scan3A_127 = arith.constant 128 : i32
      %scan3A_128 = arith.addi %scan3A_126, %scan3A_127 : i32
      %scan3A_129 = arith.constant 1 : i32
      %scan3A_130 = scf.for %scan3A_133 = %scan3A_126 to %scan3A_128 step %scan3A_129 iter_args(%scan3A_134 = %scan3A_125) -> (i32)  : i32 {
        %mul3A_135 = arith.constant 16 : i32
        %mul3A_136 = arith.muli %scan3A_133, %mul3A_135 : i32
        %get3A = arith.constant 0 : i32
        %get3A_137 = arith.index_cast %get3A : i32 to index
        %get3A_138 = arith.index_cast %mul3A_136 : i32 to index
        %get3A_139 = tpu.vector_load %arg13[%get3A_137, %get3A_138] {strides = array<i32>} : memref<2x2048xf32, #tpu.memory_space<vmem>>, vector<16xf32>,
        %mul3A_140 = arith.constant 16 : i32
        %mul3A_141 = arith.muli %scan3A_133, %mul3A_140 : i32
        %get3A_142 = arith.constant 1 : i32
        %get3A_143 = arith.index_cast %get3A_142 : i32 to index
        %get3A_144 = arith.index_cast %mul3A_141 : i32 to index
        %get3A_145 = tpu.vector_load %arg13[%get3A_143, %get3A_144] {strides = array<i32>} : memref<2x2048xf32, #tpu.memory_space<vmem>>, vector<16xf32>,
        %add3A_146 = arith.addf %get3A_139, %get3A_145 : vector<16xf32>
        %mul3A_147 = arith.constant 2048 : i32
        %mul3A_148 = arith.muli %scan3A_121, %mul3A_147 : i32
        %mul3A_149 = arith.constant 16 : i32
        %mul3A_150 = arith.muli %scan3A_133, %mul3A_149 : i32
        %add3A_151 = arith.addi %mul3A_148, %mul3A_150 : i32
        %swap3A = arith.index_cast %add3A_151 : i32 to index
        %swap3A_152 = tpu.vector_load %arg11[%swap3A] {strides = array<i32>} : memref<10240xf32, #tpu.memory_space<vmem>>, vector<16xf32>,
        tpu.vector_store %arg11[%swap3A], %add3A_146 {strides = array<i32>} : memref<10240xf32, #tpu.memory_space<vmem>>, vector<16xf32>,
        %scan3A_153 = arith.constant 0 : i32
        scf.yield %scan3A_153 : i32
      }
      %scan3A_131 = arith.constant 128 : i32
      %scan3A_132 = arith.constant 0 : i32
      scf.yield %scan3A_132 : i32
    }
    %scan3A_89 = arith.constant 5 : i32
    "tpu.region"() ({
      %run_scoped3A = tpu.sem_alloc : memref<!tpu.dma_semaphore, #tpu.memory_space<semaphore_mem>>
      tpu.enqueue_dma source(%arg6 : memref<10240xf32, #tpu.memory_space<hbm>>) target(%arg12 : memref<10240xf32, #tpu.memory_space<vmem>>) target_semaphore(%run_scoped3A : memref<!tpu.dma_semaphore, #tpu.memory_space<semaphore_mem>>)
      tpu.wait_dma2 semaphore(%run_scoped3A : memref<!tpu.dma_semaphore, #tpu.memory_space<semaphore_mem>>) src(%arg6 : memref<10240xf32, #tpu.memory_space<hbm>>) dst(%arg12 : memref<10240xf32, #tpu.memory_space<vmem>>)
      tpu.yield
    }) : () -> ()
    %barrier3A = arith.constant 0 : index
    tpu.barrier barrier_id(%barrier3A)
    %iota3A = tpu.iota {dimensions = array<i32: 0>} : vector<16xi32>
    %mul3A_90 = arith.constant 0 : i32
    %mul3A_91 = arith.constant 64 : i32
    %mul3A_92 = arith.muli %mul3A_90, %mul3A_91 : i32
    %add3A_93 = arith.addi %mul3A_2, %mul3A_92 : i32
    "tpu.region"() ({
      %run_scoped3A = tpu.sem_alloc : memref<!tpu.dma_semaphore, #tpu.memory_space<semaphore_mem>>
      %dma_start3A_121 = tpu.memref_slice %arg2[%add3A_93] : memref<163840xf32, #tpu.memory_space<hbm>> -> memref<64xf32, #tpu.memory_space<hbm>>
      %dma_start3A_122 = tpu.memref_slice %arg2[%add3A_93] : memref<163840xf32, #tpu.memory_space<hbm>> -> memref<64xf32, #tpu.memory_space<hbm>>
      tpu.enqueue_dma source(%dma_start3A_122 : memref<64xf32, #tpu.memory_space<hbm>>) target(%arg14 : memref<64xf32, #tpu.memory_space<vmem>>) target_semaphore(%run_scoped3A : memref<!tpu.dma_semaphore, #tpu.memory_space<semaphore_mem>>)
      %dma_wait3A_123 = tpu.memref_slice %arg2[%add3A_93] : memref<163840xf32, #tpu.memory_space<hbm>> -> memref<64xf32, #tpu.memory_space<hbm>>
      %dma_wait3A_124 = tpu.memref_slice %arg2[%add3A_93] : memref<163840xf32, #tpu.memory_space<hbm>> -> memref<64xf32, #tpu.memory_space<hbm>>
      tpu.wait_dma2 semaphore(%run_scoped3A : memref<!tpu.dma_semaphore, #tpu.memory_space<semaphore_mem>>) src(%dma_wait3A_124 : memref<64xf32, #tpu.memory_space<hbm>>) dst(%arg14 : memref<64xf32, #tpu.memory_space<vmem>>)
      tpu.yield
    }) : () -> ()
    "tpu.region"() ({
      %run_scoped3A = tpu.sem_alloc : memref<!tpu.dma_semaphore, #tpu.memory_space<semaphore_mem>>
      %dma_start3A_121 = tpu.memref_slice %arg3[%add3A_93] : memref<163840xi32, #tpu.memory_space<hbm>> -> memref<64xi32, #tpu.memory_space<hbm>>
      %dma_start3A_122 = tpu.memref_slice %arg3[%add3A_93] : memref<163840xi32, #tpu.memory_space<hbm>> -> memref<64xi32, #tpu.memory_space<hbm>>
      tpu.enqueue_dma source(%dma_start3A_122 : memref<64xi32, #tpu.memory_space<hbm>>) target(%arg18 : memref<64xi32, #tpu.memory_space<vmem>>) target_semaphore(%run_scoped3A : memref<!tpu.dma_semaphore, #tpu.memory_space<semaphore_mem>>)
      %dma_wait3A_123 = tpu.memref_slice %arg3[%add3A_93] : memref<163840xi32, #tpu.memory_space<hbm>> -> memref<64xi32, #tpu.memory_space<hbm>>
      %dma_wait3A_124 = tpu.memref_slice %arg3[%add3A_93] : memref<163840xi32, #tpu.memory_space<hbm>> -> memref<64xi32, #tpu.memory_space<hbm>>
      tpu.wait_dma2 semaphore(%run_scoped3A : memref<!tpu.dma_semaphore, #tpu.memory_space<semaphore_mem>>) src(%dma_wait3A_124 : memref<64xi32, #tpu.memory_space<hbm>>) dst(%arg18 : memref<64xi32, #tpu.memory_space<vmem>>)
      tpu.yield
    }) : () -> ()
    "tpu.region"() ({
      %run_scoped3A = tpu.sem_alloc : memref<!tpu.dma_semaphore, #tpu.memory_space<semaphore_mem>>
      %dma_start3A_121 = tpu.memref_slice %arg4[%add3A_93] : memref<163840xi32, #tpu.memory_space<hbm>> -> memref<64xi32, #tpu.memory_space<hbm>>
      %dma_start3A_122 = tpu.memref_slice %arg4[%add3A_93] : memref<163840xi32, #tpu.memory_space<hbm>> -> memref<64xi32, #tpu.memory_space<hbm>>
      tpu.enqueue_dma source(%dma_start3A_122 : memref<64xi32, #tpu.memory_space<hbm>>) target(%arg20 : memref<64xi32, #tpu.memory_space<vmem>>) target_semaphore(%run_scoped3A : memref<!tpu.dma_semaphore, #tpu.memory_space<semaphore_mem>>)
      %dma_wait3A_123 = tpu.memref_slice %arg4[%add3A_93] : memref<163840xi32, #tpu.memory_space<hbm>> -> memref<64xi32, #tpu.memory_space<hbm>>
      %dma_wait3A_124 = tpu.memref_slice %arg4[%add3A_93] : memref<163840xi32, #tpu.memory_space<hbm>> -> memref<64xi32, #tpu.memory_space<hbm>>
      tpu.wait_dma2 semaphore(%run_scoped3A : memref<!tpu.dma_semaphore, #tpu.memory_space<semaphore_mem>>) src(%dma_wait3A_124 : memref<64xi32, #tpu.memory_space<hbm>>) dst(%arg20 : memref<64xi32, #tpu.memory_space<vmem>>)
      tpu.yield
    }) : () -> ()
    %dma_start3A = arith.constant 0 : i32
    %dma_start3A_94 = arith.constant 0 : i32
    %dma_start3A_95 = tpu.memref_slice %arg7[%dma_start3A, %dma_start3A_94] : memref<10240x128xf32, #tpu.memory_space<hbm>> -> memref<10240x128xf32, #tpu.memory_space<hbm>>
    tpu.enqueue_indirect_dma source(%dma_start3A_95 : memref<10240x128xf32, #tpu.memory_space<hbm>>) target(%arg22 : memref<64x128xf32, #tpu.memory_space<vmem>>) offsets(%arg20 : memref<64xi32, #tpu.memory_space<vmem>>) semaphore(%arg28 : memref<!tpu.dma_semaphore, #tpu.memory_space<semaphore_mem>>)
    %scan3A_96 = arith.constant 79 : i32
    %scan3A_97 = arith.constant 0 : i32
    %scan3A_98 = arith.constant 0 : i32
    %scan3A_99 = arith.constant 40 : i32
    %scan3A_100 = arith.addi %scan3A_98, %scan3A_99 : i32
    %scan3A_101 = arith.constant 1 : i32
    %scan3A_102 = scf.for %scan3A_121 = %scan3A_98 to %scan3A_100 step %scan3A_101 iter_args(%scan3A_122 = %scan3A_97) -> (i32)  : i32 {
      %mul3A_123 = arith.constant 2 : i32
      %mul3A_124 = arith.muli %scan3A_121, %mul3A_123 : i32
      %dma_wait3A_125 = arith.constant 0 : i32
      %dma_wait3A_126 = arith.constant 0 : i32
      %dma_wait3A_127 = tpu.memref_slice %arg7[%dma_wait3A_125, %dma_wait3A_126] : memref<10240x128xf32, #tpu.memory_space<hbm>> -> memref<64x128xf32, #tpu.memory_space<hbm>>
      %dma_wait3A_128 = arith.constant 0 : i32
      %dma_wait3A_129 = arith.constant 0 : i32
      %dma_wait3A_130 = tpu.memref_slice %arg7[%dma_wait3A_128, %dma_wait3A_129] : memref<10240x128xf32, #tpu.memory_space<hbm>> -> memref<64x128xf32, #tpu.memory_space<hbm>>
      tpu.wait_dma2 semaphore(%arg28 : memref<!tpu.dma_semaphore, #tpu.memory_space<semaphore_mem>>) src(%dma_wait3A_130 : memref<64x128xf32, #tpu.memory_space<hbm>>) dst(%arg22 : memref<64x128xf32, #tpu.memory_space<vmem>>)
      %add3A_131 = arith.constant 1 : i32
      %add3A_132 = arith.addi %mul3A_124, %add3A_131 : i32
      %mul3A_133 = arith.constant 64 : i32
      %mul3A_134 = arith.muli %add3A_132, %mul3A_133 : i32
      %add3A_135 = arith.addi %mul3A_2, %mul3A_134 : i32
      "tpu.region"() ({
        %run_scoped3A = tpu.sem_alloc : memref<!tpu.dma_semaphore, #tpu.memory_space<semaphore_mem>>
        %dma_start3A_270 = tpu.memref_slice %arg2[%add3A_135] : memref<163840xf32, #tpu.memory_space<hbm>> -> memref<64xf32, #tpu.memory_space<hbm>>
        %dma_start3A_271 = tpu.memref_slice %arg2[%add3A_135] : memref<163840xf32, #tpu.memory_space<hbm>> -> memref<64xf32, #tpu.memory_space<hbm>>
        tpu.enqueue_dma source(%dma_start3A_271 : memref<64xf32, #tpu.memory_space<hbm>>) target(%arg15 : memref<64xf32, #tpu.memory_space<vmem>>) target_semaphore(%run_scoped3A : memref<!tpu.dma_semaphore, #tpu.memory_space<semaphore_mem>>)
        %dma_wait3A_272 = tpu.memref_slice %arg2[%add3A_135] : memref<163840xf32, #tpu.memory_space<hbm>> -> memref<64xf32, #tpu.memory_space<hbm>>
        %dma_wait3A_273 = tpu.memref_slice %arg2[%add3A_135] : memref<163840xf32, #tpu.memory_space<hbm>> -> memref<64xf32, #tpu.memory_space<hbm>>
        tpu.wait_dma2 semaphore(%run_scoped3A : memref<!tpu.dma_semaphore, #tpu.memory_space<semaphore_mem>>) src(%dma_wait3A_273 : memref<64xf32, #tpu.memory_space<hbm>>) dst(%arg15 : memref<64xf32, #tpu.memory_space<vmem>>)
        tpu.yield
      }) : () -> ()
      "tpu.region"() ({
        %run_scoped3A = tpu.sem_alloc : memref<!tpu.dma_semaphore, #tpu.memory_space<semaphore_mem>>
        %dma_start3A_270 = tpu.memref_slice %arg3[%add3A_135] : memref<163840xi32, #tpu.memory_space<hbm>> -> memref<64xi32, #tpu.memory_space<hbm>>
        %dma_start3A_271 = tpu.memref_slice %arg3[%add3A_135] : memref<163840xi32, #tpu.memory_space<hbm>> -> memref<64xi32, #tpu.memory_space<hbm>>
        tpu.enqueue_dma source(%dma_start3A_271 : memref<64xi32, #tpu.memory_space<hbm>>) target(%arg19 : memref<64xi32, #tpu.memory_space<vmem>>) target_semaphore(%run_scoped3A : memref<!tpu.dma_semaphore, #tpu.memory_space<semaphore_mem>>)
        %dma_wait3A_272 = tpu.memref_slice %arg3[%add3A_135] : memref<163840xi32, #tpu.memory_space<hbm>> -> memref<64xi32, #tpu.memory_space<hbm>>
        %dma_wait3A_273 = tpu.memref_slice %arg3[%add3A_135] : memref<163840xi32, #tpu.memory_space<hbm>> -> memref<64xi32, #tpu.memory_space<hbm>>
        tpu.wait_dma2 semaphore(%run_scoped3A : memref<!tpu.dma_semaphore, #tpu.memory_space<semaphore_mem>>) src(%dma_wait3A_273 : memref<64xi32, #tpu.memory_space<hbm>>) dst(%arg19 : memref<64xi32, #tpu.memory_space<vmem>>)
        tpu.yield
      }) : () -> ()
      "tpu.region"() ({
        %run_scoped3A = tpu.sem_alloc : memref<!tpu.dma_semaphore, #tpu.memory_space<semaphore_mem>>
        %dma_start3A_270 = tpu.memref_slice %arg4[%add3A_135] : memref<163840xi32, #tpu.memory_space<hbm>> -> memref<64xi32, #tpu.memory_space<hbm>>
        %dma_start3A_271 = tpu.memref_slice %arg4[%add3A_135] : memref<163840xi32, #tpu.memory_space<hbm>> -> memref<64xi32, #tpu.memory_space<hbm>>
        tpu.enqueue_dma source(%dma_start3A_271 : memref<64xi32, #tpu.memory_space<hbm>>) target(%arg21 : memref<64xi32, #tpu.memory_space<vmem>>) target_semaphore(%run_scoped3A : memref<!tpu.dma_semaphore, #tpu.memory_space<semaphore_mem>>)
        %dma_wait3A_272 = tpu.memref_slice %arg4[%add3A_135] : memref<163840xi32, #tpu.memory_space<hbm>> -> memref<64xi32, #tpu.memory_space<hbm>>
        %dma_wait3A_273 = tpu.memref_slice %arg4[%add3A_135] : memref<163840xi32, #tpu.memory_space<hbm>> -> memref<64xi32, #tpu.memory_space<hbm>>
        tpu.wait_dma2 semaphore(%run_scoped3A : memref<!tpu.dma_semaphore, #tpu.memory_space<semaphore_mem>>) src(%dma_wait3A_273 : memref<64xi32, #tpu.memory_space<hbm>>) dst(%arg21 : memref<64xi32, #tpu.memory_space<vmem>>)
        tpu.yield
      }) : () -> ()
      %dma_start3A_136 = arith.constant 0 : i32
      %dma_start3A_137 = arith.constant 0 : i32
      %dma_start3A_138 = tpu.memref_slice %arg7[%dma_start3A_136, %dma_start3A_137] : memref<10240x128xf32, #tpu.memory_space<hbm>> -> memref<10240x128xf32, #tpu.memory_space<hbm>>
      tpu.enqueue_indirect_dma source(%dma_start3A_138 : memref<10240x128xf32, #tpu.memory_space<hbm>>) target(%arg23 : memref<64x128xf32, #tpu.memory_space<vmem>>) offsets(%arg21 : memref<64xi32, #tpu.memory_space<vmem>>) semaphore(%arg29 : memref<!tpu.dma_semaphore, #tpu.memory_space<semaphore_mem>>)
      %get3A = arith.constant 0 : index
      %get3A_139 = tpu.vector_load %arg14[%get3A] {strides = array<i32>} : memref<64xf32, #tpu.memory_space<vmem>>, vector<16xf32>,
      %get3A_140 = arith.constant 0 : index
      %get3A_141 = tpu.vector_load %arg18[%get3A_140] {strides = array<i32>} : memref<64xi32, #tpu.memory_space<vmem>>, vector<16xi32>,
      %gather3A = tpu.vector_load_idx %arg11[%get3A_141] : memref<10240xf32, #tpu.memory_space<vmem>>[vector<16xi32>], vector<16xf32>,
      %add3A_142 = arith.constant 1.000000e-16 : f32
      %add3A_143 = vector.broadcast %add3A_142 : f32 to vector<16xf32>
      %add3A_144 = arith.addf %gather3A, %add3A_143 : vector<16xf32>
      %div3A = arith.divf %get3A_139, %add3A_144 : vector<16xf32>
      %gather3A_145 = tpu.vector_load_idx %arg12[%get3A_141] : memref<10240xf32, #tpu.memory_space<vmem>>[vector<16xi32>], vector<16xf32>,
      %mul3A_146 = arith.mulf %div3A, %gather3A_145 : vector<16xf32>
      %swap3A = arith.constant 0 : index
      %swap3A_147 = tpu.vector_load %arg16[%swap3A] {strides = array<i32>} : memref<64xf32, #tpu.memory_space<vmem>>, vector<16xf32>,
      tpu.vector_store %arg16[%swap3A], %mul3A_146 {strides = array<i32>} : memref<64xf32, #tpu.memory_space<vmem>>, vector<16xf32>,
      %get3A_148 = arith.constant 16 : index
      %get3A_149 = tpu.vector_load %arg14[%get3A_148] {strides = array<i32>} : memref<64xf32, #tpu.memory_space<vmem>>, vector<16xf32>,
      %get3A_150 = arith.constant 16 : index
      %get3A_151 = tpu.vector_load %arg18[%get3A_150] {strides = array<i32>} : memref<64xi32, #tpu.memory_space<vmem>>, vector<16xi32>,
      %gather3A_152 = tpu.vector_load_idx %arg11[%get3A_151] : memref<10240xf32, #tpu.memory_space<vmem>>[vector<16xi32>], vector<16xf32>,
      %add3A_153 = arith.constant 1.000000e-16 : f32
      %add3A_154 = vector.broadcast %add3A_153 : f32 to vector<16xf32>
      %add3A_155 = arith.addf %gather3A_152, %add3A_154 : vector<16xf32>
      %div3A_156 = arith.divf %get3A_149, %add3A_155 : vector<16xf32>
      %gather3A_157 = tpu.vector_load_idx %arg12[%get3A_151] : memref<10240xf32, #tpu.memory_space<vmem>>[vector<16xi32>], vector<16xf32>,
      %mul3A_158 = arith.mulf %div3A_156, %gather3A_157 : vector<16xf32>
      %swap3A_159 = arith.constant 16 : index
      %swap3A_160 = tpu.vector_load %arg16[%swap3A_159] {strides = array<i32>} : memref<64xf32, #tpu.memory_space<vmem>>, vector<16xf32>,
      tpu.vector_store %arg16[%swap3A_159], %mul3A_158 {strides = array<i32>} : memref<64xf32, #tpu.memory_space<vmem>>, vector<16xf32>,
      %get3A_161 = arith.constant 32 : index
      %get3A_162 = tpu.vector_load %arg14[%get3A_161] {strides = array<i32>} : memref<64xf32, #tpu.memory_space<vmem>>, vector<16xf32>,
      %get3A_163 = arith.constant 32 : index
      %get3A_164 = tpu.vector_load %arg18[%get3A_163] {strides = array<i32>} : memref<64xi32, #tpu.memory_space<vmem>>, vector<16xi32>,
      %gather3A_165 = tpu.vector_load_idx %arg11[%get3A_164] : memref<10240xf32, #tpu.memory_space<vmem>>[vector<16xi32>], vector<16xf32>,
      %add3A_166 = arith.constant 1.000000e-16 : f32
      %add3A_167 = vector.broadcast %add3A_166 : f32 to vector<16xf32>
      %add3A_168 = arith.addf %gather3A_165, %add3A_167 : vector<16xf32>
      %div3A_169 = arith.divf %get3A_162, %add3A_168 : vector<16xf32>
      %gather3A_170 = tpu.vector_load_idx %arg12[%get3A_164] : memref<10240xf32, #tpu.memory_space<vmem>>[vector<16xi32>], vector<16xf32>,
      %mul3A_171 = arith.mulf %div3A_169, %gather3A_170 : vector<16xf32>
      %swap3A_172 = arith.constant 32 : index
      %swap3A_173 = tpu.vector_load %arg16[%swap3A_172] {strides = array<i32>} : memref<64xf32, #tpu.memory_space<vmem>>, vector<16xf32>,
      tpu.vector_store %arg16[%swap3A_172], %mul3A_171 {strides = array<i32>} : memref<64xf32, #tpu.memory_space<vmem>>, vector<16xf32>,
      %get3A_174 = arith.constant 48 : index
      %get3A_175 = tpu.vector_load %arg14[%get3A_174] {strides = array<i32>} : memref<64xf32, #tpu.memory_space<vmem>>, vector<16xf32>,
      %get3A_176 = arith.constant 48 : index
      %get3A_177 = tpu.vector_load %arg18[%get3A_176] {strides = array<i32>} : memref<64xi32, #tpu.memory_space<vmem>>, vector<16xi32>,
      %gather3A_178 = tpu.vector_load_idx %arg11[%get3A_177] : memref<10240xf32, #tpu.memory_space<vmem>>[vector<16xi32>], vector<16xf32>,
      %add3A_179 = arith.constant 1.000000e-16 : f32
      %add3A_180 = vector.broadcast %add3A_179 : f32 to vector<16xf32>
      %add3A_181 = arith.addf %gather3A_178, %add3A_180 : vector<16xf32>
      %div3A_182 = arith.divf %get3A_175, %add3A_181 : vector<16xf32>
      %gather3A_183 = tpu.vector_load_idx %arg12[%get3A_177] : memref<10240xf32, #tpu.memory_space<vmem>>[vector<16xi32>], vector<16xf32>,
      %mul3A_184 = arith.mulf %div3A_182, %gather3A_183 : vector<16xf32>
      %swap3A_185 = arith.constant 48 : index
      %swap3A_186 = tpu.vector_load %arg16[%swap3A_185] {strides = array<i32>} : memref<64xf32, #tpu.memory_space<vmem>>, vector<16xf32>,
      tpu.vector_store %arg16[%swap3A_185], %mul3A_184 {strides = array<i32>} : memref<64xf32, #tpu.memory_space<vmem>>, vector<16xf32>,
      %scan3A_187 = arith.constant 0 : i32
      %scan3A_188 = arith.constant 0 : i32
      %scan3A_189 = arith.constant 128 : i32
      %scan3A_190 = arith.addi %scan3A_188, %scan3A_189 : i32
      %scan3A_191 = arith.constant 1 : i32
      %scan3A_192 = scf.for %scan3A_270 = %scan3A_188 to %scan3A_190 step %scan3A_191 iter_args(%scan3A_271 = %scan3A_187) -> (i32)  : i32 {
        %broadcast_in_dim3A_272 = vector.broadcast %scan3A_270 : i32 to vector<16xi32>
        %add3A_273 = arith.constant 0 : i32
        %add3A_274 = vector.broadcast %add3A_273 : i32 to vector<16xi32>
        %add3A_275 = arith.addi %iota3A, %add3A_274 : vector<16xi32>
        %gather3A_276 = tpu.vector_load_idx %arg22[%add3A_275, %broadcast_in_dim3A_272] : memref<64x128xf32, #tpu.memory_space<vmem>>[vector<16xi32>, vector<16xi32>], vector<16xf32>,
        %mul3A_277 = arith.mulf %gather3A_276, %div3A : vector<16xf32>
        tpu.vector_store_idx %arg22[%add3A_275, %broadcast_in_dim3A_272], %mul3A_277 : memref<64x128xf32, #tpu.memory_space<vmem>>[vector<16xi32>, vector<16xi32>], vector<16xf32>,
        %add3A_278 = arith.constant 16 : i32
        %add3A_279 = vector.broadcast %add3A_278 : i32 to vector<16xi32>
        %add3A_280 = arith.addi %iota3A, %add3A_279 : vector<16xi32>
        %gather3A_281 = tpu.vector_load_idx %arg22[%add3A_280, %broadcast_in_dim3A_272] : memref<64x128xf32, #tpu.memory_space<vmem>>[vector<16xi32>, vector<16xi32>], vector<16xf32>,
        %mul3A_282 = arith.mulf %gather3A_281, %div3A_156 : vector<16xf32>
        tpu.vector_store_idx %arg22[%add3A_280, %broadcast_in_dim3A_272], %mul3A_282 : memref<64x128xf32, #tpu.memory_space<vmem>>[vector<16xi32>, vector<16xi32>], vector<16xf32>,
        %add3A_283 = arith.constant 32 : i32
        %add3A_284 = vector.broadcast %add3A_283 : i32 to vector<16xi32>
        %add3A_285 = arith.addi %iota3A, %add3A_284 : vector<16xi32>
        %gather3A_286 = tpu.vector_load_idx %arg22[%add3A_285, %broadcast_in_dim3A_272] : memref<64x128xf32, #tpu.memory_space<vmem>>[vector<16xi32>, vector<16xi32>], vector<16xf32>,
        %mul3A_287 = arith.mulf %gather3A_286, %div3A_169 : vector<16xf32>
        tpu.vector_store_idx %arg22[%add3A_285, %broadcast_in_dim3A_272], %mul3A_287 : memref<64x128xf32, #tpu.memory_space<vmem>>[vector<16xi32>, vector<16xi32>], vector<16xf32>,
        %add3A_288 = arith.constant 48 : i32
        %add3A_289 = vector.broadcast %add3A_288 : i32 to vector<16xi32>
        %add3A_290 = arith.addi %iota3A, %add3A_289 : vector<16xi32>
        %gather3A_291 = tpu.vector_load_idx %arg22[%add3A_290, %broadcast_in_dim3A_272] : memref<64x128xf32, #tpu.memory_space<vmem>>[vector<16xi32>, vector<16xi32>], vector<16xf32>,
        %mul3A_292 = arith.mulf %gather3A_291, %div3A_182 : vector<16xf32>
        tpu.vector_store_idx %arg22[%add3A_290, %broadcast_in_dim3A_272], %mul3A_292 : memref<64x128xf32, #tpu.memory_space<vmem>>[vector<16xi32>, vector<16xi32>], vector<16xf32>,
        %scan3A_293 = arith.constant 0 : i32
        scf.yield %scan3A_293 : i32
      }
      %scan3A_193 = arith.constant 128 : i32
      "tpu.region"() ({
        %run_scoped3A = tpu.sem_alloc : memref<!tpu.dma_semaphore, #tpu.memory_space<semaphore_mem>>
        %dma_start3A_270 = arith.constant 0 : i32
        %dma_start3A_271 = arith.constant 0 : i32
        %dma_start3A_272 = tpu.memref_slice %arg27[%dma_start3A_270, %dma_start3A_271] : memref<10240x128xf32, #tpu.memory_space<vmem_shared>> -> memref<10240x128xf32, #tpu.memory_space<vmem_shared>>
        tpu.enqueue_indirect_dma source(%arg22 : memref<64x128xf32, #tpu.memory_space<vmem>>) target(%dma_start3A_272 : memref<10240x128xf32, #tpu.memory_space<vmem_shared>>) offsets(%arg18 : memref<64xi32, #tpu.memory_space<vmem>>) semaphore(%run_scoped3A : memref<!tpu.dma_semaphore, #tpu.memory_space<semaphore_mem>>) {add = true}
        %dma_wait3A_273 = arith.constant 0 : i32
        %dma_wait3A_274 = arith.constant 0 : i32
        %dma_wait3A_275 = tpu.memref_slice %arg27[%dma_wait3A_273, %dma_wait3A_274] : memref<10240x128xf32, #tpu.memory_space<vmem_shared>> -> memref<10240x128xf32, #tpu.memory_space<vmem_shared>>
        tpu.wait_indirect_dma semaphore(%run_scoped3A : memref<!tpu.dma_semaphore, #tpu.memory_space<semaphore_mem>>) src(%arg22 : memref<64x128xf32, #tpu.memory_space<vmem>>) dst(%dma_wait3A_275 : memref<10240x128xf32, #tpu.memory_space<vmem_shared>>)
        tpu.yield
      }) : () -> ()
      "tpu.region"() ({
        %run_scoped3A = tpu.sem_alloc : memref<!tpu.dma_semaphore, #tpu.memory_space<semaphore_mem>>
        %dma_start3A_270 = arith.constant 0 : i32
        %dma_start3A_271 = tpu.memref_slice %arg26[%dma_start3A_270] : memref<10240xf32, #tpu.memory_space<vmem_shared>> -> memref<10240xf32, #tpu.memory_space<vmem_shared>>
        tpu.enqueue_indirect_dma source(%arg16 : memref<64xf32, #tpu.memory_space<vmem>>) target(%dma_start3A_271 : memref<10240xf32, #tpu.memory_space<vmem_shared>>) offsets(%arg20 : memref<64xi32, #tpu.memory_space<vmem>>) semaphore(%run_scoped3A : memref<!tpu.dma_semaphore, #tpu.memory_space<semaphore_mem>>) {add = true}
        %dma_wait3A_272 = arith.constant 0 : i32
        %dma_wait3A_273 = tpu.memref_slice %arg26[%dma_wait3A_272] : memref<10240xf32, #tpu.memory_space<vmem_shared>> -> memref<10240xf32, #tpu.memory_space<vmem_shared>>
        tpu.wait_indirect_dma semaphore(%run_scoped3A : memref<!tpu.dma_semaphore, #tpu.memory_space<semaphore_mem>>) src(%arg16 : memref<64xf32, #tpu.memory_space<vmem>>) dst(%dma_wait3A_273 : memref<10240xf32, #tpu.memory_space<vmem_shared>>)
        tpu.yield
      }) : () -> ()
      %dma_wait3A_194 = arith.constant 0 : i32
      %dma_wait3A_195 = arith.constant 0 : i32
      %dma_wait3A_196 = tpu.memref_slice %arg7[%dma_wait3A_194, %dma_wait3A_195] : memref<10240x128xf32, #tpu.memory_space<hbm>> -> memref<64x128xf32, #tpu.memory_space<hbm>>
      %dma_wait3A_197 = arith.constant 0 : i32
      %dma_wait3A_198 = arith.constant 0 : i32
      %dma_wait3A_199 = tpu.memref_slice %arg7[%dma_wait3A_197, %dma_wait3A_198] : memref<10240x128xf32, #tpu.memory_space<hbm>> -> memref<64x128xf32, #tpu.memory_space<hbm>>
      tpu.wait_dma2 semaphore(%arg29 : memref<!tpu.dma_semaphore, #tpu.memory_space<semaphore_mem>>) src(%dma_wait3A_199 : memref<64x128xf32, #tpu.memory_space<hbm>>) dst(%arg23 : memref<64x128xf32, #tpu.memory_space<vmem>>)
      %add3A_200 = arith.constant 2 : i32
      %add3A_201 = arith.addi %mul3A_124, %add3A_200 : i32
      %min3A = arith.minsi %add3A_201, %scan3A_96 : i32
      %mul3A_202 = arith.constant 64 : i32
      %mul3A_203 = arith.muli %min3A, %mul3A_202 : i32
      %add3A_204 = arith.addi %mul3A_2, %mul3A_203 : i32
      "tpu.region"() ({
        %run_scoped3A = tpu.sem_alloc : memref<!tpu.dma_semaphore, #tpu.memory_space<semaphore_mem>>
        %dma_start3A_270 = tpu.memref_slice %arg2[%add3A_204] : memref<163840xf32, #tpu.memory_space<hbm>> -> memref<64xf32, #tpu.memory_space<hbm>>
        %dma_start3A_271 = tpu.memref_slice %arg2[%add3A_204] : memref<163840xf32, #tpu.memory_space<hbm>> -> memref<64xf32, #tpu.memory_space<hbm>>
        tpu.enqueue_dma source(%dma_start3A_271 : memref<64xf32, #tpu.memory_space<hbm>>) target(%arg14 : memref<64xf32, #tpu.memory_space<vmem>>) target_semaphore(%run_scoped3A : memref<!tpu.dma_semaphore, #tpu.memory_space<semaphore_mem>>)
        %dma_wait3A_272 = tpu.memref_slice %arg2[%add3A_204] : memref<163840xf32, #tpu.memory_space<hbm>> -> memref<64xf32, #tpu.memory_space<hbm>>
        %dma_wait3A_273 = tpu.memref_slice %arg2[%add3A_204] : memref<163840xf32, #tpu.memory_space<hbm>> -> memref<64xf32, #tpu.memory_space<hbm>>
        tpu.wait_dma2 semaphore(%run_scoped3A : memref<!tpu.dma_semaphore, #tpu.memory_space<semaphore_mem>>) src(%dma_wait3A_273 : memref<64xf32, #tpu.memory_space<hbm>>) dst(%arg14 : memref<64xf32, #tpu.memory_space<vmem>>)
        tpu.yield
      }) : () -> ()
      "tpu.region"() ({
        %run_scoped3A = tpu.sem_alloc : memref<!tpu.dma_semaphore, #tpu.memory_space<semaphore_mem>>
        %dma_start3A_270 = tpu.memref_slice %arg3[%add3A_204] : memref<163840xi32, #tpu.memory_space<hbm>> -> memref<64xi32, #tpu.memory_space<hbm>>
        %dma_start3A_271 = tpu.memref_slice %arg3[%add3A_204] : memref<163840xi32, #tpu.memory_space<hbm>> -> memref<64xi32, #tpu.memory_space<hbm>>
        tpu.enqueue_dma source(%dma_start3A_271 : memref<64xi32, #tpu.memory_space<hbm>>) target(%arg18 : memref<64xi32, #tpu.memory_space<vmem>>) target_semaphore(%run_scoped3A : memref<!tpu.dma_semaphore, #tpu.memory_space<semaphore_mem>>)
        %dma_wait3A_272 = tpu.memref_slice %arg3[%add3A_204] : memref<163840xi32, #tpu.memory_space<hbm>> -> memref<64xi32, #tpu.memory_space<hbm>>
        %dma_wait3A_273 = tpu.memref_slice %arg3[%add3A_204] : memref<163840xi32, #tpu.memory_space<hbm>> -> memref<64xi32, #tpu.memory_space<hbm>>
        tpu.wait_dma2 semaphore(%run_scoped3A : memref<!tpu.dma_semaphore, #tpu.memory_space<semaphore_mem>>) src(%dma_wait3A_273 : memref<64xi32, #tpu.memory_space<hbm>>) dst(%arg18 : memref<64xi32, #tpu.memory_space<vmem>>)
        tpu.yield
      }) : () -> ()
      "tpu.region"() ({
        %run_scoped3A = tpu.sem_alloc : memref<!tpu.dma_semaphore, #tpu.memory_space<semaphore_mem>>
        %dma_start3A_270 = tpu.memref_slice %arg4[%add3A_204] : memref<163840xi32, #tpu.memory_space<hbm>> -> memref<64xi32, #tpu.memory_space<hbm>>
        %dma_start3A_271 = tpu.memref_slice %arg4[%add3A_204] : memref<163840xi32, #tpu.memory_space<hbm>> -> memref<64xi32, #tpu.memory_space<hbm>>
        tpu.enqueue_dma source(%dma_start3A_271 : memref<64xi32, #tpu.memory_space<hbm>>) target(%arg20 : memref<64xi32, #tpu.memory_space<vmem>>) target_semaphore(%run_scoped3A : memref<!tpu.dma_semaphore, #tpu.memory_space<semaphore_mem>>)
        %dma_wait3A_272 = tpu.memref_slice %arg4[%add3A_204] : memref<163840xi32, #tpu.memory_space<hbm>> -> memref<64xi32, #tpu.memory_space<hbm>>
        %dma_wait3A_273 = tpu.memref_slice %arg4[%add3A_204] : memref<163840xi32, #tpu.memory_space<hbm>> -> memref<64xi32, #tpu.memory_space<hbm>>
        tpu.wait_dma2 semaphore(%run_scoped3A : memref<!tpu.dma_semaphore, #tpu.memory_space<semaphore_mem>>) src(%dma_wait3A_273 : memref<64xi32, #tpu.memory_space<hbm>>) dst(%arg20 : memref<64xi32, #tpu.memory_space<vmem>>)
        tpu.yield
      }) : () -> ()
      %dma_start3A_205 = arith.constant 0 : i32
      %dma_start3A_206 = arith.constant 0 : i32
      %dma_start3A_207 = tpu.memref_slice %arg7[%dma_start3A_205, %dma_start3A_206] : memref<10240x128xf32, #tpu.memory_space<hbm>> -> memref<10240x128xf32, #tpu.memory_space<hbm>>
      tpu.enqueue_indirect_dma source(%dma_start3A_207 : memref<10240x128xf32, #tpu.memory_space<hbm>>) target(%arg22 : memref<64x128xf32, #tpu.memory_space<vmem>>) offsets(%arg20 : memref<64xi32, #tpu.memory_space<vmem>>) semaphore(%arg28 : memref<!tpu.dma_semaphore, #tpu.memory_space<semaphore_mem>>)
      %add3A_208 = arith.constant 1 : i32
      %add3A_209 = arith.addi %mul3A_124, %add3A_208 : i32
      %get3A_210 = arith.constant 0 : index
      %get3A_211 = tpu.vector_load %arg15[%get3A_210] {strides = array<i32>} : memref<64xf32, #tpu.memory_space<vmem>>, vector<16xf32>,
      %get3A_212 = arith.constant 0 : index
      %get3A_213 = tpu.vector_load %arg19[%get3A_212] {strides = array<i32>} : memref<64xi32, #tpu.memory_space<vmem>>, vector<16xi32>,
      %gather3A_214 = tpu.vector_load_idx %arg11[%get3A_213] : memref<10240xf32, #tpu.memory_space<vmem>>[vector<16xi32>], vector<16xf32>,
      %add3A_215 = arith.constant 1.000000e-16 : f32
      %add3A_216 = vector.broadcast %add3A_215 : f32 to vector<16xf32>
      %add3A_217 = arith.addf %gather3A_214, %add3A_216 : vector<16xf32>
      %div3A_218 = arith.divf %get3A_211, %add3A_217 : vector<16xf32>
      %gather3A_219 = tpu.vector_load_idx %arg12[%get3A_213] : memref<10240xf32, #tpu.memory_space<vmem>>[vector<16xi32>], vector<16xf32>,
      %mul3A_220 = arith.mulf %div3A_218, %gather3A_219 : vector<16xf32>
      %swap3A_221 = arith.constant 0 : index
      %swap3A_222 = tpu.vector_load %arg17[%swap3A_221] {strides = array<i32>} : memref<64xf32, #tpu.memory_space<vmem>>, vector<16xf32>,
      tpu.vector_store %arg17[%swap3A_221], %mul3A_220 {strides = array<i32>} : memref<64xf32, #tpu.memory_space<vmem>>, vector<16xf32>,
      %get3A_223 = arith.constant 16 : index
      %get3A_224 = tpu.vector_load %arg15[%get3A_223] {strides = array<i32>} : memref<64xf32, #tpu.memory_space<vmem>>, vector<16xf32>,
      %get3A_225 = arith.constant 16 : index
      %get3A_226 = tpu.vector_load %arg19[%get3A_225] {strides = array<i32>} : memref<64xi32, #tpu.memory_space<vmem>>, vector<16xi32>,
      %gather3A_227 = tpu.vector_load_idx %arg11[%get3A_226] : memref<10240xf32, #tpu.memory_space<vmem>>[vector<16xi32>], vector<16xf32>,
      %add3A_228 = arith.constant 1.000000e-16 : f32
      %add3A_229 = vector.broadcast %add3A_228 : f32 to vector<16xf32>
      %add3A_230 = arith.addf %gather3A_227, %add3A_229 : vector<16xf32>
      %div3A_231 = arith.divf %get3A_224, %add3A_230 : vector<16xf32>
      %gather3A_232 = tpu.vector_load_idx %arg12[%get3A_226] : memref<10240xf32, #tpu.memory_space<vmem>>[vector<16xi32>], vector<16xf32>,
      %mul3A_233 = arith.mulf %div3A_231, %gather3A_232 : vector<16xf32>
      %swap3A_234 = arith.constant 16 : index
      %swap3A_235 = tpu.vector_load %arg17[%swap3A_234] {strides = array<i32>} : memref<64xf32, #tpu.memory_space<vmem>>, vector<16xf32>,
      tpu.vector_store %arg17[%swap3A_234], %mul3A_233 {strides = array<i32>} : memref<64xf32, #tpu.memory_space<vmem>>, vector<16xf32>,
      %get3A_236 = arith.constant 32 : index
      %get3A_237 = tpu.vector_load %arg15[%get3A_236] {strides = array<i32>} : memref<64xf32, #tpu.memory_space<vmem>>, vector<16xf32>,
      %get3A_238 = arith.constant 32 : index
      %get3A_239 = tpu.vector_load %arg19[%get3A_238] {strides = array<i32>} : memref<64xi32, #tpu.memory_space<vmem>>, vector<16xi32>,
      %gather3A_240 = tpu.vector_load_idx %arg11[%get3A_239] : memref<10240xf32, #tpu.memory_space<vmem>>[vector<16xi32>], vector<16xf32>,
      %add3A_241 = arith.constant 1.000000e-16 : f32
      %add3A_242 = vector.broadcast %add3A_241 : f32 to vector<16xf32>
      %add3A_243 = arith.addf %gather3A_240, %add3A_242 : vector<16xf32>
      %div3A_244 = arith.divf %get3A_237, %add3A_243 : vector<16xf32>
      %gather3A_245 = tpu.vector_load_idx %arg12[%get3A_239] : memref<10240xf32, #tpu.memory_space<vmem>>[vector<16xi32>], vector<16xf32>,
      %mul3A_246 = arith.mulf %div3A_244, %gather3A_245 : vector<16xf32>
      %swap3A_247 = arith.constant 32 : index
      %swap3A_248 = tpu.vector_load %arg17[%swap3A_247] {strides = array<i32>} : memref<64xf32, #tpu.memory_space<vmem>>, vector<16xf32>,
      tpu.vector_store %arg17[%swap3A_247], %mul3A_246 {strides = array<i32>} : memref<64xf32, #tpu.memory_space<vmem>>, vector<16xf32>,
      %get3A_249 = arith.constant 48 : index
      %get3A_250 = tpu.vector_load %arg15[%get3A_249] {strides = array<i32>} : memref<64xf32, #tpu.memory_space<vmem>>, vector<16xf32>,
      %get3A_251 = arith.constant 48 : index
      %get3A_252 = tpu.vector_load %arg19[%get3A_251] {strides = array<i32>} : memref<64xi32, #tpu.memory_space<vmem>>, vector<16xi32>,
      %gather3A_253 = tpu.vector_load_idx %arg11[%get3A_252] : memref<10240xf32, #tpu.memory_space<vmem>>[vector<16xi32>], vector<16xf32>,
      %add3A_254 = arith.constant 1.000000e-16 : f32
      %add3A_255 = vector.broadcast %add3A_254 : f32 to vector<16xf32>
      %add3A_256 = arith.addf %gather3A_253, %add3A_255 : vector<16xf32>
      %div3A_257 = arith.divf %get3A_250, %add3A_256 : vector<16xf32>
      %gather3A_258 = tpu.vector_load_idx %arg12[%get3A_252] : memref<10240xf32, #tpu.memory_space<vmem>>[vector<16xi32>], vector<16xf32>,
      %mul3A_259 = arith.mulf %div3A_257, %gather3A_258 : vector<16xf32>
      %swap3A_260 = arith.constant 48 : index
      %swap3A_261 = tpu.vector_load %arg17[%swap3A_260] {strides = array<i32>} : memref<64xf32, #tpu.memory_space<vmem>>, vector<16xf32>,
      tpu.vector_store %arg17[%swap3A_260], %mul3A_259 {strides = array<i32>} : memref<64xf32, #tpu.memory_space<vmem>>, vector<16xf32>,
      %scan3A_262 = arith.constant 0 : i32
      %scan3A_263 = arith.constant 0 : i32
      %scan3A_264 = arith.constant 128 : i32
      %scan3A_265 = arith.addi %scan3A_263, %scan3A_264 : i32
      %scan3A_266 = arith.constant 1 : i32
      %scan3A_267 = scf.for %scan3A_270 = %scan3A_263 to %scan3A_265 step %scan3A_266 iter_args(%scan3A_271 = %scan3A_262) -> (i32)  : i32 {
        %broadcast_in_dim3A_272 = vector.broadcast %scan3A_270 : i32 to vector<16xi32>
        %add3A_273 = arith.constant 0 : i32
        %add3A_274 = vector.broadcast %add3A_273 : i32 to vector<16xi32>
        %add3A_275 = arith.addi %iota3A, %add3A_274 : vector<16xi32>
        %gather3A_276 = tpu.vector_load_idx %arg23[%add3A_275, %broadcast_in_dim3A_272] : memref<64x128xf32, #tpu.memory_space<vmem>>[vector<16xi32>, vector<16xi32>], vector<16xf32>,
        %mul3A_277 = arith.mulf %gather3A_276, %div3A_218 : vector<16xf32>
        tpu.vector_store_idx %arg23[%add3A_275, %broadcast_in_dim3A_272], %mul3A_277 : memref<64x128xf32, #tpu.memory_space<vmem>>[vector<16xi32>, vector<16xi32>], vector<16xf32>,
        %add3A_278 = arith.constant 16 : i32
        %add3A_279 = vector.broadcast %add3A_278 : i32 to vector<16xi32>
        %add3A_280 = arith.addi %iota3A, %add3A_279 : vector<16xi32>
        %gather3A_281 = tpu.vector_load_idx %arg23[%add3A_280, %broadcast_in_dim3A_272] : memref<64x128xf32, #tpu.memory_space<vmem>>[vector<16xi32>, vector<16xi32>], vector<16xf32>,
        %mul3A_282 = arith.mulf %gather3A_281, %div3A_231 : vector<16xf32>
        tpu.vector_store_idx %arg23[%add3A_280, %broadcast_in_dim3A_272], %mul3A_282 : memref<64x128xf32, #tpu.memory_space<vmem>>[vector<16xi32>, vector<16xi32>], vector<16xf32>,
        %add3A_283 = arith.constant 32 : i32
        %add3A_284 = vector.broadcast %add3A_283 : i32 to vector<16xi32>
        %add3A_285 = arith.addi %iota3A, %add3A_284 : vector<16xi32>
        %gather3A_286 = tpu.vector_load_idx %arg23[%add3A_285, %broadcast_in_dim3A_272] : memref<64x128xf32, #tpu.memory_space<vmem>>[vector<16xi32>, vector<16xi32>], vector<16xf32>,
        %mul3A_287 = arith.mulf %gather3A_286, %div3A_244 : vector<16xf32>
        tpu.vector_store_idx %arg23[%add3A_285, %broadcast_in_dim3A_272], %mul3A_287 : memref<64x128xf32, #tpu.memory_space<vmem>>[vector<16xi32>, vector<16xi32>], vector<16xf32>,
        %add3A_288 = arith.constant 48 : i32
        %add3A_289 = vector.broadcast %add3A_288 : i32 to vector<16xi32>
        %add3A_290 = arith.addi %iota3A, %add3A_289 : vector<16xi32>
        %gather3A_291 = tpu.vector_load_idx %arg23[%add3A_290, %broadcast_in_dim3A_272] : memref<64x128xf32, #tpu.memory_space<vmem>>[vector<16xi32>, vector<16xi32>], vector<16xf32>,
        %mul3A_292 = arith.mulf %gather3A_291, %div3A_257 : vector<16xf32>
        tpu.vector_store_idx %arg23[%add3A_290, %broadcast_in_dim3A_272], %mul3A_292 : memref<64x128xf32, #tpu.memory_space<vmem>>[vector<16xi32>, vector<16xi32>], vector<16xf32>,
        %scan3A_293 = arith.constant 0 : i32
        scf.yield %scan3A_293 : i32
      }
      %scan3A_268 = arith.constant 128 : i32
      "tpu.region"() ({
        %run_scoped3A = tpu.sem_alloc : memref<!tpu.dma_semaphore, #tpu.memory_space<semaphore_mem>>
        %dma_start3A_270 = arith.constant 0 : i32
        %dma_start3A_271 = arith.constant 0 : i32
        %dma_start3A_272 = tpu.memref_slice %arg27[%dma_start3A_270, %dma_start3A_271] : memref<10240x128xf32, #tpu.memory_space<vmem_shared>> -> memref<10240x128xf32, #tpu.memory_space<vmem_shared>>
        tpu.enqueue_indirect_dma source(%arg23 : memref<64x128xf32, #tpu.memory_space<vmem>>) target(%dma_start3A_272 : memref<10240x128xf32, #tpu.memory_space<vmem_shared>>) offsets(%arg19 : memref<64xi32, #tpu.memory_space<vmem>>) semaphore(%run_scoped3A : memref<!tpu.dma_semaphore, #tpu.memory_space<semaphore_mem>>) {add = true}
        %dma_wait3A_273 = arith.constant 0 : i32
        %dma_wait3A_274 = arith.constant 0 : i32
        %dma_wait3A_275 = tpu.memref_slice %arg27[%dma_wait3A_273, %dma_wait3A_274] : memref<10240x128xf32, #tpu.memory_space<vmem_shared>> -> memref<10240x128xf32, #tpu.memory_space<vmem_shared>>
        tpu.wait_indirect_dma semaphore(%run_scoped3A : memref<!tpu.dma_semaphore, #tpu.memory_space<semaphore_mem>>) src(%arg23 : memref<64x128xf32, #tpu.memory_space<vmem>>) dst(%dma_wait3A_275 : memref<10240x128xf32, #tpu.memory_space<vmem_shared>>)
        tpu.yield
      }) : () -> ()
      "tpu.region"() ({
        %run_scoped3A = tpu.sem_alloc : memref<!tpu.dma_semaphore, #tpu.memory_space<semaphore_mem>>
        %dma_start3A_270 = arith.constant 0 : i32
        %dma_start3A_271 = tpu.memref_slice %arg26[%dma_start3A_270] : memref<10240xf32, #tpu.memory_space<vmem_shared>> -> memref<10240xf32, #tpu.memory_space<vmem_shared>>
        tpu.enqueue_indirect_dma source(%arg17 : memref<64xf32, #tpu.memory_space<vmem>>) target(%dma_start3A_271 : memref<10240xf32, #tpu.memory_space<vmem_shared>>) offsets(%arg21 : memref<64xi32, #tpu.memory_space<vmem>>) semaphore(%run_scoped3A : memref<!tpu.dma_semaphore, #tpu.memory_space<semaphore_mem>>) {add = true}
        %dma_wait3A_272 = arith.constant 0 : i32
        %dma_wait3A_273 = tpu.memref_slice %arg26[%dma_wait3A_272] : memref<10240xf32, #tpu.memory_space<vmem_shared>> -> memref<10240xf32, #tpu.memory_space<vmem_shared>>
        tpu.wait_indirect_dma semaphore(%run_scoped3A : memref<!tpu.dma_semaphore, #tpu.memory_space<semaphore_mem>>) src(%arg17 : memref<64xf32, #tpu.memory_space<vmem>>) dst(%dma_wait3A_273 : memref<10240xf32, #tpu.memory_space<vmem_shared>>)
        tpu.yield
      }) : () -> ()
      %scan3A_269 = arith.constant 0 : i32
      scf.yield %scan3A_269 : i32
    }
    %scan3A_103 = arith.constant 40 : i32
    %dma_wait3A = arith.constant 0 : i32
    %dma_wait3A_104 = arith.constant 0 : i32
    %dma_wait3A_105 = tpu.memref_slice %arg7[%dma_wait3A, %dma_wait3A_104] : memref<10240x128xf32, #tpu.memory_space<hbm>> -> memref<64x128xf32, #tpu.memory_space<hbm>>
    %dma_wait3A_106 = arith.constant 0 : i32
    %dma_wait3A_107 = arith.constant 0 : i32
    %dma_wait3A_108 = tpu.memref_slice %arg7[%dma_wait3A_106, %dma_wait3A_107] : memref<10240x128xf32, #tpu.memory_space<hbm>> -> memref<64x128xf32, #tpu.memory_space<hbm>>
    tpu.wait_dma2 semaphore(%arg28 : memref<!tpu.dma_semaphore, #tpu.memory_space<semaphore_mem>>) src(%dma_wait3A_108 : memref<64x128xf32, #tpu.memory_space<hbm>>) dst(%arg22 : memref<64x128xf32, #tpu.memory_space<vmem>>)
    %scan3A_109 = arith.constant 0 : i32
    %scan3A_110 = arith.constant 0 : i32
    %scan3A_111 = arith.constant 40 : i32
    %scan3A_112 = arith.addi %scan3A_110, %scan3A_111 : i32
    %scan3A_113 = arith.constant 1 : i32
    %scan3A_114 = scf.for %scan3A_121 = %scan3A_110 to %scan3A_112 step %scan3A_113 iter_args(%scan3A_122 = %scan3A_109) -> (i32)  : i32 {
      %mul3A_123 = arith.constant 640 : i32
      %mul3A_124 = arith.muli %arg1, %mul3A_123 : i32
      %mul3A_125 = arith.constant 16 : i32
      %mul3A_126 = arith.muli %scan3A_121, %mul3A_125 : i32
      %add3A_127 = arith.addi %mul3A_124, %mul3A_126 : i32
      %get3A = arith.index_cast %add3A_127 : i32 to index
      %get3A_128 = tpu.vector_load %arg11[%get3A] {strides = array<i32>} : memref<10240xf32, #tpu.memory_space<vmem>>, vector<16xf32>,
      %gt3A = arith.constant 0.000000e+00 : f32
      %gt3A_129 = vector.broadcast %gt3A : f32 to vector<16xf32>
      %gt3A_130 = arith.cmpf ogt, %get3A_128, %gt3A_129 : vector<16xf32>
      %jit3A = arith.constant 0.000000e+00 : f32
      %jit3A_131 = arith.constant 1.000000e+00 : f32
      %broadcast_in_dim3A_132 = vector.broadcast %jit3A : f32 to vector<16xf32>
      %broadcast_in_dim3A_133 = vector.broadcast %jit3A_131 : f32 to vector<16xf32>
      %select_n3A = arith.select %gt3A_130, %broadcast_in_dim3A_132, %broadcast_in_dim3A_133 : vector<16xi1>, vector<16xf32>
      %mul3A_134 = arith.constant 16 : i32
      %mul3A_135 = arith.muli %scan3A_121, %mul3A_134 : i32
      %swap3A = arith.index_cast %mul3A_135 : i32 to index
      %swap3A_136 = tpu.vector_load %arg25[%swap3A] {strides = array<i32>} : memref<640xf32, #tpu.memory_space<vmem>>, vector<16xf32>,
      tpu.vector_store %arg25[%swap3A], %select_n3A {strides = array<i32>} : memref<640xf32, #tpu.memory_space<vmem>>, vector<16xf32>,
      %scan3A_137 = arith.constant 0 : i32
      scf.yield %scan3A_137 : i32
    }
    %scan3A_115 = arith.constant 40 : i32
    %barrier3A_116 = arith.constant 0 : index
    tpu.barrier barrier_id(%barrier3A_116)
    %mul3A_117 = arith.constant 640 : i32
    %mul3A_118 = arith.muli %arg1, %mul3A_117 : i32
    "tpu.region"() ({
      %run_scoped3A = tpu.sem_alloc : memref<!tpu.dma_semaphore, #tpu.memory_space<semaphore_mem>>
      %dma_start3A_121 = tpu.memref_slice %arg8[%arg0, %mul3A_118] : memref<2x10240xf32, #tpu.memory_space<hbm>> -> memref<1x640xf32, #tpu.memory_space<hbm>>
      %dma_start3A_122 = tpu.memref_squeeze %dma_start3A_121 : memref<1x640xf32, #tpu.memory_space<hbm>> -> memref<640xf32, #tpu.memory_space<hbm>>
      %dma_start3A_123 = tpu.memref_slice %arg26[%mul3A_118] : memref<10240xf32, #tpu.memory_space<vmem_shared>> -> memref<640xf32, #tpu.memory_space<vmem_shared>>
      tpu.enqueue_dma source(%dma_start3A_123 : memref<640xf32, #tpu.memory_space<vmem_shared>>) target(%dma_start3A_122 : memref<640xf32, #tpu.memory_space<hbm>>) target_semaphore(%run_scoped3A : memref<!tpu.dma_semaphore, #tpu.memory_space<semaphore_mem>>)
      %dma_wait3A_124 = tpu.memref_slice %arg8[%arg0, %mul3A_118] : memref<2x10240xf32, #tpu.memory_space<hbm>> -> memref<1x640xf32, #tpu.memory_space<hbm>>
      %dma_wait3A_125 = tpu.memref_squeeze %dma_wait3A_124 : memref<1x640xf32, #tpu.memory_space<hbm>> -> memref<640xf32, #tpu.memory_space<hbm>>
      %dma_wait3A_126 = tpu.memref_slice %arg26[%mul3A_118] : memref<10240xf32, #tpu.memory_space<vmem_shared>> -> memref<640xf32, #tpu.memory_space<vmem_shared>>
      tpu.wait_dma2 semaphore(%run_scoped3A : memref<!tpu.dma_semaphore, #tpu.memory_space<semaphore_mem>>) src(%dma_wait3A_126 : memref<640xf32, #tpu.memory_space<vmem_shared>>) dst(%dma_wait3A_125 : memref<640xf32, #tpu.memory_space<hbm>>)
      tpu.yield
    }) : () -> ()
    "tpu.region"() ({
      %run_scoped3A = tpu.sem_alloc : memref<!tpu.dma_semaphore, #tpu.memory_space<semaphore_mem>>
      %dma_start3A_121 = arith.constant 0 : i32
      %dma_start3A_122 = tpu.memref_slice %arg9[%arg0, %mul3A_118, %dma_start3A_121] : memref<2x10240x128xf32, #tpu.memory_space<hbm>> -> memref<1x640x128xf32, #tpu.memory_space<hbm>>
      %dma_start3A_123 = tpu.memref_squeeze %dma_start3A_122 : memref<1x640x128xf32, #tpu.memory_space<hbm>> -> memref<640x128xf32, #tpu.memory_space<hbm>>
      %dma_start3A_124 = arith.constant 0 : i32
      %dma_start3A_125 = tpu.memref_slice %arg27[%mul3A_118, %dma_start3A_124] : memref<10240x128xf32, #tpu.memory_space<vmem_shared>> -> memref<640x128xf32, #tpu.memory_space<vmem_shared>>
      tpu.enqueue_dma source(%dma_start3A_125 : memref<640x128xf32, #tpu.memory_space<vmem_shared>>) target(%dma_start3A_123 : memref<640x128xf32, #tpu.memory_space<hbm>>) target_semaphore(%run_scoped3A : memref<!tpu.dma_semaphore, #tpu.memory_space<semaphore_mem>>)
      %dma_wait3A_126 = arith.constant 0 : i32
      %dma_wait3A_127 = tpu.memref_slice %arg9[%arg0, %mul3A_118, %dma_wait3A_126] : memref<2x10240x128xf32, #tpu.memory_space<hbm>> -> memref<1x640x128xf32, #tpu.memory_space<hbm>>
      %dma_wait3A_128 = tpu.memref_squeeze %dma_wait3A_127 : memref<1x640x128xf32, #tpu.memory_space<hbm>> -> memref<640x128xf32, #tpu.memory_space<hbm>>
      %dma_wait3A_129 = arith.constant 0 : i32
      %dma_wait3A_130 = tpu.memref_slice %arg27[%mul3A_118, %dma_wait3A_129] : memref<10240x128xf32, #tpu.memory_space<vmem_shared>> -> memref<640x128xf32, #tpu.memory_space<vmem_shared>>
      tpu.wait_dma2 semaphore(%run_scoped3A : memref<!tpu.dma_semaphore, #tpu.memory_space<semaphore_mem>>) src(%dma_wait3A_130 : memref<640x128xf32, #tpu.memory_space<vmem_shared>>) dst(%dma_wait3A_128 : memref<640x128xf32, #tpu.memory_space<hbm>>)
      tpu.yield
    }) : () -> ()
    %eq3A = arith.constant 0 : i32
    %eq3A_119 = arith.cmpi eq, %arg0, %eq3A : i32
    %convert_element_type3A = arith.extui %eq3A_119 : i1 to i32
    %cond3A = arith.constant 0 : i32
    %cond3A_120 = arith.cmpi ne, %convert_element_type3A, %cond3A : i32
    scf.if %cond3A_120 {
      "tpu.region"() ({
        %run_scoped3A = tpu.sem_alloc : memref<!tpu.dma_semaphore, #tpu.memory_space<semaphore_mem>>
        %dma_start3A_121 = tpu.memref_slice %arg10[%mul3A_118] : memref<10240xf32, #tpu.memory_space<hbm>> -> memref<640xf32, #tpu.memory_space<hbm>>
        %dma_start3A_122 = tpu.memref_slice %arg10[%mul3A_118] : memref<10240xf32, #tpu.memory_space<hbm>> -> memref<640xf32, #tpu.memory_space<hbm>>
        tpu.enqueue_dma source(%arg25 : memref<640xf32, #tpu.memory_space<vmem>>) target(%dma_start3A_122 : memref<640xf32, #tpu.memory_space<hbm>>) target_semaphore(%run_scoped3A : memref<!tpu.dma_semaphore, #tpu.memory_space<semaphore_mem>>)
        %dma_wait3A_123 = tpu.memref_slice %arg10[%mul3A_118] : memref<10240xf32, #tpu.memory_space<hbm>> -> memref<640xf32, #tpu.memory_space<hbm>>
        %dma_wait3A_124 = tpu.memref_slice %arg10[%mul3A_118] : memref<10240xf32, #tpu.memory_space<hbm>> -> memref<640xf32, #tpu.memory_space<hbm>>
        tpu.wait_dma2 semaphore(%run_scoped3A : memref<!tpu.dma_semaphore, #tpu.memory_space<semaphore_mem>>) src(%arg25 : memref<640xf32, #tpu.memory_space<vmem>>) dst(%dma_wait3A_124 : memref<640xf32, #tpu.memory_space<hbm>>)
        tpu.yield
      }) : () -> ()
    } else {
    }
    return
  }
}

#map = affine_map<(d0, d1) -> (0, 0)>
#map1 = affine_map<(d0, d1) -> (0)>
module attributes {stable_mosaic.version = 14 : i64} {
  func.func @_p1_body(%arg0: i32, %arg1: i32, %arg2: memref<10240x384xf32, #tpu.memory_space<hbm>>, %arg3: memref<10240x384xf32, #tpu.memory_space<hbm>>, %arg4: memref<128x256xf32, #tpu.memory_space<hbm>>, %arg5: memref<160000x128xf32, #tpu.memory_space<hbm>>, %arg6: memref<163840xi32, #tpu.memory_space<hbm>>, %arg7: memref<163840xi32, #tpu.memory_space<hbm>>, %arg8: memref<163840xi32, #tpu.memory_space<hbm>>, %arg9: memref<163840xf32, #tpu.memory_space<hbm>>, %arg10: memref<163840xf32, #tpu.memory_space<hbm>>, %arg11: memref<32x10240xf32, #tpu.memory_space<hbm>>, %arg12: memref<32x384xf32, #tpu.memory_space<vmem>>, %arg13: memref<32x384xf32, #tpu.memory_space<vmem>>, %arg14: memref<32x384xf32, #tpu.memory_space<vmem>>, %arg15: memref<32x384xf32, #tpu.memory_space<vmem>>, %arg16: memref<32x128xf32, #tpu.memory_space<vmem>>, %arg17: memref<32x128xf32, #tpu.memory_space<vmem>>, %arg18: memref<32xi32, #tpu.memory_space<vmem>>, %arg19: memref<32xi32, #tpu.memory_space<vmem>>, %arg20: memref<5120xi32, #tpu.memory_space<vmem>>, %arg21: memref<5120xi32, #tpu.memory_space<vmem>>, %arg22: memref<5120xi32, #tpu.memory_space<vmem>>, %arg23: memref<5120xf32, #tpu.memory_space<vmem>>, %arg24: memref<128x256xf32, #tpu.memory_space<vmem>>, %arg25: memref<32xf32, #tpu.memory_space<vmem>>, %arg26: memref<16xi32, #tpu.memory_space<vmem>>, %arg27: memref<16xf32, #tpu.memory_space<vmem>>, %arg28: memref<10240xf32, #tpu.memory_space<vmem>>, %arg29: memref<!tpu.dma_semaphore, #tpu.memory_space<semaphore_mem>>, %arg30: memref<!tpu.dma_semaphore, #tpu.memory_space<semaphore_mem>>, %arg31: memref<!tpu.dma_semaphore, #tpu.memory_space<semaphore_mem>>, %arg32: memref<!tpu.dma_semaphore, #tpu.memory_space<semaphore_mem>>, %arg33: memref<!tpu.dma_semaphore, #tpu.memory_space<semaphore_mem>>, %arg34: memref<!tpu.dma_semaphore, #tpu.memory_space<semaphore_mem>>) attributes {dimension_semantics = [#tpu.dimension_semantics<core_parallel>, #tpu.dimension_semantics<subcore_parallel>], iteration_bounds = array<i64: 2, 16>, scalar_prefetch = 0 : i64, scratch_operands = 23 : i64, tpu.core_type = #tpu.core_type<sc_vector_subcore>, window_params = [{transform_indices = #map}, {transform_indices = #map}, {transform_indices = #map}, {transform_indices = #map}, {transform_indices = #map1}, {transform_indices = #map1}, {transform_indices = #map1}, {transform_indices = #map1}, {transform_indices = #map1}, {transform_indices = #map}]} {
    %mul3A = arith.constant 2 : i32
    %mul3A_0 = arith.muli %arg1, %mul3A : i32
    %add3A = arith.addi %mul3A_0, %arg0 : i32
    %mul3A_1 = arith.constant 5120 : i32
    %mul3A_2 = arith.muli %add3A, %mul3A_1 : i32
    %broadcast_in_dim3A = arith.constant -1.000000e+30 : f32
    %broadcast_in_dim3A_3 = vector.broadcast %broadcast_in_dim3A : f32 to vector<16xf32>
    %scan3A = arith.constant 0 : i32
    %scan3A_4 = arith.constant 0 : i32
    %scan3A_5 = arith.constant 640 : i32
    %scan3A_6 = arith.addi %scan3A_4, %scan3A_5 : i32
    %scan3A_7 = arith.constant 1 : i32
    %scan3A_8 = scf.for %scan3A_64 = %scan3A_4 to %scan3A_6 step %scan3A_7 iter_args(%scan3A_65 = %scan3A) -> (i32)  : i32 {
      %mul3A_66 = arith.constant 16 : i32
      %mul3A_67 = arith.muli %scan3A_64, %mul3A_66 : i32
      %swap3A_68 = arith.index_cast %mul3A_67 : i32 to index
      %swap3A_69 = tpu.vector_load %arg28[%swap3A_68] {strides = array<i32>} : memref<10240xf32, #tpu.memory_space<vmem>>, vector<16xf32>,
      tpu.vector_store %arg28[%swap3A_68], %broadcast_in_dim3A_3 {strides = array<i32>} : memref<10240xf32, #tpu.memory_space<vmem>>, vector<16xf32>,
      %scan3A_70 = arith.constant 0 : i32
      scf.yield %scan3A_70 : i32
    }
    %scan3A_9 = arith.constant 640 : i32
    "tpu.region"() ({
      %run_scoped3A = tpu.sem_alloc : memref<!tpu.dma_semaphore, #tpu.memory_space<semaphore_mem>>
      tpu.enqueue_dma source(%arg4 : memref<128x256xf32, #tpu.memory_space<hbm>>) target(%arg24 : memref<128x256xf32, #tpu.memory_space<vmem>>) target_semaphore(%run_scoped3A : memref<!tpu.dma_semaphore, #tpu.memory_space<semaphore_mem>>)
      tpu.wait_dma2 semaphore(%run_scoped3A : memref<!tpu.dma_semaphore, #tpu.memory_space<semaphore_mem>>) src(%arg4 : memref<128x256xf32, #tpu.memory_space<hbm>>) dst(%arg24 : memref<128x256xf32, #tpu.memory_space<vmem>>)
      tpu.yield
    }) : () -> ()
    "tpu.region"() ({
      %run_scoped3A = tpu.sem_alloc : memref<!tpu.dma_semaphore, #tpu.memory_space<semaphore_mem>>
      %dma_start3A_64 = tpu.memref_slice %arg6[%mul3A_2] : memref<163840xi32, #tpu.memory_space<hbm>> -> memref<5120xi32, #tpu.memory_space<hbm>>
      %dma_start3A_65 = tpu.memref_slice %arg6[%mul3A_2] : memref<163840xi32, #tpu.memory_space<hbm>> -> memref<5120xi32, #tpu.memory_space<hbm>>
      tpu.enqueue_dma source(%dma_start3A_65 : memref<5120xi32, #tpu.memory_space<hbm>>) target(%arg20 : memref<5120xi32, #tpu.memory_space<vmem>>) target_semaphore(%run_scoped3A : memref<!tpu.dma_semaphore, #tpu.memory_space<semaphore_mem>>)
      %dma_wait3A_66 = tpu.memref_slice %arg6[%mul3A_2] : memref<163840xi32, #tpu.memory_space<hbm>> -> memref<5120xi32, #tpu.memory_space<hbm>>
      %dma_wait3A_67 = tpu.memref_slice %arg6[%mul3A_2] : memref<163840xi32, #tpu.memory_space<hbm>> -> memref<5120xi32, #tpu.memory_space<hbm>>
      tpu.wait_dma2 semaphore(%run_scoped3A : memref<!tpu.dma_semaphore, #tpu.memory_space<semaphore_mem>>) src(%dma_wait3A_67 : memref<5120xi32, #tpu.memory_space<hbm>>) dst(%arg20 : memref<5120xi32, #tpu.memory_space<vmem>>)
      tpu.yield
    }) : () -> ()
    "tpu.region"() ({
      %run_scoped3A = tpu.sem_alloc : memref<!tpu.dma_semaphore, #tpu.memory_space<semaphore_mem>>
      %dma_start3A_64 = tpu.memref_slice %arg7[%mul3A_2] : memref<163840xi32, #tpu.memory_space<hbm>> -> memref<5120xi32, #tpu.memory_space<hbm>>
      %dma_start3A_65 = tpu.memref_slice %arg7[%mul3A_2] : memref<163840xi32, #tpu.memory_space<hbm>> -> memref<5120xi32, #tpu.memory_space<hbm>>
      tpu.enqueue_dma source(%dma_start3A_65 : memref<5120xi32, #tpu.memory_space<hbm>>) target(%arg21 : memref<5120xi32, #tpu.memory_space<vmem>>) target_semaphore(%run_scoped3A : memref<!tpu.dma_semaphore, #tpu.memory_space<semaphore_mem>>)
      %dma_wait3A_66 = tpu.memref_slice %arg7[%mul3A_2] : memref<163840xi32, #tpu.memory_space<hbm>> -> memref<5120xi32, #tpu.memory_space<hbm>>
      %dma_wait3A_67 = tpu.memref_slice %arg7[%mul3A_2] : memref<163840xi32, #tpu.memory_space<hbm>> -> memref<5120xi32, #tpu.memory_space<hbm>>
      tpu.wait_dma2 semaphore(%run_scoped3A : memref<!tpu.dma_semaphore, #tpu.memory_space<semaphore_mem>>) src(%dma_wait3A_67 : memref<5120xi32, #tpu.memory_space<hbm>>) dst(%arg21 : memref<5120xi32, #tpu.memory_space<vmem>>)
      tpu.yield
    }) : () -> ()
    "tpu.region"() ({
      %run_scoped3A = tpu.sem_alloc : memref<!tpu.dma_semaphore, #tpu.memory_space<semaphore_mem>>
      %dma_start3A_64 = tpu.memref_slice %arg8[%mul3A_2] : memref<163840xi32, #tpu.memory_space<hbm>> -> memref<5120xi32, #tpu.memory_space<hbm>>
      %dma_start3A_65 = tpu.memref_slice %arg8[%mul3A_2] : memref<163840xi32, #tpu.memory_space<hbm>> -> memref<5120xi32, #tpu.memory_space<hbm>>
      tpu.enqueue_dma source(%dma_start3A_65 : memref<5120xi32, #tpu.memory_space<hbm>>) target(%arg22 : memref<5120xi32, #tpu.memory_space<vmem>>) target_semaphore(%run_scoped3A : memref<!tpu.dma_semaphore, #tpu.memory_space<semaphore_mem>>)
      %dma_wait3A_66 = tpu.memref_slice %arg8[%mul3A_2] : memref<163840xi32, #tpu.memory_space<hbm>> -> memref<5120xi32, #tpu.memory_space<hbm>>
      %dma_wait3A_67 = tpu.memref_slice %arg8[%mul3A_2] : memref<163840xi32, #tpu.memory_space<hbm>> -> memref<5120xi32, #tpu.memory_space<hbm>>
      tpu.wait_dma2 semaphore(%run_scoped3A : memref<!tpu.dma_semaphore, #tpu.memory_space<semaphore_mem>>) src(%dma_wait3A_67 : memref<5120xi32, #tpu.memory_space<hbm>>) dst(%arg22 : memref<5120xi32, #tpu.memory_space<vmem>>)
      tpu.yield
    }) : () -> ()
    "tpu.region"() ({
      %run_scoped3A = tpu.sem_alloc : memref<!tpu.dma_semaphore, #tpu.memory_space<semaphore_mem>>
      %dma_start3A_64 = tpu.memref_slice %arg9[%mul3A_2] : memref<163840xf32, #tpu.memory_space<hbm>> -> memref<5120xf32, #tpu.memory_space<hbm>>
      %dma_start3A_65 = tpu.memref_slice %arg9[%mul3A_2] : memref<163840xf32, #tpu.memory_space<hbm>> -> memref<5120xf32, #tpu.memory_space<hbm>>
      tpu.enqueue_dma source(%dma_start3A_65 : memref<5120xf32, #tpu.memory_space<hbm>>) target(%arg23 : memref<5120xf32, #tpu.memory_space<vmem>>) target_semaphore(%run_scoped3A : memref<!tpu.dma_semaphore, #tpu.memory_space<semaphore_mem>>)
      %dma_wait3A_66 = tpu.memref_slice %arg9[%mul3A_2] : memref<163840xf32, #tpu.memory_space<hbm>> -> memref<5120xf32, #tpu.memory_space<hbm>>
      %dma_wait3A_67 = tpu.memref_slice %arg9[%mul3A_2] : memref<163840xf32, #tpu.memory_space<hbm>> -> memref<5120xf32, #tpu.memory_space<hbm>>
      tpu.wait_dma2 semaphore(%run_scoped3A : memref<!tpu.dma_semaphore, #tpu.memory_space<semaphore_mem>>) src(%dma_wait3A_67 : memref<5120xf32, #tpu.memory_space<hbm>>) dst(%arg23 : memref<5120xf32, #tpu.memory_space<vmem>>)
      tpu.yield
    }) : () -> ()
    %iota3A = tpu.iota {dimensions = array<i32: 0>} : vector<16xi32>
    %broadcast_in_dim3A_10 = arith.constant 159999 : i32
    %broadcast_in_dim3A_11 = vector.broadcast %broadcast_in_dim3A_10 : i32 to vector<16xi32>
    %mul3A_12 = arith.constant 0 : i32
    %mul3A_13 = arith.constant 32 : i32
    %mul3A_14 = arith.muli %mul3A_12, %mul3A_13 : i32
    %add3A_15 = arith.addi %mul3A_2, %mul3A_14 : i32
    %add3A_16 = arith.constant 0 : i32
    %add3A_17 = arith.addi %add3A_15, %add3A_16 : i32
    %broadcast_in_dim3A_18 = vector.broadcast %add3A_17 : i32 to vector<16xi32>
    %add3A_19 = arith.addi %broadcast_in_dim3A_18, %iota3A : vector<16xi32>
    %min3A = arith.minsi %add3A_19, %broadcast_in_dim3A_11 : vector<16xi32>
    %swap3A = arith.constant 0 : index
    %swap3A_20 = tpu.vector_load %arg18[%swap3A] {strides = array<i32>} : memref<32xi32, #tpu.memory_space<vmem>>, vector<16xi32>,
    tpu.vector_store %arg18[%swap3A], %min3A {strides = array<i32>} : memref<32xi32, #tpu.memory_space<vmem>>, vector<16xi32>,
    %add3A_21 = arith.addi %mul3A_2, %mul3A_14 : i32
    %add3A_22 = arith.constant 16 : i32
    %add3A_23 = arith.addi %add3A_21, %add3A_22 : i32
    %broadcast_in_dim3A_24 = vector.broadcast %add3A_23 : i32 to vector<16xi32>
    %add3A_25 = arith.addi %broadcast_in_dim3A_24, %iota3A : vector<16xi32>
    %min3A_26 = arith.minsi %add3A_25, %broadcast_in_dim3A_11 : vector<16xi32>
    %swap3A_27 = arith.constant 16 : index
    %swap3A_28 = tpu.vector_load %arg18[%swap3A_27] {strides = array<i32>} : memref<32xi32, #tpu.memory_space<vmem>>, vector<16xi32>,
    tpu.vector_store %arg18[%swap3A_27], %min3A_26 {strides = array<i32>} : memref<32xi32, #tpu.memory_space<vmem>>, vector<16xi32>,
    %dma_start3A = tpu.memref_slice %arg20[%mul3A_14] : memref<5120xi32, #tpu.memory_space<vmem>> -> memref<32xi32, #tpu.memory_space<vmem>>
    %dma_start3A_29 = arith.constant 0 : i32
    %dma_start3A_30 = arith.constant 0 : i32
    %dma_start3A_31 = tpu.memref_slice %arg2[%dma_start3A_29, %dma_start3A_30] : memref<10240x384xf32, #tpu.memory_space<hbm>> -> memref<10240x384xf32, #tpu.memory_space<hbm>>
    tpu.enqueue_indirect_dma source(%dma_start3A_31 : memref<10240x384xf32, #tpu.memory_space<hbm>>) target(%arg12 : memref<32x384xf32, #tpu.memory_space<vmem>>) offsets(%dma_start3A : memref<32xi32, #tpu.memory_space<vmem>>) semaphore(%arg29 : memref<!tpu.dma_semaphore, #tpu.memory_space<semaphore_mem>>)
    %dma_start3A_32 = tpu.memref_slice %arg21[%mul3A_14] : memref<5120xi32, #tpu.memory_space<vmem>> -> memref<32xi32, #tpu.memory_space<vmem>>
    %dma_start3A_33 = arith.constant 0 : i32
    %dma_start3A_34 = arith.constant 0 : i32
    %dma_start3A_35 = tpu.memref_slice %arg3[%dma_start3A_33, %dma_start3A_34] : memref<10240x384xf32, #tpu.memory_space<hbm>> -> memref<10240x384xf32, #tpu.memory_space<hbm>>
    tpu.enqueue_indirect_dma source(%dma_start3A_35 : memref<10240x384xf32, #tpu.memory_space<hbm>>) target(%arg14 : memref<32x384xf32, #tpu.memory_space<vmem>>) offsets(%dma_start3A_32 : memref<32xi32, #tpu.memory_space<vmem>>) semaphore(%arg31 : memref<!tpu.dma_semaphore, #tpu.memory_space<semaphore_mem>>)
    %dma_start3A_36 = arith.constant 0 : i32
    %dma_start3A_37 = arith.constant 0 : i32
    %dma_start3A_38 = tpu.memref_slice %arg5[%dma_start3A_36, %dma_start3A_37] : memref<160000x128xf32, #tpu.memory_space<hbm>> -> memref<160000x128xf32, #tpu.memory_space<hbm>>
    tpu.enqueue_indirect_dma source(%dma_start3A_38 : memref<160000x128xf32, #tpu.memory_space<hbm>>) target(%arg16 : memref<32x128xf32, #tpu.memory_space<vmem>>) offsets(%arg18 : memref<32xi32, #tpu.memory_space<vmem>>) semaphore(%arg33 : memref<!tpu.dma_semaphore, #tpu.memory_space<semaphore_mem>>)
    %scan3A_39 = arith.constant 159 : i32
    %scan3A_40 = arith.constant 0 : i32
    %scan3A_41 = arith.constant 0 : i32
    %scan3A_42 = arith.constant 80 : i32
    %scan3A_43 = arith.addi %scan3A_41, %scan3A_42 : i32
    %scan3A_44 = arith.constant 1 : i32
    %scan3A_45 = scf.for %scan3A_64 = %scan3A_41 to %scan3A_43 step %scan3A_44 iter_args(%scan3A_65 = %scan3A_40) -> (i32)  : i32 {
      %mul3A_66 = arith.constant 2 : i32
      %mul3A_67 = arith.muli %scan3A_64, %mul3A_66 : i32
      %dma_wait3A_68 = arith.constant 0 : i32
      %dma_wait3A_69 = arith.constant 0 : i32
      %dma_wait3A_70 = tpu.memref_slice %arg2[%dma_wait3A_68, %dma_wait3A_69] : memref<10240x384xf32, #tpu.memory_space<hbm>> -> memref<32x384xf32, #tpu.memory_space<hbm>>
      %dma_wait3A_71 = arith.constant 0 : i32
      %dma_wait3A_72 = arith.constant 0 : i32
      %dma_wait3A_73 = tpu.memref_slice %arg2[%dma_wait3A_71, %dma_wait3A_72] : memref<10240x384xf32, #tpu.memory_space<hbm>> -> memref<32x384xf32, #tpu.memory_space<hbm>>
      tpu.wait_dma2 semaphore(%arg29 : memref<!tpu.dma_semaphore, #tpu.memory_space<semaphore_mem>>) src(%dma_wait3A_73 : memref<32x384xf32, #tpu.memory_space<hbm>>) dst(%arg12 : memref<32x384xf32, #tpu.memory_space<vmem>>)
      %dma_wait3A_74 = arith.constant 0 : i32
      %dma_wait3A_75 = arith.constant 0 : i32
      %dma_wait3A_76 = tpu.memref_slice %arg3[%dma_wait3A_74, %dma_wait3A_75] : memref<10240x384xf32, #tpu.memory_space<hbm>> -> memref<32x384xf32, #tpu.memory_space<hbm>>
      %dma_wait3A_77 = arith.constant 0 : i32
      %dma_wait3A_78 = arith.constant 0 : i32
      %dma_wait3A_79 = tpu.memref_slice %arg3[%dma_wait3A_77, %dma_wait3A_78] : memref<10240x384xf32, #tpu.memory_space<hbm>> -> memref<32x384xf32, #tpu.memory_space<hbm>>
      tpu.wait_dma2 semaphore(%arg31 : memref<!tpu.dma_semaphore, #tpu.memory_space<semaphore_mem>>) src(%dma_wait3A_79 : memref<32x384xf32, #tpu.memory_space<hbm>>) dst(%arg14 : memref<32x384xf32, #tpu.memory_space<vmem>>)
      %dma_wait3A_80 = arith.constant 0 : i32
      %dma_wait3A_81 = arith.constant 0 : i32
      %dma_wait3A_82 = tpu.memref_slice %arg5[%dma_wait3A_80, %dma_wait3A_81] : memref<160000x128xf32, #tpu.memory_space<hbm>> -> memref<32x128xf32, #tpu.memory_space<hbm>>
      %dma_wait3A_83 = arith.constant 0 : i32
      %dma_wait3A_84 = arith.constant 0 : i32
      %dma_wait3A_85 = tpu.memref_slice %arg5[%dma_wait3A_83, %dma_wait3A_84] : memref<160000x128xf32, #tpu.memory_space<hbm>> -> memref<32x128xf32, #tpu.memory_space<hbm>>
      tpu.wait_dma2 semaphore(%arg33 : memref<!tpu.dma_semaphore, #tpu.memory_space<semaphore_mem>>) src(%dma_wait3A_85 : memref<32x128xf32, #tpu.memory_space<hbm>>) dst(%arg16 : memref<32x128xf32, #tpu.memory_space<vmem>>)
      %add3A_86 = arith.constant 1 : i32
      %add3A_87 = arith.addi %mul3A_67, %add3A_86 : i32
      %mul3A_88 = arith.constant 32 : i32
      %mul3A_89 = arith.muli %add3A_87, %mul3A_88 : i32
      %add3A_90 = arith.addi %mul3A_2, %mul3A_89 : i32
      %add3A_91 = arith.constant 0 : i32
      %add3A_92 = arith.addi %add3A_90, %add3A_91 : i32
      %broadcast_in_dim3A_93 = vector.broadcast %add3A_92 : i32 to vector<16xi32>
      %add3A_94 = arith.addi %broadcast_in_dim3A_93, %iota3A : vector<16xi32>
      %min3A_95 = arith.minsi %add3A_94, %broadcast_in_dim3A_11 : vector<16xi32>
      %swap3A_96 = arith.constant 0 : index
      %swap3A_97 = tpu.vector_load %arg19[%swap3A_96] {strides = array<i32>} : memref<32xi32, #tpu.memory_space<vmem>>, vector<16xi32>,
      tpu.vector_store %arg19[%swap3A_96], %min3A_95 {strides = array<i32>} : memref<32xi32, #tpu.memory_space<vmem>>, vector<16xi32>,
      %add3A_98 = arith.addi %mul3A_2, %mul3A_89 : i32
      %add3A_99 = arith.constant 16 : i32
      %add3A_100 = arith.addi %add3A_98, %add3A_99 : i32
      %broadcast_in_dim3A_101 = vector.broadcast %add3A_100 : i32 to vector<16xi32>
      %add3A_102 = arith.addi %broadcast_in_dim3A_101, %iota3A : vector<16xi32>
      %min3A_103 = arith.minsi %add3A_102, %broadcast_in_dim3A_11 : vector<16xi32>
      %swap3A_104 = arith.constant 16 : index
      %swap3A_105 = tpu.vector_load %arg19[%swap3A_104] {strides = array<i32>} : memref<32xi32, #tpu.memory_space<vmem>>, vector<16xi32>,
      tpu.vector_store %arg19[%swap3A_104], %min3A_103 {strides = array<i32>} : memref<32xi32, #tpu.memory_space<vmem>>, vector<16xi32>,
      %dma_start3A_106 = tpu.memref_slice %arg20[%mul3A_89] : memref<5120xi32, #tpu.memory_space<vmem>> -> memref<32xi32, #tpu.memory_space<vmem>>
      %dma_start3A_107 = arith.constant 0 : i32
      %dma_start3A_108 = arith.constant 0 : i32
      %dma_start3A_109 = tpu.memref_slice %arg2[%dma_start3A_107, %dma_start3A_108] : memref<10240x384xf32, #tpu.memory_space<hbm>> -> memref<10240x384xf32, #tpu.memory_space<hbm>>
      tpu.enqueue_indirect_dma source(%dma_start3A_109 : memref<10240x384xf32, #tpu.memory_space<hbm>>) target(%arg13 : memref<32x384xf32, #tpu.memory_space<vmem>>) offsets(%dma_start3A_106 : memref<32xi32, #tpu.memory_space<vmem>>) semaphore(%arg30 : memref<!tpu.dma_semaphore, #tpu.memory_space<semaphore_mem>>)
      %dma_start3A_110 = tpu.memref_slice %arg21[%mul3A_89] : memref<5120xi32, #tpu.memory_space<vmem>> -> memref<32xi32, #tpu.memory_space<vmem>>
      %dma_start3A_111 = arith.constant 0 : i32
      %dma_start3A_112 = arith.constant 0 : i32
      %dma_start3A_113 = tpu.memref_slice %arg3[%dma_start3A_111, %dma_start3A_112] : memref<10240x384xf32, #tpu.memory_space<hbm>> -> memref<10240x384xf32, #tpu.memory_space<hbm>>
      tpu.enqueue_indirect_dma source(%dma_start3A_113 : memref<10240x384xf32, #tpu.memory_space<hbm>>) target(%arg15 : memref<32x384xf32, #tpu.memory_space<vmem>>) offsets(%dma_start3A_110 : memref<32xi32, #tpu.memory_space<vmem>>) semaphore(%arg32 : memref<!tpu.dma_semaphore, #tpu.memory_space<semaphore_mem>>)
      %dma_start3A_114 = arith.constant 0 : i32
      %dma_start3A_115 = arith.constant 0 : i32
      %dma_start3A_116 = tpu.memref_slice %arg5[%dma_start3A_114, %dma_start3A_115] : memref<160000x128xf32, #tpu.memory_space<hbm>> -> memref<160000x128xf32, #tpu.memory_space<hbm>>
      tpu.enqueue_indirect_dma source(%dma_start3A_116 : memref<160000x128xf32, #tpu.memory_space<hbm>>) target(%arg17 : memref<32x128xf32, #tpu.memory_space<vmem>>) offsets(%arg19 : memref<32xi32, #tpu.memory_space<vmem>>) semaphore(%arg34 : memref<!tpu.dma_semaphore, #tpu.memory_space<semaphore_mem>>)
      %mul3A_117 = arith.constant 32 : i32
      %mul3A_118 = arith.muli %mul3A_67, %mul3A_117 : i32
      %add3A_119 = arith.constant 0 : i32
      %add3A_120 = vector.broadcast %add3A_119 : i32 to vector<16xi32>
      %add3A_121 = arith.addi %iota3A, %add3A_120 : vector<16xi32>
      %add3A_122 = arith.constant 0 : i32
      %add3A_123 = arith.addi %mul3A_118, %add3A_122 : i32
      %get3A = arith.index_cast %add3A_123 : i32 to index
      %get3A_124 = tpu.vector_load %arg20[%get3A] {strides = array<i32>} : memref<5120xi32, #tpu.memory_space<vmem>>, vector<16xi32>,
      %add3A_125 = arith.constant 0 : i32
      %add3A_126 = arith.addi %mul3A_118, %add3A_125 : i32
      %get3A_127 = arith.index_cast %add3A_126 : i32 to index
      %get3A_128 = tpu.vector_load %arg22[%get3A_127] {strides = array<i32>} : memref<5120xi32, #tpu.memory_space<vmem>>, vector<16xi32>,
      %add3A_129 = arith.constant 0 : i32
      %add3A_130 = arith.addi %mul3A_118, %add3A_129 : i32
      %get3A_131 = arith.index_cast %add3A_130 : i32 to index
      %get3A_132 = tpu.vector_load %arg23[%get3A_131] {strides = array<i32>} : memref<5120xf32, #tpu.memory_space<vmem>>, vector<16xf32>,
      %broadcast_in_dim3A_133 = arith.constant 128 : i32
      %broadcast_in_dim3A_134 = vector.broadcast %broadcast_in_dim3A_133 : i32 to vector<16xi32>
      %gather3A = tpu.vector_load_idx %arg24[%get3A_128, %broadcast_in_dim3A_134] : memref<128x256xf32, #tpu.memory_space<vmem>>[vector<16xi32>, vector<16xi32>], vector<16xf32>,
      %broadcast_in_dim3A_135 = arith.constant 256 : i32
      %broadcast_in_dim3A_136 = vector.broadcast %broadcast_in_dim3A_135 : i32 to vector<16xi32>
      %add3A_137 = arith.addi %broadcast_in_dim3A_136, %get3A_128 : vector<16xi32>
      %gather3A_138 = tpu.vector_load_idx %arg12[%add3A_121, %add3A_137] : memref<32x384xf32, #tpu.memory_space<vmem>>[vector<16xi32>, vector<16xi32>], vector<16xf32>,
      %broadcast_in_dim3A_139 = arith.constant 256 : i32
      %broadcast_in_dim3A_140 = vector.broadcast %broadcast_in_dim3A_139 : i32 to vector<16xi32>
      %add3A_141 = arith.addi %broadcast_in_dim3A_140, %get3A_128 : vector<16xi32>
      %gather3A_142 = tpu.vector_load_idx %arg14[%add3A_121, %add3A_141] : memref<32x384xf32, #tpu.memory_space<vmem>>[vector<16xi32>, vector<16xi32>], vector<16xf32>,
      %add3A_143 = arith.addf %get3A_132, %gather3A : vector<16xf32>
      %add3A_144 = arith.addf %add3A_143, %gather3A_138 : vector<16xf32>
      %add3A_145 = arith.addf %add3A_144, %gather3A_142 : vector<16xf32>
      %scan3A_146 = arith.constant 0 : i32
      %scan3A_147 = arith.constant 32 : i32
      %scan3A_148 = arith.addi %scan3A_146, %scan3A_147 : i32
      %scan3A_149 = arith.constant 1 : i32
      %scan3A_150 = scf.for %scan3A_713 = %scan3A_146 to %scan3A_148 step %scan3A_149 iter_args(%scan3A_714 = %add3A_145) -> (vector<16xf32>)  : i32 {
        %mul3A_715 = arith.constant 4 : i32
        %mul3A_716 = arith.muli %scan3A_713, %mul3A_715 : i32
        %add3A_717 = arith.constant 0 : i32
        %add3A_718 = arith.addi %mul3A_716, %add3A_717 : i32
        %broadcast_in_dim3A_719 = vector.broadcast %add3A_718 : i32 to vector<16xi32>
        %gather3A_720 = tpu.vector_load_idx %arg16[%add3A_121, %broadcast_in_dim3A_719] : memref<32x128xf32, #tpu.memory_space<vmem>>[vector<16xi32>, vector<16xi32>], vector<16xf32>,
        %gather3A_721 = tpu.vector_load_idx %arg12[%add3A_121, %broadcast_in_dim3A_719] : memref<32x384xf32, #tpu.memory_space<vmem>>[vector<16xi32>, vector<16xi32>], vector<16xf32>,
        %broadcast_in_dim3A_722 = arith.constant 128 : i32
        %broadcast_in_dim3A_723 = vector.broadcast %broadcast_in_dim3A_722 : i32 to vector<16xi32>
        %add3A_724 = arith.addi %broadcast_in_dim3A_723, %broadcast_in_dim3A_719 : vector<16xi32>
        %gather3A_725 = tpu.vector_load_idx %arg12[%add3A_121, %add3A_724] : memref<32x384xf32, #tpu.memory_space<vmem>>[vector<16xi32>, vector<16xi32>], vector<16xf32>,
        %gather3A_726 = tpu.vector_load_idx %arg14[%add3A_121, %broadcast_in_dim3A_719] : memref<32x384xf32, #tpu.memory_space<vmem>>[vector<16xi32>, vector<16xi32>], vector<16xf32>,
        %broadcast_in_dim3A_727 = arith.constant 128 : i32
        %broadcast_in_dim3A_728 = vector.broadcast %broadcast_in_dim3A_727 : i32 to vector<16xi32>
        %add3A_729 = arith.addi %broadcast_in_dim3A_728, %broadcast_in_dim3A_719 : vector<16xi32>
        %gather3A_730 = tpu.vector_load_idx %arg14[%add3A_121, %add3A_729] : memref<32x384xf32, #tpu.memory_space<vmem>>[vector<16xi32>, vector<16xi32>], vector<16xf32>,
        %gather3A_731 = tpu.vector_load_idx %arg24[%get3A_128, %broadcast_in_dim3A_719] : memref<128x256xf32, #tpu.memory_space<vmem>>[vector<16xi32>, vector<16xi32>], vector<16xf32>,
        %add3A_732 = arith.addf %gather3A_721, %gather3A_726 : vector<16xf32>
        %add3A_733 = arith.addf %add3A_732, %gather3A_731 : vector<16xf32>
        %mul3A_734 = arith.mulf %gather3A_720, %add3A_733 : vector<16xf32>
        %add3A_735 = arith.addf %scan3A_714, %mul3A_734 : vector<16xf32>
        %mul3A_736 = arith.mulf %gather3A_725, %gather3A_730 : vector<16xf32>
        %add3A_737 = arith.addf %add3A_735, %mul3A_736 : vector<16xf32>
        %mul3A_738 = arith.constant 4 : i32
        %mul3A_739 = arith.muli %scan3A_713, %mul3A_738 : i32
        %add3A_740 = arith.constant 1 : i32
        %add3A_741 = arith.addi %mul3A_739, %add3A_740 : i32
        %broadcast_in_dim3A_742 = vector.broadcast %add3A_741 : i32 to vector<16xi32>
        %gather3A_743 = tpu.vector_load_idx %arg16[%add3A_121, %broadcast_in_dim3A_742] : memref<32x128xf32, #tpu.memory_space<vmem>>[vector<16xi32>, vector<16xi32>], vector<16xf32>,
        %gather3A_744 = tpu.vector_load_idx %arg12[%add3A_121, %broadcast_in_dim3A_742] : memref<32x384xf32, #tpu.memory_space<vmem>>[vector<16xi32>, vector<16xi32>], vector<16xf32>,
        %broadcast_in_dim3A_745 = arith.constant 128 : i32
        %broadcast_in_dim3A_746 = vector.broadcast %broadcast_in_dim3A_745 : i32 to vector<16xi32>
        %add3A_747 = arith.addi %broadcast_in_dim3A_746, %broadcast_in_dim3A_742 : vector<16xi32>
        %gather3A_748 = tpu.vector_load_idx %arg12[%add3A_121, %add3A_747] : memref<32x384xf32, #tpu.memory_space<vmem>>[vector<16xi32>, vector<16xi32>], vector<16xf32>,
        %gather3A_749 = tpu.vector_load_idx %arg14[%add3A_121, %broadcast_in_dim3A_742] : memref<32x384xf32, #tpu.memory_space<vmem>>[vector<16xi32>, vector<16xi32>], vector<16xf32>,
        %broadcast_in_dim3A_750 = arith.constant 128 : i32
        %broadcast_in_dim3A_751 = vector.broadcast %broadcast_in_dim3A_750 : i32 to vector<16xi32>
        %add3A_752 = arith.addi %broadcast_in_dim3A_751, %broadcast_in_dim3A_742 : vector<16xi32>
        %gather3A_753 = tpu.vector_load_idx %arg14[%add3A_121, %add3A_752] : memref<32x384xf32, #tpu.memory_space<vmem>>[vector<16xi32>, vector<16xi32>], vector<16xf32>,
        %gather3A_754 = tpu.vector_load_idx %arg24[%get3A_128, %broadcast_in_dim3A_742] : memref<128x256xf32, #tpu.memory_space<vmem>>[vector<16xi32>, vector<16xi32>], vector<16xf32>,
        %add3A_755 = arith.addf %gather3A_744, %gather3A_749 : vector<16xf32>
        %add3A_756 = arith.addf %add3A_755, %gather3A_754 : vector<16xf32>
        %mul3A_757 = arith.mulf %gather3A_743, %add3A_756 : vector<16xf32>
        %add3A_758 = arith.addf %add3A_737, %mul3A_757 : vector<16xf32>
        %mul3A_759 = arith.mulf %gather3A_748, %gather3A_753 : vector<16xf32>
        %add3A_760 = arith.addf %add3A_758, %mul3A_759 : vector<16xf32>
        %mul3A_761 = arith.constant 4 : i32
        %mul3A_762 = arith.muli %scan3A_713, %mul3A_761 : i32
        %add3A_763 = arith.constant 2 : i32
        %add3A_764 = arith.addi %mul3A_762, %add3A_763 : i32
        %broadcast_in_dim3A_765 = vector.broadcast %add3A_764 : i32 to vector<16xi32>
        %gather3A_766 = tpu.vector_load_idx %arg16[%add3A_121, %broadcast_in_dim3A_765] : memref<32x128xf32, #tpu.memory_space<vmem>>[vector<16xi32>, vector<16xi32>], vector<16xf32>,
        %gather3A_767 = tpu.vector_load_idx %arg12[%add3A_121, %broadcast_in_dim3A_765] : memref<32x384xf32, #tpu.memory_space<vmem>>[vector<16xi32>, vector<16xi32>], vector<16xf32>,
        %broadcast_in_dim3A_768 = arith.constant 128 : i32
        %broadcast_in_dim3A_769 = vector.broadcast %broadcast_in_dim3A_768 : i32 to vector<16xi32>
        %add3A_770 = arith.addi %broadcast_in_dim3A_769, %broadcast_in_dim3A_765 : vector<16xi32>
        %gather3A_771 = tpu.vector_load_idx %arg12[%add3A_121, %add3A_770] : memref<32x384xf32, #tpu.memory_space<vmem>>[vector<16xi32>, vector<16xi32>], vector<16xf32>,
        %gather3A_772 = tpu.vector_load_idx %arg14[%add3A_121, %broadcast_in_dim3A_765] : memref<32x384xf32, #tpu.memory_space<vmem>>[vector<16xi32>, vector<16xi32>], vector<16xf32>,
        %broadcast_in_dim3A_773 = arith.constant 128 : i32
        %broadcast_in_dim3A_774 = vector.broadcast %broadcast_in_dim3A_773 : i32 to vector<16xi32>
        %add3A_775 = arith.addi %broadcast_in_dim3A_774, %broadcast_in_dim3A_765 : vector<16xi32>
        %gather3A_776 = tpu.vector_load_idx %arg14[%add3A_121, %add3A_775] : memref<32x384xf32, #tpu.memory_space<vmem>>[vector<16xi32>, vector<16xi32>], vector<16xf32>,
        %gather3A_777 = tpu.vector_load_idx %arg24[%get3A_128, %broadcast_in_dim3A_765] : memref<128x256xf32, #tpu.memory_space<vmem>>[vector<16xi32>, vector<16xi32>], vector<16xf32>,
        %add3A_778 = arith.addf %gather3A_767, %gather3A_772 : vector<16xf32>
        %add3A_779 = arith.addf %add3A_778, %gather3A_777 : vector<16xf32>
        %mul3A_780 = arith.mulf %gather3A_766, %add3A_779 : vector<16xf32>
        %add3A_781 = arith.addf %add3A_760, %mul3A_780 : vector<16xf32>
        %mul3A_782 = arith.mulf %gather3A_771, %gather3A_776 : vector<16xf32>
        %add3A_783 = arith.addf %add3A_781, %mul3A_782 : vector<16xf32>
        %mul3A_784 = arith.constant 4 : i32
        %mul3A_785 = arith.muli %scan3A_713, %mul3A_784 : i32
        %add3A_786 = arith.constant 3 : i32
        %add3A_787 = arith.addi %mul3A_785, %add3A_786 : i32
        %broadcast_in_dim3A_788 = vector.broadcast %add3A_787 : i32 to vector<16xi32>
        %gather3A_789 = tpu.vector_load_idx %arg16[%add3A_121, %broadcast_in_dim3A_788] : memref<32x128xf32, #tpu.memory_space<vmem>>[vector<16xi32>, vector<16xi32>], vector<16xf32>,
        %gather3A_790 = tpu.vector_load_idx %arg12[%add3A_121, %broadcast_in_dim3A_788] : memref<32x384xf32, #tpu.memory_space<vmem>>[vector<16xi32>, vector<16xi32>], vector<16xf32>,
        %broadcast_in_dim3A_791 = arith.constant 128 : i32
        %broadcast_in_dim3A_792 = vector.broadcast %broadcast_in_dim3A_791 : i32 to vector<16xi32>
        %add3A_793 = arith.addi %broadcast_in_dim3A_792, %broadcast_in_dim3A_788 : vector<16xi32>
        %gather3A_794 = tpu.vector_load_idx %arg12[%add3A_121, %add3A_793] : memref<32x384xf32, #tpu.memory_space<vmem>>[vector<16xi32>, vector<16xi32>], vector<16xf32>,
        %gather3A_795 = tpu.vector_load_idx %arg14[%add3A_121, %broadcast_in_dim3A_788] : memref<32x384xf32, #tpu.memory_space<vmem>>[vector<16xi32>, vector<16xi32>], vector<16xf32>,
        %broadcast_in_dim3A_796 = arith.constant 128 : i32
        %broadcast_in_dim3A_797 = vector.broadcast %broadcast_in_dim3A_796 : i32 to vector<16xi32>
        %add3A_798 = arith.addi %broadcast_in_dim3A_797, %broadcast_in_dim3A_788 : vector<16xi32>
        %gather3A_799 = tpu.vector_load_idx %arg14[%add3A_121, %add3A_798] : memref<32x384xf32, #tpu.memory_space<vmem>>[vector<16xi32>, vector<16xi32>], vector<16xf32>,
        %gather3A_800 = tpu.vector_load_idx %arg24[%get3A_128, %broadcast_in_dim3A_788] : memref<128x256xf32, #tpu.memory_space<vmem>>[vector<16xi32>, vector<16xi32>], vector<16xf32>,
        %add3A_801 = arith.addf %gather3A_790, %gather3A_795 : vector<16xf32>
        %add3A_802 = arith.addf %add3A_801, %gather3A_800 : vector<16xf32>
        %mul3A_803 = arith.mulf %gather3A_789, %add3A_802 : vector<16xf32>
        %add3A_804 = arith.addf %add3A_783, %mul3A_803 : vector<16xf32>
        %mul3A_805 = arith.mulf %gather3A_794, %gather3A_799 : vector<16xf32>
        %add3A_806 = arith.addf %add3A_804, %mul3A_805 : vector<16xf32>
        scf.yield %add3A_806 : vector<16xf32>
      }
      %scan3A_151 = arith.constant 32 : i32
      %swap3A_152 = arith.constant 0 : index
      %swap3A_153 = tpu.vector_load %arg25[%swap3A_152] {strides = array<i32>} : memref<32xf32, #tpu.memory_space<vmem>>, vector<16xf32>,
      tpu.vector_store %arg25[%swap3A_152], %scan3A_150 {strides = array<i32>} : memref<32xf32, #tpu.memory_space<vmem>>, vector<16xf32>,
      %masked_sort3A = arith.constant dense<true> : vector<16xi1>
      %masked_sort3A_154 = arith.constant -2147483648 : i32
      %masked_sort3A_155 = vector.broadcast %masked_sort3A_154 : i32 to vector<16xi32>
      %masked_sort3A_156 = arith.xori %get3A_124, %masked_sort3A_155 : vector<16xi32>
      %masked_sort3A_157, %masked_sort3A_158, %masked_sort3A_159 = tpu.sort %masked_sort3A_156, %scan3A_150 masked %masked_sort3A : (vector<16xi32>, vector<16xf32>, vector<16xi1>) -> (vector<16xi1>, vector<16xi32>, vector<16xf32>)
      %masked_sort3A_160 = arith.xori %masked_sort3A_158, %masked_sort3A_155 : vector<16xi32>
      %swap3A_161 = arith.constant 0 : index
      %swap3A_162 = tpu.vector_load %arg26[%swap3A_161] {strides = array<i32>} : memref<16xi32, #tpu.memory_space<vmem>>, vector<16xi32>,
      tpu.vector_store %arg26[%swap3A_161], %masked_sort3A_160 {strides = array<i32>} : memref<16xi32, #tpu.memory_space<vmem>>, vector<16xi32>,
      %swap3A_163 = arith.constant 0 : index
      %swap3A_164 = tpu.vector_load %arg27[%swap3A_163] {strides = array<i32>} : memref<16xf32, #tpu.memory_space<vmem>>, vector<16xf32>,
      tpu.vector_store %arg27[%swap3A_163], %masked_sort3A_159 {strides = array<i32>} : memref<16xf32, #tpu.memory_space<vmem>>, vector<16xf32>,
      %sub3A = arith.constant 1 : i32
      %sub3A_165 = vector.broadcast %sub3A : i32 to vector<16xi32>
      %sub3A_166 = arith.subi %iota3A, %sub3A_165 : vector<16xi32>
      %max3A = arith.constant 0 : i32
      %max3A_167 = vector.broadcast %max3A : i32 to vector<16xi32>
      %max3A_168 = arith.maxsi %sub3A_166, %max3A_167 : vector<16xi32>
      %gather3A_169 = tpu.vector_load_idx %arg26[%max3A_168] : memref<16xi32, #tpu.memory_space<vmem>>[vector<16xi32>], vector<16xi32>,
      %gather3A_170 = tpu.vector_load_idx %arg27[%max3A_168] : memref<16xf32, #tpu.memory_space<vmem>>[vector<16xi32>], vector<16xf32>,
      %eq3A = arith.cmpi eq, %gather3A_169, %masked_sort3A_160 : vector<16xi32>
      %ge3A = arith.constant 1 : i32
      %ge3A_171 = vector.broadcast %ge3A : i32 to vector<16xi32>
      %ge3A_172 = arith.cmpi sge, %iota3A, %ge3A_171 : vector<16xi32>
      %and3A = arith.andi %eq3A, %ge3A_172 : vector<16xi1>
      %max3A_173 = arith.maximumf %masked_sort3A_159, %gather3A_170 : vector<16xf32>
      %select_n3A = arith.select %and3A, %max3A_173, %masked_sort3A_159 : vector<16xi1>, vector<16xf32>
      %swap3A_174 = arith.constant 0 : index
      %swap3A_175 = tpu.vector_load %arg26[%swap3A_174] {strides = array<i32>} : memref<16xi32, #tpu.memory_space<vmem>>, vector<16xi32>,
      tpu.vector_store %arg26[%swap3A_174], %masked_sort3A_160 {strides = array<i32>} : memref<16xi32, #tpu.memory_space<vmem>>, vector<16xi32>,
      %swap3A_176 = arith.constant 0 : index
      %swap3A_177 = tpu.vector_load %arg27[%swap3A_176] {strides = array<i32>} : memref<16xf32, #tpu.memory_space<vmem>>, vector<16xf32>,
      tpu.vector_store %arg27[%swap3A_176], %select_n3A {strides = array<i32>} : memref<16xf32, #tpu.memory_space<vmem>>, vector<16xf32>,
      %sub3A_178 = arith.constant 2 : i32
      %sub3A_179 = vector.broadcast %sub3A_178 : i32 to vector<16xi32>
      %sub3A_180 = arith.subi %iota3A, %sub3A_179 : vector<16xi32>
      %max3A_181 = arith.constant 0 : i32
      %max3A_182 = vector.broadcast %max3A_181 : i32 to vector<16xi32>
      %max3A_183 = arith.maxsi %sub3A_180, %max3A_182 : vector<16xi32>
      %gather3A_184 = tpu.vector_load_idx %arg26[%max3A_183] : memref<16xi32, #tpu.memory_space<vmem>>[vector<16xi32>], vector<16xi32>,
      %gather3A_185 = tpu.vector_load_idx %arg27[%max3A_183] : memref<16xf32, #tpu.memory_space<vmem>>[vector<16xi32>], vector<16xf32>,
      %eq3A_186 = arith.cmpi eq, %gather3A_184, %masked_sort3A_160 : vector<16xi32>
      %ge3A_187 = arith.constant 2 : i32
      %ge3A_188 = vector.broadcast %ge3A_187 : i32 to vector<16xi32>
      %ge3A_189 = arith.cmpi sge, %iota3A, %ge3A_188 : vector<16xi32>
      %and3A_190 = arith.andi %eq3A_186, %ge3A_189 : vector<16xi1>
      %max3A_191 = arith.maximumf %select_n3A, %gather3A_185 : vector<16xf32>
      %select_n3A_192 = arith.select %and3A_190, %max3A_191, %select_n3A : vector<16xi1>, vector<16xf32>
      %swap3A_193 = arith.constant 0 : index
      %swap3A_194 = tpu.vector_load %arg26[%swap3A_193] {strides = array<i32>} : memref<16xi32, #tpu.memory_space<vmem>>, vector<16xi32>,
      tpu.vector_store %arg26[%swap3A_193], %masked_sort3A_160 {strides = array<i32>} : memref<16xi32, #tpu.memory_space<vmem>>, vector<16xi32>,
      %swap3A_195 = arith.constant 0 : index
      %swap3A_196 = tpu.vector_load %arg27[%swap3A_195] {strides = array<i32>} : memref<16xf32, #tpu.memory_space<vmem>>, vector<16xf32>,
      tpu.vector_store %arg27[%swap3A_195], %select_n3A_192 {strides = array<i32>} : memref<16xf32, #tpu.memory_space<vmem>>, vector<16xf32>,
      %sub3A_197 = arith.constant 4 : i32
      %sub3A_198 = vector.broadcast %sub3A_197 : i32 to vector<16xi32>
      %sub3A_199 = arith.subi %iota3A, %sub3A_198 : vector<16xi32>
      %max3A_200 = arith.constant 0 : i32
      %max3A_201 = vector.broadcast %max3A_200 : i32 to vector<16xi32>
      %max3A_202 = arith.maxsi %sub3A_199, %max3A_201 : vector<16xi32>
      %gather3A_203 = tpu.vector_load_idx %arg26[%max3A_202] : memref<16xi32, #tpu.memory_space<vmem>>[vector<16xi32>], vector<16xi32>,
      %gather3A_204 = tpu.vector_load_idx %arg27[%max3A_202] : memref<16xf32, #tpu.memory_space<vmem>>[vector<16xi32>], vector<16xf32>,
      %eq3A_205 = arith.cmpi eq, %gather3A_203, %masked_sort3A_160 : vector<16xi32>
      %ge3A_206 = arith.constant 4 : i32
      %ge3A_207 = vector.broadcast %ge3A_206 : i32 to vector<16xi32>
      %ge3A_208 = arith.cmpi sge, %iota3A, %ge3A_207 : vector<16xi32>
      %and3A_209 = arith.andi %eq3A_205, %ge3A_208 : vector<16xi1>
      %max3A_210 = arith.maximumf %select_n3A_192, %gather3A_204 : vector<16xf32>
      %select_n3A_211 = arith.select %and3A_209, %max3A_210, %select_n3A_192 : vector<16xi1>, vector<16xf32>
      %swap3A_212 = arith.constant 0 : index
      %swap3A_213 = tpu.vector_load %arg26[%swap3A_212] {strides = array<i32>} : memref<16xi32, #tpu.memory_space<vmem>>, vector<16xi32>,
      tpu.vector_store %arg26[%swap3A_212], %masked_sort3A_160 {strides = array<i32>} : memref<16xi32, #tpu.memory_space<vmem>>, vector<16xi32>,
      %swap3A_214 = arith.constant 0 : index
      %swap3A_215 = tpu.vector_load %arg27[%swap3A_214] {strides = array<i32>} : memref<16xf32, #tpu.memory_space<vmem>>, vector<16xf32>,
      tpu.vector_store %arg27[%swap3A_214], %select_n3A_211 {strides = array<i32>} : memref<16xf32, #tpu.memory_space<vmem>>, vector<16xf32>,
      %sub3A_216 = arith.constant 8 : i32
      %sub3A_217 = vector.broadcast %sub3A_216 : i32 to vector<16xi32>
      %sub3A_218 = arith.subi %iota3A, %sub3A_217 : vector<16xi32>
      %max3A_219 = arith.constant 0 : i32
      %max3A_220 = vector.broadcast %max3A_219 : i32 to vector<16xi32>
      %max3A_221 = arith.maxsi %sub3A_218, %max3A_220 : vector<16xi32>
      %gather3A_222 = tpu.vector_load_idx %arg26[%max3A_221] : memref<16xi32, #tpu.memory_space<vmem>>[vector<16xi32>], vector<16xi32>,
      %gather3A_223 = tpu.vector_load_idx %arg27[%max3A_221] : memref<16xf32, #tpu.memory_space<vmem>>[vector<16xi32>], vector<16xf32>,
      %eq3A_224 = arith.cmpi eq, %gather3A_222, %masked_sort3A_160 : vector<16xi32>
      %ge3A_225 = arith.constant 8 : i32
      %ge3A_226 = vector.broadcast %ge3A_225 : i32 to vector<16xi32>
      %ge3A_227 = arith.cmpi sge, %iota3A, %ge3A_226 : vector<16xi32>
      %and3A_228 = arith.andi %eq3A_224, %ge3A_227 : vector<16xi1>
      %max3A_229 = arith.maximumf %select_n3A_211, %gather3A_223 : vector<16xf32>
      %select_n3A_230 = arith.select %and3A_228, %max3A_229, %select_n3A_211 : vector<16xi1>, vector<16xf32>
      %swap3A_231 = arith.constant 0 : index
      %swap3A_232 = tpu.vector_load %arg26[%swap3A_231] {strides = array<i32>} : memref<16xi32, #tpu.memory_space<vmem>>, vector<16xi32>,
      tpu.vector_store %arg26[%swap3A_231], %masked_sort3A_160 {strides = array<i32>} : memref<16xi32, #tpu.memory_space<vmem>>, vector<16xi32>,
      %add3A_233 = arith.constant 1 : i32
      %add3A_234 = vector.broadcast %add3A_233 : i32 to vector<16xi32>
      %add3A_235 = arith.addi %iota3A, %add3A_234 : vector<16xi32>
      %min3A_236 = arith.constant 15 : i32
      %min3A_237 = vector.broadcast %min3A_236 : i32 to vector<16xi32>
      %min3A_238 = arith.minsi %add3A_235, %min3A_237 : vector<16xi32>
      %gather3A_239 = tpu.vector_load_idx %arg26[%min3A_238] : memref<16xi32, #tpu.memory_space<vmem>>[vector<16xi32>], vector<16xi32>,
      %ne3A = arith.cmpi ne, %gather3A_239, %masked_sort3A_160 : vector<16xi32>
      %eq3A_240 = arith.constant 15 : i32
      %eq3A_241 = vector.broadcast %eq3A_240 : i32 to vector<16xi32>
      %eq3A_242 = arith.cmpi eq, %iota3A, %eq3A_241 : vector<16xi32>
      %or3A = arith.ori %ne3A, %eq3A_242 : vector<16xi1>
      %gather3A_243 = tpu.vector_load_idx %arg28[%masked_sort3A_160] : memref<10240xf32, #tpu.memory_space<vmem>>[vector<16xi32>], vector<16xf32>,
      %max3A_244 = arith.maximumf %gather3A_243, %select_n3A_230 : vector<16xf32>
      tpu.vector_store_idx %arg28[%masked_sort3A_160], %max3A_244 masked %or3A : memref<10240xf32, #tpu.memory_space<vmem>>[vector<16xi32>], vector<16xf32>, vector<16xi1>
      %add3A_245 = arith.constant 16 : i32
      %add3A_246 = vector.broadcast %add3A_245 : i32 to vector<16xi32>
      %add3A_247 = arith.addi %iota3A, %add3A_246 : vector<16xi32>
      %add3A_248 = arith.constant 16 : i32
      %add3A_249 = arith.addi %mul3A_118, %add3A_248 : i32
      %get3A_250 = arith.index_cast %add3A_249 : i32 to index
      %get3A_251 = tpu.vector_load %arg20[%get3A_250] {strides = array<i32>} : memref<5120xi32, #tpu.memory_space<vmem>>, vector<16xi32>,
      %add3A_252 = arith.constant 16 : i32
      %add3A_253 = arith.addi %mul3A_118, %add3A_252 : i32
      %get3A_254 = arith.index_cast %add3A_253 : i32 to index
      %get3A_255 = tpu.vector_load %arg22[%get3A_254] {strides = array<i32>} : memref<5120xi32, #tpu.memory_space<vmem>>, vector<16xi32>,
      %add3A_256 = arith.constant 16 : i32
      %add3A_257 = arith.addi %mul3A_118, %add3A_256 : i32
      %get3A_258 = arith.index_cast %add3A_257 : i32 to index
      %get3A_259 = tpu.vector_load %arg23[%get3A_258] {strides = array<i32>} : memref<5120xf32, #tpu.memory_space<vmem>>, vector<16xf32>,
      %broadcast_in_dim3A_260 = arith.constant 128 : i32
      %broadcast_in_dim3A_261 = vector.broadcast %broadcast_in_dim3A_260 : i32 to vector<16xi32>
      %gather3A_262 = tpu.vector_load_idx %arg24[%get3A_255, %broadcast_in_dim3A_261] : memref<128x256xf32, #tpu.memory_space<vmem>>[vector<16xi32>, vector<16xi32>], vector<16xf32>,
      %broadcast_in_dim3A_263 = arith.constant 256 : i32
      %broadcast_in_dim3A_264 = vector.broadcast %broadcast_in_dim3A_263 : i32 to vector<16xi32>
      %add3A_265 = arith.addi %broadcast_in_dim3A_264, %get3A_255 : vector<16xi32>
      %gather3A_266 = tpu.vector_load_idx %arg12[%add3A_247, %add3A_265] : memref<32x384xf32, #tpu.memory_space<vmem>>[vector<16xi32>, vector<16xi32>], vector<16xf32>,
      %broadcast_in_dim3A_267 = arith.constant 256 : i32
      %broadcast_in_dim3A_268 = vector.broadcast %broadcast_in_dim3A_267 : i32 to vector<16xi32>
      %add3A_269 = arith.addi %broadcast_in_dim3A_268, %get3A_255 : vector<16xi32>
      %gather3A_270 = tpu.vector_load_idx %arg14[%add3A_247, %add3A_269] : memref<32x384xf32, #tpu.memory_space<vmem>>[vector<16xi32>, vector<16xi32>], vector<16xf32>,
      %add3A_271 = arith.addf %get3A_259, %gather3A_262 : vector<16xf32>
      %add3A_272 = arith.addf %add3A_271, %gather3A_266 : vector<16xf32>
      %add3A_273 = arith.addf %add3A_272, %gather3A_270 : vector<16xf32>
      %scan3A_274 = arith.constant 0 : i32
      %scan3A_275 = arith.constant 32 : i32
      %scan3A_276 = arith.addi %scan3A_274, %scan3A_275 : i32
      %scan3A_277 = arith.constant 1 : i32
      %scan3A_278 = scf.for %scan3A_713 = %scan3A_274 to %scan3A_276 step %scan3A_277 iter_args(%scan3A_714 = %add3A_273) -> (vector<16xf32>)  : i32 {
        %mul3A_715 = arith.constant 4 : i32
        %mul3A_716 = arith.muli %scan3A_713, %mul3A_715 : i32
        %add3A_717 = arith.constant 0 : i32
        %add3A_718 = arith.addi %mul3A_716, %add3A_717 : i32
        %broadcast_in_dim3A_719 = vector.broadcast %add3A_718 : i32 to vector<16xi32>
        %gather3A_720 = tpu.vector_load_idx %arg16[%add3A_247, %broadcast_in_dim3A_719] : memref<32x128xf32, #tpu.memory_space<vmem>>[vector<16xi32>, vector<16xi32>], vector<16xf32>,
        %gather3A_721 = tpu.vector_load_idx %arg12[%add3A_247, %broadcast_in_dim3A_719] : memref<32x384xf32, #tpu.memory_space<vmem>>[vector<16xi32>, vector<16xi32>], vector<16xf32>,
        %broadcast_in_dim3A_722 = arith.constant 128 : i32
        %broadcast_in_dim3A_723 = vector.broadcast %broadcast_in_dim3A_722 : i32 to vector<16xi32>
        %add3A_724 = arith.addi %broadcast_in_dim3A_723, %broadcast_in_dim3A_719 : vector<16xi32>
        %gather3A_725 = tpu.vector_load_idx %arg12[%add3A_247, %add3A_724] : memref<32x384xf32, #tpu.memory_space<vmem>>[vector<16xi32>, vector<16xi32>], vector<16xf32>,
        %gather3A_726 = tpu.vector_load_idx %arg14[%add3A_247, %broadcast_in_dim3A_719] : memref<32x384xf32, #tpu.memory_space<vmem>>[vector<16xi32>, vector<16xi32>], vector<16xf32>,
        %broadcast_in_dim3A_727 = arith.constant 128 : i32
        %broadcast_in_dim3A_728 = vector.broadcast %broadcast_in_dim3A_727 : i32 to vector<16xi32>
        %add3A_729 = arith.addi %broadcast_in_dim3A_728, %broadcast_in_dim3A_719 : vector<16xi32>
        %gather3A_730 = tpu.vector_load_idx %arg14[%add3A_247, %add3A_729] : memref<32x384xf32, #tpu.memory_space<vmem>>[vector<16xi32>, vector<16xi32>], vector<16xf32>,
        %gather3A_731 = tpu.vector_load_idx %arg24[%get3A_255, %broadcast_in_dim3A_719] : memref<128x256xf32, #tpu.memory_space<vmem>>[vector<16xi32>, vector<16xi32>], vector<16xf32>,
        %add3A_732 = arith.addf %gather3A_721, %gather3A_726 : vector<16xf32>
        %add3A_733 = arith.addf %add3A_732, %gather3A_731 : vector<16xf32>
        %mul3A_734 = arith.mulf %gather3A_720, %add3A_733 : vector<16xf32>
        %add3A_735 = arith.addf %scan3A_714, %mul3A_734 : vector<16xf32>
        %mul3A_736 = arith.mulf %gather3A_725, %gather3A_730 : vector<16xf32>
        %add3A_737 = arith.addf %add3A_735, %mul3A_736 : vector<16xf32>
        %mul3A_738 = arith.constant 4 : i32
        %mul3A_739 = arith.muli %scan3A_713, %mul3A_738 : i32
        %add3A_740 = arith.constant 1 : i32
        %add3A_741 = arith.addi %mul3A_739, %add3A_740 : i32
        %broadcast_in_dim3A_742 = vector.broadcast %add3A_741 : i32 to vector<16xi32>
        %gather3A_743 = tpu.vector_load_idx %arg16[%add3A_247, %broadcast_in_dim3A_742] : memref<32x128xf32, #tpu.memory_space<vmem>>[vector<16xi32>, vector<16xi32>], vector<16xf32>,
        %gather3A_744 = tpu.vector_load_idx %arg12[%add3A_247, %broadcast_in_dim3A_742] : memref<32x384xf32, #tpu.memory_space<vmem>>[vector<16xi32>, vector<16xi32>], vector<16xf32>,
        %broadcast_in_dim3A_745 = arith.constant 128 : i32
        %broadcast_in_dim3A_746 = vector.broadcast %broadcast_in_dim3A_745 : i32 to vector<16xi32>
        %add3A_747 = arith.addi %broadcast_in_dim3A_746, %broadcast_in_dim3A_742 : vector<16xi32>
        %gather3A_748 = tpu.vector_load_idx %arg12[%add3A_247, %add3A_747] : memref<32x384xf32, #tpu.memory_space<vmem>>[vector<16xi32>, vector<16xi32>], vector<16xf32>,
        %gather3A_749 = tpu.vector_load_idx %arg14[%add3A_247, %broadcast_in_dim3A_742] : memref<32x384xf32, #tpu.memory_space<vmem>>[vector<16xi32>, vector<16xi32>], vector<16xf32>,
        %broadcast_in_dim3A_750 = arith.constant 128 : i32
        %broadcast_in_dim3A_751 = vector.broadcast %broadcast_in_dim3A_750 : i32 to vector<16xi32>
        %add3A_752 = arith.addi %broadcast_in_dim3A_751, %broadcast_in_dim3A_742 : vector<16xi32>
        %gather3A_753 = tpu.vector_load_idx %arg14[%add3A_247, %add3A_752] : memref<32x384xf32, #tpu.memory_space<vmem>>[vector<16xi32>, vector<16xi32>], vector<16xf32>,
        %gather3A_754 = tpu.vector_load_idx %arg24[%get3A_255, %broadcast_in_dim3A_742] : memref<128x256xf32, #tpu.memory_space<vmem>>[vector<16xi32>, vector<16xi32>], vector<16xf32>,
        %add3A_755 = arith.addf %gather3A_744, %gather3A_749 : vector<16xf32>
        %add3A_756 = arith.addf %add3A_755, %gather3A_754 : vector<16xf32>
        %mul3A_757 = arith.mulf %gather3A_743, %add3A_756 : vector<16xf32>
        %add3A_758 = arith.addf %add3A_737, %mul3A_757 : vector<16xf32>
        %mul3A_759 = arith.mulf %gather3A_748, %gather3A_753 : vector<16xf32>
        %add3A_760 = arith.addf %add3A_758, %mul3A_759 : vector<16xf32>
        %mul3A_761 = arith.constant 4 : i32
        %mul3A_762 = arith.muli %scan3A_713, %mul3A_761 : i32
        %add3A_763 = arith.constant 2 : i32
        %add3A_764 = arith.addi %mul3A_762, %add3A_763 : i32
        %broadcast_in_dim3A_765 = vector.broadcast %add3A_764 : i32 to vector<16xi32>
        %gather3A_766 = tpu.vector_load_idx %arg16[%add3A_247, %broadcast_in_dim3A_765] : memref<32x128xf32, #tpu.memory_space<vmem>>[vector<16xi32>, vector<16xi32>], vector<16xf32>,
        %gather3A_767 = tpu.vector_load_idx %arg12[%add3A_247, %broadcast_in_dim3A_765] : memref<32x384xf32, #tpu.memory_space<vmem>>[vector<16xi32>, vector<16xi32>], vector<16xf32>,
        %broadcast_in_dim3A_768 = arith.constant 128 : i32
        %broadcast_in_dim3A_769 = vector.broadcast %broadcast_in_dim3A_768 : i32 to vector<16xi32>
        %add3A_770 = arith.addi %broadcast_in_dim3A_769, %broadcast_in_dim3A_765 : vector<16xi32>
        %gather3A_771 = tpu.vector_load_idx %arg12[%add3A_247, %add3A_770] : memref<32x384xf32, #tpu.memory_space<vmem>>[vector<16xi32>, vector<16xi32>], vector<16xf32>,
        %gather3A_772 = tpu.vector_load_idx %arg14[%add3A_247, %broadcast_in_dim3A_765] : memref<32x384xf32, #tpu.memory_space<vmem>>[vector<16xi32>, vector<16xi32>], vector<16xf32>,
        %broadcast_in_dim3A_773 = arith.constant 128 : i32
        %broadcast_in_dim3A_774 = vector.broadcast %broadcast_in_dim3A_773 : i32 to vector<16xi32>
        %add3A_775 = arith.addi %broadcast_in_dim3A_774, %broadcast_in_dim3A_765 : vector<16xi32>
        %gather3A_776 = tpu.vector_load_idx %arg14[%add3A_247, %add3A_775] : memref<32x384xf32, #tpu.memory_space<vmem>>[vector<16xi32>, vector<16xi32>], vector<16xf32>,
        %gather3A_777 = tpu.vector_load_idx %arg24[%get3A_255, %broadcast_in_dim3A_765] : memref<128x256xf32, #tpu.memory_space<vmem>>[vector<16xi32>, vector<16xi32>], vector<16xf32>,
        %add3A_778 = arith.addf %gather3A_767, %gather3A_772 : vector<16xf32>
        %add3A_779 = arith.addf %add3A_778, %gather3A_777 : vector<16xf32>
        %mul3A_780 = arith.mulf %gather3A_766, %add3A_779 : vector<16xf32>
        %add3A_781 = arith.addf %add3A_760, %mul3A_780 : vector<16xf32>
        %mul3A_782 = arith.mulf %gather3A_771, %gather3A_776 : vector<16xf32>
        %add3A_783 = arith.addf %add3A_781, %mul3A_782 : vector<16xf32>
        %mul3A_784 = arith.constant 4 : i32
        %mul3A_785 = arith.muli %scan3A_713, %mul3A_784 : i32
        %add3A_786 = arith.constant 3 : i32
        %add3A_787 = arith.addi %mul3A_785, %add3A_786 : i32
        %broadcast_in_dim3A_788 = vector.broadcast %add3A_787 : i32 to vector<16xi32>
        %gather3A_789 = tpu.vector_load_idx %arg16[%add3A_247, %broadcast_in_dim3A_788] : memref<32x128xf32, #tpu.memory_space<vmem>>[vector<16xi32>, vector<16xi32>], vector<16xf32>,
        %gather3A_790 = tpu.vector_load_idx %arg12[%add3A_247, %broadcast_in_dim3A_788] : memref<32x384xf32, #tpu.memory_space<vmem>>[vector<16xi32>, vector<16xi32>], vector<16xf32>,
        %broadcast_in_dim3A_791 = arith.constant 128 : i32
        %broadcast_in_dim3A_792 = vector.broadcast %broadcast_in_dim3A_791 : i32 to vector<16xi32>
        %add3A_793 = arith.addi %broadcast_in_dim3A_792, %broadcast_in_dim3A_788 : vector<16xi32>
        %gather3A_794 = tpu.vector_load_idx %arg12[%add3A_247, %add3A_793] : memref<32x384xf32, #tpu.memory_space<vmem>>[vector<16xi32>, vector<16xi32>], vector<16xf32>,
        %gather3A_795 = tpu.vector_load_idx %arg14[%add3A_247, %broadcast_in_dim3A_788] : memref<32x384xf32, #tpu.memory_space<vmem>>[vector<16xi32>, vector<16xi32>], vector<16xf32>,
        %broadcast_in_dim3A_796 = arith.constant 128 : i32
        %broadcast_in_dim3A_797 = vector.broadcast %broadcast_in_dim3A_796 : i32 to vector<16xi32>
        %add3A_798 = arith.addi %broadcast_in_dim3A_797, %broadcast_in_dim3A_788 : vector<16xi32>
        %gather3A_799 = tpu.vector_load_idx %arg14[%add3A_247, %add3A_798] : memref<32x384xf32, #tpu.memory_space<vmem>>[vector<16xi32>, vector<16xi32>], vector<16xf32>,
        %gather3A_800 = tpu.vector_load_idx %arg24[%get3A_255, %broadcast_in_dim3A_788] : memref<128x256xf32, #tpu.memory_space<vmem>>[vector<16xi32>, vector<16xi32>], vector<16xf32>,
        %add3A_801 = arith.addf %gather3A_790, %gather3A_795 : vector<16xf32>
        %add3A_802 = arith.addf %add3A_801, %gather3A_800 : vector<16xf32>
        %mul3A_803 = arith.mulf %gather3A_789, %add3A_802 : vector<16xf32>
        %add3A_804 = arith.addf %add3A_783, %mul3A_803 : vector<16xf32>
        %mul3A_805 = arith.mulf %gather3A_794, %gather3A_799 : vector<16xf32>
        %add3A_806 = arith.addf %add3A_804, %mul3A_805 : vector<16xf32>
        scf.yield %add3A_806 : vector<16xf32>
      }
      %scan3A_279 = arith.constant 32 : i32
      %swap3A_280 = arith.constant 16 : index
      %swap3A_281 = tpu.vector_load %arg25[%swap3A_280] {strides = array<i32>} : memref<32xf32, #tpu.memory_space<vmem>>, vector<16xf32>,
      tpu.vector_store %arg25[%swap3A_280], %scan3A_278 {strides = array<i32>} : memref<32xf32, #tpu.memory_space<vmem>>, vector<16xf32>,
      %masked_sort3A_282 = arith.constant dense<true> : vector<16xi1>
      %masked_sort3A_283 = arith.constant -2147483648 : i32
      %masked_sort3A_284 = vector.broadcast %masked_sort3A_283 : i32 to vector<16xi32>
      %masked_sort3A_285 = arith.xori %get3A_251, %masked_sort3A_284 : vector<16xi32>
      %masked_sort3A_286, %masked_sort3A_287, %masked_sort3A_288 = tpu.sort %masked_sort3A_285, %scan3A_278 masked %masked_sort3A_282 : (vector<16xi32>, vector<16xf32>, vector<16xi1>) -> (vector<16xi1>, vector<16xi32>, vector<16xf32>)
      %masked_sort3A_289 = arith.xori %masked_sort3A_287, %masked_sort3A_284 : vector<16xi32>
      %swap3A_290 = arith.constant 0 : index
      %swap3A_291 = tpu.vector_load %arg26[%swap3A_290] {strides = array<i32>} : memref<16xi32, #tpu.memory_space<vmem>>, vector<16xi32>,
      tpu.vector_store %arg26[%swap3A_290], %masked_sort3A_289 {strides = array<i32>} : memref<16xi32, #tpu.memory_space<vmem>>, vector<16xi32>,
      %swap3A_292 = arith.constant 0 : index
      %swap3A_293 = tpu.vector_load %arg27[%swap3A_292] {strides = array<i32>} : memref<16xf32, #tpu.memory_space<vmem>>, vector<16xf32>,
      tpu.vector_store %arg27[%swap3A_292], %masked_sort3A_288 {strides = array<i32>} : memref<16xf32, #tpu.memory_space<vmem>>, vector<16xf32>,
      %sub3A_294 = arith.constant 1 : i32
      %sub3A_295 = vector.broadcast %sub3A_294 : i32 to vector<16xi32>
      %sub3A_296 = arith.subi %iota3A, %sub3A_295 : vector<16xi32>
      %max3A_297 = arith.constant 0 : i32
      %max3A_298 = vector.broadcast %max3A_297 : i32 to vector<16xi32>
      %max3A_299 = arith.maxsi %sub3A_296, %max3A_298 : vector<16xi32>
      %gather3A_300 = tpu.vector_load_idx %arg26[%max3A_299] : memref<16xi32, #tpu.memory_space<vmem>>[vector<16xi32>], vector<16xi32>,
      %gather3A_301 = tpu.vector_load_idx %arg27[%max3A_299] : memref<16xf32, #tpu.memory_space<vmem>>[vector<16xi32>], vector<16xf32>,
      %eq3A_302 = arith.cmpi eq, %gather3A_300, %masked_sort3A_289 : vector<16xi32>
      %ge3A_303 = arith.constant 1 : i32
      %ge3A_304 = vector.broadcast %ge3A_303 : i32 to vector<16xi32>
      %ge3A_305 = arith.cmpi sge, %iota3A, %ge3A_304 : vector<16xi32>
      %and3A_306 = arith.andi %eq3A_302, %ge3A_305 : vector<16xi1>
      %max3A_307 = arith.maximumf %masked_sort3A_288, %gather3A_301 : vector<16xf32>
      %select_n3A_308 = arith.select %and3A_306, %max3A_307, %masked_sort3A_288 : vector<16xi1>, vector<16xf32>
      %swap3A_309 = arith.constant 0 : index
      %swap3A_310 = tpu.vector_load %arg26[%swap3A_309] {strides = array<i32>} : memref<16xi32, #tpu.memory_space<vmem>>, vector<16xi32>,
      tpu.vector_store %arg26[%swap3A_309], %masked_sort3A_289 {strides = array<i32>} : memref<16xi32, #tpu.memory_space<vmem>>, vector<16xi32>,
      %swap3A_311 = arith.constant 0 : index
      %swap3A_312 = tpu.vector_load %arg27[%swap3A_311] {strides = array<i32>} : memref<16xf32, #tpu.memory_space<vmem>>, vector<16xf32>,
      tpu.vector_store %arg27[%swap3A_311], %select_n3A_308 {strides = array<i32>} : memref<16xf32, #tpu.memory_space<vmem>>, vector<16xf32>,
      %sub3A_313 = arith.constant 2 : i32
      %sub3A_314 = vector.broadcast %sub3A_313 : i32 to vector<16xi32>
      %sub3A_315 = arith.subi %iota3A, %sub3A_314 : vector<16xi32>
      %max3A_316 = arith.constant 0 : i32
      %max3A_317 = vector.broadcast %max3A_316 : i32 to vector<16xi32>
      %max3A_318 = arith.maxsi %sub3A_315, %max3A_317 : vector<16xi32>
      %gather3A_319 = tpu.vector_load_idx %arg26[%max3A_318] : memref<16xi32, #tpu.memory_space<vmem>>[vector<16xi32>], vector<16xi32>,
      %gather3A_320 = tpu.vector_load_idx %arg27[%max3A_318] : memref<16xf32, #tpu.memory_space<vmem>>[vector<16xi32>], vector<16xf32>,
      %eq3A_321 = arith.cmpi eq, %gather3A_319, %masked_sort3A_289 : vector<16xi32>
      %ge3A_322 = arith.constant 2 : i32
      %ge3A_323 = vector.broadcast %ge3A_322 : i32 to vector<16xi32>
      %ge3A_324 = arith.cmpi sge, %iota3A, %ge3A_323 : vector<16xi32>
      %and3A_325 = arith.andi %eq3A_321, %ge3A_324 : vector<16xi1>
      %max3A_326 = arith.maximumf %select_n3A_308, %gather3A_320 : vector<16xf32>
      %select_n3A_327 = arith.select %and3A_325, %max3A_326, %select_n3A_308 : vector<16xi1>, vector<16xf32>
      %swap3A_328 = arith.constant 0 : index
      %swap3A_329 = tpu.vector_load %arg26[%swap3A_328] {strides = array<i32>} : memref<16xi32, #tpu.memory_space<vmem>>, vector<16xi32>,
      tpu.vector_store %arg26[%swap3A_328], %masked_sort3A_289 {strides = array<i32>} : memref<16xi32, #tpu.memory_space<vmem>>, vector<16xi32>,
      %swap3A_330 = arith.constant 0 : index
      %swap3A_331 = tpu.vector_load %arg27[%swap3A_330] {strides = array<i32>} : memref<16xf32, #tpu.memory_space<vmem>>, vector<16xf32>,
      tpu.vector_store %arg27[%swap3A_330], %select_n3A_327 {strides = array<i32>} : memref<16xf32, #tpu.memory_space<vmem>>, vector<16xf32>,
      %sub3A_332 = arith.constant 4 : i32
      %sub3A_333 = vector.broadcast %sub3A_332 : i32 to vector<16xi32>
      %sub3A_334 = arith.subi %iota3A, %sub3A_333 : vector<16xi32>
      %max3A_335 = arith.constant 0 : i32
      %max3A_336 = vector.broadcast %max3A_335 : i32 to vector<16xi32>
      %max3A_337 = arith.maxsi %sub3A_334, %max3A_336 : vector<16xi32>
      %gather3A_338 = tpu.vector_load_idx %arg26[%max3A_337] : memref<16xi32, #tpu.memory_space<vmem>>[vector<16xi32>], vector<16xi32>,
      %gather3A_339 = tpu.vector_load_idx %arg27[%max3A_337] : memref<16xf32, #tpu.memory_space<vmem>>[vector<16xi32>], vector<16xf32>,
      %eq3A_340 = arith.cmpi eq, %gather3A_338, %masked_sort3A_289 : vector<16xi32>
      %ge3A_341 = arith.constant 4 : i32
      %ge3A_342 = vector.broadcast %ge3A_341 : i32 to vector<16xi32>
      %ge3A_343 = arith.cmpi sge, %iota3A, %ge3A_342 : vector<16xi32>
      %and3A_344 = arith.andi %eq3A_340, %ge3A_343 : vector<16xi1>
      %max3A_345 = arith.maximumf %select_n3A_327, %gather3A_339 : vector<16xf32>
      %select_n3A_346 = arith.select %and3A_344, %max3A_345, %select_n3A_327 : vector<16xi1>, vector<16xf32>
      %swap3A_347 = arith.constant 0 : index
      %swap3A_348 = tpu.vector_load %arg26[%swap3A_347] {strides = array<i32>} : memref<16xi32, #tpu.memory_space<vmem>>, vector<16xi32>,
      tpu.vector_store %arg26[%swap3A_347], %masked_sort3A_289 {strides = array<i32>} : memref<16xi32, #tpu.memory_space<vmem>>, vector<16xi32>,
      %swap3A_349 = arith.constant 0 : index
      %swap3A_350 = tpu.vector_load %arg27[%swap3A_349] {strides = array<i32>} : memref<16xf32, #tpu.memory_space<vmem>>, vector<16xf32>,
      tpu.vector_store %arg27[%swap3A_349], %select_n3A_346 {strides = array<i32>} : memref<16xf32, #tpu.memory_space<vmem>>, vector<16xf32>,
      %sub3A_351 = arith.constant 8 : i32
      %sub3A_352 = vector.broadcast %sub3A_351 : i32 to vector<16xi32>
      %sub3A_353 = arith.subi %iota3A, %sub3A_352 : vector<16xi32>
      %max3A_354 = arith.constant 0 : i32
      %max3A_355 = vector.broadcast %max3A_354 : i32 to vector<16xi32>
      %max3A_356 = arith.maxsi %sub3A_353, %max3A_355 : vector<16xi32>
      %gather3A_357 = tpu.vector_load_idx %arg26[%max3A_356] : memref<16xi32, #tpu.memory_space<vmem>>[vector<16xi32>], vector<16xi32>,
      %gather3A_358 = tpu.vector_load_idx %arg27[%max3A_356] : memref<16xf32, #tpu.memory_space<vmem>>[vector<16xi32>], vector<16xf32>,
      %eq3A_359 = arith.cmpi eq, %gather3A_357, %masked_sort3A_289 : vector<16xi32>
      %ge3A_360 = arith.constant 8 : i32
      %ge3A_361 = vector.broadcast %ge3A_360 : i32 to vector<16xi32>
      %ge3A_362 = arith.cmpi sge, %iota3A, %ge3A_361 : vector<16xi32>
      %and3A_363 = arith.andi %eq3A_359, %ge3A_362 : vector<16xi1>
      %max3A_364 = arith.maximumf %select_n3A_346, %gather3A_358 : vector<16xf32>
      %select_n3A_365 = arith.select %and3A_363, %max3A_364, %select_n3A_346 : vector<16xi1>, vector<16xf32>
      %swap3A_366 = arith.constant 0 : index
      %swap3A_367 = tpu.vector_load %arg26[%swap3A_366] {strides = array<i32>} : memref<16xi32, #tpu.memory_space<vmem>>, vector<16xi32>,
      tpu.vector_store %arg26[%swap3A_366], %masked_sort3A_289 {strides = array<i32>} : memref<16xi32, #tpu.memory_space<vmem>>, vector<16xi32>,
      %add3A_368 = arith.constant 1 : i32
      %add3A_369 = vector.broadcast %add3A_368 : i32 to vector<16xi32>
      %add3A_370 = arith.addi %iota3A, %add3A_369 : vector<16xi32>
      %min3A_371 = arith.constant 15 : i32
      %min3A_372 = vector.broadcast %min3A_371 : i32 to vector<16xi32>
      %min3A_373 = arith.minsi %add3A_370, %min3A_372 : vector<16xi32>
      %gather3A_374 = tpu.vector_load_idx %arg26[%min3A_373] : memref<16xi32, #tpu.memory_space<vmem>>[vector<16xi32>], vector<16xi32>,
      %ne3A_375 = arith.cmpi ne, %gather3A_374, %masked_sort3A_289 : vector<16xi32>
      %eq3A_376 = arith.constant 15 : i32
      %eq3A_377 = vector.broadcast %eq3A_376 : i32 to vector<16xi32>
      %eq3A_378 = arith.cmpi eq, %iota3A, %eq3A_377 : vector<16xi32>
      %or3A_379 = arith.ori %ne3A_375, %eq3A_378 : vector<16xi1>
      %gather3A_380 = tpu.vector_load_idx %arg28[%masked_sort3A_289] : memref<10240xf32, #tpu.memory_space<vmem>>[vector<16xi32>], vector<16xf32>,
      %max3A_381 = arith.maximumf %gather3A_380, %select_n3A_365 : vector<16xf32>
      tpu.vector_store_idx %arg28[%masked_sort3A_289], %max3A_381 masked %or3A_379 : memref<10240xf32, #tpu.memory_space<vmem>>[vector<16xi32>], vector<16xf32>, vector<16xi1>
      %add3A_382 = arith.addi %mul3A_2, %mul3A_118 : i32
      "tpu.region"() ({
        %run_scoped3A = tpu.sem_alloc : memref<!tpu.dma_semaphore, #tpu.memory_space<semaphore_mem>>
        %dma_start3A_713 = tpu.memref_slice %arg10[%add3A_382] : memref<163840xf32, #tpu.memory_space<hbm>> -> memref<32xf32, #tpu.memory_space<hbm>>
        %dma_start3A_714 = tpu.memref_slice %arg10[%add3A_382] : memref<163840xf32, #tpu.memory_space<hbm>> -> memref<32xf32, #tpu.memory_space<hbm>>
        tpu.enqueue_dma source(%arg25 : memref<32xf32, #tpu.memory_space<vmem>>) target(%dma_start3A_714 : memref<32xf32, #tpu.memory_space<hbm>>) target_semaphore(%run_scoped3A : memref<!tpu.dma_semaphore, #tpu.memory_space<semaphore_mem>>)
        %dma_wait3A_715 = tpu.memref_slice %arg10[%add3A_382] : memref<163840xf32, #tpu.memory_space<hbm>> -> memref<32xf32, #tpu.memory_space<hbm>>
        %dma_wait3A_716 = tpu.memref_slice %arg10[%add3A_382] : memref<163840xf32, #tpu.memory_space<hbm>> -> memref<32xf32, #tpu.memory_space<hbm>>
        tpu.wait_dma2 semaphore(%run_scoped3A : memref<!tpu.dma_semaphore, #tpu.memory_space<semaphore_mem>>) src(%arg25 : memref<32xf32, #tpu.memory_space<vmem>>) dst(%dma_wait3A_716 : memref<32xf32, #tpu.memory_space<hbm>>)
        tpu.yield
      }) : () -> ()
      %dma_wait3A_383 = arith.constant 0 : i32
      %dma_wait3A_384 = arith.constant 0 : i32
      %dma_wait3A_385 = tpu.memref_slice %arg2[%dma_wait3A_383, %dma_wait3A_384] : memref<10240x384xf32, #tpu.memory_space<hbm>> -> memref<32x384xf32, #tpu.memory_space<hbm>>
      %dma_wait3A_386 = arith.constant 0 : i32
      %dma_wait3A_387 = arith.constant 0 : i32
      %dma_wait3A_388 = tpu.memref_slice %arg2[%dma_wait3A_386, %dma_wait3A_387] : memref<10240x384xf32, #tpu.memory_space<hbm>> -> memref<32x384xf32, #tpu.memory_space<hbm>>
      tpu.wait_dma2 semaphore(%arg30 : memref<!tpu.dma_semaphore, #tpu.memory_space<semaphore_mem>>) src(%dma_wait3A_388 : memref<32x384xf32, #tpu.memory_space<hbm>>) dst(%arg13 : memref<32x384xf32, #tpu.memory_space<vmem>>)
      %dma_wait3A_389 = arith.constant 0 : i32
      %dma_wait3A_390 = arith.constant 0 : i32
      %dma_wait3A_391 = tpu.memref_slice %arg3[%dma_wait3A_389, %dma_wait3A_390] : memref<10240x384xf32, #tpu.memory_space<hbm>> -> memref<32x384xf32, #tpu.memory_space<hbm>>
      %dma_wait3A_392 = arith.constant 0 : i32
      %dma_wait3A_393 = arith.constant 0 : i32
      %dma_wait3A_394 = tpu.memref_slice %arg3[%dma_wait3A_392, %dma_wait3A_393] : memref<10240x384xf32, #tpu.memory_space<hbm>> -> memref<32x384xf32, #tpu.memory_space<hbm>>
      tpu.wait_dma2 semaphore(%arg32 : memref<!tpu.dma_semaphore, #tpu.memory_space<semaphore_mem>>) src(%dma_wait3A_394 : memref<32x384xf32, #tpu.memory_space<hbm>>) dst(%arg15 : memref<32x384xf32, #tpu.memory_space<vmem>>)
      %dma_wait3A_395 = arith.constant 0 : i32
      %dma_wait3A_396 = arith.constant 0 : i32
      %dma_wait3A_397 = tpu.memref_slice %arg5[%dma_wait3A_395, %dma_wait3A_396] : memref<160000x128xf32, #tpu.memory_space<hbm>> -> memref<32x128xf32, #tpu.memory_space<hbm>>
      %dma_wait3A_398 = arith.constant 0 : i32
      %dma_wait3A_399 = arith.constant 0 : i32
      %dma_wait3A_400 = tpu.memref_slice %arg5[%dma_wait3A_398, %dma_wait3A_399] : memref<160000x128xf32, #tpu.memory_space<hbm>> -> memref<32x128xf32, #tpu.memory_space<hbm>>
      tpu.wait_dma2 semaphore(%arg34 : memref<!tpu.dma_semaphore, #tpu.memory_space<semaphore_mem>>) src(%dma_wait3A_400 : memref<32x128xf32, #tpu.memory_space<hbm>>) dst(%arg17 : memref<32x128xf32, #tpu.memory_space<vmem>>)
      %add3A_401 = arith.constant 2 : i32
      %add3A_402 = arith.addi %mul3A_67, %add3A_401 : i32
      %min3A_403 = arith.minsi %add3A_402, %scan3A_39 : i32
      %mul3A_404 = arith.constant 32 : i32
      %mul3A_405 = arith.muli %min3A_403, %mul3A_404 : i32
      %add3A_406 = arith.addi %mul3A_2, %mul3A_405 : i32
      %add3A_407 = arith.constant 0 : i32
      %add3A_408 = arith.addi %add3A_406, %add3A_407 : i32
      %broadcast_in_dim3A_409 = vector.broadcast %add3A_408 : i32 to vector<16xi32>
      %add3A_410 = arith.addi %broadcast_in_dim3A_409, %iota3A : vector<16xi32>
      %min3A_411 = arith.minsi %add3A_410, %broadcast_in_dim3A_11 : vector<16xi32>
      %swap3A_412 = arith.constant 0 : index
      %swap3A_413 = tpu.vector_load %arg18[%swap3A_412] {strides = array<i32>} : memref<32xi32, #tpu.memory_space<vmem>>, vector<16xi32>,
      tpu.vector_store %arg18[%swap3A_412], %min3A_411 {strides = array<i32>} : memref<32xi32, #tpu.memory_space<vmem>>, vector<16xi32>,
      %add3A_414 = arith.addi %mul3A_2, %mul3A_405 : i32
      %add3A_415 = arith.constant 16 : i32
      %add3A_416 = arith.addi %add3A_414, %add3A_415 : i32
      %broadcast_in_dim3A_417 = vector.broadcast %add3A_416 : i32 to vector<16xi32>
      %add3A_418 = arith.addi %broadcast_in_dim3A_417, %iota3A : vector<16xi32>
      %min3A_419 = arith.minsi %add3A_418, %broadcast_in_dim3A_11 : vector<16xi32>
      %swap3A_420 = arith.constant 16 : index
      %swap3A_421 = tpu.vector_load %arg18[%swap3A_420] {strides = array<i32>} : memref<32xi32, #tpu.memory_space<vmem>>, vector<16xi32>,
      tpu.vector_store %arg18[%swap3A_420], %min3A_419 {strides = array<i32>} : memref<32xi32, #tpu.memory_space<vmem>>, vector<16xi32>,
      %dma_start3A_422 = tpu.memref_slice %arg20[%mul3A_405] : memref<5120xi32, #tpu.memory_space<vmem>> -> memref<32xi32, #tpu.memory_space<vmem>>
      %dma_start3A_423 = arith.constant 0 : i32
      %dma_start3A_424 = arith.constant 0 : i32
      %dma_start3A_425 = tpu.memref_slice %arg2[%dma_start3A_423, %dma_start3A_424] : memref<10240x384xf32, #tpu.memory_space<hbm>> -> memref<10240x384xf32, #tpu.memory_space<hbm>>
      tpu.enqueue_indirect_dma source(%dma_start3A_425 : memref<10240x384xf32, #tpu.memory_space<hbm>>) target(%arg12 : memref<32x384xf32, #tpu.memory_space<vmem>>) offsets(%dma_start3A_422 : memref<32xi32, #tpu.memory_space<vmem>>) semaphore(%arg29 : memref<!tpu.dma_semaphore, #tpu.memory_space<semaphore_mem>>)
      %dma_start3A_426 = tpu.memref_slice %arg21[%mul3A_405] : memref<5120xi32, #tpu.memory_space<vmem>> -> memref<32xi32, #tpu.memory_space<vmem>>
      %dma_start3A_427 = arith.constant 0 : i32
      %dma_start3A_428 = arith.constant 0 : i32
      %dma_start3A_429 = tpu.memref_slice %arg3[%dma_start3A_427, %dma_start3A_428] : memref<10240x384xf32, #tpu.memory_space<hbm>> -> memref<10240x384xf32, #tpu.memory_space<hbm>>
      tpu.enqueue_indirect_dma source(%dma_start3A_429 : memref<10240x384xf32, #tpu.memory_space<hbm>>) target(%arg14 : memref<32x384xf32, #tpu.memory_space<vmem>>) offsets(%dma_start3A_426 : memref<32xi32, #tpu.memory_space<vmem>>) semaphore(%arg31 : memref<!tpu.dma_semaphore, #tpu.memory_space<semaphore_mem>>)
      %dma_start3A_430 = arith.constant 0 : i32
      %dma_start3A_431 = arith.constant 0 : i32
      %dma_start3A_432 = tpu.memref_slice %arg5[%dma_start3A_430, %dma_start3A_431] : memref<160000x128xf32, #tpu.memory_space<hbm>> -> memref<160000x128xf32, #tpu.memory_space<hbm>>
      tpu.enqueue_indirect_dma source(%dma_start3A_432 : memref<160000x128xf32, #tpu.memory_space<hbm>>) target(%arg16 : memref<32x128xf32, #tpu.memory_space<vmem>>) offsets(%arg18 : memref<32xi32, #tpu.memory_space<vmem>>) semaphore(%arg33 : memref<!tpu.dma_semaphore, #tpu.memory_space<semaphore_mem>>)
      %add3A_433 = arith.constant 1 : i32
      %add3A_434 = arith.addi %mul3A_67, %add3A_433 : i32
      %mul3A_435 = arith.constant 32 : i32
      %mul3A_436 = arith.muli %add3A_434, %mul3A_435 : i32
      %add3A_437 = arith.constant 0 : i32
      %add3A_438 = vector.broadcast %add3A_437 : i32 to vector<16xi32>
      %add3A_439 = arith.addi %iota3A, %add3A_438 : vector<16xi32>
      %add3A_440 = arith.constant 0 : i32
      %add3A_441 = arith.addi %mul3A_436, %add3A_440 : i32
      %get3A_442 = arith.index_cast %add3A_441 : i32 to index
      %get3A_443 = tpu.vector_load %arg20[%get3A_442] {strides = array<i32>} : memref<5120xi32, #tpu.memory_space<vmem>>, vector<16xi32>,
      %add3A_444 = arith.constant 0 : i32
      %add3A_445 = arith.addi %mul3A_436, %add3A_444 : i32
      %get3A_446 = arith.index_cast %add3A_445 : i32 to index
      %get3A_447 = tpu.vector_load %arg22[%get3A_446] {strides = array<i32>} : memref<5120xi32, #tpu.memory_space<vmem>>, vector<16xi32>,
      %add3A_448 = arith.constant 0 : i32
      %add3A_449 = arith.addi %mul3A_436, %add3A_448 : i32
      %get3A_450 = arith.index_cast %add3A_449 : i32 to index
      %get3A_451 = tpu.vector_load %arg23[%get3A_450] {strides = array<i32>} : memref<5120xf32, #tpu.memory_space<vmem>>, vector<16xf32>,
      %broadcast_in_dim3A_452 = arith.constant 128 : i32
      %broadcast_in_dim3A_453 = vector.broadcast %broadcast_in_dim3A_452 : i32 to vector<16xi32>
      %gather3A_454 = tpu.vector_load_idx %arg24[%get3A_447, %broadcast_in_dim3A_453] : memref<128x256xf32, #tpu.memory_space<vmem>>[vector<16xi32>, vector<16xi32>], vector<16xf32>,
      %broadcast_in_dim3A_455 = arith.constant 256 : i32
      %broadcast_in_dim3A_456 = vector.broadcast %broadcast_in_dim3A_455 : i32 to vector<16xi32>
      %add3A_457 = arith.addi %broadcast_in_dim3A_456, %get3A_447 : vector<16xi32>
      %gather3A_458 = tpu.vector_load_idx %arg13[%add3A_439, %add3A_457] : memref<32x384xf32, #tpu.memory_space<vmem>>[vector<16xi32>, vector<16xi32>], vector<16xf32>,
      %broadcast_in_dim3A_459 = arith.constant 256 : i32
      %broadcast_in_dim3A_460 = vector.broadcast %broadcast_in_dim3A_459 : i32 to vector<16xi32>
      %add3A_461 = arith.addi %broadcast_in_dim3A_460, %get3A_447 : vector<16xi32>
      %gather3A_462 = tpu.vector_load_idx %arg15[%add3A_439, %add3A_461] : memref<32x384xf32, #tpu.memory_space<vmem>>[vector<16xi32>, vector<16xi32>], vector<16xf32>,
      %add3A_463 = arith.addf %get3A_451, %gather3A_454 : vector<16xf32>
      %add3A_464 = arith.addf %add3A_463, %gather3A_458 : vector<16xf32>
      %add3A_465 = arith.addf %add3A_464, %gather3A_462 : vector<16xf32>
      %scan3A_466 = arith.constant 0 : i32
      %scan3A_467 = arith.constant 32 : i32
      %scan3A_468 = arith.addi %scan3A_466, %scan3A_467 : i32
      %scan3A_469 = arith.constant 1 : i32
      %scan3A_470 = scf.for %scan3A_713 = %scan3A_466 to %scan3A_468 step %scan3A_469 iter_args(%scan3A_714 = %add3A_465) -> (vector<16xf32>)  : i32 {
        %mul3A_715 = arith.constant 4 : i32
        %mul3A_716 = arith.muli %scan3A_713, %mul3A_715 : i32
        %add3A_717 = arith.constant 0 : i32
        %add3A_718 = arith.addi %mul3A_716, %add3A_717 : i32
        %broadcast_in_dim3A_719 = vector.broadcast %add3A_718 : i32 to vector<16xi32>
        %gather3A_720 = tpu.vector_load_idx %arg17[%add3A_439, %broadcast_in_dim3A_719] : memref<32x128xf32, #tpu.memory_space<vmem>>[vector<16xi32>, vector<16xi32>], vector<16xf32>,
        %gather3A_721 = tpu.vector_load_idx %arg13[%add3A_439, %broadcast_in_dim3A_719] : memref<32x384xf32, #tpu.memory_space<vmem>>[vector<16xi32>, vector<16xi32>], vector<16xf32>,
        %broadcast_in_dim3A_722 = arith.constant 128 : i32
        %broadcast_in_dim3A_723 = vector.broadcast %broadcast_in_dim3A_722 : i32 to vector<16xi32>
        %add3A_724 = arith.addi %broadcast_in_dim3A_723, %broadcast_in_dim3A_719 : vector<16xi32>
        %gather3A_725 = tpu.vector_load_idx %arg13[%add3A_439, %add3A_724] : memref<32x384xf32, #tpu.memory_space<vmem>>[vector<16xi32>, vector<16xi32>], vector<16xf32>,
        %gather3A_726 = tpu.vector_load_idx %arg15[%add3A_439, %broadcast_in_dim3A_719] : memref<32x384xf32, #tpu.memory_space<vmem>>[vector<16xi32>, vector<16xi32>], vector<16xf32>,
        %broadcast_in_dim3A_727 = arith.constant 128 : i32
        %broadcast_in_dim3A_728 = vector.broadcast %broadcast_in_dim3A_727 : i32 to vector<16xi32>
        %add3A_729 = arith.addi %broadcast_in_dim3A_728, %broadcast_in_dim3A_719 : vector<16xi32>
        %gather3A_730 = tpu.vector_load_idx %arg15[%add3A_439, %add3A_729] : memref<32x384xf32, #tpu.memory_space<vmem>>[vector<16xi32>, vector<16xi32>], vector<16xf32>,
        %gather3A_731 = tpu.vector_load_idx %arg24[%get3A_447, %broadcast_in_dim3A_719] : memref<128x256xf32, #tpu.memory_space<vmem>>[vector<16xi32>, vector<16xi32>], vector<16xf32>,
        %add3A_732 = arith.addf %gather3A_721, %gather3A_726 : vector<16xf32>
        %add3A_733 = arith.addf %add3A_732, %gather3A_731 : vector<16xf32>
        %mul3A_734 = arith.mulf %gather3A_720, %add3A_733 : vector<16xf32>
        %add3A_735 = arith.addf %scan3A_714, %mul3A_734 : vector<16xf32>
        %mul3A_736 = arith.mulf %gather3A_725, %gather3A_730 : vector<16xf32>
        %add3A_737 = arith.addf %add3A_735, %mul3A_736 : vector<16xf32>
        %mul3A_738 = arith.constant 4 : i32
        %mul3A_739 = arith.muli %scan3A_713, %mul3A_738 : i32
        %add3A_740 = arith.constant 1 : i32
        %add3A_741 = arith.addi %mul3A_739, %add3A_740 : i32
        %broadcast_in_dim3A_742 = vector.broadcast %add3A_741 : i32 to vector<16xi32>
        %gather3A_743 = tpu.vector_load_idx %arg17[%add3A_439, %broadcast_in_dim3A_742] : memref<32x128xf32, #tpu.memory_space<vmem>>[vector<16xi32>, vector<16xi32>], vector<16xf32>,
        %gather3A_744 = tpu.vector_load_idx %arg13[%add3A_439, %broadcast_in_dim3A_742] : memref<32x384xf32, #tpu.memory_space<vmem>>[vector<16xi32>, vector<16xi32>], vector<16xf32>,
        %broadcast_in_dim3A_745 = arith.constant 128 : i32
        %broadcast_in_dim3A_746 = vector.broadcast %broadcast_in_dim3A_745 : i32 to vector<16xi32>
        %add3A_747 = arith.addi %broadcast_in_dim3A_746, %broadcast_in_dim3A_742 : vector<16xi32>
        %gather3A_748 = tpu.vector_load_idx %arg13[%add3A_439, %add3A_747] : memref<32x384xf32, #tpu.memory_space<vmem>>[vector<16xi32>, vector<16xi32>], vector<16xf32>,
        %gather3A_749 = tpu.vector_load_idx %arg15[%add3A_439, %broadcast_in_dim3A_742] : memref<32x384xf32, #tpu.memory_space<vmem>>[vector<16xi32>, vector<16xi32>], vector<16xf32>,
        %broadcast_in_dim3A_750 = arith.constant 128 : i32
        %broadcast_in_dim3A_751 = vector.broadcast %broadcast_in_dim3A_750 : i32 to vector<16xi32>
        %add3A_752 = arith.addi %broadcast_in_dim3A_751, %broadcast_in_dim3A_742 : vector<16xi32>
        %gather3A_753 = tpu.vector_load_idx %arg15[%add3A_439, %add3A_752] : memref<32x384xf32, #tpu.memory_space<vmem>>[vector<16xi32>, vector<16xi32>], vector<16xf32>,
        %gather3A_754 = tpu.vector_load_idx %arg24[%get3A_447, %broadcast_in_dim3A_742] : memref<128x256xf32, #tpu.memory_space<vmem>>[vector<16xi32>, vector<16xi32>], vector<16xf32>,
        %add3A_755 = arith.addf %gather3A_744, %gather3A_749 : vector<16xf32>
        %add3A_756 = arith.addf %add3A_755, %gather3A_754 : vector<16xf32>
        %mul3A_757 = arith.mulf %gather3A_743, %add3A_756 : vector<16xf32>
        %add3A_758 = arith.addf %add3A_737, %mul3A_757 : vector<16xf32>
        %mul3A_759 = arith.mulf %gather3A_748, %gather3A_753 : vector<16xf32>
        %add3A_760 = arith.addf %add3A_758, %mul3A_759 : vector<16xf32>
        %mul3A_761 = arith.constant 4 : i32
        %mul3A_762 = arith.muli %scan3A_713, %mul3A_761 : i32
        %add3A_763 = arith.constant 2 : i32
        %add3A_764 = arith.addi %mul3A_762, %add3A_763 : i32
        %broadcast_in_dim3A_765 = vector.broadcast %add3A_764 : i32 to vector<16xi32>
        %gather3A_766 = tpu.vector_load_idx %arg17[%add3A_439, %broadcast_in_dim3A_765] : memref<32x128xf32, #tpu.memory_space<vmem>>[vector<16xi32>, vector<16xi32>], vector<16xf32>,
        %gather3A_767 = tpu.vector_load_idx %arg13[%add3A_439, %broadcast_in_dim3A_765] : memref<32x384xf32, #tpu.memory_space<vmem>>[vector<16xi32>, vector<16xi32>], vector<16xf32>,
        %broadcast_in_dim3A_768 = arith.constant 128 : i32
        %broadcast_in_dim3A_769 = vector.broadcast %broadcast_in_dim3A_768 : i32 to vector<16xi32>
        %add3A_770 = arith.addi %broadcast_in_dim3A_769, %broadcast_in_dim3A_765 : vector<16xi32>
        %gather3A_771 = tpu.vector_load_idx %arg13[%add3A_439, %add3A_770] : memref<32x384xf32, #tpu.memory_space<vmem>>[vector<16xi32>, vector<16xi32>], vector<16xf32>,
        %gather3A_772 = tpu.vector_load_idx %arg15[%add3A_439, %broadcast_in_dim3A_765] : memref<32x384xf32, #tpu.memory_space<vmem>>[vector<16xi32>, vector<16xi32>], vector<16xf32>,
        %broadcast_in_dim3A_773 = arith.constant 128 : i32
        %broadcast_in_dim3A_774 = vector.broadcast %broadcast_in_dim3A_773 : i32 to vector<16xi32>
        %add3A_775 = arith.addi %broadcast_in_dim3A_774, %broadcast_in_dim3A_765 : vector<16xi32>
        %gather3A_776 = tpu.vector_load_idx %arg15[%add3A_439, %add3A_775] : memref<32x384xf32, #tpu.memory_space<vmem>>[vector<16xi32>, vector<16xi32>], vector<16xf32>,
        %gather3A_777 = tpu.vector_load_idx %arg24[%get3A_447, %broadcast_in_dim3A_765] : memref<128x256xf32, #tpu.memory_space<vmem>>[vector<16xi32>, vector<16xi32>], vector<16xf32>,
        %add3A_778 = arith.addf %gather3A_767, %gather3A_772 : vector<16xf32>
        %add3A_779 = arith.addf %add3A_778, %gather3A_777 : vector<16xf32>
        %mul3A_780 = arith.mulf %gather3A_766, %add3A_779 : vector<16xf32>
        %add3A_781 = arith.addf %add3A_760, %mul3A_780 : vector<16xf32>
        %mul3A_782 = arith.mulf %gather3A_771, %gather3A_776 : vector<16xf32>
        %add3A_783 = arith.addf %add3A_781, %mul3A_782 : vector<16xf32>
        %mul3A_784 = arith.constant 4 : i32
        %mul3A_785 = arith.muli %scan3A_713, %mul3A_784 : i32
        %add3A_786 = arith.constant 3 : i32
        %add3A_787 = arith.addi %mul3A_785, %add3A_786 : i32
        %broadcast_in_dim3A_788 = vector.broadcast %add3A_787 : i32 to vector<16xi32>
        %gather3A_789 = tpu.vector_load_idx %arg17[%add3A_439, %broadcast_in_dim3A_788] : memref<32x128xf32, #tpu.memory_space<vmem>>[vector<16xi32>, vector<16xi32>], vector<16xf32>,
        %gather3A_790 = tpu.vector_load_idx %arg13[%add3A_439, %broadcast_in_dim3A_788] : memref<32x384xf32, #tpu.memory_space<vmem>>[vector<16xi32>, vector<16xi32>], vector<16xf32>,
        %broadcast_in_dim3A_791 = arith.constant 128 : i32
        %broadcast_in_dim3A_792 = vector.broadcast %broadcast_in_dim3A_791 : i32 to vector<16xi32>
        %add3A_793 = arith.addi %broadcast_in_dim3A_792, %broadcast_in_dim3A_788 : vector<16xi32>
        %gather3A_794 = tpu.vector_load_idx %arg13[%add3A_439, %add3A_793] : memref<32x384xf32, #tpu.memory_space<vmem>>[vector<16xi32>, vector<16xi32>], vector<16xf32>,
        %gather3A_795 = tpu.vector_load_idx %arg15[%add3A_439, %broadcast_in_dim3A_788] : memref<32x384xf32, #tpu.memory_space<vmem>>[vector<16xi32>, vector<16xi32>], vector<16xf32>,
        %broadcast_in_dim3A_796 = arith.constant 128 : i32
        %broadcast_in_dim3A_797 = vector.broadcast %broadcast_in_dim3A_796 : i32 to vector<16xi32>
        %add3A_798 = arith.addi %broadcast_in_dim3A_797, %broadcast_in_dim3A_788 : vector<16xi32>
        %gather3A_799 = tpu.vector_load_idx %arg15[%add3A_439, %add3A_798] : memref<32x384xf32, #tpu.memory_space<vmem>>[vector<16xi32>, vector<16xi32>], vector<16xf32>,
        %gather3A_800 = tpu.vector_load_idx %arg24[%get3A_447, %broadcast_in_dim3A_788] : memref<128x256xf32, #tpu.memory_space<vmem>>[vector<16xi32>, vector<16xi32>], vector<16xf32>,
        %add3A_801 = arith.addf %gather3A_790, %gather3A_795 : vector<16xf32>
        %add3A_802 = arith.addf %add3A_801, %gather3A_800 : vector<16xf32>
        %mul3A_803 = arith.mulf %gather3A_789, %add3A_802 : vector<16xf32>
        %add3A_804 = arith.addf %add3A_783, %mul3A_803 : vector<16xf32>
        %mul3A_805 = arith.mulf %gather3A_794, %gather3A_799 : vector<16xf32>
        %add3A_806 = arith.addf %add3A_804, %mul3A_805 : vector<16xf32>
        scf.yield %add3A_806 : vector<16xf32>
      }
      %scan3A_471 = arith.constant 32 : i32
      %swap3A_472 = arith.constant 0 : index
      %swap3A_473 = tpu.vector_load %arg25[%swap3A_472] {strides = array<i32>} : memref<32xf32, #tpu.memory_space<vmem>>, vector<16xf32>,
      tpu.vector_store %arg25[%swap3A_472], %scan3A_470 {strides = array<i32>} : memref<32xf32, #tpu.memory_space<vmem>>, vector<16xf32>,
      %masked_sort3A_474 = arith.constant dense<true> : vector<16xi1>
      %masked_sort3A_475 = arith.constant -2147483648 : i32
      %masked_sort3A_476 = vector.broadcast %masked_sort3A_475 : i32 to vector<16xi32>
      %masked_sort3A_477 = arith.xori %get3A_443, %masked_sort3A_476 : vector<16xi32>
      %masked_sort3A_478, %masked_sort3A_479, %masked_sort3A_480 = tpu.sort %masked_sort3A_477, %scan3A_470 masked %masked_sort3A_474 : (vector<16xi32>, vector<16xf32>, vector<16xi1>) -> (vector<16xi1>, vector<16xi32>, vector<16xf32>)
      %masked_sort3A_481 = arith.xori %masked_sort3A_479, %masked_sort3A_476 : vector<16xi32>
      %swap3A_482 = arith.constant 0 : index
      %swap3A_483 = tpu.vector_load %arg26[%swap3A_482] {strides = array<i32>} : memref<16xi32, #tpu.memory_space<vmem>>, vector<16xi32>,
      tpu.vector_store %arg26[%swap3A_482], %masked_sort3A_481 {strides = array<i32>} : memref<16xi32, #tpu.memory_space<vmem>>, vector<16xi32>,
      %swap3A_484 = arith.constant 0 : index
      %swap3A_485 = tpu.vector_load %arg27[%swap3A_484] {strides = array<i32>} : memref<16xf32, #tpu.memory_space<vmem>>, vector<16xf32>,
      tpu.vector_store %arg27[%swap3A_484], %masked_sort3A_480 {strides = array<i32>} : memref<16xf32, #tpu.memory_space<vmem>>, vector<16xf32>,
      %sub3A_486 = arith.constant 1 : i32
      %sub3A_487 = vector.broadcast %sub3A_486 : i32 to vector<16xi32>
      %sub3A_488 = arith.subi %iota3A, %sub3A_487 : vector<16xi32>
      %max3A_489 = arith.constant 0 : i32
      %max3A_490 = vector.broadcast %max3A_489 : i32 to vector<16xi32>
      %max3A_491 = arith.maxsi %sub3A_488, %max3A_490 : vector<16xi32>
      %gather3A_492 = tpu.vector_load_idx %arg26[%max3A_491] : memref<16xi32, #tpu.memory_space<vmem>>[vector<16xi32>], vector<16xi32>,
      %gather3A_493 = tpu.vector_load_idx %arg27[%max3A_491] : memref<16xf32, #tpu.memory_space<vmem>>[vector<16xi32>], vector<16xf32>,
      %eq3A_494 = arith.cmpi eq, %gather3A_492, %masked_sort3A_481 : vector<16xi32>
      %ge3A_495 = arith.constant 1 : i32
      %ge3A_496 = vector.broadcast %ge3A_495 : i32 to vector<16xi32>
      %ge3A_497 = arith.cmpi sge, %iota3A, %ge3A_496 : vector<16xi32>
      %and3A_498 = arith.andi %eq3A_494, %ge3A_497 : vector<16xi1>
      %max3A_499 = arith.maximumf %masked_sort3A_480, %gather3A_493 : vector<16xf32>
      %select_n3A_500 = arith.select %and3A_498, %max3A_499, %masked_sort3A_480 : vector<16xi1>, vector<16xf32>
      %swap3A_501 = arith.constant 0 : index
      %swap3A_502 = tpu.vector_load %arg26[%swap3A_501] {strides = array<i32>} : memref<16xi32, #tpu.memory_space<vmem>>, vector<16xi32>,
      tpu.vector_store %arg26[%swap3A_501], %masked_sort3A_481 {strides = array<i32>} : memref<16xi32, #tpu.memory_space<vmem>>, vector<16xi32>,
      %swap3A_503 = arith.constant 0 : index
      %swap3A_504 = tpu.vector_load %arg27[%swap3A_503] {strides = array<i32>} : memref<16xf32, #tpu.memory_space<vmem>>, vector<16xf32>,
      tpu.vector_store %arg27[%swap3A_503], %select_n3A_500 {strides = array<i32>} : memref<16xf32, #tpu.memory_space<vmem>>, vector<16xf32>,
      %sub3A_505 = arith.constant 2 : i32
      %sub3A_506 = vector.broadcast %sub3A_505 : i32 to vector<16xi32>
      %sub3A_507 = arith.subi %iota3A, %sub3A_506 : vector<16xi32>
      %max3A_508 = arith.constant 0 : i32
      %max3A_509 = vector.broadcast %max3A_508 : i32 to vector<16xi32>
      %max3A_510 = arith.maxsi %sub3A_507, %max3A_509 : vector<16xi32>
      %gather3A_511 = tpu.vector_load_idx %arg26[%max3A_510] : memref<16xi32, #tpu.memory_space<vmem>>[vector<16xi32>], vector<16xi32>,
      %gather3A_512 = tpu.vector_load_idx %arg27[%max3A_510] : memref<16xf32, #tpu.memory_space<vmem>>[vector<16xi32>], vector<16xf32>,
      %eq3A_513 = arith.cmpi eq, %gather3A_511, %masked_sort3A_481 : vector<16xi32>
      %ge3A_514 = arith.constant 2 : i32
      %ge3A_515 = vector.broadcast %ge3A_514 : i32 to vector<16xi32>
      %ge3A_516 = arith.cmpi sge, %iota3A, %ge3A_515 : vector<16xi32>
      %and3A_517 = arith.andi %eq3A_513, %ge3A_516 : vector<16xi1>
      %max3A_518 = arith.maximumf %select_n3A_500, %gather3A_512 : vector<16xf32>
      %select_n3A_519 = arith.select %and3A_517, %max3A_518, %select_n3A_500 : vector<16xi1>, vector<16xf32>
      %swap3A_520 = arith.constant 0 : index
      %swap3A_521 = tpu.vector_load %arg26[%swap3A_520] {strides = array<i32>} : memref<16xi32, #tpu.memory_space<vmem>>, vector<16xi32>,
      tpu.vector_store %arg26[%swap3A_520], %masked_sort3A_481 {strides = array<i32>} : memref<16xi32, #tpu.memory_space<vmem>>, vector<16xi32>,
      %swap3A_522 = arith.constant 0 : index
      %swap3A_523 = tpu.vector_load %arg27[%swap3A_522] {strides = array<i32>} : memref<16xf32, #tpu.memory_space<vmem>>, vector<16xf32>,
      tpu.vector_store %arg27[%swap3A_522], %select_n3A_519 {strides = array<i32>} : memref<16xf32, #tpu.memory_space<vmem>>, vector<16xf32>,
      %sub3A_524 = arith.constant 4 : i32
      %sub3A_525 = vector.broadcast %sub3A_524 : i32 to vector<16xi32>
      %sub3A_526 = arith.subi %iota3A, %sub3A_525 : vector<16xi32>
      %max3A_527 = arith.constant 0 : i32
      %max3A_528 = vector.broadcast %max3A_527 : i32 to vector<16xi32>
      %max3A_529 = arith.maxsi %sub3A_526, %max3A_528 : vector<16xi32>
      %gather3A_530 = tpu.vector_load_idx %arg26[%max3A_529] : memref<16xi32, #tpu.memory_space<vmem>>[vector<16xi32>], vector<16xi32>,
      %gather3A_531 = tpu.vector_load_idx %arg27[%max3A_529] : memref<16xf32, #tpu.memory_space<vmem>>[vector<16xi32>], vector<16xf32>,
      %eq3A_532 = arith.cmpi eq, %gather3A_530, %masked_sort3A_481 : vector<16xi32>
      %ge3A_533 = arith.constant 4 : i32
      %ge3A_534 = vector.broadcast %ge3A_533 : i32 to vector<16xi32>
      %ge3A_535 = arith.cmpi sge, %iota3A, %ge3A_534 : vector<16xi32>
      %and3A_536 = arith.andi %eq3A_532, %ge3A_535 : vector<16xi1>
      %max3A_537 = arith.maximumf %select_n3A_519, %gather3A_531 : vector<16xf32>
      %select_n3A_538 = arith.select %and3A_536, %max3A_537, %select_n3A_519 : vector<16xi1>, vector<16xf32>
      %swap3A_539 = arith.constant 0 : index
      %swap3A_540 = tpu.vector_load %arg26[%swap3A_539] {strides = array<i32>} : memref<16xi32, #tpu.memory_space<vmem>>, vector<16xi32>,
      tpu.vector_store %arg26[%swap3A_539], %masked_sort3A_481 {strides = array<i32>} : memref<16xi32, #tpu.memory_space<vmem>>, vector<16xi32>,
      %swap3A_541 = arith.constant 0 : index
      %swap3A_542 = tpu.vector_load %arg27[%swap3A_541] {strides = array<i32>} : memref<16xf32, #tpu.memory_space<vmem>>, vector<16xf32>,
      tpu.vector_store %arg27[%swap3A_541], %select_n3A_538 {strides = array<i32>} : memref<16xf32, #tpu.memory_space<vmem>>, vector<16xf32>,
      %sub3A_543 = arith.constant 8 : i32
      %sub3A_544 = vector.broadcast %sub3A_543 : i32 to vector<16xi32>
      %sub3A_545 = arith.subi %iota3A, %sub3A_544 : vector<16xi32>
      %max3A_546 = arith.constant 0 : i32
      %max3A_547 = vector.broadcast %max3A_546 : i32 to vector<16xi32>
      %max3A_548 = arith.maxsi %sub3A_545, %max3A_547 : vector<16xi32>
      %gather3A_549 = tpu.vector_load_idx %arg26[%max3A_548] : memref<16xi32, #tpu.memory_space<vmem>>[vector<16xi32>], vector<16xi32>,
      %gather3A_550 = tpu.vector_load_idx %arg27[%max3A_548] : memref<16xf32, #tpu.memory_space<vmem>>[vector<16xi32>], vector<16xf32>,
      %eq3A_551 = arith.cmpi eq, %gather3A_549, %masked_sort3A_481 : vector<16xi32>
      %ge3A_552 = arith.constant 8 : i32
      %ge3A_553 = vector.broadcast %ge3A_552 : i32 to vector<16xi32>
      %ge3A_554 = arith.cmpi sge, %iota3A, %ge3A_553 : vector<16xi32>
      %and3A_555 = arith.andi %eq3A_551, %ge3A_554 : vector<16xi1>
      %max3A_556 = arith.maximumf %select_n3A_538, %gather3A_550 : vector<16xf32>
      %select_n3A_557 = arith.select %and3A_555, %max3A_556, %select_n3A_538 : vector<16xi1>, vector<16xf32>
      %swap3A_558 = arith.constant 0 : index
      %swap3A_559 = tpu.vector_load %arg26[%swap3A_558] {strides = array<i32>} : memref<16xi32, #tpu.memory_space<vmem>>, vector<16xi32>,
      tpu.vector_store %arg26[%swap3A_558], %masked_sort3A_481 {strides = array<i32>} : memref<16xi32, #tpu.memory_space<vmem>>, vector<16xi32>,
      %add3A_560 = arith.constant 1 : i32
      %add3A_561 = vector.broadcast %add3A_560 : i32 to vector<16xi32>
      %add3A_562 = arith.addi %iota3A, %add3A_561 : vector<16xi32>
      %min3A_563 = arith.constant 15 : i32
      %min3A_564 = vector.broadcast %min3A_563 : i32 to vector<16xi32>
      %min3A_565 = arith.minsi %add3A_562, %min3A_564 : vector<16xi32>
      %gather3A_566 = tpu.vector_load_idx %arg26[%min3A_565] : memref<16xi32, #tpu.memory_space<vmem>>[vector<16xi32>], vector<16xi32>,
      %ne3A_567 = arith.cmpi ne, %gather3A_566, %masked_sort3A_481 : vector<16xi32>
      %eq3A_568 = arith.constant 15 : i32
      %eq3A_569 = vector.broadcast %eq3A_568 : i32 to vector<16xi32>
      %eq3A_570 = arith.cmpi eq, %iota3A, %eq3A_569 : vector<16xi32>
      %or3A_571 = arith.ori %ne3A_567, %eq3A_570 : vector<16xi1>
      %gather3A_572 = tpu.vector_load_idx %arg28[%masked_sort3A_481] : memref<10240xf32, #tpu.memory_space<vmem>>[vector<16xi32>], vector<16xf32>,
      %max3A_573 = arith.maximumf %gather3A_572, %select_n3A_557 : vector<16xf32>
      tpu.vector_store_idx %arg28[%masked_sort3A_481], %max3A_573 masked %or3A_571 : memref<10240xf32, #tpu.memory_space<vmem>>[vector<16xi32>], vector<16xf32>, vector<16xi1>
      %add3A_574 = arith.constant 16 : i32
      %add3A_575 = vector.broadcast %add3A_574 : i32 to vector<16xi32>
      %add3A_576 = arith.addi %iota3A, %add3A_575 : vector<16xi32>
      %add3A_577 = arith.constant 16 : i32
      %add3A_578 = arith.addi %mul3A_436, %add3A_577 : i32
      %get3A_579 = arith.index_cast %add3A_578 : i32 to index
      %get3A_580 = tpu.vector_load %arg20[%get3A_579] {strides = array<i32>} : memref<5120xi32, #tpu.memory_space<vmem>>, vector<16xi32>,
      %add3A_581 = arith.constant 16 : i32
      %add3A_582 = arith.addi %mul3A_436, %add3A_581 : i32
      %get3A_583 = arith.index_cast %add3A_582 : i32 to index
      %get3A_584 = tpu.vector_load %arg22[%get3A_583] {strides = array<i32>} : memref<5120xi32, #tpu.memory_space<vmem>>, vector<16xi32>,
      %add3A_585 = arith.constant 16 : i32
      %add3A_586 = arith.addi %mul3A_436, %add3A_585 : i32
      %get3A_587 = arith.index_cast %add3A_586 : i32 to index
      %get3A_588 = tpu.vector_load %arg23[%get3A_587] {strides = array<i32>} : memref<5120xf32, #tpu.memory_space<vmem>>, vector<16xf32>,
      %broadcast_in_dim3A_589 = arith.constant 128 : i32
      %broadcast_in_dim3A_590 = vector.broadcast %broadcast_in_dim3A_589 : i32 to vector<16xi32>
      %gather3A_591 = tpu.vector_load_idx %arg24[%get3A_584, %broadcast_in_dim3A_590] : memref<128x256xf32, #tpu.memory_space<vmem>>[vector<16xi32>, vector<16xi32>], vector<16xf32>,
      %broadcast_in_dim3A_592 = arith.constant 256 : i32
      %broadcast_in_dim3A_593 = vector.broadcast %broadcast_in_dim3A_592 : i32 to vector<16xi32>
      %add3A_594 = arith.addi %broadcast_in_dim3A_593, %get3A_584 : vector<16xi32>
      %gather3A_595 = tpu.vector_load_idx %arg13[%add3A_576, %add3A_594] : memref<32x384xf32, #tpu.memory_space<vmem>>[vector<16xi32>, vector<16xi32>], vector<16xf32>,
      %broadcast_in_dim3A_596 = arith.constant 256 : i32
      %broadcast_in_dim3A_597 = vector.broadcast %broadcast_in_dim3A_596 : i32 to vector<16xi32>
      %add3A_598 = arith.addi %broadcast_in_dim3A_597, %get3A_584 : vector<16xi32>
      %gather3A_599 = tpu.vector_load_idx %arg15[%add3A_576, %add3A_598] : memref<32x384xf32, #tpu.memory_space<vmem>>[vector<16xi32>, vector<16xi32>], vector<16xf32>,
      %add3A_600 = arith.addf %get3A_588, %gather3A_591 : vector<16xf32>
      %add3A_601 = arith.addf %add3A_600, %gather3A_595 : vector<16xf32>
      %add3A_602 = arith.addf %add3A_601, %gather3A_599 : vector<16xf32>
      %scan3A_603 = arith.constant 0 : i32
      %scan3A_604 = arith.constant 32 : i32
      %scan3A_605 = arith.addi %scan3A_603, %scan3A_604 : i32
      %scan3A_606 = arith.constant 1 : i32
      %scan3A_607 = scf.for %scan3A_713 = %scan3A_603 to %scan3A_605 step %scan3A_606 iter_args(%scan3A_714 = %add3A_602) -> (vector<16xf32>)  : i32 {
        %mul3A_715 = arith.constant 4 : i32
        %mul3A_716 = arith.muli %scan3A_713, %mul3A_715 : i32
        %add3A_717 = arith.constant 0 : i32
        %add3A_718 = arith.addi %mul3A_716, %add3A_717 : i32
        %broadcast_in_dim3A_719 = vector.broadcast %add3A_718 : i32 to vector<16xi32>
        %gather3A_720 = tpu.vector_load_idx %arg17[%add3A_576, %broadcast_in_dim3A_719] : memref<32x128xf32, #tpu.memory_space<vmem>>[vector<16xi32>, vector<16xi32>], vector<16xf32>,
        %gather3A_721 = tpu.vector_load_idx %arg13[%add3A_576, %broadcast_in_dim3A_719] : memref<32x384xf32, #tpu.memory_space<vmem>>[vector<16xi32>, vector<16xi32>], vector<16xf32>,
        %broadcast_in_dim3A_722 = arith.constant 128 : i32
        %broadcast_in_dim3A_723 = vector.broadcast %broadcast_in_dim3A_722 : i32 to vector<16xi32>
        %add3A_724 = arith.addi %broadcast_in_dim3A_723, %broadcast_in_dim3A_719 : vector<16xi32>
        %gather3A_725 = tpu.vector_load_idx %arg13[%add3A_576, %add3A_724] : memref<32x384xf32, #tpu.memory_space<vmem>>[vector<16xi32>, vector<16xi32>], vector<16xf32>,
        %gather3A_726 = tpu.vector_load_idx %arg15[%add3A_576, %broadcast_in_dim3A_719] : memref<32x384xf32, #tpu.memory_space<vmem>>[vector<16xi32>, vector<16xi32>], vector<16xf32>,
        %broadcast_in_dim3A_727 = arith.constant 128 : i32
        %broadcast_in_dim3A_728 = vector.broadcast %broadcast_in_dim3A_727 : i32 to vector<16xi32>
        %add3A_729 = arith.addi %broadcast_in_dim3A_728, %broadcast_in_dim3A_719 : vector<16xi32>
        %gather3A_730 = tpu.vector_load_idx %arg15[%add3A_576, %add3A_729] : memref<32x384xf32, #tpu.memory_space<vmem>>[vector<16xi32>, vector<16xi32>], vector<16xf32>,
        %gather3A_731 = tpu.vector_load_idx %arg24[%get3A_584, %broadcast_in_dim3A_719] : memref<128x256xf32, #tpu.memory_space<vmem>>[vector<16xi32>, vector<16xi32>], vector<16xf32>,
        %add3A_732 = arith.addf %gather3A_721, %gather3A_726 : vector<16xf32>
        %add3A_733 = arith.addf %add3A_732, %gather3A_731 : vector<16xf32>
        %mul3A_734 = arith.mulf %gather3A_720, %add3A_733 : vector<16xf32>
        %add3A_735 = arith.addf %scan3A_714, %mul3A_734 : vector<16xf32>
        %mul3A_736 = arith.mulf %gather3A_725, %gather3A_730 : vector<16xf32>
        %add3A_737 = arith.addf %add3A_735, %mul3A_736 : vector<16xf32>
        %mul3A_738 = arith.constant 4 : i32
        %mul3A_739 = arith.muli %scan3A_713, %mul3A_738 : i32
        %add3A_740 = arith.constant 1 : i32
        %add3A_741 = arith.addi %mul3A_739, %add3A_740 : i32
        %broadcast_in_dim3A_742 = vector.broadcast %add3A_741 : i32 to vector<16xi32>
        %gather3A_743 = tpu.vector_load_idx %arg17[%add3A_576, %broadcast_in_dim3A_742] : memref<32x128xf32, #tpu.memory_space<vmem>>[vector<16xi32>, vector<16xi32>], vector<16xf32>,
        %gather3A_744 = tpu.vector_load_idx %arg13[%add3A_576, %broadcast_in_dim3A_742] : memref<32x384xf32, #tpu.memory_space<vmem>>[vector<16xi32>, vector<16xi32>], vector<16xf32>,
        %broadcast_in_dim3A_745 = arith.constant 128 : i32
        %broadcast_in_dim3A_746 = vector.broadcast %broadcast_in_dim3A_745 : i32 to vector<16xi32>
        %add3A_747 = arith.addi %broadcast_in_dim3A_746, %broadcast_in_dim3A_742 : vector<16xi32>
        %gather3A_748 = tpu.vector_load_idx %arg13[%add3A_576, %add3A_747] : memref<32x384xf32, #tpu.memory_space<vmem>>[vector<16xi32>, vector<16xi32>], vector<16xf32>,
        %gather3A_749 = tpu.vector_load_idx %arg15[%add3A_576, %broadcast_in_dim3A_742] : memref<32x384xf32, #tpu.memory_space<vmem>>[vector<16xi32>, vector<16xi32>], vector<16xf32>,
        %broadcast_in_dim3A_750 = arith.constant 128 : i32
        %broadcast_in_dim3A_751 = vector.broadcast %broadcast_in_dim3A_750 : i32 to vector<16xi32>
        %add3A_752 = arith.addi %broadcast_in_dim3A_751, %broadcast_in_dim3A_742 : vector<16xi32>
        %gather3A_753 = tpu.vector_load_idx %arg15[%add3A_576, %add3A_752] : memref<32x384xf32, #tpu.memory_space<vmem>>[vector<16xi32>, vector<16xi32>], vector<16xf32>,
        %gather3A_754 = tpu.vector_load_idx %arg24[%get3A_584, %broadcast_in_dim3A_742] : memref<128x256xf32, #tpu.memory_space<vmem>>[vector<16xi32>, vector<16xi32>], vector<16xf32>,
        %add3A_755 = arith.addf %gather3A_744, %gather3A_749 : vector<16xf32>
        %add3A_756 = arith.addf %add3A_755, %gather3A_754 : vector<16xf32>
        %mul3A_757 = arith.mulf %gather3A_743, %add3A_756 : vector<16xf32>
        %add3A_758 = arith.addf %add3A_737, %mul3A_757 : vector<16xf32>
        %mul3A_759 = arith.mulf %gather3A_748, %gather3A_753 : vector<16xf32>
        %add3A_760 = arith.addf %add3A_758, %mul3A_759 : vector<16xf32>
        %mul3A_761 = arith.constant 4 : i32
        %mul3A_762 = arith.muli %scan3A_713, %mul3A_761 : i32
        %add3A_763 = arith.constant 2 : i32
        %add3A_764 = arith.addi %mul3A_762, %add3A_763 : i32
        %broadcast_in_dim3A_765 = vector.broadcast %add3A_764 : i32 to vector<16xi32>
        %gather3A_766 = tpu.vector_load_idx %arg17[%add3A_576, %broadcast_in_dim3A_765] : memref<32x128xf32, #tpu.memory_space<vmem>>[vector<16xi32>, vector<16xi32>], vector<16xf32>,
        %gather3A_767 = tpu.vector_load_idx %arg13[%add3A_576, %broadcast_in_dim3A_765] : memref<32x384xf32, #tpu.memory_space<vmem>>[vector<16xi32>, vector<16xi32>], vector<16xf32>,
        %broadcast_in_dim3A_768 = arith.constant 128 : i32
        %broadcast_in_dim3A_769 = vector.broadcast %broadcast_in_dim3A_768 : i32 to vector<16xi32>
        %add3A_770 = arith.addi %broadcast_in_dim3A_769, %broadcast_in_dim3A_765 : vector<16xi32>
        %gather3A_771 = tpu.vector_load_idx %arg13[%add3A_576, %add3A_770] : memref<32x384xf32, #tpu.memory_space<vmem>>[vector<16xi32>, vector<16xi32>], vector<16xf32>,
        %gather3A_772 = tpu.vector_load_idx %arg15[%add3A_576, %broadcast_in_dim3A_765] : memref<32x384xf32, #tpu.memory_space<vmem>>[vector<16xi32>, vector<16xi32>], vector<16xf32>,
        %broadcast_in_dim3A_773 = arith.constant 128 : i32
        %broadcast_in_dim3A_774 = vector.broadcast %broadcast_in_dim3A_773 : i32 to vector<16xi32>
        %add3A_775 = arith.addi %broadcast_in_dim3A_774, %broadcast_in_dim3A_765 : vector<16xi32>
        %gather3A_776 = tpu.vector_load_idx %arg15[%add3A_576, %add3A_775] : memref<32x384xf32, #tpu.memory_space<vmem>>[vector<16xi32>, vector<16xi32>], vector<16xf32>,
        %gather3A_777 = tpu.vector_load_idx %arg24[%get3A_584, %broadcast_in_dim3A_765] : memref<128x256xf32, #tpu.memory_space<vmem>>[vector<16xi32>, vector<16xi32>], vector<16xf32>,
        %add3A_778 = arith.addf %gather3A_767, %gather3A_772 : vector<16xf32>
        %add3A_779 = arith.addf %add3A_778, %gather3A_777 : vector<16xf32>
        %mul3A_780 = arith.mulf %gather3A_766, %add3A_779 : vector<16xf32>
        %add3A_781 = arith.addf %add3A_760, %mul3A_780 : vector<16xf32>
        %mul3A_782 = arith.mulf %gather3A_771, %gather3A_776 : vector<16xf32>
        %add3A_783 = arith.addf %add3A_781, %mul3A_782 : vector<16xf32>
        %mul3A_784 = arith.constant 4 : i32
        %mul3A_785 = arith.muli %scan3A_713, %mul3A_784 : i32
        %add3A_786 = arith.constant 3 : i32
        %add3A_787 = arith.addi %mul3A_785, %add3A_786 : i32
        %broadcast_in_dim3A_788 = vector.broadcast %add3A_787 : i32 to vector<16xi32>
        %gather3A_789 = tpu.vector_load_idx %arg17[%add3A_576, %broadcast_in_dim3A_788] : memref<32x128xf32, #tpu.memory_space<vmem>>[vector<16xi32>, vector<16xi32>], vector<16xf32>,
        %gather3A_790 = tpu.vector_load_idx %arg13[%add3A_576, %broadcast_in_dim3A_788] : memref<32x384xf32, #tpu.memory_space<vmem>>[vector<16xi32>, vector<16xi32>], vector<16xf32>,
        %broadcast_in_dim3A_791 = arith.constant 128 : i32
        %broadcast_in_dim3A_792 = vector.broadcast %broadcast_in_dim3A_791 : i32 to vector<16xi32>
        %add3A_793 = arith.addi %broadcast_in_dim3A_792, %broadcast_in_dim3A_788 : vector<16xi32>
        %gather3A_794 = tpu.vector_load_idx %arg13[%add3A_576, %add3A_793] : memref<32x384xf32, #tpu.memory_space<vmem>>[vector<16xi32>, vector<16xi32>], vector<16xf32>,
        %gather3A_795 = tpu.vector_load_idx %arg15[%add3A_576, %broadcast_in_dim3A_788] : memref<32x384xf32, #tpu.memory_space<vmem>>[vector<16xi32>, vector<16xi32>], vector<16xf32>,
        %broadcast_in_dim3A_796 = arith.constant 128 : i32
        %broadcast_in_dim3A_797 = vector.broadcast %broadcast_in_dim3A_796 : i32 to vector<16xi32>
        %add3A_798 = arith.addi %broadcast_in_dim3A_797, %broadcast_in_dim3A_788 : vector<16xi32>
        %gather3A_799 = tpu.vector_load_idx %arg15[%add3A_576, %add3A_798] : memref<32x384xf32, #tpu.memory_space<vmem>>[vector<16xi32>, vector<16xi32>], vector<16xf32>,
        %gather3A_800 = tpu.vector_load_idx %arg24[%get3A_584, %broadcast_in_dim3A_788] : memref<128x256xf32, #tpu.memory_space<vmem>>[vector<16xi32>, vector<16xi32>], vector<16xf32>,
        %add3A_801 = arith.addf %gather3A_790, %gather3A_795 : vector<16xf32>
        %add3A_802 = arith.addf %add3A_801, %gather3A_800 : vector<16xf32>
        %mul3A_803 = arith.mulf %gather3A_789, %add3A_802 : vector<16xf32>
        %add3A_804 = arith.addf %add3A_783, %mul3A_803 : vector<16xf32>
        %mul3A_805 = arith.mulf %gather3A_794, %gather3A_799 : vector<16xf32>
        %add3A_806 = arith.addf %add3A_804, %mul3A_805 : vector<16xf32>
        scf.yield %add3A_806 : vector<16xf32>
      }
      %scan3A_608 = arith.constant 32 : i32
      %swap3A_609 = arith.constant 16 : index
      %swap3A_610 = tpu.vector_load %arg25[%swap3A_609] {strides = array<i32>} : memref<32xf32, #tpu.memory_space<vmem>>, vector<16xf32>,
      tpu.vector_store %arg25[%swap3A_609], %scan3A_607 {strides = array<i32>} : memref<32xf32, #tpu.memory_space<vmem>>, vector<16xf32>,
      %masked_sort3A_611 = arith.constant dense<true> : vector<16xi1>
      %masked_sort3A_612 = arith.constant -2147483648 : i32
      %masked_sort3A_613 = vector.broadcast %masked_sort3A_612 : i32 to vector<16xi32>
      %masked_sort3A_614 = arith.xori %get3A_580, %masked_sort3A_613 : vector<16xi32>
      %masked_sort3A_615, %masked_sort3A_616, %masked_sort3A_617 = tpu.sort %masked_sort3A_614, %scan3A_607 masked %masked_sort3A_611 : (vector<16xi32>, vector<16xf32>, vector<16xi1>) -> (vector<16xi1>, vector<16xi32>, vector<16xf32>)
      %masked_sort3A_618 = arith.xori %masked_sort3A_616, %masked_sort3A_613 : vector<16xi32>
      %swap3A_619 = arith.constant 0 : index
      %swap3A_620 = tpu.vector_load %arg26[%swap3A_619] {strides = array<i32>} : memref<16xi32, #tpu.memory_space<vmem>>, vector<16xi32>,
      tpu.vector_store %arg26[%swap3A_619], %masked_sort3A_618 {strides = array<i32>} : memref<16xi32, #tpu.memory_space<vmem>>, vector<16xi32>,
      %swap3A_621 = arith.constant 0 : index
      %swap3A_622 = tpu.vector_load %arg27[%swap3A_621] {strides = array<i32>} : memref<16xf32, #tpu.memory_space<vmem>>, vector<16xf32>,
      tpu.vector_store %arg27[%swap3A_621], %masked_sort3A_617 {strides = array<i32>} : memref<16xf32, #tpu.memory_space<vmem>>, vector<16xf32>,
      %sub3A_623 = arith.constant 1 : i32
      %sub3A_624 = vector.broadcast %sub3A_623 : i32 to vector<16xi32>
      %sub3A_625 = arith.subi %iota3A, %sub3A_624 : vector<16xi32>
      %max3A_626 = arith.constant 0 : i32
      %max3A_627 = vector.broadcast %max3A_626 : i32 to vector<16xi32>
      %max3A_628 = arith.maxsi %sub3A_625, %max3A_627 : vector<16xi32>
      %gather3A_629 = tpu.vector_load_idx %arg26[%max3A_628] : memref<16xi32, #tpu.memory_space<vmem>>[vector<16xi32>], vector<16xi32>,
      %gather3A_630 = tpu.vector_load_idx %arg27[%max3A_628] : memref<16xf32, #tpu.memory_space<vmem>>[vector<16xi32>], vector<16xf32>,
      %eq3A_631 = arith.cmpi eq, %gather3A_629, %masked_sort3A_618 : vector<16xi32>
      %ge3A_632 = arith.constant 1 : i32
      %ge3A_633 = vector.broadcast %ge3A_632 : i32 to vector<16xi32>
      %ge3A_634 = arith.cmpi sge, %iota3A, %ge3A_633 : vector<16xi32>
      %and3A_635 = arith.andi %eq3A_631, %ge3A_634 : vector<16xi1>
      %max3A_636 = arith.maximumf %masked_sort3A_617, %gather3A_630 : vector<16xf32>
      %select_n3A_637 = arith.select %and3A_635, %max3A_636, %masked_sort3A_617 : vector<16xi1>, vector<16xf32>
      %swap3A_638 = arith.constant 0 : index
      %swap3A_639 = tpu.vector_load %arg26[%swap3A_638] {strides = array<i32>} : memref<16xi32, #tpu.memory_space<vmem>>, vector<16xi32>,
      tpu.vector_store %arg26[%swap3A_638], %masked_sort3A_618 {strides = array<i32>} : memref<16xi32, #tpu.memory_space<vmem>>, vector<16xi32>,
      %swap3A_640 = arith.constant 0 : index
      %swap3A_641 = tpu.vector_load %arg27[%swap3A_640] {strides = array<i32>} : memref<16xf32, #tpu.memory_space<vmem>>, vector<16xf32>,
      tpu.vector_store %arg27[%swap3A_640], %select_n3A_637 {strides = array<i32>} : memref<16xf32, #tpu.memory_space<vmem>>, vector<16xf32>,
      %sub3A_642 = arith.constant 2 : i32
      %sub3A_643 = vector.broadcast %sub3A_642 : i32 to vector<16xi32>
      %sub3A_644 = arith.subi %iota3A, %sub3A_643 : vector<16xi32>
      %max3A_645 = arith.constant 0 : i32
      %max3A_646 = vector.broadcast %max3A_645 : i32 to vector<16xi32>
      %max3A_647 = arith.maxsi %sub3A_644, %max3A_646 : vector<16xi32>
      %gather3A_648 = tpu.vector_load_idx %arg26[%max3A_647] : memref<16xi32, #tpu.memory_space<vmem>>[vector<16xi32>], vector<16xi32>,
      %gather3A_649 = tpu.vector_load_idx %arg27[%max3A_647] : memref<16xf32, #tpu.memory_space<vmem>>[vector<16xi32>], vector<16xf32>,
      %eq3A_650 = arith.cmpi eq, %gather3A_648, %masked_sort3A_618 : vector<16xi32>
      %ge3A_651 = arith.constant 2 : i32
      %ge3A_652 = vector.broadcast %ge3A_651 : i32 to vector<16xi32>
      %ge3A_653 = arith.cmpi sge, %iota3A, %ge3A_652 : vector<16xi32>
      %and3A_654 = arith.andi %eq3A_650, %ge3A_653 : vector<16xi1>
      %max3A_655 = arith.maximumf %select_n3A_637, %gather3A_649 : vector<16xf32>
      %select_n3A_656 = arith.select %and3A_654, %max3A_655, %select_n3A_637 : vector<16xi1>, vector<16xf32>
      %swap3A_657 = arith.constant 0 : index
      %swap3A_658 = tpu.vector_load %arg26[%swap3A_657] {strides = array<i32>} : memref<16xi32, #tpu.memory_space<vmem>>, vector<16xi32>,
      tpu.vector_store %arg26[%swap3A_657], %masked_sort3A_618 {strides = array<i32>} : memref<16xi32, #tpu.memory_space<vmem>>, vector<16xi32>,
      %swap3A_659 = arith.constant 0 : index
      %swap3A_660 = tpu.vector_load %arg27[%swap3A_659] {strides = array<i32>} : memref<16xf32, #tpu.memory_space<vmem>>, vector<16xf32>,
      tpu.vector_store %arg27[%swap3A_659], %select_n3A_656 {strides = array<i32>} : memref<16xf32, #tpu.memory_space<vmem>>, vector<16xf32>,
      %sub3A_661 = arith.constant 4 : i32
      %sub3A_662 = vector.broadcast %sub3A_661 : i32 to vector<16xi32>
      %sub3A_663 = arith.subi %iota3A, %sub3A_662 : vector<16xi32>
      %max3A_664 = arith.constant 0 : i32
      %max3A_665 = vector.broadcast %max3A_664 : i32 to vector<16xi32>
      %max3A_666 = arith.maxsi %sub3A_663, %max3A_665 : vector<16xi32>
      %gather3A_667 = tpu.vector_load_idx %arg26[%max3A_666] : memref<16xi32, #tpu.memory_space<vmem>>[vector<16xi32>], vector<16xi32>,
      %gather3A_668 = tpu.vector_load_idx %arg27[%max3A_666] : memref<16xf32, #tpu.memory_space<vmem>>[vector<16xi32>], vector<16xf32>,
      %eq3A_669 = arith.cmpi eq, %gather3A_667, %masked_sort3A_618 : vector<16xi32>
      %ge3A_670 = arith.constant 4 : i32
      %ge3A_671 = vector.broadcast %ge3A_670 : i32 to vector<16xi32>
      %ge3A_672 = arith.cmpi sge, %iota3A, %ge3A_671 : vector<16xi32>
      %and3A_673 = arith.andi %eq3A_669, %ge3A_672 : vector<16xi1>
      %max3A_674 = arith.maximumf %select_n3A_656, %gather3A_668 : vector<16xf32>
      %select_n3A_675 = arith.select %and3A_673, %max3A_674, %select_n3A_656 : vector<16xi1>, vector<16xf32>
      %swap3A_676 = arith.constant 0 : index
      %swap3A_677 = tpu.vector_load %arg26[%swap3A_676] {strides = array<i32>} : memref<16xi32, #tpu.memory_space<vmem>>, vector<16xi32>,
      tpu.vector_store %arg26[%swap3A_676], %masked_sort3A_618 {strides = array<i32>} : memref<16xi32, #tpu.memory_space<vmem>>, vector<16xi32>,
      %swap3A_678 = arith.constant 0 : index
      %swap3A_679 = tpu.vector_load %arg27[%swap3A_678] {strides = array<i32>} : memref<16xf32, #tpu.memory_space<vmem>>, vector<16xf32>,
      tpu.vector_store %arg27[%swap3A_678], %select_n3A_675 {strides = array<i32>} : memref<16xf32, #tpu.memory_space<vmem>>, vector<16xf32>,
      %sub3A_680 = arith.constant 8 : i32
      %sub3A_681 = vector.broadcast %sub3A_680 : i32 to vector<16xi32>
      %sub3A_682 = arith.subi %iota3A, %sub3A_681 : vector<16xi32>
      %max3A_683 = arith.constant 0 : i32
      %max3A_684 = vector.broadcast %max3A_683 : i32 to vector<16xi32>
      %max3A_685 = arith.maxsi %sub3A_682, %max3A_684 : vector<16xi32>
      %gather3A_686 = tpu.vector_load_idx %arg26[%max3A_685] : memref<16xi32, #tpu.memory_space<vmem>>[vector<16xi32>], vector<16xi32>,
      %gather3A_687 = tpu.vector_load_idx %arg27[%max3A_685] : memref<16xf32, #tpu.memory_space<vmem>>[vector<16xi32>], vector<16xf32>,
      %eq3A_688 = arith.cmpi eq, %gather3A_686, %masked_sort3A_618 : vector<16xi32>
      %ge3A_689 = arith.constant 8 : i32
      %ge3A_690 = vector.broadcast %ge3A_689 : i32 to vector<16xi32>
      %ge3A_691 = arith.cmpi sge, %iota3A, %ge3A_690 : vector<16xi32>
      %and3A_692 = arith.andi %eq3A_688, %ge3A_691 : vector<16xi1>
      %max3A_693 = arith.maximumf %select_n3A_675, %gather3A_687 : vector<16xf32>
      %select_n3A_694 = arith.select %and3A_692, %max3A_693, %select_n3A_675 : vector<16xi1>, vector<16xf32>
      %swap3A_695 = arith.constant 0 : index
      %swap3A_696 = tpu.vector_load %arg26[%swap3A_695] {strides = array<i32>} : memref<16xi32, #tpu.memory_space<vmem>>, vector<16xi32>,
      tpu.vector_store %arg26[%swap3A_695], %masked_sort3A_618 {strides = array<i32>} : memref<16xi32, #tpu.memory_space<vmem>>, vector<16xi32>,
      %add3A_697 = arith.constant 1 : i32
      %add3A_698 = vector.broadcast %add3A_697 : i32 to vector<16xi32>
      %add3A_699 = arith.addi %iota3A, %add3A_698 : vector<16xi32>
      %min3A_700 = arith.constant 15 : i32
      %min3A_701 = vector.broadcast %min3A_700 : i32 to vector<16xi32>
      %min3A_702 = arith.minsi %add3A_699, %min3A_701 : vector<16xi32>
      %gather3A_703 = tpu.vector_load_idx %arg26[%min3A_702] : memref<16xi32, #tpu.memory_space<vmem>>[vector<16xi32>], vector<16xi32>,
      %ne3A_704 = arith.cmpi ne, %gather3A_703, %masked_sort3A_618 : vector<16xi32>
      %eq3A_705 = arith.constant 15 : i32
      %eq3A_706 = vector.broadcast %eq3A_705 : i32 to vector<16xi32>
      %eq3A_707 = arith.cmpi eq, %iota3A, %eq3A_706 : vector<16xi32>
      %or3A_708 = arith.ori %ne3A_704, %eq3A_707 : vector<16xi1>
      %gather3A_709 = tpu.vector_load_idx %arg28[%masked_sort3A_618] : memref<10240xf32, #tpu.memory_space<vmem>>[vector<16xi32>], vector<16xf32>,
      %max3A_710 = arith.maximumf %gather3A_709, %select_n3A_694 : vector<16xf32>
      tpu.vector_store_idx %arg28[%masked_sort3A_618], %max3A_710 masked %or3A_708 : memref<10240xf32, #tpu.memory_space<vmem>>[vector<16xi32>], vector<16xf32>, vector<16xi1>
      %add3A_711 = arith.addi %mul3A_2, %mul3A_436 : i32
      "tpu.region"() ({
        %run_scoped3A = tpu.sem_alloc : memref<!tpu.dma_semaphore, #tpu.memory_space<semaphore_mem>>
        %dma_start3A_713 = tpu.memref_slice %arg10[%add3A_711] : memref<163840xf32, #tpu.memory_space<hbm>> -> memref<32xf32, #tpu.memory_space<hbm>>
        %dma_start3A_714 = tpu.memref_slice %arg10[%add3A_711] : memref<163840xf32, #tpu.memory_space<hbm>> -> memref<32xf32, #tpu.memory_space<hbm>>
        tpu.enqueue_dma source(%arg25 : memref<32xf32, #tpu.memory_space<vmem>>) target(%dma_start3A_714 : memref<32xf32, #tpu.memory_space<hbm>>) target_semaphore(%run_scoped3A : memref<!tpu.dma_semaphore, #tpu.memory_space<semaphore_mem>>)
        %dma_wait3A_715 = tpu.memref_slice %arg10[%add3A_711] : memref<163840xf32, #tpu.memory_space<hbm>> -> memref<32xf32, #tpu.memory_space<hbm>>
        %dma_wait3A_716 = tpu.memref_slice %arg10[%add3A_711] : memref<163840xf32, #tpu.memory_space<hbm>> -> memref<32xf32, #tpu.memory_space<hbm>>
        tpu.wait_dma2 semaphore(%run_scoped3A : memref<!tpu.dma_semaphore, #tpu.memory_space<semaphore_mem>>) src(%arg25 : memref<32xf32, #tpu.memory_space<vmem>>) dst(%dma_wait3A_716 : memref<32xf32, #tpu.memory_space<hbm>>)
        tpu.yield
      }) : () -> ()
      %scan3A_712 = arith.constant 0 : i32
      scf.yield %scan3A_712 : i32
    }
    %scan3A_46 = arith.constant 80 : i32
    %dma_wait3A = arith.constant 0 : i32
    %dma_wait3A_47 = arith.constant 0 : i32
    %dma_wait3A_48 = tpu.memref_slice %arg2[%dma_wait3A, %dma_wait3A_47] : memref<10240x384xf32, #tpu.memory_space<hbm>> -> memref<32x384xf32, #tpu.memory_space<hbm>>
    %dma_wait3A_49 = arith.constant 0 : i32
    %dma_wait3A_50 = arith.constant 0 : i32
    %dma_wait3A_51 = tpu.memref_slice %arg2[%dma_wait3A_49, %dma_wait3A_50] : memref<10240x384xf32, #tpu.memory_space<hbm>> -> memref<32x384xf32, #tpu.memory_space<hbm>>
    tpu.wait_dma2 semaphore(%arg29 : memref<!tpu.dma_semaphore, #tpu.memory_space<semaphore_mem>>) src(%dma_wait3A_51 : memref<32x384xf32, #tpu.memory_space<hbm>>) dst(%arg12 : memref<32x384xf32, #tpu.memory_space<vmem>>)
    %dma_wait3A_52 = arith.constant 0 : i32
    %dma_wait3A_53 = arith.constant 0 : i32
    %dma_wait3A_54 = tpu.memref_slice %arg3[%dma_wait3A_52, %dma_wait3A_53] : memref<10240x384xf32, #tpu.memory_space<hbm>> -> memref<32x384xf32, #tpu.memory_space<hbm>>
    %dma_wait3A_55 = arith.constant 0 : i32
    %dma_wait3A_56 = arith.constant 0 : i32
    %dma_wait3A_57 = tpu.memref_slice %arg3[%dma_wait3A_55, %dma_wait3A_56] : memref<10240x384xf32, #tpu.memory_space<hbm>> -> memref<32x384xf32, #tpu.memory_space<hbm>>
    tpu.wait_dma2 semaphore(%arg31 : memref<!tpu.dma_semaphore, #tpu.memory_space<semaphore_mem>>) src(%dma_wait3A_57 : memref<32x384xf32, #tpu.memory_space<hbm>>) dst(%arg14 : memref<32x384xf32, #tpu.memory_space<vmem>>)
    %dma_wait3A_58 = arith.constant 0 : i32
    %dma_wait3A_59 = arith.constant 0 : i32
    %dma_wait3A_60 = tpu.memref_slice %arg5[%dma_wait3A_58, %dma_wait3A_59] : memref<160000x128xf32, #tpu.memory_space<hbm>> -> memref<32x128xf32, #tpu.memory_space<hbm>>
    %dma_wait3A_61 = arith.constant 0 : i32
    %dma_wait3A_62 = arith.constant 0 : i32
    %dma_wait3A_63 = tpu.memref_slice %arg5[%dma_wait3A_61, %dma_wait3A_62] : memref<160000x128xf32, #tpu.memory_space<hbm>> -> memref<32x128xf32, #tpu.memory_space<hbm>>
    tpu.wait_dma2 semaphore(%arg33 : memref<!tpu.dma_semaphore, #tpu.memory_space<semaphore_mem>>) src(%dma_wait3A_63 : memref<32x128xf32, #tpu.memory_space<hbm>>) dst(%arg16 : memref<32x128xf32, #tpu.memory_space<vmem>>)
    "tpu.region"() ({
      %run_scoped3A = tpu.sem_alloc : memref<!tpu.dma_semaphore, #tpu.memory_space<semaphore_mem>>
      %dma_start3A_64 = arith.constant 0 : i32
      %dma_start3A_65 = tpu.memref_slice %arg11[%add3A, %dma_start3A_64] : memref<32x10240xf32, #tpu.memory_space<hbm>> -> memref<1x10240xf32, #tpu.memory_space<hbm>>
      %dma_start3A_66 = tpu.memref_squeeze %dma_start3A_65 : memref<1x10240xf32, #tpu.memory_space<hbm>> -> memref<10240xf32, #tpu.memory_space<hbm>>
      %dma_start3A_67 = arith.constant 0 : i32
      %dma_start3A_68 = tpu.memref_slice %arg11[%add3A, %dma_start3A_67] : memref<32x10240xf32, #tpu.memory_space<hbm>> -> memref<1x10240xf32, #tpu.memory_space<hbm>>
      %dma_start3A_69 = tpu.memref_squeeze %dma_start3A_68 : memref<1x10240xf32, #tpu.memory_space<hbm>> -> memref<10240xf32, #tpu.memory_space<hbm>>
      tpu.enqueue_dma source(%arg28 : memref<10240xf32, #tpu.memory_space<vmem>>) target(%dma_start3A_69 : memref<10240xf32, #tpu.memory_space<hbm>>) target_semaphore(%run_scoped3A : memref<!tpu.dma_semaphore, #tpu.memory_space<semaphore_mem>>)
      %dma_wait3A_70 = arith.constant 0 : i32
      %dma_wait3A_71 = tpu.memref_slice %arg11[%add3A, %dma_wait3A_70] : memref<32x10240xf32, #tpu.memory_space<hbm>> -> memref<1x10240xf32, #tpu.memory_space<hbm>>
      %dma_wait3A_72 = tpu.memref_squeeze %dma_wait3A_71 : memref<1x10240xf32, #tpu.memory_space<hbm>> -> memref<10240xf32, #tpu.memory_space<hbm>>
      %dma_wait3A_73 = arith.constant 0 : i32
      %dma_wait3A_74 = tpu.memref_slice %arg11[%add3A, %dma_wait3A_73] : memref<32x10240xf32, #tpu.memory_space<hbm>> -> memref<1x10240xf32, #tpu.memory_space<hbm>>
      %dma_wait3A_75 = tpu.memref_squeeze %dma_wait3A_74 : memref<1x10240xf32, #tpu.memory_space<hbm>> -> memref<10240xf32, #tpu.memory_space<hbm>>
      tpu.wait_dma2 semaphore(%run_scoped3A : memref<!tpu.dma_semaphore, #tpu.memory_space<semaphore_mem>>) src(%arg28 : memref<10240xf32, #tpu.memory_space<vmem>>) dst(%dma_wait3A_75 : memref<10240xf32, #tpu.memory_space<hbm>>)
      tpu.yield
    }) : () -> ()
    return
  }
}

#map = affine_map<(d0, d1) -> (0, 0)>
#map1 = affine_map<(d0, d1) -> (0)>
module attributes {stable_mosaic.version = 14 : i64} {
  func.func @_p3_body(%arg0: i32, %arg1: i32, %arg2: memref<32x10240xf32, #tpu.memory_space<hbm>>, %arg3: memref<163840xf32, #tpu.memory_space<hbm>>, %arg4: memref<163840xi32, #tpu.memory_space<hbm>>, %arg5: memref<163840xf32, #tpu.memory_space<hbm>>, %arg6: memref<2x10240xf32, #tpu.memory_space<hbm>>, %arg7: memref<10240xf32, #tpu.memory_space<vmem>>, %arg8: memref<32x2048xf32, #tpu.memory_space<vmem>>, %arg9: memref<64xf32, #tpu.memory_space<vmem>>, %arg10: memref<64xf32, #tpu.memory_space<vmem>>, %arg11: memref<64xi32, #tpu.memory_space<vmem>>, %arg12: memref<640xf32, #tpu.memory_space<vmem>>, %arg13: memref<10240xf32, #tpu.memory_space<vmem_shared>>) attributes {dimension_semantics = [#tpu.dimension_semantics<core_parallel>, #tpu.dimension_semantics<subcore_parallel>], iteration_bounds = array<i64: 2, 16>, scalar_prefetch = 0 : i64, scratch_operands = 7 : i64, tpu.core_type = #tpu.core_type<sc_vector_subcore>, window_params = [{transform_indices = #map}, {transform_indices = #map1}, {transform_indices = #map1}, {transform_indices = #map1}, {transform_indices = #map}]} {
    %mul3A = arith.constant 2 : i32
    %mul3A_0 = arith.muli %arg1, %mul3A : i32
    %add3A = arith.addi %mul3A_0, %arg0 : i32
    %mul3A_1 = arith.constant 5120 : i32
    %mul3A_2 = arith.muli %add3A, %mul3A_1 : i32
    %broadcast_in_dim3A = arith.constant 0.000000e+00 : f32
    %broadcast_in_dim3A_3 = vector.broadcast %broadcast_in_dim3A : f32 to vector<16xf32>
    %scan3A = arith.constant 0 : i32
    %scan3A_4 = arith.constant 0 : i32
    %scan3A_5 = arith.constant 40 : i32
    %scan3A_6 = arith.addi %scan3A_4, %scan3A_5 : i32
    %scan3A_7 = arith.constant 1 : i32
    %scan3A_8 = scf.for %scan3A_29 = %scan3A_4 to %scan3A_6 step %scan3A_7 iter_args(%scan3A_30 = %scan3A) -> (i32)  : i32 {
      %mul3A_31 = arith.constant 16 : i32
      %mul3A_32 = arith.muli %scan3A_29, %mul3A_31 : i32
      %swap3A = arith.index_cast %mul3A_32 : i32 to index
      %swap3A_33 = tpu.vector_load %arg12[%swap3A] {strides = array<i32>} : memref<640xf32, #tpu.memory_space<vmem>>, vector<16xf32>,
      tpu.vector_store %arg12[%swap3A], %broadcast_in_dim3A_3 {strides = array<i32>} : memref<640xf32, #tpu.memory_space<vmem>>, vector<16xf32>,
      %scan3A_34 = arith.constant 0 : i32
      scf.yield %scan3A_34 : i32
    }
    %scan3A_9 = arith.constant 40 : i32
    %mul3A_10 = arith.constant 640 : i32
    %mul3A_11 = arith.muli %arg1, %mul3A_10 : i32
    "tpu.region"() ({
      %run_scoped3A = tpu.sem_alloc : memref<!tpu.dma_semaphore, #tpu.memory_space<semaphore_mem>>
      %dma_start3A = tpu.memref_slice %arg13[%mul3A_11] : memref<10240xf32, #tpu.memory_space<vmem_shared>> -> memref<640xf32, #tpu.memory_space<vmem_shared>>
      %dma_start3A_29 = tpu.memref_slice %arg13[%mul3A_11] : memref<10240xf32, #tpu.memory_space<vmem_shared>> -> memref<640xf32, #tpu.memory_space<vmem_shared>>
      tpu.enqueue_dma source(%arg12 : memref<640xf32, #tpu.memory_space<vmem>>) target(%dma_start3A_29 : memref<640xf32, #tpu.memory_space<vmem_shared>>) target_semaphore(%run_scoped3A : memref<!tpu.dma_semaphore, #tpu.memory_space<semaphore_mem>>)
      %dma_wait3A = tpu.memref_slice %arg13[%mul3A_11] : memref<10240xf32, #tpu.memory_space<vmem_shared>> -> memref<640xf32, #tpu.memory_space<vmem_shared>>
      %dma_wait3A_30 = tpu.memref_slice %arg13[%mul3A_11] : memref<10240xf32, #tpu.memory_space<vmem_shared>> -> memref<640xf32, #tpu.memory_space<vmem_shared>>
      tpu.wait_dma2 semaphore(%run_scoped3A : memref<!tpu.dma_semaphore, #tpu.memory_space<semaphore_mem>>) src(%arg12 : memref<640xf32, #tpu.memory_space<vmem>>) dst(%dma_wait3A_30 : memref<640xf32, #tpu.memory_space<vmem_shared>>)
      tpu.yield
    }) : () -> ()
    %scan3A_12 = arith.constant 0 : i32
    %scan3A_13 = arith.constant 0 : i32
    %scan3A_14 = arith.constant 5 : i32
    %scan3A_15 = arith.addi %scan3A_13, %scan3A_14 : i32
    %scan3A_16 = arith.constant 1 : i32
    %scan3A_17 = scf.for %scan3A_29 = %scan3A_13 to %scan3A_15 step %scan3A_16 iter_args(%scan3A_30 = %scan3A_12) -> (i32)  : i32 {
      %mul3A_31 = arith.constant 2048 : i32
      %mul3A_32 = arith.muli %scan3A_29, %mul3A_31 : i32
      "tpu.region"() ({
        %run_scoped3A = tpu.sem_alloc : memref<!tpu.dma_semaphore, #tpu.memory_space<semaphore_mem>>
        %dma_start3A = arith.constant 0 : i32
        %dma_start3A_41 = tpu.memref_slice %arg2[%dma_start3A, %mul3A_32] : memref<32x10240xf32, #tpu.memory_space<hbm>> -> memref<32x2048xf32, #tpu.memory_space<hbm>>
        %dma_start3A_42 = arith.constant 0 : i32
        %dma_start3A_43 = tpu.memref_slice %arg2[%dma_start3A_42, %mul3A_32] : memref<32x10240xf32, #tpu.memory_space<hbm>> -> memref<32x2048xf32, #tpu.memory_space<hbm>>
        tpu.enqueue_dma source(%dma_start3A_43 : memref<32x2048xf32, #tpu.memory_space<hbm>>) target(%arg8 : memref<32x2048xf32, #tpu.memory_space<vmem>>) target_semaphore(%run_scoped3A : memref<!tpu.dma_semaphore, #tpu.memory_space<semaphore_mem>>)
        %dma_wait3A = arith.constant 0 : i32
        %dma_wait3A_44 = tpu.memref_slice %arg2[%dma_wait3A, %mul3A_32] : memref<32x10240xf32, #tpu.memory_space<hbm>> -> memref<32x2048xf32, #tpu.memory_space<hbm>>
        %dma_wait3A_45 = arith.constant 0 : i32
        %dma_wait3A_46 = tpu.memref_slice %arg2[%dma_wait3A_45, %mul3A_32] : memref<32x10240xf32, #tpu.memory_space<hbm>> -> memref<32x2048xf32, #tpu.memory_space<hbm>>
        tpu.wait_dma2 semaphore(%run_scoped3A : memref<!tpu.dma_semaphore, #tpu.memory_space<semaphore_mem>>) src(%dma_wait3A_46 : memref<32x2048xf32, #tpu.memory_space<hbm>>) dst(%arg8 : memref<32x2048xf32, #tpu.memory_space<vmem>>)
        tpu.yield
      }) : () -> ()
      %scan3A_33 = arith.constant 0 : i32
      %scan3A_34 = arith.constant 0 : i32
      %scan3A_35 = arith.constant 128 : i32
      %scan3A_36 = arith.addi %scan3A_34, %scan3A_35 : i32
      %scan3A_37 = arith.constant 1 : i32
      %scan3A_38 = scf.for %scan3A_41 = %scan3A_34 to %scan3A_36 step %scan3A_37 iter_args(%scan3A_42 = %scan3A_33) -> (i32)  : i32 {
        %mul3A_43 = arith.constant 16 : i32
        %mul3A_44 = arith.muli %scan3A_41, %mul3A_43 : i32
        %get3A = arith.constant 0 : i32
        %get3A_45 = arith.index_cast %get3A : i32 to index
        %get3A_46 = arith.index_cast %mul3A_44 : i32 to index
        %get3A_47 = tpu.vector_load %arg8[%get3A_45, %get3A_46] {strides = array<i32>} : memref<32x2048xf32, #tpu.memory_space<vmem>>, vector<16xf32>,
        %mul3A_48 = arith.constant 16 : i32
        %mul3A_49 = arith.muli %scan3A_41, %mul3A_48 : i32
        %get3A_50 = arith.constant 1 : i32
        %get3A_51 = arith.index_cast %get3A_50 : i32 to index
        %get3A_52 = arith.index_cast %mul3A_49 : i32 to index
        %get3A_53 = tpu.vector_load %arg8[%get3A_51, %get3A_52] {strides = array<i32>} : memref<32x2048xf32, #tpu.memory_space<vmem>>, vector<16xf32>,
        %max3A = arith.maximumf %get3A_47, %get3A_53 : vector<16xf32>
        %mul3A_54 = arith.constant 16 : i32
        %mul3A_55 = arith.muli %scan3A_41, %mul3A_54 : i32
        %get3A_56 = arith.constant 2 : i32
        %get3A_57 = arith.index_cast %get3A_56 : i32 to index
        %get3A_58 = arith.index_cast %mul3A_55 : i32 to index
        %get3A_59 = tpu.vector_load %arg8[%get3A_57, %get3A_58] {strides = array<i32>} : memref<32x2048xf32, #tpu.memory_space<vmem>>, vector<16xf32>,
        %max3A_60 = arith.maximumf %max3A, %get3A_59 : vector<16xf32>
        %mul3A_61 = arith.constant 16 : i32
        %mul3A_62 = arith.muli %scan3A_41, %mul3A_61 : i32
        %get3A_63 = arith.constant 3 : i32
        %get3A_64 = arith.index_cast %get3A_63 : i32 to index
        %get3A_65 = arith.index_cast %mul3A_62 : i32 to index
        %get3A_66 = tpu.vector_load %arg8[%get3A_64, %get3A_65] {strides = array<i32>} : memref<32x2048xf32, #tpu.memory_space<vmem>>, vector<16xf32>,
        %max3A_67 = arith.maximumf %max3A_60, %get3A_66 : vector<16xf32>
        %mul3A_68 = arith.constant 16 : i32
        %mul3A_69 = arith.muli %scan3A_41, %mul3A_68 : i32
        %get3A_70 = arith.constant 4 : i32
        %get3A_71 = arith.index_cast %get3A_70 : i32 to index
        %get3A_72 = arith.index_cast %mul3A_69 : i32 to index
        %get3A_73 = tpu.vector_load %arg8[%get3A_71, %get3A_72] {strides = array<i32>} : memref<32x2048xf32, #tpu.memory_space<vmem>>, vector<16xf32>,
        %max3A_74 = arith.maximumf %max3A_67, %get3A_73 : vector<16xf32>
        %mul3A_75 = arith.constant 16 : i32
        %mul3A_76 = arith.muli %scan3A_41, %mul3A_75 : i32
        %get3A_77 = arith.constant 5 : i32
        %get3A_78 = arith.index_cast %get3A_77 : i32 to index
        %get3A_79 = arith.index_cast %mul3A_76 : i32 to index
        %get3A_80 = tpu.vector_load %arg8[%get3A_78, %get3A_79] {strides = array<i32>} : memref<32x2048xf32, #tpu.memory_space<vmem>>, vector<16xf32>,
        %max3A_81 = arith.maximumf %max3A_74, %get3A_80 : vector<16xf32>
        %mul3A_82 = arith.constant 16 : i32
        %mul3A_83 = arith.muli %scan3A_41, %mul3A_82 : i32
        %get3A_84 = arith.constant 6 : i32
        %get3A_85 = arith.index_cast %get3A_84 : i32 to index
        %get3A_86 = arith.index_cast %mul3A_83 : i32 to index
        %get3A_87 = tpu.vector_load %arg8[%get3A_85, %get3A_86] {strides = array<i32>} : memref<32x2048xf32, #tpu.memory_space<vmem>>, vector<16xf32>,
        %max3A_88 = arith.maximumf %max3A_81, %get3A_87 : vector<16xf32>
        %mul3A_89 = arith.constant 16 : i32
        %mul3A_90 = arith.muli %scan3A_41, %mul3A_89 : i32
        %get3A_91 = arith.constant 7 : i32
        %get3A_92 = arith.index_cast %get3A_91 : i32 to index
        %get3A_93 = arith.index_cast %mul3A_90 : i32 to index
        %get3A_94 = tpu.vector_load %arg8[%get3A_92, %get3A_93] {strides = array<i32>} : memref<32x2048xf32, #tpu.memory_space<vmem>>, vector<16xf32>,
        %max3A_95 = arith.maximumf %max3A_88, %get3A_94 : vector<16xf32>
        %mul3A_96 = arith.constant 16 : i32
        %mul3A_97 = arith.muli %scan3A_41, %mul3A_96 : i32
        %get3A_98 = arith.constant 8 : i32
        %get3A_99 = arith.index_cast %get3A_98 : i32 to index
        %get3A_100 = arith.index_cast %mul3A_97 : i32 to index
        %get3A_101 = tpu.vector_load %arg8[%get3A_99, %get3A_100] {strides = array<i32>} : memref<32x2048xf32, #tpu.memory_space<vmem>>, vector<16xf32>,
        %max3A_102 = arith.maximumf %max3A_95, %get3A_101 : vector<16xf32>
        %mul3A_103 = arith.constant 16 : i32
        %mul3A_104 = arith.muli %scan3A_41, %mul3A_103 : i32
        %get3A_105 = arith.constant 9 : i32
        %get3A_106 = arith.index_cast %get3A_105 : i32 to index
        %get3A_107 = arith.index_cast %mul3A_104 : i32 to index
        %get3A_108 = tpu.vector_load %arg8[%get3A_106, %get3A_107] {strides = array<i32>} : memref<32x2048xf32, #tpu.memory_space<vmem>>, vector<16xf32>,
        %max3A_109 = arith.maximumf %max3A_102, %get3A_108 : vector<16xf32>
        %mul3A_110 = arith.constant 16 : i32
        %mul3A_111 = arith.muli %scan3A_41, %mul3A_110 : i32
        %get3A_112 = arith.constant 10 : i32
        %get3A_113 = arith.index_cast %get3A_112 : i32 to index
        %get3A_114 = arith.index_cast %mul3A_111 : i32 to index
        %get3A_115 = tpu.vector_load %arg8[%get3A_113, %get3A_114] {strides = array<i32>} : memref<32x2048xf32, #tpu.memory_space<vmem>>, vector<16xf32>,
        %max3A_116 = arith.maximumf %max3A_109, %get3A_115 : vector<16xf32>
        %mul3A_117 = arith.constant 16 : i32
        %mul3A_118 = arith.muli %scan3A_41, %mul3A_117 : i32
        %get3A_119 = arith.constant 11 : i32
        %get3A_120 = arith.index_cast %get3A_119 : i32 to index
        %get3A_121 = arith.index_cast %mul3A_118 : i32 to index
        %get3A_122 = tpu.vector_load %arg8[%get3A_120, %get3A_121] {strides = array<i32>} : memref<32x2048xf32, #tpu.memory_space<vmem>>, vector<16xf32>,
        %max3A_123 = arith.maximumf %max3A_116, %get3A_122 : vector<16xf32>
        %mul3A_124 = arith.constant 16 : i32
        %mul3A_125 = arith.muli %scan3A_41, %mul3A_124 : i32
        %get3A_126 = arith.constant 12 : i32
        %get3A_127 = arith.index_cast %get3A_126 : i32 to index
        %get3A_128 = arith.index_cast %mul3A_125 : i32 to index
        %get3A_129 = tpu.vector_load %arg8[%get3A_127, %get3A_128] {strides = array<i32>} : memref<32x2048xf32, #tpu.memory_space<vmem>>, vector<16xf32>,
        %max3A_130 = arith.maximumf %max3A_123, %get3A_129 : vector<16xf32>
        %mul3A_131 = arith.constant 16 : i32
        %mul3A_132 = arith.muli %scan3A_41, %mul3A_131 : i32
        %get3A_133 = arith.constant 13 : i32
        %get3A_134 = arith.index_cast %get3A_133 : i32 to index
        %get3A_135 = arith.index_cast %mul3A_132 : i32 to index
        %get3A_136 = tpu.vector_load %arg8[%get3A_134, %get3A_135] {strides = array<i32>} : memref<32x2048xf32, #tpu.memory_space<vmem>>, vector<16xf32>,
        %max3A_137 = arith.maximumf %max3A_130, %get3A_136 : vector<16xf32>
        %mul3A_138 = arith.constant 16 : i32
        %mul3A_139 = arith.muli %scan3A_41, %mul3A_138 : i32
        %get3A_140 = arith.constant 14 : i32
        %get3A_141 = arith.index_cast %get3A_140 : i32 to index
        %get3A_142 = arith.index_cast %mul3A_139 : i32 to index
        %get3A_143 = tpu.vector_load %arg8[%get3A_141, %get3A_142] {strides = array<i32>} : memref<32x2048xf32, #tpu.memory_space<vmem>>, vector<16xf32>,
        %max3A_144 = arith.maximumf %max3A_137, %get3A_143 : vector<16xf32>
        %mul3A_145 = arith.constant 16 : i32
        %mul3A_146 = arith.muli %scan3A_41, %mul3A_145 : i32
        %get3A_147 = arith.constant 15 : i32
        %get3A_148 = arith.index_cast %get3A_147 : i32 to index
        %get3A_149 = arith.index_cast %mul3A_146 : i32 to index
        %get3A_150 = tpu.vector_load %arg8[%get3A_148, %get3A_149] {strides = array<i32>} : memref<32x2048xf32, #tpu.memory_space<vmem>>, vector<16xf32>,
        %max3A_151 = arith.maximumf %max3A_144, %get3A_150 : vector<16xf32>
        %mul3A_152 = arith.constant 16 : i32
        %mul3A_153 = arith.muli %scan3A_41, %mul3A_152 : i32
        %get3A_154 = arith.constant 16 : i32
        %get3A_155 = arith.index_cast %get3A_154 : i32 to index
        %get3A_156 = arith.index_cast %mul3A_153 : i32 to index
        %get3A_157 = tpu.vector_load %arg8[%get3A_155, %get3A_156] {strides = array<i32>} : memref<32x2048xf32, #tpu.memory_space<vmem>>, vector<16xf32>,
        %max3A_158 = arith.maximumf %max3A_151, %get3A_157 : vector<16xf32>
        %mul3A_159 = arith.constant 16 : i32
        %mul3A_160 = arith.muli %scan3A_41, %mul3A_159 : i32
        %get3A_161 = arith.constant 17 : i32
        %get3A_162 = arith.index_cast %get3A_161 : i32 to index
        %get3A_163 = arith.index_cast %mul3A_160 : i32 to index
        %get3A_164 = tpu.vector_load %arg8[%get3A_162, %get3A_163] {strides = array<i32>} : memref<32x2048xf32, #tpu.memory_space<vmem>>, vector<16xf32>,
        %max3A_165 = arith.maximumf %max3A_158, %get3A_164 : vector<16xf32>
        %mul3A_166 = arith.constant 16 : i32
        %mul3A_167 = arith.muli %scan3A_41, %mul3A_166 : i32
        %get3A_168 = arith.constant 18 : i32
        %get3A_169 = arith.index_cast %get3A_168 : i32 to index
        %get3A_170 = arith.index_cast %mul3A_167 : i32 to index
        %get3A_171 = tpu.vector_load %arg8[%get3A_169, %get3A_170] {strides = array<i32>} : memref<32x2048xf32, #tpu.memory_space<vmem>>, vector<16xf32>,
        %max3A_172 = arith.maximumf %max3A_165, %get3A_171 : vector<16xf32>
        %mul3A_173 = arith.constant 16 : i32
        %mul3A_174 = arith.muli %scan3A_41, %mul3A_173 : i32
        %get3A_175 = arith.constant 19 : i32
        %get3A_176 = arith.index_cast %get3A_175 : i32 to index
        %get3A_177 = arith.index_cast %mul3A_174 : i32 to index
        %get3A_178 = tpu.vector_load %arg8[%get3A_176, %get3A_177] {strides = array<i32>} : memref<32x2048xf32, #tpu.memory_space<vmem>>, vector<16xf32>,
        %max3A_179 = arith.maximumf %max3A_172, %get3A_178 : vector<16xf32>
        %mul3A_180 = arith.constant 16 : i32
        %mul3A_181 = arith.muli %scan3A_41, %mul3A_180 : i32
        %get3A_182 = arith.constant 20 : i32
        %get3A_183 = arith.index_cast %get3A_182 : i32 to index
        %get3A_184 = arith.index_cast %mul3A_181 : i32 to index
        %get3A_185 = tpu.vector_load %arg8[%get3A_183, %get3A_184] {strides = array<i32>} : memref<32x2048xf32, #tpu.memory_space<vmem>>, vector<16xf32>,
        %max3A_186 = arith.maximumf %max3A_179, %get3A_185 : vector<16xf32>
        %mul3A_187 = arith.constant 16 : i32
        %mul3A_188 = arith.muli %scan3A_41, %mul3A_187 : i32
        %get3A_189 = arith.constant 21 : i32
        %get3A_190 = arith.index_cast %get3A_189 : i32 to index
        %get3A_191 = arith.index_cast %mul3A_188 : i32 to index
        %get3A_192 = tpu.vector_load %arg8[%get3A_190, %get3A_191] {strides = array<i32>} : memref<32x2048xf32, #tpu.memory_space<vmem>>, vector<16xf32>,
        %max3A_193 = arith.maximumf %max3A_186, %get3A_192 : vector<16xf32>
        %mul3A_194 = arith.constant 16 : i32
        %mul3A_195 = arith.muli %scan3A_41, %mul3A_194 : i32
        %get3A_196 = arith.constant 22 : i32
        %get3A_197 = arith.index_cast %get3A_196 : i32 to index
        %get3A_198 = arith.index_cast %mul3A_195 : i32 to index
        %get3A_199 = tpu.vector_load %arg8[%get3A_197, %get3A_198] {strides = array<i32>} : memref<32x2048xf32, #tpu.memory_space<vmem>>, vector<16xf32>,
        %max3A_200 = arith.maximumf %max3A_193, %get3A_199 : vector<16xf32>
        %mul3A_201 = arith.constant 16 : i32
        %mul3A_202 = arith.muli %scan3A_41, %mul3A_201 : i32
        %get3A_203 = arith.constant 23 : i32
        %get3A_204 = arith.index_cast %get3A_203 : i32 to index
        %get3A_205 = arith.index_cast %mul3A_202 : i32 to index
        %get3A_206 = tpu.vector_load %arg8[%get3A_204, %get3A_205] {strides = array<i32>} : memref<32x2048xf32, #tpu.memory_space<vmem>>, vector<16xf32>,
        %max3A_207 = arith.maximumf %max3A_200, %get3A_206 : vector<16xf32>
        %mul3A_208 = arith.constant 16 : i32
        %mul3A_209 = arith.muli %scan3A_41, %mul3A_208 : i32
        %get3A_210 = arith.constant 24 : i32
        %get3A_211 = arith.index_cast %get3A_210 : i32 to index
        %get3A_212 = arith.index_cast %mul3A_209 : i32 to index
        %get3A_213 = tpu.vector_load %arg8[%get3A_211, %get3A_212] {strides = array<i32>} : memref<32x2048xf32, #tpu.memory_space<vmem>>, vector<16xf32>,
        %max3A_214 = arith.maximumf %max3A_207, %get3A_213 : vector<16xf32>
        %mul3A_215 = arith.constant 16 : i32
        %mul3A_216 = arith.muli %scan3A_41, %mul3A_215 : i32
        %get3A_217 = arith.constant 25 : i32
        %get3A_218 = arith.index_cast %get3A_217 : i32 to index
        %get3A_219 = arith.index_cast %mul3A_216 : i32 to index
        %get3A_220 = tpu.vector_load %arg8[%get3A_218, %get3A_219] {strides = array<i32>} : memref<32x2048xf32, #tpu.memory_space<vmem>>, vector<16xf32>,
        %max3A_221 = arith.maximumf %max3A_214, %get3A_220 : vector<16xf32>
        %mul3A_222 = arith.constant 16 : i32
        %mul3A_223 = arith.muli %scan3A_41, %mul3A_222 : i32
        %get3A_224 = arith.constant 26 : i32
        %get3A_225 = arith.index_cast %get3A_224 : i32 to index
        %get3A_226 = arith.index_cast %mul3A_223 : i32 to index
        %get3A_227 = tpu.vector_load %arg8[%get3A_225, %get3A_226] {strides = array<i32>} : memref<32x2048xf32, #tpu.memory_space<vmem>>, vector<16xf32>,
        %max3A_228 = arith.maximumf %max3A_221, %get3A_227 : vector<16xf32>
        %mul3A_229 = arith.constant 16 : i32
        %mul3A_230 = arith.muli %scan3A_41, %mul3A_229 : i32
        %get3A_231 = arith.constant 27 : i32
        %get3A_232 = arith.index_cast %get3A_231 : i32 to index
        %get3A_233 = arith.index_cast %mul3A_230 : i32 to index
        %get3A_234 = tpu.vector_load %arg8[%get3A_232, %get3A_233] {strides = array<i32>} : memref<32x2048xf32, #tpu.memory_space<vmem>>, vector<16xf32>,
        %max3A_235 = arith.maximumf %max3A_228, %get3A_234 : vector<16xf32>
        %mul3A_236 = arith.constant 16 : i32
        %mul3A_237 = arith.muli %scan3A_41, %mul3A_236 : i32
        %get3A_238 = arith.constant 28 : i32
        %get3A_239 = arith.index_cast %get3A_238 : i32 to index
        %get3A_240 = arith.index_cast %mul3A_237 : i32 to index
        %get3A_241 = tpu.vector_load %arg8[%get3A_239, %get3A_240] {strides = array<i32>} : memref<32x2048xf32, #tpu.memory_space<vmem>>, vector<16xf32>,
        %max3A_242 = arith.maximumf %max3A_235, %get3A_241 : vector<16xf32>
        %mul3A_243 = arith.constant 16 : i32
        %mul3A_244 = arith.muli %scan3A_41, %mul3A_243 : i32
        %get3A_245 = arith.constant 29 : i32
        %get3A_246 = arith.index_cast %get3A_245 : i32 to index
        %get3A_247 = arith.index_cast %mul3A_244 : i32 to index
        %get3A_248 = tpu.vector_load %arg8[%get3A_246, %get3A_247] {strides = array<i32>} : memref<32x2048xf32, #tpu.memory_space<vmem>>, vector<16xf32>,
        %max3A_249 = arith.maximumf %max3A_242, %get3A_248 : vector<16xf32>
        %mul3A_250 = arith.constant 16 : i32
        %mul3A_251 = arith.muli %scan3A_41, %mul3A_250 : i32
        %get3A_252 = arith.constant 30 : i32
        %get3A_253 = arith.index_cast %get3A_252 : i32 to index
        %get3A_254 = arith.index_cast %mul3A_251 : i32 to index
        %get3A_255 = tpu.vector_load %arg8[%get3A_253, %get3A_254] {strides = array<i32>} : memref<32x2048xf32, #tpu.memory_space<vmem>>, vector<16xf32>,
        %max3A_256 = arith.maximumf %max3A_249, %get3A_255 : vector<16xf32>
        %mul3A_257 = arith.constant 16 : i32
        %mul3A_258 = arith.muli %scan3A_41, %mul3A_257 : i32
        %get3A_259 = arith.constant 31 : i32
        %get3A_260 = arith.index_cast %get3A_259 : i32 to index
        %get3A_261 = arith.index_cast %mul3A_258 : i32 to index
        %get3A_262 = tpu.vector_load %arg8[%get3A_260, %get3A_261] {strides = array<i32>} : memref<32x2048xf32, #tpu.memory_space<vmem>>, vector<16xf32>,
        %max3A_263 = arith.maximumf %max3A_256, %get3A_262 : vector<16xf32>
        %mul3A_264 = arith.constant 2048 : i32
        %mul3A_265 = arith.muli %scan3A_29, %mul3A_264 : i32
        %mul3A_266 = arith.constant 16 : i32
        %mul3A_267 = arith.muli %scan3A_41, %mul3A_266 : i32
        %add3A_268 = arith.addi %mul3A_265, %mul3A_267 : i32
        %swap3A = arith.index_cast %add3A_268 : i32 to index
        %swap3A_269 = tpu.vector_load %arg7[%swap3A] {strides = array<i32>} : memref<10240xf32, #tpu.memory_space<vmem>>, vector<16xf32>,
        tpu.vector_store %arg7[%swap3A], %max3A_263 {strides = array<i32>} : memref<10240xf32, #tpu.memory_space<vmem>>, vector<16xf32>,
        %scan3A_270 = arith.constant 0 : i32
        scf.yield %scan3A_270 : i32
      }
      %scan3A_39 = arith.constant 128 : i32
      %scan3A_40 = arith.constant 0 : i32
      scf.yield %scan3A_40 : i32
    }
    %scan3A_18 = arith.constant 5 : i32
    %barrier3A = arith.constant 0 : index
    tpu.barrier barrier_id(%barrier3A)
    %scan3A_19 = arith.constant 0 : i32
    %scan3A_20 = arith.constant 0 : i32
    %scan3A_21 = arith.constant 80 : i32
    %scan3A_22 = arith.addi %scan3A_20, %scan3A_21 : i32
    %scan3A_23 = arith.constant 1 : i32
    %scan3A_24 = scf.for %scan3A_29 = %scan3A_20 to %scan3A_22 step %scan3A_23 iter_args(%scan3A_30 = %scan3A_19) -> (i32)  : i32 {
      %mul3A_31 = arith.constant 64 : i32
      %mul3A_32 = arith.muli %scan3A_29, %mul3A_31 : i32
      %add3A_33 = arith.addi %mul3A_2, %mul3A_32 : i32
      "tpu.region"() ({
        %run_scoped3A = tpu.sem_alloc : memref<!tpu.dma_semaphore, #tpu.memory_space<semaphore_mem>>
        %dma_start3A = tpu.memref_slice %arg3[%add3A_33] : memref<163840xf32, #tpu.memory_space<hbm>> -> memref<64xf32, #tpu.memory_space<hbm>>
        %dma_start3A_66 = tpu.memref_slice %arg3[%add3A_33] : memref<163840xf32, #tpu.memory_space<hbm>> -> memref<64xf32, #tpu.memory_space<hbm>>
        tpu.enqueue_dma source(%dma_start3A_66 : memref<64xf32, #tpu.memory_space<hbm>>) target(%arg9 : memref<64xf32, #tpu.memory_space<vmem>>) target_semaphore(%run_scoped3A : memref<!tpu.dma_semaphore, #tpu.memory_space<semaphore_mem>>)
        %dma_wait3A = tpu.memref_slice %arg3[%add3A_33] : memref<163840xf32, #tpu.memory_space<hbm>> -> memref<64xf32, #tpu.memory_space<hbm>>
        %dma_wait3A_67 = tpu.memref_slice %arg3[%add3A_33] : memref<163840xf32, #tpu.memory_space<hbm>> -> memref<64xf32, #tpu.memory_space<hbm>>
        tpu.wait_dma2 semaphore(%run_scoped3A : memref<!tpu.dma_semaphore, #tpu.memory_space<semaphore_mem>>) src(%dma_wait3A_67 : memref<64xf32, #tpu.memory_space<hbm>>) dst(%arg9 : memref<64xf32, #tpu.memory_space<vmem>>)
        tpu.yield
      }) : () -> ()
      "tpu.region"() ({
        %run_scoped3A = tpu.sem_alloc : memref<!tpu.dma_semaphore, #tpu.memory_space<semaphore_mem>>
        %dma_start3A = tpu.memref_slice %arg4[%add3A_33] : memref<163840xi32, #tpu.memory_space<hbm>> -> memref<64xi32, #tpu.memory_space<hbm>>
        %dma_start3A_66 = tpu.memref_slice %arg4[%add3A_33] : memref<163840xi32, #tpu.memory_space<hbm>> -> memref<64xi32, #tpu.memory_space<hbm>>
        tpu.enqueue_dma source(%dma_start3A_66 : memref<64xi32, #tpu.memory_space<hbm>>) target(%arg11 : memref<64xi32, #tpu.memory_space<vmem>>) target_semaphore(%run_scoped3A : memref<!tpu.dma_semaphore, #tpu.memory_space<semaphore_mem>>)
        %dma_wait3A = tpu.memref_slice %arg4[%add3A_33] : memref<163840xi32, #tpu.memory_space<hbm>> -> memref<64xi32, #tpu.memory_space<hbm>>
        %dma_wait3A_67 = tpu.memref_slice %arg4[%add3A_33] : memref<163840xi32, #tpu.memory_space<hbm>> -> memref<64xi32, #tpu.memory_space<hbm>>
        tpu.wait_dma2 semaphore(%run_scoped3A : memref<!tpu.dma_semaphore, #tpu.memory_space<semaphore_mem>>) src(%dma_wait3A_67 : memref<64xi32, #tpu.memory_space<hbm>>) dst(%arg11 : memref<64xi32, #tpu.memory_space<vmem>>)
        tpu.yield
      }) : () -> ()
      %get3A = arith.constant 0 : index
      %get3A_34 = tpu.vector_load %arg9[%get3A] {strides = array<i32>} : memref<64xf32, #tpu.memory_space<vmem>>, vector<16xf32>,
      %get3A_35 = arith.constant 0 : index
      %get3A_36 = tpu.vector_load %arg11[%get3A_35] {strides = array<i32>} : memref<64xi32, #tpu.memory_space<vmem>>, vector<16xi32>,
      %gather3A = tpu.vector_load_idx %arg7[%get3A_36] : memref<10240xf32, #tpu.memory_space<vmem>>[vector<16xi32>], vector<16xf32>,
      %sub3A = arith.subf %get3A_34, %gather3A : vector<16xf32>
      %exp3A = math.exp %sub3A : vector<16xf32>
      %swap3A = arith.constant 0 : index
      %swap3A_37 = tpu.vector_load %arg10[%swap3A] {strides = array<i32>} : memref<64xf32, #tpu.memory_space<vmem>>, vector<16xf32>,
      tpu.vector_store %arg10[%swap3A], %exp3A {strides = array<i32>} : memref<64xf32, #tpu.memory_space<vmem>>, vector<16xf32>,
      %get3A_38 = arith.constant 16 : index
      %get3A_39 = tpu.vector_load %arg9[%get3A_38] {strides = array<i32>} : memref<64xf32, #tpu.memory_space<vmem>>, vector<16xf32>,
      %get3A_40 = arith.constant 16 : index
      %get3A_41 = tpu.vector_load %arg11[%get3A_40] {strides = array<i32>} : memref<64xi32, #tpu.memory_space<vmem>>, vector<16xi32>,
      %gather3A_42 = tpu.vector_load_idx %arg7[%get3A_41] : memref<10240xf32, #tpu.memory_space<vmem>>[vector<16xi32>], vector<16xf32>,
      %sub3A_43 = arith.subf %get3A_39, %gather3A_42 : vector<16xf32>
      %exp3A_44 = math.exp %sub3A_43 : vector<16xf32>
      %swap3A_45 = arith.constant 16 : index
      %swap3A_46 = tpu.vector_load %arg10[%swap3A_45] {strides = array<i32>} : memref<64xf32, #tpu.memory_space<vmem>>, vector<16xf32>,
      tpu.vector_store %arg10[%swap3A_45], %exp3A_44 {strides = array<i32>} : memref<64xf32, #tpu.memory_space<vmem>>, vector<16xf32>,
      %get3A_47 = arith.constant 32 : index
      %get3A_48 = tpu.vector_load %arg9[%get3A_47] {strides = array<i32>} : memref<64xf32, #tpu.memory_space<vmem>>, vector<16xf32>,
      %get3A_49 = arith.constant 32 : index
      %get3A_50 = tpu.vector_load %arg11[%get3A_49] {strides = array<i32>} : memref<64xi32, #tpu.memory_space<vmem>>, vector<16xi32>,
      %gather3A_51 = tpu.vector_load_idx %arg7[%get3A_50] : memref<10240xf32, #tpu.memory_space<vmem>>[vector<16xi32>], vector<16xf32>,
      %sub3A_52 = arith.subf %get3A_48, %gather3A_51 : vector<16xf32>
      %exp3A_53 = math.exp %sub3A_52 : vector<16xf32>
      %swap3A_54 = arith.constant 32 : index
      %swap3A_55 = tpu.vector_load %arg10[%swap3A_54] {strides = array<i32>} : memref<64xf32, #tpu.memory_space<vmem>>, vector<16xf32>,
      tpu.vector_store %arg10[%swap3A_54], %exp3A_53 {strides = array<i32>} : memref<64xf32, #tpu.memory_space<vmem>>, vector<16xf32>,
      %get3A_56 = arith.constant 48 : index
      %get3A_57 = tpu.vector_load %arg9[%get3A_56] {strides = array<i32>} : memref<64xf32, #tpu.memory_space<vmem>>, vector<16xf32>,
      %get3A_58 = arith.constant 48 : index
      %get3A_59 = tpu.vector_load %arg11[%get3A_58] {strides = array<i32>} : memref<64xi32, #tpu.memory_space<vmem>>, vector<16xi32>,
      %gather3A_60 = tpu.vector_load_idx %arg7[%get3A_59] : memref<10240xf32, #tpu.memory_space<vmem>>[vector<16xi32>], vector<16xf32>,
      %sub3A_61 = arith.subf %get3A_57, %gather3A_60 : vector<16xf32>
      %exp3A_62 = math.exp %sub3A_61 : vector<16xf32>
      %swap3A_63 = arith.constant 48 : index
      %swap3A_64 = tpu.vector_load %arg10[%swap3A_63] {strides = array<i32>} : memref<64xf32, #tpu.memory_space<vmem>>, vector<16xf32>,
      tpu.vector_store %arg10[%swap3A_63], %exp3A_62 {strides = array<i32>} : memref<64xf32, #tpu.memory_space<vmem>>, vector<16xf32>,
      "tpu.region"() ({
        %run_scoped3A = tpu.sem_alloc : memref<!tpu.dma_semaphore, #tpu.memory_space<semaphore_mem>>
        %dma_start3A = tpu.memref_slice %arg5[%add3A_33] : memref<163840xf32, #tpu.memory_space<hbm>> -> memref<64xf32, #tpu.memory_space<hbm>>
        %dma_start3A_66 = tpu.memref_slice %arg5[%add3A_33] : memref<163840xf32, #tpu.memory_space<hbm>> -> memref<64xf32, #tpu.memory_space<hbm>>
        tpu.enqueue_dma source(%arg10 : memref<64xf32, #tpu.memory_space<vmem>>) target(%dma_start3A_66 : memref<64xf32, #tpu.memory_space<hbm>>) target_semaphore(%run_scoped3A : memref<!tpu.dma_semaphore, #tpu.memory_space<semaphore_mem>>)
        %dma_wait3A = tpu.memref_slice %arg5[%add3A_33] : memref<163840xf32, #tpu.memory_space<hbm>> -> memref<64xf32, #tpu.memory_space<hbm>>
        %dma_wait3A_67 = tpu.memref_slice %arg5[%add3A_33] : memref<163840xf32, #tpu.memory_space<hbm>> -> memref<64xf32, #tpu.memory_space<hbm>>
        tpu.wait_dma2 semaphore(%run_scoped3A : memref<!tpu.dma_semaphore, #tpu.memory_space<semaphore_mem>>) src(%arg10 : memref<64xf32, #tpu.memory_space<vmem>>) dst(%dma_wait3A_67 : memref<64xf32, #tpu.memory_space<hbm>>)
        tpu.yield
      }) : () -> ()
      "tpu.region"() ({
        %run_scoped3A = tpu.sem_alloc : memref<!tpu.dma_semaphore, #tpu.memory_space<semaphore_mem>>
        %dma_start3A = arith.constant 0 : i32
        %dma_start3A_66 = tpu.memref_slice %arg13[%dma_start3A] : memref<10240xf32, #tpu.memory_space<vmem_shared>> -> memref<10240xf32, #tpu.memory_space<vmem_shared>>
        tpu.enqueue_indirect_dma source(%arg10 : memref<64xf32, #tpu.memory_space<vmem>>) target(%dma_start3A_66 : memref<10240xf32, #tpu.memory_space<vmem_shared>>) offsets(%arg11 : memref<64xi32, #tpu.memory_space<vmem>>) semaphore(%run_scoped3A : memref<!tpu.dma_semaphore, #tpu.memory_space<semaphore_mem>>) {add = true}
        %dma_wait3A = arith.constant 0 : i32
        %dma_wait3A_67 = tpu.memref_slice %arg13[%dma_wait3A] : memref<10240xf32, #tpu.memory_space<vmem_shared>> -> memref<10240xf32, #tpu.memory_space<vmem_shared>>
        tpu.wait_indirect_dma semaphore(%run_scoped3A : memref<!tpu.dma_semaphore, #tpu.memory_space<semaphore_mem>>) src(%arg10 : memref<64xf32, #tpu.memory_space<vmem>>) dst(%dma_wait3A_67 : memref<10240xf32, #tpu.memory_space<vmem_shared>>)
        tpu.yield
      }) : () -> ()
      %scan3A_65 = arith.constant 0 : i32
      scf.yield %scan3A_65 : i32
    }
    %scan3A_25 = arith.constant 80 : i32
    %barrier3A_26 = arith.constant 0 : index
    tpu.barrier barrier_id(%barrier3A_26)
    %mul3A_27 = arith.constant 640 : i32
    %mul3A_28 = arith.muli %arg1, %mul3A_27 : i32
    "tpu.region"() ({
      %run_scoped3A = tpu.sem_alloc : memref<!tpu.dma_semaphore, #tpu.memory_space<semaphore_mem>>
      %dma_start3A = tpu.memref_slice %arg6[%arg0, %mul3A_28] : memref<2x10240xf32, #tpu.memory_space<hbm>> -> memref<1x640xf32, #tpu.memory_space<hbm>>
      %dma_start3A_29 = tpu.memref_squeeze %dma_start3A : memref<1x640xf32, #tpu.memory_space<hbm>> -> memref<640xf32, #tpu.memory_space<hbm>>
      %dma_start3A_30 = tpu.memref_slice %arg13[%mul3A_28] : memref<10240xf32, #tpu.memory_space<vmem_shared>> -> memref<640xf32, #tpu.memory_space<vmem_shared>>
      tpu.enqueue_dma source(%dma_start3A_30 : memref<640xf32, #tpu.memory_space<vmem_shared>>) target(%dma_start3A_29 : memref<640xf32, #tpu.memory_space<hbm>>) target_semaphore(%run_scoped3A : memref<!tpu.dma_semaphore, #tpu.memory_space<semaphore_mem>>)
      %dma_wait3A = tpu.memref_slice %arg6[%arg0, %mul3A_28] : memref<2x10240xf32, #tpu.memory_space<hbm>> -> memref<1x640xf32, #tpu.memory_space<hbm>>
      %dma_wait3A_31 = tpu.memref_squeeze %dma_wait3A : memref<1x640xf32, #tpu.memory_space<hbm>> -> memref<640xf32, #tpu.memory_space<hbm>>
      %dma_wait3A_32 = tpu.memref_slice %arg13[%mul3A_28] : memref<10240xf32, #tpu.memory_space<vmem_shared>> -> memref<640xf32, #tpu.memory_space<vmem_shared>>
      tpu.wait_dma2 semaphore(%run_scoped3A : memref<!tpu.dma_semaphore, #tpu.memory_space<semaphore_mem>>) src(%dma_wait3A_32 : memref<640xf32, #tpu.memory_space<vmem_shared>>) dst(%dma_wait3A_31 : memref<640xf32, #tpu.memory_space<hbm>>)
      tpu.yield
    }) : () -> ()
    return
  }
}

module attributes {stable_mosaic.version = 14 : i64} {
  func.func @_t0_body(%arg0: memref<512x512xf32, #tpu.memory_space<vmem>>, %arg1: memref<512x512xf32, #tpu.memory_space<vmem>>, %arg2: memref<128x128xf32, #tpu.memory_space<vmem>>, %arg3: memref<128x128xf32, #tpu.memory_space<vmem>>, %arg4: memref<512x512xf32, #tpu.memory_space<vmem>>, %arg5: memref<128x256xf32, #tpu.memory_space<vmem>>, %arg6: memref<128x128xf32, #tpu.memory_space<vmem>>, %arg7: memref<128x128xf32, #tpu.memory_space<vmem>>) attributes {dimension_semantics = [], scalar_prefetch = 0 : i64, scratch_operands = 0 : i64, tpu.core_type = #tpu.core_type<tc>} {
    %get3A = arith.constant 0 : index
    %get3A_0 = arith.constant 0 : index
    %get3A_1 = vector.load %arg0[%get3A, %get3A_0] : memref<512x512xf32, #tpu.memory_space<vmem>>, vector<512x512xf32>
    %get3A_2 = arith.constant 0 : index
    %get3A_3 = arith.constant 0 : index
    %get3A_4 = vector.load %arg1[%get3A_2, %get3A_3] : memref<512x512xf32, #tpu.memory_space<vmem>>, vector<512x512xf32>
    %dot_general3A = arith.constant dense<0.000000e+00> : vector<512x512xf32>
    %dot_general3A_5 = tpu.matmul %get3A_1, %get3A_4, %dot_general3A {dimension_numbers = #tpu.dot_dimension_numbers<[0], [0], [1], [1], [0, 1, 1, 1], [], []>, precision = #tpu.contract_precision<fp32>, transpose_lhs_hint = false} : vector<512x512xf32>, vector<512x512xf32>, vector<512x512xf32> -> vector<512x512xf32>
    %swap3A = arith.constant 0 : index
    %swap3A_6 = arith.constant 0 : index
    %swap3A_7 = vector.load %arg4[%swap3A, %swap3A_6] : memref<512x512xf32, #tpu.memory_space<vmem>>, vector<512x512xf32>
    tpu.vector_store %arg4[%swap3A, %swap3A_6], %dot_general3A_5 {strides = array<i32>} : memref<512x512xf32, #tpu.memory_space<vmem>>, vector<512x512xf32>,
    %get3A_8 = arith.constant 0 : index
    %get3A_9 = arith.constant 0 : index
    %get3A_10 = vector.load %arg2[%get3A_8, %get3A_9] : memref<128x128xf32, #tpu.memory_space<vmem>>, vector<128x128xf32>
    %get3A_11 = arith.constant 0 : index
    %get3A_12 = arith.constant 0 : index
    %get3A_13 = vector.load %arg3[%get3A_11, %get3A_12] : memref<128x128xf32, #tpu.memory_space<vmem>>, vector<128x128xf32>
    %slice3A = vector.extract_strided_slice %dot_general3A_5 {offsets = [128, 256], sizes = [128, 128], strides = [1, 1]} : vector<512x512xf32> to vector<128x128xf32>
    %transpose3A = tpu.transpose %slice3A, [1, 0] : vector<128x128xf32> -> vector<128x128xf32>
    %dot_general3A_14 = arith.constant dense<0.000000e+00> : vector<128x128xf32>
    %dot_general3A_15 = tpu.matmul %get3A_10, %transpose3A, %dot_general3A_14 {dimension_numbers = #tpu.dot_dimension_numbers<[1], [0], [0], [1], [0, 0, 1, 1], [], []>, precision = #tpu.contract_precision<fp32>, transpose_lhs_hint = false} : vector<128x128xf32>, vector<128x128xf32>, vector<128x128xf32> -> vector<128x128xf32>
    %slice3A_16 = vector.extract_strided_slice %dot_general3A_5 {offsets = [128, 384], sizes = [128, 128], strides = [1, 1]} : vector<512x512xf32> to vector<128x128xf32>
    %transpose3A_17 = tpu.transpose %slice3A_16, [1, 0] : vector<128x128xf32> -> vector<128x128xf32>
    %dot_general3A_18 = arith.constant dense<0.000000e+00> : vector<128x128xf32>
    %dot_general3A_19 = tpu.matmul %get3A_13, %transpose3A_17, %dot_general3A_18 {dimension_numbers = #tpu.dot_dimension_numbers<[1], [0], [0], [1], [0, 0, 1, 1], [], []>, precision = #tpu.contract_precision<fp32>, transpose_lhs_hint = false} : vector<128x128xf32>, vector<128x128xf32>, vector<128x128xf32> -> vector<128x128xf32>
    %add3A = arith.addf %dot_general3A_15, %dot_general3A_19 : vector<128x128xf32>
    %slice3A_20 = vector.extract_strided_slice %dot_general3A_5 {offsets = [256, 128], sizes = [128, 128], strides = [1, 1]} : vector<512x512xf32> to vector<128x128xf32>
    %dot_general3A_21 = arith.constant dense<0.000000e+00> : vector<128x128xf32>
    %dot_general3A_22 = tpu.matmul %get3A_10, %slice3A_20, %dot_general3A_21 {dimension_numbers = #tpu.dot_dimension_numbers<[1], [0], [0], [1], [0, 0, 1, 1], [], []>, precision = #tpu.contract_precision<fp32>, transpose_lhs_hint = false} : vector<128x128xf32>, vector<128x128xf32>, vector<128x128xf32> -> vector<128x128xf32>
    %add3A_23 = arith.addf %add3A, %dot_general3A_22 : vector<128x128xf32>
    %slice3A_24 = vector.extract_strided_slice %dot_general3A_5 {offsets = [384, 128], sizes = [128, 128], strides = [1, 1]} : vector<512x512xf32> to vector<128x128xf32>
    %dot_general3A_25 = arith.constant dense<0.000000e+00> : vector<128x128xf32>
    %dot_general3A_26 = tpu.matmul %get3A_13, %slice3A_24, %dot_general3A_25 {dimension_numbers = #tpu.dot_dimension_numbers<[1], [0], [0], [1], [0, 0, 1, 1], [], []>, precision = #tpu.contract_precision<fp32>, transpose_lhs_hint = false} : vector<128x128xf32>, vector<128x128xf32>, vector<128x128xf32> -> vector<128x128xf32>
    %add3A_27 = arith.addf %add3A_23, %dot_general3A_26 : vector<128x128xf32>
    %slice3A_28 = vector.extract_strided_slice %dot_general3A_5 {offsets = [256, 256], sizes = [128, 128], strides = [1, 1]} : vector<512x512xf32> to vector<128x128xf32>
    %transpose3A_29 = tpu.transpose %slice3A_28, [1, 0] : vector<128x128xf32> -> vector<128x128xf32>
    %dot_general3A_30 = arith.constant dense<0.000000e+00> : vector<128x128xf32>
    %dot_general3A_31 = tpu.matmul %get3A_10, %transpose3A_29, %dot_general3A_30 {dimension_numbers = #tpu.dot_dimension_numbers<[1], [0], [0], [1], [0, 0, 1, 1], [], []>, precision = #tpu.contract_precision<fp32>, transpose_lhs_hint = false} : vector<128x128xf32>, vector<128x128xf32>, vector<128x128xf32> -> vector<128x128xf32>
    %slice3A_32 = vector.extract_strided_slice %dot_general3A_5 {offsets = [256, 384], sizes = [128, 128], strides = [1, 1]} : vector<512x512xf32> to vector<128x128xf32>
    %transpose3A_33 = tpu.transpose %slice3A_32, [1, 0] : vector<128x128xf32> -> vector<128x128xf32>
    %dot_general3A_34 = arith.constant dense<0.000000e+00> : vector<128x128xf32>
    %dot_general3A_35 = tpu.matmul %get3A_13, %transpose3A_33, %dot_general3A_34 {dimension_numbers = #tpu.dot_dimension_numbers<[1], [0], [0], [1], [0, 0, 1, 1], [], []>, precision = #tpu.contract_precision<fp32>, transpose_lhs_hint = false} : vector<128x128xf32>, vector<128x128xf32>, vector<128x128xf32> -> vector<128x128xf32>
    %add3A_36 = arith.addf %dot_general3A_31, %dot_general3A_35 : vector<128x128xf32>
    %mul3A = arith.mulf %get3A_10, %add3A_36 : vector<128x128xf32>
    %reduce_sum3A = arith.constant dense<0.000000e+00> : vector<128xf32>
    %reduce_sum3A_37 = vector.multi_reduction <add>, %mul3A, %reduce_sum3A [1] : vector<128x128xf32> to vector<128xf32>
    %slice3A_38 = vector.extract_strided_slice %dot_general3A_5 {offsets = [384, 256], sizes = [128, 128], strides = [1, 1]} : vector<512x512xf32> to vector<128x128xf32>
    %transpose3A_39 = tpu.transpose %slice3A_38, [1, 0] : vector<128x128xf32> -> vector<128x128xf32>
    %dot_general3A_40 = arith.constant dense<0.000000e+00> : vector<128x128xf32>
    %dot_general3A_41 = tpu.matmul %get3A_10, %transpose3A_39, %dot_general3A_40 {dimension_numbers = #tpu.dot_dimension_numbers<[1], [0], [0], [1], [0, 0, 1, 1], [], []>, precision = #tpu.contract_precision<fp32>, transpose_lhs_hint = false} : vector<128x128xf32>, vector<128x128xf32>, vector<128x128xf32> -> vector<128x128xf32>
    %slice3A_42 = vector.extract_strided_slice %dot_general3A_5 {offsets = [384, 384], sizes = [128, 128], strides = [1, 1]} : vector<512x512xf32> to vector<128x128xf32>
    %transpose3A_43 = tpu.transpose %slice3A_42, [1, 0] : vector<128x128xf32> -> vector<128x128xf32>
    %dot_general3A_44 = arith.constant dense<0.000000e+00> : vector<128x128xf32>
    %dot_general3A_45 = tpu.matmul %get3A_13, %transpose3A_43, %dot_general3A_44 {dimension_numbers = #tpu.dot_dimension_numbers<[1], [0], [0], [1], [0, 0, 1, 1], [], []>, precision = #tpu.contract_precision<fp32>, transpose_lhs_hint = false} : vector<128x128xf32>, vector<128x128xf32>, vector<128x128xf32> -> vector<128x128xf32>
    %add3A_46 = arith.addf %dot_general3A_41, %dot_general3A_45 : vector<128x128xf32>
    %mul3A_47 = arith.mulf %get3A_13, %add3A_46 : vector<128x128xf32>
    %reduce_sum3A_48 = arith.constant dense<0.000000e+00> : vector<128xf32>
    %reduce_sum3A_49 = vector.multi_reduction <add>, %mul3A_47, %reduce_sum3A_48 [1] : vector<128x128xf32> to vector<128xf32>
    %add3A_50 = arith.addf %reduce_sum3A_37, %reduce_sum3A_49 : vector<128xf32>
    %slice3A_51 = vector.extract_strided_slice %dot_general3A_5 {offsets = [0, 256], sizes = [128, 128], strides = [1, 1]} : vector<512x512xf32> to vector<128x128xf32>
    %transpose3A_52 = tpu.transpose %slice3A_51, [1, 0] : vector<128x128xf32> -> vector<128x128xf32>
    %dot_general3A_53 = arith.constant dense<0.000000e+00> : vector<128x128xf32>
    %dot_general3A_54 = tpu.matmul %get3A_10, %transpose3A_52, %dot_general3A_53 {dimension_numbers = #tpu.dot_dimension_numbers<[1], [0], [0], [1], [0, 0, 1, 1], [], []>, precision = #tpu.contract_precision<fp32>, transpose_lhs_hint = false} : vector<128x128xf32>, vector<128x128xf32>, vector<128x128xf32> -> vector<128x128xf32>
    %slice3A_55 = vector.extract_strided_slice %dot_general3A_5 {offsets = [0, 384], sizes = [128, 128], strides = [1, 1]} : vector<512x512xf32> to vector<128x128xf32>
    %transpose3A_56 = tpu.transpose %slice3A_55, [1, 0] : vector<128x128xf32> -> vector<128x128xf32>
    %dot_general3A_57 = arith.constant dense<0.000000e+00> : vector<128x128xf32>
    %dot_general3A_58 = tpu.matmul %get3A_13, %transpose3A_56, %dot_general3A_57 {dimension_numbers = #tpu.dot_dimension_numbers<[1], [0], [0], [1], [0, 0, 1, 1], [], []>, precision = #tpu.contract_precision<fp32>, transpose_lhs_hint = false} : vector<128x128xf32>, vector<128x128xf32>, vector<128x128xf32> -> vector<128x128xf32>
    %add3A_59 = arith.addf %dot_general3A_54, %dot_general3A_58 : vector<128x128xf32>
    %slice3A_60 = vector.extract_strided_slice %dot_general3A_5 {offsets = [256, 0], sizes = [128, 128], strides = [1, 1]} : vector<512x512xf32> to vector<128x128xf32>
    %dot_general3A_61 = arith.constant dense<0.000000e+00> : vector<128x128xf32>
    %dot_general3A_62 = tpu.matmul %get3A_10, %slice3A_60, %dot_general3A_61 {dimension_numbers = #tpu.dot_dimension_numbers<[1], [0], [0], [1], [0, 0, 1, 1], [], []>, precision = #tpu.contract_precision<fp32>, transpose_lhs_hint = false} : vector<128x128xf32>, vector<128x128xf32>, vector<128x128xf32> -> vector<128x128xf32>
    %slice3A_63 = vector.extract_strided_slice %dot_general3A_5 {offsets = [384, 0], sizes = [128, 128], strides = [1, 1]} : vector<512x512xf32> to vector<128x128xf32>
    %dot_general3A_64 = arith.constant dense<0.000000e+00> : vector<128x128xf32>
    %dot_general3A_65 = tpu.matmul %get3A_13, %slice3A_63, %dot_general3A_64 {dimension_numbers = #tpu.dot_dimension_numbers<[1], [0], [0], [1], [0, 0, 1, 1], [], []>, precision = #tpu.contract_precision<fp32>, transpose_lhs_hint = false} : vector<128x128xf32>, vector<128x128xf32>, vector<128x128xf32> -> vector<128x128xf32>
    %add3A_66 = arith.addf %dot_general3A_62, %dot_general3A_65 : vector<128x128xf32>
    %broadcast_in_dim3A = vector.shape_cast %add3A_50 : vector<128xf32> to vector<128x1xf32>
    %broadcast_in_dim3A_67 = arith.constant 0.000000e+00 : f32
    %broadcast_in_dim3A_68 = vector.broadcast %broadcast_in_dim3A_67 : f32 to vector<128x127xf32>
    %concatenate3A = tpu.concatenate %add3A_27, %broadcast_in_dim3A, %broadcast_in_dim3A_68 in 1 : vector<128x128xf32>, vector<128x1xf32>, vector<128x127xf32> -> vector<128x256xf32>
    %swap3A_69 = arith.constant 0 : index
    %swap3A_70 = arith.constant 0 : index
    %swap3A_71 = vector.load %arg5[%swap3A_69, %swap3A_70] : memref<128x256xf32, #tpu.memory_space<vmem>>, vector<128x256xf32>
    tpu.vector_store %arg5[%swap3A_69, %swap3A_70], %concatenate3A {strides = array<i32>} : memref<128x256xf32, #tpu.memory_space<vmem>>, vector<128x256xf32>,
    %swap3A_72 = arith.constant 0 : index
    %swap3A_73 = arith.constant 0 : index
    %swap3A_74 = vector.load %arg6[%swap3A_72, %swap3A_73] : memref<128x128xf32, #tpu.memory_space<vmem>>, vector<128x128xf32>
    tpu.vector_store %arg6[%swap3A_72, %swap3A_73], %add3A_59 {strides = array<i32>} : memref<128x128xf32, #tpu.memory_space<vmem>>, vector<128x128xf32>,
    %swap3A_75 = arith.constant 0 : index
    %swap3A_76 = arith.constant 0 : index
    %swap3A_77 = vector.load %arg7[%swap3A_75, %swap3A_76] : memref<128x128xf32, #tpu.memory_space<vmem>>, vector<128x128xf32>
    tpu.vector_store %arg7[%swap3A_75, %swap3A_76], %add3A_66 {strides = array<i32>} : memref<128x128xf32, #tpu.memory_space<vmem>>, vector<128x128xf32>,
    return
  }
}

module attributes {stable_mosaic.version = 14 : i64} {
  func.func @_t1_body(%arg0: i32, %arg1: memref<512x128xf32, #tpu.memory_space<vmem>>, %arg2: memref<512x512xf32, #tpu.memory_space<vmem>>, %arg3: memref<128x128xf32, #tpu.memory_space<vmem>>, %arg4: memref<128x128xf32, #tpu.memory_space<vmem>>, %arg5: memref<512x384xf32, #tpu.memory_space<vmem>>, %arg6: memref<512x384xf32, #tpu.memory_space<vmem>>) attributes {dimension_semantics = [#tpu.dimension_semantics<arbitrary>], iteration_bounds = array<i64: 20>, scalar_prefetch = 0 : i64, scratch_operands = 0 : i64, tpu.core_type = #tpu.core_type<tc>, window_params = [{transform_indices = @transform_0, window_bounds = array<i64: 512, 128>}, {pipeline_mode = #tpu.pipeline_mode<synchronous>, transform_indices = @transform_1, window_bounds = array<i64: 512, 512>}, {pipeline_mode = #tpu.pipeline_mode<synchronous>, transform_indices = @transform_2, window_bounds = array<i64: 128, 128>}, {pipeline_mode = #tpu.pipeline_mode<synchronous>, transform_indices = @transform_3, window_bounds = array<i64: 128, 128>}, {transform_indices = @transform_4, window_bounds = array<i64: 512, 384>}, {transform_indices = @transform_5, window_bounds = array<i64: 512, 384>}]} {
    %get3A = arith.constant 0 : index
    %get3A_0 = arith.constant 0 : index
    %get3A_1 = vector.load %arg1[%get3A, %get3A_0] : memref<512x128xf32, #tpu.memory_space<vmem>>, vector<512x128xf32>
    %get3A_2 = arith.constant 0 : index
    %get3A_3 = arith.constant 0 : index
    %get3A_4 = vector.load %arg2[%get3A_2, %get3A_3] : memref<512x512xf32, #tpu.memory_space<vmem>>, vector<512x512xf32>
    %slice3A = vector.extract_strided_slice %get3A_4 {offsets = [0, 128], sizes = [128, 128], strides = [1, 1]} : vector<512x512xf32> to vector<128x128xf32>
    %dot_general3A = arith.constant dense<0.000000e+00> : vector<512x128xf32>
    %dot_general3A_5 = tpu.matmul %get3A_1, %slice3A, %dot_general3A {dimension_numbers = #tpu.dot_dimension_numbers<[1], [0], [0], [1], [0, 0, 1, 1], [], []>, precision = #tpu.contract_precision<fp32>, transpose_lhs_hint = false} : vector<512x128xf32>, vector<128x128xf32>, vector<512x128xf32> -> vector<512x128xf32>
    %slice3A_6 = vector.extract_strided_slice %get3A_4 {offsets = [0, 0], sizes = [128, 128], strides = [1, 1]} : vector<512x512xf32> to vector<128x128xf32>
    %dot_general3A_7 = arith.constant dense<0.000000e+00> : vector<512x128xf32>
    %dot_general3A_8 = tpu.matmul %get3A_1, %slice3A_6, %dot_general3A_7 {dimension_numbers = #tpu.dot_dimension_numbers<[1], [0], [0], [1], [0, 0, 1, 1], [], []>, precision = #tpu.contract_precision<fp32>, transpose_lhs_hint = false} : vector<512x128xf32>, vector<128x128xf32>, vector<512x128xf32> -> vector<512x128xf32>
    %get3A_9 = arith.constant 0 : index
    %get3A_10 = arith.constant 0 : index
    %get3A_11 = vector.load %arg3[%get3A_9, %get3A_10] : memref<128x128xf32, #tpu.memory_space<vmem>>, vector<128x128xf32>
    %transpose3A = tpu.transpose %get3A_11, [1, 0] : vector<128x128xf32> -> vector<128x128xf32>
    %dot_general3A_12 = arith.constant dense<0.000000e+00> : vector<512x128xf32>
    %dot_general3A_13 = tpu.matmul %get3A_1, %transpose3A, %dot_general3A_12 {dimension_numbers = #tpu.dot_dimension_numbers<[1], [0], [0], [1], [0, 0, 1, 1], [], []>, precision = #tpu.contract_precision<fp32>, transpose_lhs_hint = false} : vector<512x128xf32>, vector<128x128xf32>, vector<512x128xf32> -> vector<512x128xf32>
    %slice3A_14 = vector.extract_strided_slice %get3A_4 {offsets = [128, 0], sizes = [128, 128], strides = [1, 1]} : vector<512x512xf32> to vector<128x128xf32>
    %transpose3A_15 = tpu.transpose %slice3A_14, [1, 0] : vector<128x128xf32> -> vector<128x128xf32>
    %dot_general3A_16 = arith.constant dense<0.000000e+00> : vector<512x128xf32>
    %dot_general3A_17 = tpu.matmul %get3A_1, %transpose3A_15, %dot_general3A_16 {dimension_numbers = #tpu.dot_dimension_numbers<[1], [0], [0], [1], [0, 0, 1, 1], [], []>, precision = #tpu.contract_precision<fp32>, transpose_lhs_hint = false} : vector<512x128xf32>, vector<128x128xf32>, vector<512x128xf32> -> vector<512x128xf32>
    %get3A_18 = arith.constant 0 : index
    %get3A_19 = arith.constant 0 : index
    %get3A_20 = vector.load %arg4[%get3A_18, %get3A_19] : memref<128x128xf32, #tpu.memory_space<vmem>>, vector<128x128xf32>
    %transpose3A_21 = tpu.transpose %get3A_20, [1, 0] : vector<128x128xf32> -> vector<128x128xf32>
    %dot_general3A_22 = arith.constant dense<0.000000e+00> : vector<512x128xf32>
    %dot_general3A_23 = tpu.matmul %get3A_1, %transpose3A_21, %dot_general3A_22 {dimension_numbers = #tpu.dot_dimension_numbers<[1], [0], [0], [1], [0, 0, 1, 1], [], []>, precision = #tpu.contract_precision<fp32>, transpose_lhs_hint = false} : vector<512x128xf32>, vector<128x128xf32>, vector<512x128xf32> -> vector<512x128xf32>
    %concatenate3A = tpu.concatenate %dot_general3A_5, %dot_general3A_8, %dot_general3A_13 in 1 : vector<512x128xf32>, vector<512x128xf32>, vector<512x128xf32> -> vector<512x384xf32>
    %swap3A = arith.constant 0 : index
    %swap3A_24 = arith.constant 0 : index
    %swap3A_25 = vector.load %arg5[%swap3A, %swap3A_24] : memref<512x384xf32, #tpu.memory_space<vmem>>, vector<512x384xf32>
    tpu.vector_store %arg5[%swap3A, %swap3A_24], %concatenate3A {strides = array<i32>} : memref<512x384xf32, #tpu.memory_space<vmem>>, vector<512x384xf32>,
    %concatenate3A_26 = tpu.concatenate %dot_general3A_17, %get3A_1, %dot_general3A_23 in 1 : vector<512x128xf32>, vector<512x128xf32>, vector<512x128xf32> -> vector<512x384xf32>
    %swap3A_27 = arith.constant 0 : index
    %swap3A_28 = arith.constant 0 : index
    %swap3A_29 = vector.load %arg6[%swap3A_27, %swap3A_28] : memref<512x384xf32, #tpu.memory_space<vmem>>, vector<512x384xf32>
    tpu.vector_store %arg6[%swap3A_27, %swap3A_28], %concatenate3A_26 {strides = array<i32>} : memref<512x384xf32, #tpu.memory_space<vmem>>, vector<512x384xf32>,
    return
  }
  func.func @transform_0(%arg0: i32) -> (i32, i32) {
    %c0_i32 = arith.constant 0 : i32
    %c0_i32_0 = arith.constant 0 : i32
    return %arg0, %c0_i32 : i32, i32
  }
  func.func @transform_1(%arg0: i32) -> (i32, i32) {
    %c0_i32 = arith.constant 0 : i32
    %c0_i32_0 = arith.constant 0 : i32
    %c0_i32_1 = arith.constant 0 : i32
    return %c0_i32, %c0_i32_0 : i32, i32
  }
  func.func @transform_2(%arg0: i32) -> (i32, i32) {
    %c0_i32 = arith.constant 0 : i32
    %c0_i32_0 = arith.constant 0 : i32
    %c0_i32_1 = arith.constant 0 : i32
    return %c0_i32, %c0_i32_0 : i32, i32
  }
  func.func @transform_3(%arg0: i32) -> (i32, i32) {
    %c0_i32 = arith.constant 0 : i32
    %c0_i32_0 = arith.constant 0 : i32
    %c0_i32_1 = arith.constant 0 : i32
    return %c0_i32, %c0_i32_0 : i32, i32
  }
  func.func @transform_4(%arg0: i32) -> (i32, i32) {
    %c0_i32 = arith.constant 0 : i32
    %c0_i32_0 = arith.constant 0 : i32
    return %arg0, %c0_i32 : i32, i32
  }
  func.func @transform_5(%arg0: i32) -> (i32, i32) {
    %c0_i32 = arith.constant 0 : i32
    %c0_i32_0 = arith.constant 0 : i32
    return %arg0, %c0_i32 : i32, i32
  }
}

module attributes {stable_mosaic.version = 14 : i64} {
  func.func @_t2_body(%arg0: i32, %arg1: memref<40x160x128xf32, #tpu.memory_space<vmem>>, %arg2: memref<128x128xf32, #tpu.memory_space<vmem>>, %arg3: memref<40x160xf32, #tpu.memory_space<vmem>>) attributes {dimension_semantics = [#tpu.dimension_semantics<arbitrary>], iteration_bounds = array<i64: 25>, scalar_prefetch = 0 : i64, scratch_operands = 0 : i64, tpu.core_type = #tpu.core_type<tc>, window_params = [{transform_indices = @transform_0, window_bounds = array<i64: 40, 160, 128>}, {pipeline_mode = #tpu.pipeline_mode<synchronous>, transform_indices = @transform_1, window_bounds = array<i64: 128, 128>}, {transform_indices = @transform_2, window_bounds = array<i64: 40, 160>}]} {
    %get3A = arith.constant 0 : index
    %get3A_0 = arith.constant 0 : index
    %get3A_1 = arith.constant 0 : index
    %get3A_2 = vector.load %arg1[%get3A, %get3A_0, %get3A_1] : memref<40x160x128xf32, #tpu.memory_space<vmem>>, vector<40x160x128xf32>
    %get3A_3 = arith.constant 0 : index
    %get3A_4 = arith.constant 0 : index
    %get3A_5 = vector.load %arg2[%get3A_3, %get3A_4] : memref<128x128xf32, #tpu.memory_space<vmem>>, vector<128x128xf32>
    %dot_general3A = arith.constant dense<0.000000e+00> : vector<40x160x128xf32>
    %dot_general3A_6 = tpu.matmul %get3A_2, %get3A_5, %dot_general3A {dimension_numbers = #tpu.dot_dimension_numbers<[2], [1], [0, 1], [0], [0, 0, 0, 1, 1, 0], [], []>, precision = #tpu.contract_precision<fp32>, transpose_lhs_hint = false} : vector<40x160x128xf32>, vector<128x128xf32>, vector<40x160x128xf32> -> vector<40x160x128xf32>
    %mul3A = arith.mulf %get3A_2, %dot_general3A_6 : vector<40x160x128xf32>
    %reduce_sum3A = arith.constant dense<0.000000e+00> : vector<40x160xf32>
    %reduce_sum3A_7 = vector.multi_reduction <add>, %mul3A, %reduce_sum3A [2] : vector<40x160x128xf32> to vector<40x160xf32>
    %swap3A = arith.constant 0 : index
    %swap3A_8 = arith.constant 0 : index
    %swap3A_9 = vector.load %arg3[%swap3A, %swap3A_8] : memref<40x160xf32, #tpu.memory_space<vmem>>, vector<40x160xf32>
    tpu.vector_store %arg3[%swap3A, %swap3A_8], %reduce_sum3A_7 {strides = array<i32>} : memref<40x160xf32, #tpu.memory_space<vmem>>, vector<40x160xf32>,
    return
  }
  func.func @transform_0(%arg0: i32) -> (i32, i32, i32) {
    %c0_i32 = arith.constant 0 : i32
    %c0_i32_0 = arith.constant 0 : i32
    %c0_i32_1 = arith.constant 0 : i32
    return %arg0, %c0_i32, %c0_i32_0 : i32, i32, i32
  }
  func.func @transform_1(%arg0: i32) -> (i32, i32) {
    %c0_i32 = arith.constant 0 : i32
    %c0_i32_0 = arith.constant 0 : i32
    %c0_i32_1 = arith.constant 0 : i32
    return %c0_i32, %c0_i32_0 : i32, i32
  }
  func.func @transform_2(%arg0: i32) -> (i32, i32) {
    %c0_i32 = arith.constant 0 : i32
    %c0_i32_0 = arith.constant 0 : i32
    return %arg0, %c0_i32 : i32, i32
  }
}

module attributes {stable_mosaic.version = 14 : i64} {
  func.func @_t5_body(%arg0: i32, %arg1: memref<2x512x128xf32, #tpu.memory_space<vmem>>, %arg2: memref<2x1x1x512xf32, #tpu.memory_space<vmem>>, %arg3: memref<512x1xf32, #tpu.memory_space<vmem>>, %arg4: memref<512x128xf32, #tpu.memory_space<vmem>>, %arg5: memref<128x128xf32, #tpu.memory_space<vmem>>, %arg6: memref<1x128xf32, #tpu.memory_space<vmem>>, %arg7: memref<512x128xf32, #tpu.memory_space<vmem>>, %arg8: memref<1x1x512xf32, #tpu.memory_space<vmem>>) attributes {dimension_semantics = [#tpu.dimension_semantics<arbitrary>], iteration_bounds = array<i64: 20>, scalar_prefetch = 0 : i64, scratch_operands = 0 : i64, tpu.core_type = #tpu.core_type<tc>, window_params = [{transform_indices = @transform_0, window_bounds = array<i64: 2, 512, 128>}, {transform_indices = @transform_1, window_bounds = array<i64: 2, 1, 1, 512>}, {transform_indices = @transform_2, window_bounds = array<i64: 512, 1>}, {transform_indices = @transform_3, window_bounds = array<i64: 512, 128>}, {pipeline_mode = #tpu.pipeline_mode<synchronous>, transform_indices = @transform_4, window_bounds = array<i64: 128, 128>}, {pipeline_mode = #tpu.pipeline_mode<synchronous>, transform_indices = @transform_5, window_bounds = array<i64: 1, 128>}, {transform_indices = @transform_6, window_bounds = array<i64: 512, 128>}, {transform_indices = @transform_7, window_bounds = array<i64: 1, 1, 512>}]} {
    %get3A = arith.constant 0 : index
    %get3A_0 = arith.constant 0 : index
    %get3A_1 = arith.constant 0 : index
    %get3A_2 = vector.load %arg1[%get3A, %get3A_0, %get3A_1] : memref<2x512x128xf32, #tpu.memory_space<vmem>>, vector<1x512x128xf32>
    %get3A_3 = vector.shape_cast %get3A_2 : vector<1x512x128xf32> to vector<512x128xf32>
    %get3A_4 = arith.constant 1 : index
    %get3A_5 = arith.constant 0 : index
    %get3A_6 = arith.constant 0 : index
    %get3A_7 = vector.load %arg1[%get3A_4, %get3A_5, %get3A_6] : memref<2x512x128xf32, #tpu.memory_space<vmem>>, vector<1x512x128xf32>
    %get3A_8 = vector.shape_cast %get3A_7 : vector<1x512x128xf32> to vector<512x128xf32>
    %add3A = arith.addf %get3A_3, %get3A_8 : vector<512x128xf32>
    %get3A_9 = arith.constant 0 : index
    %get3A_10 = arith.constant 0 : index
    %get3A_11 = vector.load %arg3[%get3A_9, %get3A_10] : memref<512x1xf32, #tpu.memory_space<vmem>>, vector<512x1xf32>
    %get3A_12 = arith.constant 0 : index
    %get3A_13 = arith.constant 0 : index
    %get3A_14 = vector.load %arg4[%get3A_12, %get3A_13] : memref<512x128xf32, #tpu.memory_space<vmem>>, vector<512x128xf32>
    %mul3A = vector.broadcast %get3A_11 : vector<512x1xf32> to vector<512x128xf32>
    %mul3A_15 = arith.mulf %mul3A, %get3A_14 : vector<512x128xf32>
    %add3A_16 = arith.addf %add3A, %mul3A_15 : vector<512x128xf32>
    %bitcast_convert_type3A = tpu.bitcast %add3A_16 : vector<512x128xf32> -> vector<512x128xi32>
    %add3A_17 = arith.constant 32767 : i32
    %add3A_18 = vector.broadcast %add3A_17 : i32 to vector<512x128xi32>
    %add3A_19 = arith.addi %bitcast_convert_type3A, %add3A_18 : vector<512x128xi32>
    %shift_right_arithmetic3A = arith.constant 16 : i32
    %shift_right_arithmetic3A_20 = vector.broadcast %shift_right_arithmetic3A : i32 to vector<512x128xi32>
    %shift_right_arithmetic3A_21 = arith.shrsi %bitcast_convert_type3A, %shift_right_arithmetic3A_20 : vector<512x128xi32>
    %and3A = arith.constant 1 : i32
    %and3A_22 = vector.broadcast %and3A : i32 to vector<512x128xi32>
    %and3A_23 = arith.andi %shift_right_arithmetic3A_21, %and3A_22 : vector<512x128xi32>
    %add3A_24 = arith.addi %add3A_19, %and3A_23 : vector<512x128xi32>
    %and3A_25 = arith.constant -65536 : i32
    %and3A_26 = vector.broadcast %and3A_25 : i32 to vector<512x128xi32>
    %and3A_27 = arith.andi %add3A_24, %and3A_26 : vector<512x128xi32>
    %bitcast_convert_type3A_28 = tpu.bitcast %and3A_27 : vector<512x128xi32> -> vector<512x128xf32>
    %get3A_29 = arith.constant 0 : index
    %get3A_30 = arith.constant 0 : index
    %get3A_31 = vector.load %arg5[%get3A_29, %get3A_30] : memref<128x128xf32, #tpu.memory_space<vmem>>, vector<128x128xf32>
    %transpose3A = tpu.transpose %get3A_31, [1, 0] : vector<128x128xf32> -> vector<128x128xf32>
    %dot_general3A = arith.constant dense<0.000000e+00> : vector<512x128xf32>
    %dot_general3A_32 = tpu.matmul %bitcast_convert_type3A_28, %transpose3A, %dot_general3A {dimension_numbers = #tpu.dot_dimension_numbers<[1], [0], [0], [1], [0, 0, 1, 1], [], []>, precision = #tpu.contract_precision<fp32>, transpose_lhs_hint = false} : vector<512x128xf32>, vector<128x128xf32>, vector<512x128xf32> -> vector<512x128xf32>
    %get3A_33 = arith.constant 0 : index
    %get3A_34 = arith.constant 0 : index
    %get3A_35 = vector.load %arg6[%get3A_33, %get3A_34] : memref<1x128xf32, #tpu.memory_space<vmem>>, vector<1x128xf32>
    %add3A_36 = vector.broadcast %get3A_35 : vector<1x128xf32> to vector<512x128xf32>
    %add3A_37 = arith.addf %dot_general3A_32, %add3A_36 : vector<512x128xf32>
    %ge3A = arith.constant 0.000000e+00 : f32
    %ge3A_38 = vector.broadcast %ge3A : f32 to vector<512x128xf32>
    %ge3A_39 = arith.cmpf oge, %add3A_37, %ge3A_38 : vector<512x128xf32>
    %mul3A_40 = arith.constant 0.00999999977 : f32
    %mul3A_41 = vector.broadcast %mul3A_40 : f32 to vector<512x128xf32>
    %mul3A_42 = arith.mulf %mul3A_41, %add3A_37 : vector<512x128xf32>
    %select_n3A = arith.select %ge3A_39, %add3A_37, %mul3A_42 : vector<512x128xi1>, vector<512x128xf32>
    %swap3A = arith.constant 0 : index
    %swap3A_43 = arith.constant 0 : index
    %swap3A_44 = vector.load %arg7[%swap3A, %swap3A_43] : memref<512x128xf32, #tpu.memory_space<vmem>>, vector<512x128xf32>
    tpu.vector_store %arg7[%swap3A, %swap3A_43], %select_n3A {strides = array<i32>} : memref<512x128xf32, #tpu.memory_space<vmem>>, vector<512x128xf32>,
    %get3A_45 = arith.constant 0 : index
    %get3A_46 = arith.constant 0 : index
    %get3A_47 = arith.constant 0 : index
    %get3A_48 = arith.constant 0 : index
    %get3A_49 = vector.load %arg2[%get3A_45, %get3A_46, %get3A_47, %get3A_48] : memref<2x1x1x512xf32, #tpu.memory_space<vmem>>, vector<1x1x1x512xf32>
    %get3A_50 = vector.shape_cast %get3A_49 : vector<1x1x1x512xf32> to vector<1x1x512xf32>
    %get3A_51 = arith.constant 1 : index
    %get3A_52 = arith.constant 0 : index
    %get3A_53 = arith.constant 0 : index
    %get3A_54 = arith.constant 0 : index
    %get3A_55 = vector.load %arg2[%get3A_51, %get3A_52, %get3A_53, %get3A_54] : memref<2x1x1x512xf32, #tpu.memory_space<vmem>>, vector<1x1x1x512xf32>
    %get3A_56 = vector.shape_cast %get3A_55 : vector<1x1x1x512xf32> to vector<1x1x512xf32>
    %add3A_57 = arith.addf %get3A_50, %get3A_56 : vector<1x1x512xf32>
    %swap3A_58 = arith.constant 0 : index
    %swap3A_59 = arith.constant 0 : index
    %swap3A_60 = arith.constant 0 : index
    %swap3A_61 = vector.load %arg8[%swap3A_58, %swap3A_59, %swap3A_60] : memref<1x1x512xf32, #tpu.memory_space<vmem>>, vector<1x1x512xf32>
    tpu.vector_store %arg8[%swap3A_58, %swap3A_59, %swap3A_60], %add3A_57 {strides = array<i32>} : memref<1x1x512xf32, #tpu.memory_space<vmem>>, vector<1x1x512xf32>,
    return
  }
  func.func @transform_0(%arg0: i32) -> (i32, i32, i32) {
    %c0_i32 = arith.constant 0 : i32
    %c0_i32_0 = arith.constant 0 : i32
    %c0_i32_1 = arith.constant 0 : i32
    return %c0_i32, %arg0, %c0_i32_0 : i32, i32, i32
  }
  func.func @transform_1(%arg0: i32) -> (i32, i32, i32, i32) {
    %c0_i32 = arith.constant 0 : i32
    %c0_i32_0 = arith.constant 0 : i32
    %c0_i32_1 = arith.constant 0 : i32
    %c0_i32_2 = arith.constant 0 : i32
    return %c0_i32, %arg0, %c0_i32_0, %c0_i32_1 : i32, i32, i32, i32
  }
  func.func @transform_2(%arg0: i32) -> (i32, i32) {
    %c0_i32 = arith.constant 0 : i32
    %c0_i32_0 = arith.constant 0 : i32
    return %arg0, %c0_i32 : i32, i32
  }
  func.func @transform_3(%arg0: i32) -> (i32, i32) {
    %c0_i32 = arith.constant 0 : i32
    %c0_i32_0 = arith.constant 0 : i32
    return %arg0, %c0_i32 : i32, i32
  }
  func.func @transform_4(%arg0: i32) -> (i32, i32) {
    %c0_i32 = arith.constant 0 : i32
    %c0_i32_0 = arith.constant 0 : i32
    %c0_i32_1 = arith.constant 0 : i32
    return %c0_i32, %c0_i32_0 : i32, i32
  }
  func.func @transform_5(%arg0: i32) -> (i32, i32) {
    %c0_i32 = arith.constant 0 : i32
    %c0_i32_0 = arith.constant 0 : i32
    %c0_i32_1 = arith.constant 0 : i32
    return %c0_i32, %c0_i32_0 : i32, i32
  }
  func.func @transform_6(%arg0: i32) -> (i32, i32) {
    %c0_i32 = arith.constant 0 : i32
    %c0_i32_0 = arith.constant 0 : i32
    return %arg0, %c0_i32 : i32, i32
  }
  func.func @transform_7(%arg0: i32) -> (i32, i32, i32) {
    %c0_i32 = arith.constant 0 : i32
    %c0_i32_0 = arith.constant 0 : i32
    %c0_i32_1 = arith.constant 0 : i32
    return %arg0, %c0_i32, %c0_i32_0 : i32, i32, i32
  }
}

</mosaic_0001>

<sc_bundles>
// kernel: kernel.12.cloned.1.call-start
scs
__scs_entry_jumppad:
0x0: {  	(pc) =	sbr.rel $0x88, $3  }
0x1: {  	(tag) =	ssettag $0x0;
	lr =	simm.s32 $0x1  }
0x2: {  	[smem:$0x3F95] =	sst lr;
	_ =	strace $0xD0000000  }
0x3: {  	_ = 	snop  }
0x4: {  	_ = 	snop  }
0x5: {  	_ = 	snop  }
0x6: {  	_ = 	snop  }
0x7: {  	_ = 	snop  }
__scs_overlays_trampoline_lowered:
0x8: {  	[smem:$0x3FA4] =	sst s0  }
0x9: {  	[smem:$0x3FA5] =	sst s1  }
0xa: {  	[smem:$0x3FA6] =	sst s2  }
0xb: {  	[smem:$0x3FA7] =	sst s3  }
0xc: {  	[smem:$0x3FA8] =	sst s4  }
0xd: {  	[smem:$0x3FA9] =	sst s5  }
0xe: {  	[smem:$0x3FAA] =	sst s6  }
0xf: {  	[smem:$0x3FAB] =	sst s7  }
0x10: {  	[smem:$0x3FAC] =	sst s8  }
0x11: {  	[smem:$0x3FAD] =	sst s9;
	s0 =	simm.s32 @!p0 $0x0  }
0x12: {  	s1 =	sld [smem:$0x3F93];
	s0 =	simm.s32 @p0 $0x1  }
0x13: {  	[smem:$0x3FAE] =	sst s0;
	s0 =	simm.s32 @!p1 $0x0  }
0x14: {  	s2 =	sld [smem:$0x3F92];
	s0 =	simm.s32 @p1 $0x1  }
0x15: {  	[smem:$0x3FAF] =	sst s0;
	s0 =	simm.s32 @!p2 $0x0  }
0x16: {  	s3 =	sld [smem:$0x3FDB];
	s0 =	simm.s32 @p2 $0x1  }
0x17: {  	s4 =	simm.s32 $0x1BF5;
	[smem:$0x3FB1] =	sst s0  }
0x18: {  	s0 =	sld [smem:$0x3F94];
	_ =	swait.ge [sflag:s4], $0x0  }
0x19: {  	s7 =	sld [smem:$0x3F95]  }
0x1a: {  	s8 =	sadd.s32 $0xFFFFE003, lr  }
0x1b: {  	s9 =	sadd.s32 $0xFFFFFEF7, lr;
	s5 =	simm.s32 $0xFFFFFFFF;
	p2 =	slt.u32 s8, $0xFFFFF086  }
0x1c: {  	p1 =	slt.u32 s9, $0xF7A;
	s5 =	simm.s32 @!p2 $0x0  }
0x1d: {  	s5 =	simm.s32 @p1 $0x1;
	p0 =	seq.s32 s7, s2  }
0x1e: {  	s7 =	smul.u32 @!p0 $0xF7A, s2;
	p2 =	seq.s32 @!p0 s5, $0x0  }
0x1f: {  	s9 =	smul.u32 $0xF7A, s1;
	s8 =	simm.s32 @!p0 $0x1BF5;
	p2 =	por !p2, p0  }
0x20: {  	[sflag:s8] =	ssyncset.s32 @!p0 $0xFFFFF086;
	s6 =	sadd.s32 @!p0 s3, s7;
	s7 =	simm.s32 @!p0 $0x108  }
0x21: {  	s3 =	sadd.s32 s3, s9;
	s6 =	sadd.s32 @!p0 $0x88, s6;
	s7 =	simm.s32 @p2 $0x1082  }
0x22: {  	[simem:s7], [sflag:s8] =	dma.local @!p0 [hbm:s6], $0xF7A  }
0x23: {  	s9 =	sor.u32 $0xD0000000, s2;
	s6 =	simm.s32 $0x108;
	_ =	swait.ge @!p0 [sflag:s8], $0x0  }
0x24: {  	s3 =	sadd.s32 $0x88, s3;
	s6 =	simm.s32 @!p1 $0x1082;
	[sflag:s4] =	ssyncset.s32 $0xFFFFF086  }
0x25: {  	[simem:s6], [sflag:s4] =	dma.local [hbm:s3], $0xF7A  }
0x26: {  	[smem:$0x3F95] =	sst s1;
	(tag) =	ssettag s2;
	_ =	strace s9  }
0x27: {  	s1 =	sld [smem:$0x3FA5]  }
0x28: {  	s2 =	sld [smem:$0x3FA6]  }
0x29: {  	s4 =	sld [smem:$0x3FA8]  }
0x2a: {  	p0 =	seq.s32 s5, $0x0;
	s5 =	sld [smem:$0x3FA9]  }
0x2b: {  	s6 =	sld [smem:$0x3FAA]  }
0x2c: {  	s7 =	sld [smem:$0x3FAB]  }
0x2d: {  	s3 =	simm.s32 $0x108;
	s8 =	sld [smem:$0x3FAC]  }
0x2e: {  	s3 =	simm.s32 @!p0 $0x1082;
	s9 =	sld [smem:$0x3FAD]  }
0x2f: {  	lr =	sadd.s32 s0, s3;
	s0 =	sld [smem:$0x3FA4]  }
0x30: {  	s3 =	sld [smem:$0x3FA7]  }
0x31: {  	[smem:$0x3FB0] =	sst s10  }
0x32: {  	s10 =	sld [smem:$0x3FAE];
	_ =	sdelay $0x3  }
0x33: {  	p0 =	seq.s32 s10, $0x1;
	s10 =	sld [smem:$0x3FB0];
	_ =	sdelay $0x3  }
0x34: {  	[smem:$0x3FB0] =	sst s10  }
0x35: {  	s10 =	sld [smem:$0x3FAF];
	_ =	sdelay $0x3  }
0x36: {  	p1 =	seq.s32 s10, $0x1;
	s10 =	sld [smem:$0x3FB0];
	_ =	sdelay $0x3  }
0x37: {  	[smem:$0x3FB0] =	sst s10  }
0x38: {  	s10 =	sld [smem:$0x3FB1]  }
0x39: {  	_ = 	snop;
	(pc) =	sbr.ind lr, $3  }
0x3a: {  	_ = 	snop  }
0x3b: {  	_ = 	snop  }
0x3c: {  	p2 =	seq.s32 s10, $0x1;
	s10 =	sld [smem:$0x3FB0]  }
0x3d: {  	_ =	shalt  }
0x3e: {  	_ =	shalt  }
0x3f: {  	_ =	shalt  }
0x40: {  	_ =	shalt  }
0x41: {  	_ =	shalt  }
0x42: {  	_ =	shalt  }
0x43: {  	_ =	shalt  }
0x44: {  	_ =	shalt  }
0x45: {  	_ =	shalt  }
0x46: {  	_ =	shalt  }
0x47: {  	_ =	shalt  }
0x48: {  	_ =	shalt  }
0x49: {  	_ =	shalt  }
0x4a: {  	_ =	shalt  }
0x4b: {  	_ =	shalt  }
0x4c: {  	_ =	shalt  }
0x4d: {  	_ =	shalt  }
0x4e: {  	_ =	shalt  }
0x4f: {  	_ =	shalt  }
0x50: {  	_ =	shalt  }
0x51: {  	_ =	shalt  }
0x52: {  	_ =	shalt  }
0x53: {  	_ =	shalt  }
0x54: {  	_ =	shalt  }
0x55: {  	_ =	shalt  }
0x56: {  	_ =	shalt  }
0x57: {  	_ =	shalt  }
0x58: {  	_ =	shalt  }
0x59: {  	_ =	shalt  }
0x5a: {  	_ =	shalt  }
0x5b: {  	_ =	shalt  }
0x5c: {  	_ =	shalt  }
0x5d: {  	_ =	shalt  }
0x5e: {  	_ =	shalt  }
0x5f: {  	_ =	shalt  }
0x60: {  	_ =	shalt  }
0x61: {  	_ =	shalt  }
0x62: {  	_ =	shalt  }
0x63: {  	_ =	shalt  }
0x64: {  	_ =	shalt  }
0x65: {  	_ =	shalt  }
0x66: {  	_ =	shalt  }
0x67: {  	_ =	shalt  }
0x68: {  	_ =	shalt  }
0x69: {  	_ =	shalt  }
0x6a: {  	_ =	shalt  }
0x6b: {  	_ =	shalt  }
0x6c: {  	_ =	shalt  }
0x6d: {  	_ =	shalt  }
0x6e: {  	_ =	shalt  }
0x6f: {  	_ =	shalt  }
0x70: {  	_ =	shalt  }
0x71: {  	_ =	shalt  }
0x72: {  	_ =	shalt  }
0x73: {  	_ =	shalt  }
0x74: {  	_ =	shalt  }
0x75: {  	_ =	shalt  }
0x76: {  	_ =	shalt  }
0x77: {  	_ =	shalt  }
0x78: {  	_ =	shalt  }
0x79: {  	_ =	shalt  }
0x7a: {  	_ =	shalt  }
0x7b: {  	_ =	shalt  }
0x7c: {  	_ =	shalt  }
0x7d: {  	_ =	shalt  }
0x7e: {  	_ =	shalt  }
0x7f: {  	_ =	shalt  }
0x80: {  	_ =	shalt  }
0x81: {  	_ =	shalt  }
0x82: {  	_ =	shalt  }
0x83: {  	_ =	shalt  }
0x84: {  	_ =	shalt  }
0x85: {  	_ =	shalt  }
0x86: {  	_ =	shalt  }
0x87: {  	_ =	shalt  }
.Lfunc_end0:
.L_simem_size_0:
called_computation.1_lowered:
.L_overlay_start_0:
0x88: {  	s2 =	sld [smem:$0x3FD9]  }
0x89: {  	s3 =	sld [smem:$0x3FFE];
	_ =	sdelay $0x1  }
0x8a: {  	s1 =	srdreg.scid  }
0x8b: {  	s0 =	sand.u32 $0x1, s1  }
0x8c: {  	s14 =	sshll.u32 s0, $0xA;
	s2 =	sadd.s32 s3, s2  }
0x8d: {  	s2 =	sadd.s32 s2, s14  }
0x8e: {  	[smem:$0x3FBC] =	sst s2  }
0x8f: {  	_ = 	snop  }
0x90: {  	s2 =	sld [smem:$0x3FD0];
	_ =	sdelay $0x2  }
0x91: {  	s15 =	simm.s32 $0xA;
	s4 =	simm.s32 $0x10  }
0x92: {  	[smem:s4], [sflag:s15] =	dma.local [hbm:s2], $0x1  }
0x93: {  	_ =	swait.eq [sflag:s15], $0x1  }
0x94: {  	[sflag:s15] =	ssyncset.done $0x0  }
0x95: {  	[sflag:s15] =	ssyncadd.s32 $0xFFFFFFFF  }
0x96: {  	s16 =	sld [smem:$0x11];
	(tm) =	ssettm $0x1  }
0x97: {  	s17 =	sld [smem:$0x3FFB];
	_ =	sdelay $0x3  }
0x98: {  	_ =	strace s17  }
0x99: {  	s3 =	sld [smem:$0x3FFC];
	_ =	sdelay $0x3  }
0x9a: {  	_ =	strace s3  }
0x9b: {  	s3 =	sld [smem:$0x3FFD];
	_ =	sdelay $0x3  }
0x9c: {  	_ =	strace s3  }
0x9d: {  	_ =	strace $0x8FFFFFFF  }
0x9e: {  	s18 =	sld [smem:$0x3FDB];
	_ =	sdelay $0x1  }
0x9f: {  	s19 =	simm.s32 $_scs_section_size  }
0xa0: {  	s5 =	simm.s32 $_size__tile_overlayer_lowered;
	s6 =	simm.s32 $_tile_overlayer_lowered  }
0xa1: {  	s22 =	simm.s32 $0x1BFF;
	s21 =	sshll.u32 s6, $0x1;
	s3 =	sadd.s32 s19, s18  }
0xa2: {  	s7 =	simm.s32 $0x0;
	s20 =	sshll.u32 s5, $0x1;
	s5 =	sadd.s32 s21, s3  }
0xa3: {  	[timem:s7], [sflag:s22] =	dma.local [hbm:s5], s20  }
0xa4: {  	_ =	swait.ge [sflag:s22], s20  }
0xa5: {  	s4 =	ssub.s32 $0x0, s20;
	[sflag:s22] =	ssyncset.done $0x0  }
0xa6: {  	[sflag:s22] =	ssyncadd.s32 s4;
	_ =	sdelay $0x1  }
0xa7: {  	s23 =	simm.s32 $0x1B8B  }
0xa8: {  	_ =	swait.ge [sflag:s23], $0x1  }
0xa9: {  	[sflag:s23] =	ssyncset.done $0x0  }
0xaa: {  	s25 =	simm.s32 $0x1B8E;
	s24 =	sld [smem:$0x3FFE];
	[sflag:s23] =	ssyncadd.s32 $0xFFFFFFFF  }
0xab: {  	s26 =	simm.s32 $execute0_lowered;
	[smem:$0x3FD2] =	sst s25  }
0xac: {  	s5 =	sshll.u32 s26, $0x1;
	_ =	strace $0x80000049;
	[dreg:$0x1] =	wrdreg $0xFFFFFFFF  }
0xad: {  	s28 =	simm.s32 $_size_execute0_lowered;
	s3 =	sadd.s32 s3, s5;
	[dreg:$0x0] =	wrdreg $0x0  }
0xae: {  	s5 =	sshll.u32 s28, $0x1;
	[dreg:$0x2] =	wrdreg s3  }
0xaf: {  	[dreg:$0x3] =	wrdreg s5  }
0xb0: {  	[dreg:$0x4] =	wrdreg $0xC0  }
0xb1: {  	_ =	task [dreg:s7], $0x5FFFF  }
0xb2: {  	[dreg:$0x1] =	wrdreg $0xFFFFFFFF  }
0xb3: {  	[dreg:$0x0] =	wrdreg $0x60  }
0xb4: {  	[dreg:$0x2] =	wrdreg s16  }
0xb5: {  	[dreg:$0x3] =	wrdreg s24  }
0xb6: {  	[dreg:$0x4] =	wrdreg $0x12B400  }
0xb7: {  	[dreg:$0x5] =	wrdreg $0x9  }
0xb8: {  	_ =	task.clear_ibuf [dreg:s7], $0x6FFFF;
	_ =	strace $0x90000049  }
0xb9: {  	s29 =	simm.s32 $0x9;
	_ =	strace $0x8000004B  }
0xba: {  	_ =	swait.ge [sflag:s29], $0x1  }
0xbb: {  	[sflag:s29] =	ssyncadd.s32 $0xFFFFFFFF  }
0xbc: {  	_ =	strace $0x9000004B  }
0xbd: {  	_ =	sfence  }
0xbe: {  	s30 =	sld [smem:$0x0];
	_ =	sdelay $0x2  }
0xbf: {  	s31 =	sshll.u32 s1, $0xD;
	s1 =	sshrl.u32 s1, $0x2  }
0xc0: {  	s3 =	sand.u32 $0x4000, s31;
	s1 =	sadd.s32 s1, s30  }
0xc1: {  	s0 =	sor.u32 s3, s0;
	s1 =	sshll.u32 s1, $0x11  }
0xc2: {  	s0 =	sor.u32 s1, s0  }
0xc3: {  	s0 =	sadd.s32 $0x8F2B, s0  }
0xc4: {  	[sflag:s0] =	ssyncadd.remote.s32 $0x1  }
0xc5: {  	_ =	sfence.sel $0xFFFF  }
0xc6: {  	[dreg:$0x0] =	wrdreg $0xFFFFFFFF;
	(pc) =	sbr.abs _section_cstart, $3  }
0xc7: {  	[dreg:$0x1] =	wrdreg $0xFFFFFFFF  }
0xc8: {  	_ =	task.clear_ibuf [dreg:s7], $0x2FFFF;
	_ =	strace $0x9FFFFFFF  }
0xc9: {  	(tm) =	ssettm $0x7FFFFFFF  }
tec
execute0_lowered:
.L_overlay_start_1:
0x0: {  	(tag) =	ssettag $0x1  }
0x1: {  	s1 =	rddreg [dreg:$0x0]  }
0x2: {  	s2 =	srdreg.scid;
	s5 =	rddreg [dreg:$0x1]  }
0x3: {  	s0 =	stileid.u32;
	s3 =	rddreg [dreg:$0x2]  }
0x4: {  	s4 =	simm.s32 $0x0;
	s12 =	simm.s32 $0x1;
	s13 =	simm.s32 $0x800  }
0x5: {  	s14 =	simm.s32 $0x2800;
	s15 =	simm.s32 $0x12800;
	s7 =	smul.u32 $0x2800, s0  }
0x6: {  	s16 =	simm.s32 $0x12880;
	s6 =	sand.u32 $0x1, s2;
	s9 =	smul.u32 $0x280, s0  }
0x7: {  	s17 =	simm.s32 $0x12840;
	s18 =	simm.s32 $0x40;
	s10 =	smul.u32 $0x2800, s6  }
0x8: {  	s19 =	simm.s32 $0x0;
	[smem:$0x7FF] =	sst s4;
	s8 =	smul.u32 $0x1400, s6  }
0x9: {  	s2 =	rddreg [dreg:$0x3];
	_ =	strace $0x8000004A;
	s28 =	sadd.s32 s9, s10  }
0xa: {  	s6 =	ssub.s32 $0x2, s6;
	s7 =	sadd.s32 s8, s7;
	s8 =	sshrl.u32 s28, $0x3  }
0xb: {  	s29 =	sshrl.u32 s6, $0x1;
	s7 =	sshrl.u32 s7, $0x3;
	s30 =	sadd.s32 s8, s5  }
0xc: {  	s31 =	ssub.s32 s6, s29;
	s11 =	sadd.s32 s7, s5;
	s6 =	sadd.s32 $0x39D200, s30  }
0xd: {  	s5 =	sadd.s32 s9, s3;
	s7 =	sadd.s32 $0x398200, s11;
	s9 =	sadd.s32 $0x38E200, s11  }
0xe: {  	v0 =	vimm.f32 $0.0e+00;
	s8 =	smax.u32 s31, $0x1;
	s10 =	sadd.s32 $0x3A2200, s11;
	s11 =	simm.s32 $0x128C0  }
.LBB2_1:
0xf: {  	[tilespmem:$0x128C0] =	vst v0  }
0x10: {  	[tilespmem:$0x128D0] =	vst v0  }
0x11: {  	[tilespmem:$0x128E0] =	vst v0  }
0x12: {  	[tilespmem:$0x128F0] =	vst v0  }
0x13: {  	[tilespmem:$0x12900] =	vst v0  }
0x14: {  	[tilespmem:$0x12910] =	vst v0  }
0x15: {  	[tilespmem:$0x12920] =	vst v0  }
0x16: {  	[tilespmem:$0x12930] =	vst v0  }
0x17: {  	[tilespmem:$0x12940] =	vst v0  }
0x18: {  	[tilespmem:$0x12950] =	vst v0  }
0x19: {  	[tilespmem:$0x12960] =	vst v0  }
0x1a: {  	[tilespmem:$0x12970] =	vst v0  }
0x1b: {  	[tilespmem:$0x12980] =	vst v0  }
0x1c: {  	[tilespmem:$0x12990] =	vst v0  }
0x1d: {  	[tilespmem:$0x129A0] =	vst v0  }
0x1e: {  	[tilespmem:$0x129B0] =	vst v0  }
0x1f: {  	[tilespmem:$0x129C0] =	vst v0  }
0x20: {  	[tilespmem:$0x129D0] =	vst v0  }
0x21: {  	[tilespmem:$0x129E0] =	vst v0  }
0x22: {  	[tilespmem:$0x129F0] =	vst v0  }
0x23: {  	[tilespmem:$0x12A00] =	vst v0  }
0x24: {  	[tilespmem:$0x12A10] =	vst v0  }
0x25: {  	[tilespmem:$0x12A20] =	vst v0  }
0x26: {  	[tilespmem:$0x12A30] =	vst v0  }
0x27: {  	[tilespmem:$0x12A40] =	vst v0  }
0x28: {  	[tilespmem:$0x12A50] =	vst v0  }
0x29: {  	[tilespmem:$0x12A60] =	vst v0  }
0x2a: {  	[tilespmem:$0x12A70] =	vst v0  }
0x2b: {  	[tilespmem:$0x12A80] =	vst v0  }
0x2c: {  	[tilespmem:$0x12A90] =	vst v0  }
0x2d: {  	[tilespmem:$0x12AA0] =	vst v0  }
0x2e: {  	[tilespmem:$0x12AB0] =	vst v0  }
0x2f: {  	[tilespmem:$0x12AC0] =	vst v0  }
0x30: {  	[tilespmem:$0x12AD0] =	vst v0  }
0x31: {  	[tilespmem:$0x12AE0] =	vst v0  }
0x32: {  	[tilespmem:$0x12AF0] =	vst v0  }
0x33: {  	[tilespmem:$0x12B00] =	vst v0  }
0x34: {  	[tilespmem:$0x12B10] =	vst v0  }
0x35: {  	[tilespmem:$0x12B20] =	vst v0  }
0x36: {  	[tilespmem:$0x12B30] =	vst v0  }
0x37: {  	[spmem:s5] =	stream.linear.scatter [tilespmem:s11], [sflag:$0x1], $0x280, $0x38;
	[tilespmem:$0x12DC0] =	vst v63  }
0x38: {  	_ =	swait.ge [sflag:s12], $0x280  }
0x39: {  	[sflag:s12] =	ssyncset.done $0x0  }
0x3a: {  	s20 =	simm.s32 $0x0;
	s21 =	simm.s32 $0x0;
	[sflag:s12] =	ssyncadd.s32 $0xFFFFFD80  }
.LBB2_2:
0x3b: {  	s22 =	sshll.u32 s21, $0x8  }
0x3c: {  	s22 =	sadd.s32 s1, s22  }
0x3d: {  	[tilespmem:s14], [sflag:$0x1] =	stream.strided.gather [hbm4b:s22+s13], $0x10000, s14, s13, $0x38;
	[tilespmem:$0x12DC0] =	vst v63  }
0x3e: {  	_ =	swait.ge [sflag:s12], $0x10000  }
0x3f: {  	[sflag:s12] =	ssyncset.done $0x0  }
0x40: {  	s22 =	simm.s32 $0x0;
	[sflag:s12] =	ssyncadd.s32 $0xFFFF0000  }
0x41: {  	v1 =	vmov s20;
	s23 =	simm.s32 $0x40;
	v2 =	vld [tilespmem:s22+$0x3000]  }
.LBB2_3:
0x42: {  	p0 =	sne.s32 s23, $0x1FC0;
	v3 =	vld [tilespmem:s22+$0x2800]  }
0x43: {  	v4 =	vld [tilespmem:s22+$0x3800]  }
0x44: {  	v5 =	vld [tilespmem:s22+$0x4000]  }
0x45: {  	v6 =	vld [tilespmem:s22+$0x4800]  }
0x46: {  	v7 =	vld [tilespmem:s22+$0x5000]  }
0x47: {  	v2 =	vmax.f32 v3, v2;
	v3 =	vld [tilespmem:s22+$0x5800]  }
0x48: {  	v2 =	vmax.f32 v2, v4;
	v4 =	vld [tilespmem:s22+$0x6000]  }
0x49: {  	v2 =	vmax.f32 v2, v5;
	v5 =	vld [tilespmem:s22+$0x6800]  }
0x4a: {  	v2 =	vmax.f32 v2, v6;
	v6 =	vld [tilespmem:s22+$0x7000]  }
0x4b: {  	v2 =	vmax.f32 v2, v7;
	v7 =	vld [tilespmem:s22+$0x7800]  }
0x4c: {  	v2 =	vmax.f32 v2, v3;
	v3 =	vld [tilespmem:s22+$0x8000]  }
0x4d: {  	v2 =	vmax.f32 v2, v4;
	v4 =	vld [tilespmem:s22+$0x8800]  }
0x4e: {  	v2 =	vmax.f32 v2, v5;
	v5 =	vld [tilespmem:s22+$0x9000]  }
0x4f: {  	v2 =	vmax.f32 v2, v6;
	v6 =	vld [tilespmem:s22+$0x9800]  }
0x50: {  	v2 =	vmax.f32 v2, v7;
	v7 =	vld [tilespmem:s22+$0xA000]  }
0x51: {  	v2 =	vmax.f32 v2, v3;
	v3 =	vld [tilespmem:s22+$0xA800]  }
0x52: {  	v2 =	vmax.f32 v2, v4;
	v4 =	vld [tilespmem:s22+$0xB000]  }
0x53: {  	v2 =	vmax.f32 v2, v5;
	v5 =	vld [tilespmem:s22+$0xB800]  }
0x54: {  	v2 =	vmax.f32 v2, v6;
	v6 =	vld [tilespmem:s22+$0xC000]  }
0x55: {  	v2 =	vmax.f32 v2, v7;
	v7 =	vld [tilespmem:s22+$0xC800]  }
0x56: {  	v2 =	vmax.f32 v2, v3;
	v3 =	vld [tilespmem:s22+$0xD000]  }
0x57: {  	v2 =	vmax.f32 v2, v4;
	v4 =	vld [tilespmem:s22+$0xD800]  }
0x58: {  	v2 =	vmax.f32 v2, v5;
	v5 =	vld [tilespmem:s22+$0xE000]  }
0x59: {  	v2 =	vmax.f32 v2, v6;
	v6 =	vld [tilespmem:s22+$0xE800]  }
0x5a: {  	v2 =	vmax.f32 v2, v7;
	v7 =	vld [tilespmem:s22+$0xF000]  }
0x5b: {  	v2 =	vmax.f32 v2, v3;
	v3 =	vld [tilespmem:s22+$0xF800]  }
0x5c: {  	v2 =	vmax.f32 v2, v4;
	v4 =	vld [tilespmem:s22+$0x10000]  }
0x5d: {  	v2 =	vmax.f32 v2, v5;
	v5 =	vld [tilespmem:s22+$0x10800]  }
0x5e: {  	v2 =	vmax.f32 v2, v6;
	v6 =	vld [tilespmem:s22+$0x11000]  }
0x5f: {  	v2 =	vmax.f32 v2, v7;
	v7 =	vld [tilespmem:s22+$0x11800]  }
0x60: {  	v2 =	vmax.f32 v2, v3;
	v3 =	vld [tilespmem:s22+$0x12000]  }
0x61: {  	v2 =	vmax.f32 v2, v4  }
0x62: {  	v2 =	vmax.f32 v2, v5  }
.Ltmp0:
0x63: {  	v2 =	vmax.f32 v2, v6;
	(pc) =	sbr.rel @p0 .LBB2_3-.Ltmp0, $4  }
0x64: {  	v2 =	vmax.f32 v2, v7  }
0x65: {  	v2 =	vmax.f32 v2, v3  }
0x66: {  	[tilespmem:v1+s22+$0x0 ss:$0x1] =	vst.idx.msk $0xffff, v2;
	s22 =	sshra.s32 s23, $0x2  }
0x67: {  	s23 =	sadd.s32 $0x40, s23;
	v2 =	vld [tilespmem:s22+$0x3000]  }
0x68: {  	v3 =	vld [tilespmem:s22+$0x2800]  }
0x69: {  	v4 =	vld [tilespmem:s22+$0x3800]  }
0x6a: {  	v5 =	vld [tilespmem:s22+$0x4000]  }
0x6b: {  	v6 =	vld [tilespmem:s22+$0x4800]  }
0x6c: {  	v7 =	vld [tilespmem:s22+$0x5000]  }
0x6d: {  	v2 =	vmax.f32 v3, v2;
	v3 =	vld [tilespmem:s22+$0x5800]  }
0x6e: {  	v44 =	vld [tilespmem:s22+$0x6000];
	v2 =	vmax.f32 v2, v4  }
0x6f: {  	v45 =	vld [tilespmem:s22+$0x6800];
	v2 =	vmax.f32 v2, v5  }
0x70: {  	v46 =	vld [tilespmem:s22+$0x7000];
	v2 =	vmax.f32 v2, v6  }
0x71: {  	v47 =	vld [tilespmem:s22+$0x7800];
	v2 =	vmax.f32 v2, v7  }
0x72: {  	v2 =	vmax.f32 v2, v3;
	v3 =	vld [tilespmem:s22+$0x8000]  }
0x73: {  	v48 =	vld [tilespmem:s22+$0x8800];
	v2 =	vmax.f32 v2, v44  }
0x74: {  	v49 =	vld [tilespmem:s22+$0x9000];
	v2 =	vmax.f32 v2, v45  }
0x75: {  	v50 =	vld [tilespmem:s22+$0x9800];
	v2 =	vmax.f32 v2, v46  }
0x76: {  	v51 =	vld [tilespmem:s22+$0xA000];
	v2 =	vmax.f32 v2, v47  }
0x77: {  	v2 =	vmax.f32 v2, v3;
	v3 =	vld [tilespmem:s22+$0xA800]  }
0x78: {  	v52 =	vld [tilespmem:s22+$0xB000];
	v2 =	vmax.f32 v2, v48  }
0x79: {  	v53 =	vld [tilespmem:s22+$0xB800];
	v2 =	vmax.f32 v2, v49  }
0x7a: {  	v54 =	vld [tilespmem:s22+$0xC000];
	v2 =	vmax.f32 v2, v50  }
0x7b: {  	v55 =	vld [tilespmem:s22+$0xC800];
	v2 =	vmax.f32 v2, v51  }
0x7c: {  	v2 =	vmax.f32 v2, v3;
	v3 =	vld [tilespmem:s22+$0xD000]  }
0x7d: {  	v56 =	vld [tilespmem:s22+$0xD800];
	v2 =	vmax.f32 v2, v52  }
0x7e: {  	v57 =	vld [tilespmem:s22+$0xE000];
	v2 =	vmax.f32 v2, v53  }
0x7f: {  	v58 =	vld [tilespmem:s22+$0xE800];
	v2 =	vmax.f32 v2, v54  }
0x80: {  	v59 =	vld [tilespmem:s22+$0xF000];
	v2 =	vmax.f32 v2, v55  }
0x81: {  	v2 =	vmax.f32 v2, v3;
	v3 =	vld [tilespmem:s22+$0xF800]  }
0x82: {  	v60 =	vld [tilespmem:s22+$0x10000];
	v2 =	vmax.f32 v2, v56  }
0x83: {  	v61 =	vld [tilespmem:s22+$0x10800];
	v2 =	vmax.f32 v2, v57  }
0x84: {  	v62 =	vld [tilespmem:s22+$0x11000];
	v2 =	vmax.f32 v2, v58  }
0x85: {  	v63 =	vld [tilespmem:s22+$0x11800];
	v2 =	vmax.f32 v2, v59  }
0x86: {  	s21 =	sadd.s32 $0x1, s21;
	v2 =	vmax.f32 v2, v3;
	v3 =	vld [tilespmem:s22+$0x12000]  }
0x87: {  	p0 =	sne.s32 s21, $0x5;
	v2 =	vmax.f32 v2, v60  }
.Ltmp1:
0x88: {  	v2 =	vmax.f32 v2, v61;
	(pc) =	sbr.rel @p0 .LBB2_2-.Ltmp1, $4  }
0x89: {  	v2 =	vmax.f32 v2, v62  }
0x8a: {  	v2 =	vmax.f32 v2, v63  }
0x8b: {  	v2 =	vmax.f32 v2, v3  }
0x8c: {  	s20 =	sadd.s32 $0x800, s20;
	[tilespmem:v1+s22+$0x0 ss:$0x1] =	vst.idx.msk $0xffff, v2  }
0x8d: {  	[bflag:$0x0] =	sbarrier.arrive $0xFFFF;
	s20 =	sadd.s32 $0x0, s10  }
0x8e: {  	[tilespmem:s15], [sflag:$0x1] =	stream.linear.gather [hbm4b:s20+s4], $0x40, $0x38;
	[tilespmem:$0x12DC0] =	vst v63  }
0x8f: {  	_ =	swait.ge [sflag:s12], $0x40  }
0x90: {  	[sflag:s12] =	ssyncset.done $0x0  }
0x91: {  	s30 =	sadd.s32 $0x0, s9;
	[sflag:s12] =	ssyncadd.s32 $0xFFFFFFC0  }
0x92: {  	[tilespmem:s16], [sflag:$0x1] =	stream.linear.gather [hbm4b:s30+s4], $0x40, $0x38;
	[tilespmem:$0x12DC0] =	vst v63  }
0x93: {  	_ =	swait.ge [sflag:s12], $0x40  }
0x94: {  	[sflag:s12] =	ssyncset.done $0x0  }
0x95: {  	[sflag:s12] =	ssyncadd.s32 $0xFFFFFFC0  }
0x96: {  	v1 =	vld [tilespmem:$0x12880];
	_ =	sdelay $0x6  }
0x97: {  	v2 =	vld [tilespmem:$0x12800]  }
0x98: {  	v1 =	vld.idx.msk [tilespmem:v1+s4+$0x0], $0xffff;
	_ =	sdelay $0x4  }
0x99: {  	v1 =	vsub.f32 v2, v1;
	_ =	sdelay $0x1  }
0x9a: {  	v1 =	vmul.f32 $1.442695020e+00, v1;
	_ =	sdelay $0x1  }
0x9b: {  	(erf) = vpow2.f32 v1;
	_ =	sdelay $0x2  }
0x9c: {  	v1 =	vld [tilespmem:$0x12890];
	_ =	sdelay $0x5  }
0x9d: {  	v2 =	vpop (erf)  }
0x9e: {  	[tilespmem:$0x12840] =	vst v2;
	v2 =	vld [tilespmem:$0x12810]  }
0x9f: {  	v1 =	vld.idx.msk [tilespmem:v1+s4+$0x0], $0xffff;
	_ =	sdelay $0x4  }
0xa0: {  	v1 =	vsub.f32 v2, v1;
	_ =	sdelay $0x1  }
0xa1: {  	v1 =	vmul.f32 $1.442695020e+00, v1;
	_ =	sdelay $0x1  }
0xa2: {  	(erf) = vpow2.f32 v1;
	_ =	sdelay $0x2  }
0xa3: {  	v1 =	vld [tilespmem:$0x128A0];
	_ =	sdelay $0x5  }
0xa4: {  	v2 =	vpop (erf)  }
0xa5: {  	[tilespmem:$0x12850] =	vst v2;
	v2 =	vld [tilespmem:$0x12820]  }
0xa6: {  	v1 =	vld.idx.msk [tilespmem:v1+s4+$0x0], $0xffff;
	_ =	sdelay $0x4  }
0xa7: {  	v1 =	vsub.f32 v2, v1;
	_ =	sdelay $0x1  }
0xa8: {  	v1 =	vmul.f32 $1.442695020e+00, v1;
	_ =	sdelay $0x1  }
0xa9: {  	(erf) = vpow2.f32 v1;
	_ =	sdelay $0x2  }
0xaa: {  	v1 =	vld [tilespmem:$0x128B0];
	_ =	sdelay $0x5  }
0xab: {  	v2 =	vpop (erf)  }
0xac: {  	[tilespmem:$0x12860] =	vst v2;
	v2 =	vld [tilespmem:$0x12830]  }
0xad: {  	v1 =	vld.idx.msk [tilespmem:v1+s4+$0x0], $0xffff;
	_ =	sdelay $0x4  }
0xae: {  	v1 =	vsub.f32 v2, v1;
	_ =	sdelay $0x1  }
0xaf: {  	v1 =	vmul.f32 $1.442695020e+00, v1;
	_ =	sdelay $0x1  }
0xb0: {  	(erf) = vpow2.f32 v1;
	_ =	sdelay $0x8  }
0xb1: {  	v1 =	vpop (erf)  }
0xb2: {  	s31 =	sadd.s32 $0x0, s7;
	[tilespmem:$0x12870] =	vst v1  }
0xb3: {  	[hbm4b:s31+s4] =	stream.linear.scatter [tilespmem:s17], [sflag:$0x1], $0x40, $0x38;
	[tilespmem:$0x12DC0] =	vst v63  }
0xb4: {  	_ =	swait.ge [sflag:s12], $0x40  }
0xb5: {  	[sflag:s12] =	ssyncset.done $0x0  }
0xb6: {  	[sflag:s12] =	ssyncadd.s32 $0xFFFFFFC0  }
0xb7: {  	[spmem:s3] =	stream.indirect.scatter.add.f32 [tilespmem:s17], [sflag:$0x1], $0x1, s16, s18, $0xb8;
	[tilespmem:$0x12DC0] =	vst v63  }
0xb8: {  	_ =	swait.ge [sflag:s12], $0x40  }
0xb9: {  	s23 =	simm.s32 $0x10;
	s20 =	simm.s32 $0x8;
	[sflag:s12] =	ssyncset.done $0x0  }
.LBB2_6:
0xba: {  	s24 =	sadd.s32 s20, s10  }
0xbb: {  	[sflag:s12] =	ssyncadd.s32 $0xFFFFFFC0;
	s22 =	smov.u32 s23;
	s21 =	sadd.s32 $0x8, s23  }
0xbc: {  	[tilespmem:s15], [sflag:$0x1] =	stream.linear.gather [hbm4b:s24+s4], $0x40, $0x38;
	[tilespmem:$0x12DC0] =	vst v63  }
0xbd: {  	p0 =	sne.s32 s23, $0x278;
	_ =	swait.ge [sflag:s12], $0x40  }
0xbe: {  	[sflag:s12] =	ssyncset.done $0x0  }
0xbf: {  	s23 =	sadd.s32 s20, s9;
	[sflag:s12] =	ssyncadd.s32 $0xFFFFFFC0  }
0xc0: {  	[tilespmem:s16], [sflag:$0x1] =	stream.linear.gather [hbm4b:s23+s4], $0x40, $0x38;
	[tilespmem:$0x12DC0] =	vst v63  }
0xc1: {  	_ =	swait.ge [sflag:s12], $0x40  }
0xc2: {  	[sflag:s12] =	ssyncset.done $0x0  }
0xc3: {  	[sflag:s12] =	ssyncadd.s32 $0xFFFFFFC0  }
0xc4: {  	v1 =	vld [tilespmem:$0x12880];
	_ =	sdelay $0x7  }
0xc5: {  	v1 =	vld.idx.msk [tilespmem:v1+s4+$0x0], $0xffff  }
0xc6: {  	v2 =	vld [tilespmem:$0x12800];
	_ =	sdelay $0x4  }
0xc7: {  	v1 =	vsub.f32 v2, v1;
	_ =	sdelay $0x1  }
0xc8: {  	v1 =	vmul.f32 $1.442695020e+00, v1;
	_ =	sdelay $0x1  }
0xc9: {  	(erf) = vpow2.f32 v1;
	_ =	sdelay $0x2  }
0xca: {  	v1 =	vld [tilespmem:$0x12890];
	_ =	sdelay $0x5  }
0xcb: {  	v2 =	vpop (erf)  }
0xcc: {  	[tilespmem:$0x12840] =	vst v2  }
0xcd: {  	v1 =	vld.idx.msk [tilespmem:v1+s4+$0x0], $0xffff  }
0xce: {  	v2 =	vld [tilespmem:$0x12810];
	_ =	sdelay $0x4  }
0xcf: {  	v1 =	vsub.f32 v2, v1;
	_ =	sdelay $0x1  }
0xd0: {  	v1 =	vmul.f32 $1.442695020e+00, v1;
	_ =	sdelay $0x1  }
0xd1: {  	(erf) = vpow2.f32 v1;
	_ =	sdelay $0x2  }
0xd2: {  	v1 =	vld [tilespmem:$0x128A0];
	_ =	sdelay $0x5  }
0xd3: {  	v2 =	vpop (erf)  }
0xd4: {  	[tilespmem:$0x12850] =	vst v2  }
0xd5: {  	v1 =	vld.idx.msk [tilespmem:v1+s4+$0x0], $0xffff  }
0xd6: {  	v2 =	vld [tilespmem:$0x12820];
	_ =	sdelay $0x4  }
0xd7: {  	v1 =	vsub.f32 v2, v1;
	_ =	sdelay $0x1  }
0xd8: {  	v1 =	vmul.f32 $1.442695020e+00, v1;
	_ =	sdelay $0x1  }
0xd9: {  	(erf) = vpow2.f32 v1;
	_ =	sdelay $0x2  }
0xda: {  	v1 =	vld [tilespmem:$0x128B0];
	_ =	sdelay $0x5  }
0xdb: {  	v2 =	vpop (erf)  }
0xdc: {  	[tilespmem:$0x12860] =	vst v2  }
0xdd: {  	v1 =	vld.idx.msk [tilespmem:v1+s4+$0x0], $0xffff  }
0xde: {  	v2 =	vld [tilespmem:$0x12830];
	_ =	sdelay $0x4  }
0xdf: {  	v1 =	vsub.f32 v2, v1;
	_ =	sdelay $0x1  }
0xe0: {  	v1 =	vmul.f32 $1.442695020e+00, v1;
	_ =	sdelay $0x1  }
0xe1: {  	(erf) = vpow2.f32 v1;
	_ =	sdelay $0x8  }
0xe2: {  	v1 =	vpop (erf)  }
0xe3: {  	s23 =	sadd.s32 s20, s7;
	s20 =	smov.u32 s22;
	[tilespmem:$0x12870] =	vst v1  }
0xe4: {  	[hbm4b:s23+s4] =	stream.linear.scatter [tilespmem:s17], [sflag:$0x1], $0x40, $0x38;
	[tilespmem:$0x12DC0] =	vst v63  }
0xe5: {  	_ =	swait.ge [sflag:s12], $0x40  }
.Ltmp2:
0xe6: {  	[sflag:s12] =	ssyncset.done $0x0;
	(pc) =	sbr.rel @p0 .LBB2_6-.Ltmp2, $4  }
0xe7: {  	[sflag:s12] =	ssyncadd.s32 $0xFFFFFFC0  }
0xe8: {  	[spmem:s3] =	stream.indirect.scatter.add.f32 [tilespmem:s17], [sflag:$0x1], $0x1, s16, s18, $0xb8;
	[tilespmem:$0x12DC0] =	vst v63  }
0xe9: {  	_ =	swait.ge [sflag:s12], $0x40  }
0xea: {  	s23 =	smov.u32 s21;
	[sflag:s12] =	ssyncset.done $0x0  }
0xeb: {  	s21 =	sadd.s32 s20, s10;
	[sflag:s12] =	ssyncadd.s32 $0xFFFFFFC0  }
0xec: {  	[tilespmem:s15], [sflag:$0x1] =	stream.linear.gather [hbm4b:s21+s4], $0x40, $0x38;
	[tilespmem:$0x12DC0] =	vst v63  }
0xed: {  	_ =	swait.ge [sflag:s12], $0x40  }
0xee: {  	[sflag:s12] =	ssyncset.done $0x0  }
0xef: {  	s28 =	sadd.s32 s20, s9;
	[sflag:s12] =	ssyncadd.s32 $0xFFFFFFC0  }
0xf0: {  	[tilespmem:s16], [sflag:$0x1] =	stream.linear.gather [hbm4b:s28+s4], $0x40, $0x38;
	[tilespmem:$0x12DC0] =	vst v63  }
0xf1: {  	_ =	swait.ge [sflag:s12], $0x40  }
0xf2: {  	[sflag:s12] =	ssyncset.done $0x0  }
0xf3: {  	[sflag:s12] =	ssyncadd.s32 $0xFFFFFFC0  }
0xf4: {  	v1 =	vld [tilespmem:$0x12880];
	_ =	sdelay $0x6  }
0xf5: {  	v2 =	vld [tilespmem:$0x12800]  }
0xf6: {  	v1 =	vld.idx.msk [tilespmem:v1+s4+$0x0], $0xffff;
	_ =	sdelay $0x4  }
0xf7: {  	v1 =	vsub.f32 v2, v1;
	_ =	sdelay $0x1  }
0xf8: {  	v1 =	vmul.f32 $1.442695020e+00, v1;
	_ =	sdelay $0x1  }
0xf9: {  	(erf) = vpow2.f32 v1;
	_ =	sdelay $0x2  }
0xfa: {  	v1 =	vld [tilespmem:$0x12890];
	_ =	sdelay $0x5  }
0xfb: {  	v2 =	vpop (erf)  }
0xfc: {  	[tilespmem:$0x12840] =	vst v2;
	v2 =	vld [tilespmem:$0x12810]  }
0xfd: {  	v1 =	vld.idx.msk [tilespmem:v1+s4+$0x0], $0xffff;
	_ =	sdelay $0x4  }
0xfe: {  	v1 =	vsub.f32 v2, v1;
	_ =	sdelay $0x1  }
0xff: {  	v1 =	vmul.f32 $1.442695020e+00, v1;
	_ =	sdelay $0x1  }
0x100: {  	(erf) = vpow2.f32 v1;
	_ =	sdelay $0x2  }
0x101: {  	v1 =	vld [tilespmem:$0x128A0];
	_ =	sdelay $0x5  }
0x102: {  	v2 =	vpop (erf)  }
0x103: {  	[tilespmem:$0x12850] =	vst v2;
	v2 =	vld [tilespmem:$0x12820]  }
0x104: {  	v1 =	vld.idx.msk [tilespmem:v1+s4+$0x0], $0xffff;
	_ =	sdelay $0x4  }
0x105: {  	v1 =	vsub.f32 v2, v1;
	_ =	sdelay $0x1  }
0x106: {  	v1 =	vmul.f32 $1.442695020e+00, v1;
	_ =	sdelay $0x1  }
0x107: {  	(erf) = vpow2.f32 v1;
	_ =	sdelay $0x2  }
0x108: {  	v1 =	vld [tilespmem:$0x128B0];
	_ =	sdelay $0x5  }
0x109: {  	v2 =	vpop (erf)  }
0x10a: {  	[tilespmem:$0x12860] =	vst v2;
	v2 =	vld [tilespmem:$0x12830]  }
0x10b: {  	v1 =	vld.idx.msk [tilespmem:v1+s4+$0x0], $0xffff;
	_ =	sdelay $0x4  }
0x10c: {  	v1 =	vsub.f32 v2, v1;
	_ =	sdelay $0x1  }
0x10d: {  	v1 =	vmul.f32 $1.442695020e+00, v1;
	_ =	sdelay $0x1  }
0x10e: {  	(erf) = vpow2.f32 v1;
	_ =	sdelay $0x8  }
0x10f: {  	v1 =	vpop (erf)  }
0x110: {  	s29 =	sadd.s32 s20, s7;
	[tilespmem:$0x12870] =	vst v1  }
0x111: {  	[hbm4b:s29+s4] =	stream.linear.scatter [tilespmem:s17], [sflag:$0x1], $0x40, $0x38;
	[tilespmem:$0x12DC0] =	vst v63  }
0x112: {  	_ =	swait.ge [sflag:s12], $0x40  }
0x113: {  	[sflag:s12] =	ssyncset.done $0x0  }
0x114: {  	[sflag:s12] =	ssyncadd.s32 $0xFFFFFFC0  }
0x115: {  	[spmem:s3] =	stream.indirect.scatter.add.f32 [tilespmem:s17], [sflag:$0x1], $0x1, s16, s18, $0xb8;
	[tilespmem:$0x12DC0] =	vst v63  }
0x116: {  	_ =	swait.ge [sflag:s12], $0x40  }
0x117: {  	s30 =	sshll.u32 s0, $0x6;
	s19 =	sadd.s32 $0x1, s19;
	[sflag:s12] =	ssyncset.done $0x0  }
0x118: {  	s31 =	sshrl.u32 s5, $0x3;
	p0 =	sne.s32 s19, s8;
	[sflag:s12] =	ssyncadd.s32 $0xFFFFFFC0  }
.Ltmp3:
0x119: {  	s20 =	sor.u32 $0x1C01, s30;
	[bflag:$0x0] =	sbarrier.arrive $0xFFFF;
	(pc) =	sbr.rel @p0 .LBB2_1-.Ltmp3, $4  }
0x11a: {  	[hbm:s6], [sflag:s20] =	dma.local [spmem:s31], $0x50  }
0x11b: {  	_ =	swait.ge [sflag:s12], $0x50  }
0x11c: {  	[sflag:s12] =	ssyncset.done $0x0  }
0x11d: {  	[sflag:s12] =	ssyncadd.s32 $0xFFFFFFB0  }
0x11e: {  	_ =	sfence.sel $0x180000  }
0x11f: {  	[bflag:$0x0] =	sbarrier.arrive $0xFFFF  }
0x120: {  	p0 =	sne.s32 s0, $0x0;
	_ =	strace $0x9000004A  }
0x121: {  	s0 =	sadd.s32 @!p0 $0x100000, s2;
	[bflag:$0x2] =	sbarrier.arrive $0xFFFF  }
0x122: {  	[sflag:s0] =	ssyncadd.tile.s32 @!p0 $0x1;
	_ =	shalt  }
.Lfunc_end2:
_tile_overlayer_lowered:
.L_overlay_start_2:
0x123: {  	(tag) =	ssettag $0x2  }
0x124: {  	s0 =	rddreg [dreg:$0x0];
	s2 =	stileid.u32  }
0x125: {  	s1 =	rddreg [dreg:$0x1];
	p0 =	sne.s32 s2, $0x0  }
0x126: {  	s3 =	rddreg [dreg:$0x2];
	[bflag:$0x3] =	sbarrier.arrive $0xFFFF;
	s2 =	simm.s32 @!p0 $0x1C01  }
0x127: {  	[timem:s3], [sflag:s2] =	dma.local @!p0 [hbm:s0], s1  }
0x128: {  	s0 =	simm.s32 @!p0 $0x1  }
0x129: {  	_ =	swait.ge @!p0 [sflag:s0], s1  }
0x12a: {  	s1 =	ssub.s32 @!p0 $0x0, s1;
	[sflag:s0] =	ssyncset.done @!p0 $0x0  }
0x12b: {  	[sflag:s0] =	ssyncadd.s32 @!p0 s1  }
0x12c: {  	[bflag:$0x3] =	sbarrier.arrive $0xFFFF  }
0x12d: {  	_ =	shalt  }

// kernel: kernel.15.cloned.1.call-start
scs
__scs_entry_jumppad:
0x0: {  	(pc) =	sbr.rel $0x88, $3  }
0x1: {  	(tag) =	ssettag $0x0;
	lr =	simm.s32 $0x1  }
0x2: {  	[smem:$0x3F95] =	sst lr;
	_ =	strace $0xD0000000  }
0x3: {  	_ = 	snop  }
0x4: {  	_ = 	snop  }
0x5: {  	_ = 	snop  }
0x6: {  	_ = 	snop  }
0x7: {  	_ = 	snop  }
__scs_overlays_trampoline_lowered:
0x8: {  	[smem:$0x3FA4] =	sst s0  }
0x9: {  	[smem:$0x3FA5] =	sst s1  }
0xa: {  	[smem:$0x3FA6] =	sst s2  }
0xb: {  	[smem:$0x3FA7] =	sst s3  }
0xc: {  	[smem:$0x3FA8] =	sst s4  }
0xd: {  	[smem:$0x3FA9] =	sst s5  }
0xe: {  	[smem:$0x3FAA] =	sst s6  }
0xf: {  	[smem:$0x3FAB] =	sst s7  }
0x10: {  	[smem:$0x3FAC] =	sst s8  }
0x11: {  	[smem:$0x3FAD] =	sst s9;
	s0 =	simm.s32 @!p0 $0x0  }
0x12: {  	s1 =	sld [smem:$0x3F93];
	s0 =	simm.s32 @p0 $0x1  }
0x13: {  	[smem:$0x3FAE] =	sst s0;
	s0 =	simm.s32 @!p1 $0x0  }
0x14: {  	s2 =	sld [smem:$0x3F92];
	s0 =	simm.s32 @p1 $0x1  }
0x15: {  	[smem:$0x3FAF] =	sst s0;
	s0 =	simm.s32 @!p2 $0x0  }
0x16: {  	s3 =	sld [smem:$0x3FDB];
	s0 =	simm.s32 @p2 $0x1  }
0x17: {  	s4 =	simm.s32 $0x1BF5;
	[smem:$0x3FB1] =	sst s0  }
0x18: {  	s0 =	sld [smem:$0x3F94];
	_ =	swait.ge [sflag:s4], $0x0  }
0x19: {  	s7 =	sld [smem:$0x3F95]  }
0x1a: {  	s8 =	sadd.s32 $0xFFFFE003, lr  }
0x1b: {  	s9 =	sadd.s32 $0xFFFFFEF7, lr;
	s5 =	simm.s32 $0xFFFFFFFF;
	p2 =	slt.u32 s8, $0xFFFFF086  }
0x1c: {  	p1 =	slt.u32 s9, $0xF7A;
	s5 =	simm.s32 @!p2 $0x0  }
0x1d: {  	s5 =	simm.s32 @p1 $0x1;
	p0 =	seq.s32 s7, s2  }
0x1e: {  	s7 =	smul.u32 @!p0 $0xF7A, s2;
	p2 =	seq.s32 @!p0 s5, $0x0  }
0x1f: {  	s9 =	smul.u32 $0xF7A, s1;
	s8 =	simm.s32 @!p0 $0x1BF5;
	p2 =	por !p2, p0  }
0x20: {  	[sflag:s8] =	ssyncset.s32 @!p0 $0xFFFFF086;
	s6 =	sadd.s32 @!p0 s3, s7;
	s7 =	simm.s32 @!p0 $0x108  }
0x21: {  	s3 =	sadd.s32 s3, s9;
	s6 =	sadd.s32 @!p0 $0x88, s6;
	s7 =	simm.s32 @p2 $0x1082  }
0x22: {  	[simem:s7], [sflag:s8] =	dma.local @!p0 [hbm:s6], $0xF7A  }
0x23: {  	s9 =	sor.u32 $0xD0000000, s2;
	s6 =	simm.s32 $0x108;
	_ =	swait.ge @!p0 [sflag:s8], $0x0  }
0x24: {  	s3 =	sadd.s32 $0x88, s3;
	s6 =	simm.s32 @!p1 $0x1082;
	[sflag:s4] =	ssyncset.s32 $0xFFFFF086  }
0x25: {  	[simem:s6], [sflag:s4] =	dma.local [hbm:s3], $0xF7A  }
0x26: {  	[smem:$0x3F95] =	sst s1;
	(tag) =	ssettag s2;
	_ =	strace s9  }
0x27: {  	s1 =	sld [smem:$0x3FA5]  }
0x28: {  	s2 =	sld [smem:$0x3FA6]  }
0x29: {  	s4 =	sld [smem:$0x3FA8]  }
0x2a: {  	p0 =	seq.s32 s5, $0x0;
	s5 =	sld [smem:$0x3FA9]  }
0x2b: {  	s6 =	sld [smem:$0x3FAA]  }
0x2c: {  	s7 =	sld [smem:$0x3FAB]  }
0x2d: {  	s3 =	simm.s32 $0x108;
	s8 =	sld [smem:$0x3FAC]  }
0x2e: {  	s3 =	simm.s32 @!p0 $0x1082;
	s9 =	sld [smem:$0x3FAD]  }
0x2f: {  	lr =	sadd.s32 s0, s3;
	s0 =	sld [smem:$0x3FA4]  }
0x30: {  	s3 =	sld [smem:$0x3FA7]  }
0x31: {  	[smem:$0x3FB0] =	sst s10  }
0x32: {  	s10 =	sld [smem:$0x3FAE];
	_ =	sdelay $0x3  }
0x33: {  	p0 =	seq.s32 s10, $0x1;
	s10 =	sld [smem:$0x3FB0];
	_ =	sdelay $0x3  }
0x34: {  	[smem:$0x3FB0] =	sst s10  }
0x35: {  	s10 =	sld [smem:$0x3FAF];
	_ =	sdelay $0x3  }
0x36: {  	p1 =	seq.s32 s10, $0x1;
	s10 =	sld [smem:$0x3FB0];
	_ =	sdelay $0x3  }
0x37: {  	[smem:$0x3FB0] =	sst s10  }
0x38: {  	s10 =	sld [smem:$0x3FB1]  }
0x39: {  	_ = 	snop;
	(pc) =	sbr.ind lr, $3  }
0x3a: {  	_ = 	snop  }
0x3b: {  	_ = 	snop  }
0x3c: {  	p2 =	seq.s32 s10, $0x1;
	s10 =	sld [smem:$0x3FB0]  }
0x3d: {  	_ =	shalt  }
0x3e: {  	_ =	shalt  }
0x3f: {  	_ =	shalt  }
0x40: {  	_ =	shalt  }
0x41: {  	_ =	shalt  }
0x42: {  	_ =	shalt  }
0x43: {  	_ =	shalt  }
0x44: {  	_ =	shalt  }
0x45: {  	_ =	shalt  }
0x46: {  	_ =	shalt  }
0x47: {  	_ =	shalt  }
0x48: {  	_ =	shalt  }
0x49: {  	_ =	shalt  }
0x4a: {  	_ =	shalt  }
0x4b: {  	_ =	shalt  }
0x4c: {  	_ =	shalt  }
0x4d: {  	_ =	shalt  }
0x4e: {  	_ =	shalt  }
0x4f: {  	_ =	shalt  }
0x50: {  	_ =	shalt  }
0x51: {  	_ =	shalt  }
0x52: {  	_ =	shalt  }
0x53: {  	_ =	shalt  }
0x54: {  	_ =	shalt  }
0x55: {  	_ =	shalt  }
0x56: {  	_ =	shalt  }
0x57: {  	_ =	shalt  }
0x58: {  	_ =	shalt  }
0x59: {  	_ =	shalt  }
0x5a: {  	_ =	shalt  }
0x5b: {  	_ =	shalt  }
0x5c: {  	_ =	shalt  }
0x5d: {  	_ =	shalt  }
0x5e: {  	_ =	shalt  }
0x5f: {  	_ =	shalt  }
0x60: {  	_ =	shalt  }
0x61: {  	_ =	shalt  }
0x62: {  	_ =	shalt  }
0x63: {  	_ =	shalt  }
0x64: {  	_ =	shalt  }
0x65: {  	_ =	shalt  }
0x66: {  	_ =	shalt  }
0x67: {  	_ =	shalt  }
0x68: {  	_ =	shalt  }
0x69: {  	_ =	shalt  }
0x6a: {  	_ =	shalt  }
0x6b: {  	_ =	shalt  }
0x6c: {  	_ =	shalt  }
0x6d: {  	_ =	shalt  }
0x6e: {  	_ =	shalt  }
0x6f: {  	_ =	shalt  }
0x70: {  	_ =	shalt  }
0x71: {  	_ =	shalt  }
0x72: {  	_ =	shalt  }
0x73: {  	_ =	shalt  }
0x74: {  	_ =	shalt  }
0x75: {  	_ =	shalt  }
0x76: {  	_ =	shalt  }
0x77: {  	_ =	shalt  }
0x78: {  	_ =	shalt  }
0x79: {  	_ =	shalt  }
0x7a: {  	_ =	shalt  }
0x7b: {  	_ =	shalt  }
0x7c: {  	_ =	shalt  }
0x7d: {  	_ =	shalt  }
0x7e: {  	_ =	shalt  }
0x7f: {  	_ =	shalt  }
0x80: {  	_ =	shalt  }
0x81: {  	_ =	shalt  }
0x82: {  	_ =	shalt  }
0x83: {  	_ =	shalt  }
0x84: {  	_ =	shalt  }
0x85: {  	_ =	shalt  }
0x86: {  	_ =	shalt  }
0x87: {  	_ =	shalt  }
.Lfunc_end0:
.L_simem_size_0:
called_computation.2_lowered:
.L_overlay_start_0:
0x88: {  	s2 =	sld [smem:$0x3FD9]  }
0x89: {  	s3 =	sld [smem:$0x3FFE];
	_ =	sdelay $0x1  }
0x8a: {  	s1 =	srdreg.scid  }
0x8b: {  	s0 =	sand.u32 $0x1, s1  }
0x8c: {  	s14 =	sshll.u32 s0, $0xA;
	s2 =	sadd.s32 s3, s2  }
0x8d: {  	s2 =	sadd.s32 s2, s14  }
0x8e: {  	[smem:$0x3FBC] =	sst s2  }
0x8f: {  	_ = 	snop  }
0x90: {  	s2 =	sld [smem:$0x3FD0];
	_ =	sdelay $0x2  }
0x91: {  	s15 =	simm.s32 $0xA;
	s4 =	simm.s32 $0x10  }
0x92: {  	[smem:s4], [sflag:s15] =	dma.local [hbm:s2], $0x1  }
0x93: {  	_ =	swait.eq [sflag:s15], $0x1  }
0x94: {  	[sflag:s15] =	ssyncset.done $0x0  }
0x95: {  	s16 =	sld [smem:$0x10];
	[sflag:s15] =	ssyncadd.s32 $0xFFFFFFFF  }
0x96: {  	s17 =	sld [smem:$0x11];
	(tm) =	ssettm $0x1  }
0x97: {  	s18 =	sld [smem:$0x3FFB];
	_ =	sdelay $0x3  }
0x98: {  	_ =	strace s18  }
0x99: {  	s4 =	sld [smem:$0x3FFC];
	_ =	sdelay $0x3  }
0x9a: {  	_ =	strace s4  }
0x9b: {  	s4 =	sld [smem:$0x3FFD];
	_ =	sdelay $0x3  }
0x9c: {  	_ =	strace s4  }
0x9d: {  	_ =	strace $0x8FFFFFFF  }
0x9e: {  	s19 =	sld [smem:$0x3FDB];
	_ =	sdelay $0x1  }
0x9f: {  	s5 =	simm.s32 $_scs_section_size  }
0xa0: {  	s6 =	simm.s32 $_size__tile_overlayer_lowered;
	s7 =	simm.s32 $_tile_overlayer_lowered  }
0xa1: {  	s22 =	simm.s32 $0x1BFF;
	s21 =	sshll.u32 s7, $0x1;
	s4 =	sadd.s32 s5, s19  }
0xa2: {  	s8 =	simm.s32 $0x0;
	s20 =	sshll.u32 s6, $0x1;
	s6 =	sadd.s32 s21, s4  }
0xa3: {  	[timem:s8], [sflag:s22] =	dma.local [hbm:s6], s20  }
0xa4: {  	_ =	swait.ge [sflag:s22], s20  }
0xa5: {  	s5 =	ssub.s32 $0x0, s20;
	[sflag:s22] =	ssyncset.done $0x0  }
0xa6: {  	[sflag:s22] =	ssyncadd.s32 s5;
	_ =	sdelay $0x1  }
0xa7: {  	s23 =	simm.s32 $0x1B8B  }
0xa8: {  	_ =	swait.ge [sflag:s23], $0x1  }
0xa9: {  	[sflag:s23] =	ssyncset.done $0x0  }
0xaa: {  	s25 =	simm.s32 $0x1B8E;
	s24 =	sld [smem:$0x3FFE];
	[sflag:s23] =	ssyncadd.s32 $0xFFFFFFFF  }
0xab: {  	s26 =	simm.s32 $execute0_lowered;
	[smem:$0x3FD2] =	sst s25  }
0xac: {  	s6 =	sshll.u32 s26, $0x1;
	_ =	strace $0x8000004C;
	[dreg:$0x1] =	wrdreg $0xFFFFFFFF  }
0xad: {  	s28 =	simm.s32 $_size_execute0_lowered;
	s4 =	sadd.s32 s4, s6;
	[dreg:$0x0] =	wrdreg $0x0  }
0xae: {  	s6 =	sshll.u32 s28, $0x1;
	[dreg:$0x2] =	wrdreg s4  }
0xaf: {  	[dreg:$0x3] =	wrdreg s6  }
0xb0: {  	[dreg:$0x4] =	wrdreg $0xC0  }
0xb1: {  	_ =	task [dreg:s8], $0x5FFFF  }
0xb2: {  	[dreg:$0x1] =	wrdreg $0xFFFFFFFF  }
0xb3: {  	[dreg:$0x0] =	wrdreg $0x60  }
0xb4: {  	[dreg:$0x2] =	wrdreg s24  }
0xb5: {  	[dreg:$0x3] =	wrdreg s16  }
0xb6: {  	[dreg:$0x4] =	wrdreg s17  }
0xb7: {  	[dreg:$0x5] =	wrdreg $0xB8800  }
0xb8: {  	[dreg:$0x6] =	wrdreg $0xBB000  }
0xb9: {  	[dreg:$0x7] =	wrdreg $0x9  }
0xba: {  	_ =	task.clear_ibuf [dreg:s8], $0x8FFFF;
	_ =	strace $0x9000004C  }
0xbb: {  	s29 =	simm.s32 $0x9;
	_ =	strace $0x8000004E  }
0xbc: {  	_ =	swait.ge [sflag:s29], $0x1  }
0xbd: {  	[sflag:s29] =	ssyncadd.s32 $0xFFFFFFFF  }
0xbe: {  	_ =	strace $0x9000004E  }
0xbf: {  	_ =	sfence  }
0xc0: {  	s30 =	sld [smem:$0x0];
	_ =	sdelay $0x2  }
0xc1: {  	s31 =	sshll.u32 s1, $0xD;
	s1 =	sshrl.u32 s1, $0x2  }
0xc2: {  	s3 =	sand.u32 $0x4000, s31;
	s1 =	sadd.s32 s1, s30  }
0xc3: {  	s0 =	sor.u32 s3, s0;
	s1 =	sshll.u32 s1, $0x11  }
0xc4: {  	s0 =	sor.u32 s1, s0  }
0xc5: {  	s0 =	sadd.s32 $0x8F2B, s0  }
0xc6: {  	[sflag:s0] =	ssyncadd.remote.s32 $0x1  }
0xc7: {  	_ =	sfence.sel $0xFFFF  }
0xc8: {  	[dreg:$0x0] =	wrdreg $0xFFFFFFFF;
	(pc) =	sbr.abs _section_cstart, $3  }
0xc9: {  	[dreg:$0x1] =	wrdreg $0xFFFFFFFF  }
0xca: {  	_ =	task.clear_ibuf [dreg:s8], $0x2FFFF;
	_ =	strace $0x9FFFFFFF  }
0xcb: {  	(tm) =	ssettm $0x7FFFFFFF  }
tec
execute0_lowered:
.L_overlay_start_1:
0x0: {  	(tag) =	ssettag $0x1  }
0x1: {  	s0 =	srdreg.scid;
	s12 =	stileid.u32  }
0x2: {  	s1 =	rddreg [dreg:$0x0];
	s6 =	sand.u32 $0x1, s0;
	s7 =	smul.u32 $0x14000, s12  }
0x3: {  	s2 =	rddreg [dreg:$0x2];
	s0 =	smul.u32 $0x140000, s6  }
0x4: {  	s3 =	rddreg [dreg:$0x3]  }
0x5: {  	s4 =	rddreg [dreg:$0x4];
	s8 =	sadd.s32 s7, s0;
	s0 =	smul.u32 $0x280, s12  }
0x6: {  	s5 =	simm.s32 $0x0;
	s11 =	sshll.u32 s12, $0x1;
	s12 =	smul.u32 $0x50000, s12  }
0x7: {  	s28 =	simm.s32 $0x1;
	[smem:$0x7FF] =	sst s5  }
0x8: {  	s29 =	simm.s32 $0x6040;
	_ =	strace $0x8000004D;
	s12 =	sshrl.u32 s12, $0x2  }
0x9: {  	s10 =	ssub.s32 $0x2, s6;
	s18 =	sadd.s32 s7, s4;
	s7 =	sadd.s32 s12, s4  }
0xa: {  	s11 =	sor.u32 s6, s11;
	s25 =	smul.u32 $0x2800, s6;
	s26 =	sadd.s32 $0x1400, s7  }
0xb: {  	p0 =	sne.s32 s6, $0x0;
	s14 =	sadd.s32 $0x2800, s7;
	[dreg:$0x6] =	wrdreg s26  }
0xc: {  	s13 =	sshrl.u32 s10, $0x1;
	s15 =	sadd.s32 $0x3C00, s7;
	[dreg:$0x7] =	wrdreg s14  }
0xd: {  	s11 =	smul.u32 $0x1400, s11;
	s16 =	sadd.s32 $0x5000, s7;
	[dreg:$0x8] =	wrdreg s15  }
0xe: {  	s10 =	ssub.s32 s10, s13;
	s17 =	sadd.s32 $0x6400, s7;
	[dreg:$0x9] =	wrdreg s16  }
0xf: {  	s8 =	sshrl.u32 s8, $0x3;
	s19 =	sadd.s32 $0x7800, s7;
	[dreg:$0xa] =	wrdreg s17  }
0x10: {  	s13 =	sshrl.u32 s11, $0x3;
	s20 =	sadd.s32 $0x8C00, s7;
	[dreg:$0xb] =	wrdreg s19  }
0x11: {  	s30 =	sor.u32 $0x40, s11;
	s21 =	sadd.s32 $0xA000, s7;
	[dreg:$0xc] =	wrdreg s20  }
0x12: {  	s31 =	sor.u32 $0x80, s11;
	s22 =	sadd.s32 $0xB400, s7;
	[dreg:$0xd] =	wrdreg s21  }
0x13: {  	s8 =	sadd.s32 s8, s1;
	s23 =	sadd.s32 $0xC800, s7;
	[dreg:$0xe] =	wrdreg s22  }
0x14: {  	s9 =	sshrl.u32 s0, $0x3;
	s24 =	sadd.s32 $0xDC00, s7;
	[dreg:$0x10] =	wrdreg s23  }
0x15: {  	s12 =	sadd.s32 s0, s25;
	s25 =	sadd.s32 $0xF000, s7;
	[dreg:$0x11] =	wrdreg s24  }
0x16: {  	s12 =	sshrl.u32 s12, $0x3;
	s6 =	sadd.s32 $0x11800, s7;
	[dreg:$0x12] =	wrdreg s25  }
0x17: {  	s9 =	sadd.s32 s9, s1;
	s2 =	sadd.s32 s2, s12;
	[dreg:$0x14] =	wrdreg s6  }
0x18: {  	s26 =	sadd.s32 $0x10400, s7;
	s12 =	sadd.s32 $0x12C00, s7;
	[dreg:$0xf] =	wrdreg s2  }
0x19: {  	s23 =	sadd.s32 $0x398200, s1;
	s24 =	sadd.s32 $0x38E200, s1;
	[dreg:$0x13] =	wrdreg s26  }
0x1a: {  	s25 =	sadd.s32 $0x393200, s1;
	s16 =	sadd.s32 $0x2C800, s8;
	[dreg:$0x15] =	wrdreg s12  }
0x1b: {  	s17 =	sadd.s32 $0x39D200, s1;
	s19 =	sadd.s32 $0x2C200, s9;
	[dreg:$0x19] =	wrdreg s16  }
0x1c: {  	s7 =	sadd.s32 $0x4200, s1;
	s20 =	sadd.s32 $0x39D300, s1;
	[dreg:$0x1a] =	wrdreg s17  }
0x1d: {  	s21 =	smax.u32 s10, $0x1;
	s22 =	sadd.s32 $0x39D400, s1;
	[dreg:$0x1b] =	wrdreg s19  }
0x1e: {  	s8 =	simm.s32 $0x6080;
	s9 =	simm.s32 $0x2;
	[dreg:$0x1c] =	wrdreg s20  }
0x1f: {  	s10 =	simm.s32 $0x60C0;
	s14 =	sadd.s32 s23, s13;
	[dreg:$0x1d] =	wrdreg s21  }
0x20: {  	s15 =	sadd.s32 s24, s13;
	s2 =	sadd.s32 s25, s13;
	[dreg:$0x1e] =	wrdreg s22  }
0x21: {  	s26 =	sadd.s32 $0x39D500, s1;
	s1 =	sadd.s32 $0x39D600, s1;
	[dreg:$0x16] =	wrdreg s14  }
0x22: {  	s13 =	sadd.s32 s0, s3;
	s17 =	simm.s32 $0x2800;
	[dreg:$0x17] =	wrdreg s15  }
0x23: {  	v1 =	vmov s0;
	s19 =	simm.s32 $0x6000;
	s20 =	simm.s32 $0x6100;
	[dreg:$0x18] =	wrdreg s2  }
0x24: {  	v0 =	vlaneseq.u32;
	s21 =	simm.s32 $0x6180;
	s22 =	simm.s32 $0x40;
	[dreg:$0x1f] =	wrdreg s26  }
0x25: {  	v0 =	vmul.u32 $0x80, v0;
	s0 =	simm.s32 $0x8200;
	s16 =	simm.s32 $0x0;
	[smem:$0x7FC] =	sst s1  }
0x26: {  	v2 =	vimm.f32 $0.0e+00;
	v6 =	vimm.f32 $1.000000000e+00;
	s14 =	simm.s32 $0x3;
	s15 =	simm.s32 $0xA200;
	s26 =	simm.s32 $0x6200  }
0x27: {  	v3 =	vor.u32 $0x800, v0;
	v4 =	vor.u32 $0x1000, v0;
	v5 =	vor.u32 $0x1800, v0;
	s2 =	simm.s32 $0x6140;
	s1 =	simm.s32 $0x61C0;
	[smem:$0x7FD] =	sst s13  }
.LBB2_1:
0x28: {  	s6 =	simm.s32 $0x0;
	s11 =	simm.s32 $0x200  }
.LBB2_2:
0x29: {  	p1 =	sne.s32 s11, $0x4E00;
	[tilespmem:s6+$0xA270] =	vst v2  }
0x2a: {  	[tilespmem:s6+$0xA200] =	vst v2  }
0x2b: {  	[tilespmem:s6+$0xA210] =	vst v2  }
.Ltmp0:
0x2c: {  	[tilespmem:s6+$0xA220] =	vst v2;
	(pc) =	sbr.rel @p1 .LBB2_2-.Ltmp0, $4  }
0x2d: {  	[tilespmem:s6+$0xA230] =	vst v2  }
0x2e: {  	[tilespmem:s6+$0xA240] =	vst v2  }
0x2f: {  	[tilespmem:s6+$0xA250] =	vst v2  }
0x30: {  	[tilespmem:s6+$0xA260] =	vst v2;
	s6 =	sshra.s32 s11, $0x2;
	s11 =	sadd.s32 $0x200, s11  }
0x31: {  	[tilespmem:s6+$0xA270] =	vst v2  }
0x32: {  	[tilespmem:s6+$0xA200] =	vst v2  }
0x33: {  	[tilespmem:s6+$0xA210] =	vst v2  }
0x34: {  	[tilespmem:s6+$0xA220] =	vst v2  }
0x35: {  	[tilespmem:s6+$0xA230] =	vst v2  }
0x36: {  	[tilespmem:s6+$0xA240] =	vst v2  }
0x37: {  	[tilespmem:s6+$0xA250] =	vst v2  }
0x38: {  	[tilespmem:s6+$0xA260] =	vst v2  }
0x39: {  	[tilespmem:$0xB600] =	vst v2  }
0x3a: {  	[tilespmem:$0xB610] =	vst v2  }
0x3b: {  	[tilespmem:$0xB620] =	vst v2  }
0x3c: {  	[tilespmem:$0xB630] =	vst v2  }
0x3d: {  	[tilespmem:$0xB640] =	vst v2  }
0x3e: {  	[tilespmem:$0xB650] =	vst v2  }
0x3f: {  	[tilespmem:$0xB660] =	vst v2  }
0x40: {  	[tilespmem:$0xB670] =	vst v2  }
0x41: {  	[tilespmem:$0xB680] =	vst v2  }
0x42: {  	[tilespmem:$0xB690] =	vst v2  }
0x43: {  	[tilespmem:$0xB6A0] =	vst v2  }
0x44: {  	[tilespmem:$0xB6B0] =	vst v2  }
0x45: {  	[tilespmem:$0xB6C0] =	vst v2  }
0x46: {  	[tilespmem:$0xB6D0] =	vst v2  }
0x47: {  	[tilespmem:$0xB6E0] =	vst v2  }
0x48: {  	[tilespmem:$0xB6F0] =	vst v2  }
0x49: {  	[tilespmem:$0xB700] =	vst v2  }
0x4a: {  	[tilespmem:$0xB710] =	vst v2  }
0x4b: {  	[tilespmem:$0xB720] =	vst v2  }
0x4c: {  	[tilespmem:$0xB730] =	vst v2  }
0x4d: {  	[tilespmem:$0xB740] =	vst v2  }
0x4e: {  	[tilespmem:$0xB750] =	vst v2  }
0x4f: {  	[tilespmem:$0xB760] =	vst v2  }
0x50: {  	[tilespmem:$0xB770] =	vst v2  }
0x51: {  	[tilespmem:$0xB780] =	vst v2  }
0x52: {  	[tilespmem:$0xB790] =	vst v2  }
0x53: {  	[tilespmem:$0xB7A0] =	vst v2  }
0x54: {  	[tilespmem:$0xB7B0] =	vst v2  }
0x55: {  	[tilespmem:$0xB7C0] =	vst v2  }
0x56: {  	[tilespmem:$0xB7D0] =	vst v2  }
0x57: {  	[tilespmem:$0xB7E0] =	vst v2  }
0x58: {  	[tilespmem:$0xB7F0] =	vst v2  }
0x59: {  	[tilespmem:$0xB800] =	vst v2  }
0x5a: {  	[tilespmem:$0xB810] =	vst v2  }
0x5b: {  	[tilespmem:$0xB820] =	vst v2  }
0x5c: {  	[tilespmem:$0xB830] =	vst v2  }
0x5d: {  	[tilespmem:$0xB840] =	vst v2  }
0x5e: {  	[tilespmem:$0xB850] =	vst v2  }
0x5f: {  	[tilespmem:$0xB860] =	vst v2  }
0x60: {  	s12 =	simm.s32 $0xB600;
	[tilespmem:$0xB870] =	vst v2  }
0x61: {  	[spmem:s13] =	stream.linear.scatter [tilespmem:s12], [sflag:$0x3], $0x280, $0x38;
	[tilespmem:$0x1FB00] =	vst v63  }
0x62: {  	_ =	swait.ge [sflag:s14], $0x280  }
0x63: {  	[sflag:s14] =	ssyncset.done $0x0  }
0x64: {  	[sflag:s14] =	ssyncadd.s32 $0xFFFFFD80  }
0x65: {  	[spmem:s18] =	stream.linear.scatter [tilespmem:s15], [sflag:$0x3], $0x1400, $0x38;
	[tilespmem:$0x1FB00] =	vst v63  }
0x66: {  	_ =	swait.ge [sflag:s14], $0x1400  }
0x67: {  	[sflag:s14] =	ssyncset.done $0x0  }
0x68: {  	s13 =	rddreg [dreg:$0x6];
	[sflag:s14] =	ssyncadd.s32 $0xFFFFEC00  }
0x69: {  	[spmem:s13] =	stream.linear.scatter [tilespmem:s15], [sflag:$0x3], $0x1400, $0x38;
	[tilespmem:$0x1FB00] =	vst v63  }
0x6a: {  	_ =	swait.ge [sflag:s14], $0x1400  }
0x6b: {  	[sflag:s14] =	ssyncset.done $0x0  }
0x6c: {  	s11 =	rddreg [dreg:$0x7];
	[sflag:s14] =	ssyncadd.s32 $0xFFFFEC00  }
0x6d: {  	[spmem:s11] =	stream.linear.scatter [tilespmem:s15], [sflag:$0x3], $0x1400, $0x38;
	[tilespmem:$0x1FB00] =	vst v63  }
0x6e: {  	_ =	swait.ge [sflag:s14], $0x1400  }
0x6f: {  	[sflag:s14] =	ssyncset.done $0x0  }
0x70: {  	s12 =	rddreg [dreg:$0x8];
	[sflag:s14] =	ssyncadd.s32 $0xFFFFEC00  }
0x71: {  	[spmem:s12] =	stream.linear.scatter [tilespmem:s15], [sflag:$0x3], $0x1400, $0x38;
	[tilespmem:$0x1FB00] =	vst v63  }
0x72: {  	_ =	swait.ge [sflag:s14], $0x1400  }
0x73: {  	[sflag:s14] =	ssyncset.done $0x0  }
0x74: {  	s13 =	rddreg [dreg:$0x9];
	[sflag:s14] =	ssyncadd.s32 $0xFFFFEC00  }
0x75: {  	[spmem:s13] =	stream.linear.scatter [tilespmem:s15], [sflag:$0x3], $0x1400, $0x38;
	[tilespmem:$0x1FB00] =	vst v63  }
0x76: {  	_ =	swait.ge [sflag:s14], $0x1400  }
0x77: {  	[sflag:s14] =	ssyncset.done $0x0  }
0x78: {  	s11 =	rddreg [dreg:$0xa];
	[sflag:s14] =	ssyncadd.s32 $0xFFFFEC00  }
0x79: {  	[spmem:s11] =	stream.linear.scatter [tilespmem:s15], [sflag:$0x3], $0x1400, $0x38;
	[tilespmem:$0x1FB00] =	vst v63  }
0x7a: {  	_ =	swait.ge [sflag:s14], $0x1400  }
0x7b: {  	[sflag:s14] =	ssyncset.done $0x0  }
0x7c: {  	s12 =	rddreg [dreg:$0xb];
	[sflag:s14] =	ssyncadd.s32 $0xFFFFEC00  }
0x7d: {  	[spmem:s12] =	stream.linear.scatter [tilespmem:s15], [sflag:$0x3], $0x1400, $0x38;
	[tilespmem:$0x1FB00] =	vst v63  }
0x7e: {  	_ =	swait.ge [sflag:s14], $0x1400  }
0x7f: {  	[sflag:s14] =	ssyncset.done $0x0  }
0x80: {  	s13 =	rddreg [dreg:$0xc];
	[sflag:s14] =	ssyncadd.s32 $0xFFFFEC00  }
0x81: {  	[spmem:s13] =	stream.linear.scatter [tilespmem:s15], [sflag:$0x3], $0x1400, $0x38;
	[tilespmem:$0x1FB00] =	vst v63  }
0x82: {  	_ =	swait.ge [sflag:s14], $0x1400  }
0x83: {  	[sflag:s14] =	ssyncset.done $0x0  }
0x84: {  	s11 =	rddreg [dreg:$0xd];
	[sflag:s14] =	ssyncadd.s32 $0xFFFFEC00  }
0x85: {  	[spmem:s11] =	stream.linear.scatter [tilespmem:s15], [sflag:$0x3], $0x1400, $0x38;
	[tilespmem:$0x1FB00] =	vst v63  }
0x86: {  	_ =	swait.ge [sflag:s14], $0x1400  }
0x87: {  	[sflag:s14] =	ssyncset.done $0x0  }
0x88: {  	s12 =	rddreg [dreg:$0xe];
	[sflag:s14] =	ssyncadd.s32 $0xFFFFEC00  }
0x89: {  	[spmem:s12] =	stream.linear.scatter [tilespmem:s15], [sflag:$0x3], $0x1400, $0x38;
	[tilespmem:$0x1FB00] =	vst v63  }
0x8a: {  	_ =	swait.ge [sflag:s14], $0x1400  }
0x8b: {  	[sflag:s14] =	ssyncset.done $0x0  }
0x8c: {  	s13 =	rddreg [dreg:$0x10];
	[sflag:s14] =	ssyncadd.s32 $0xFFFFEC00  }
0x8d: {  	[spmem:s13] =	stream.linear.scatter [tilespmem:s15], [sflag:$0x3], $0x1400, $0x38;
	[tilespmem:$0x1FB00] =	vst v63  }
0x8e: {  	_ =	swait.ge [sflag:s14], $0x1400  }
0x8f: {  	[sflag:s14] =	ssyncset.done $0x0  }
0x90: {  	s11 =	rddreg [dreg:$0x11];
	[sflag:s14] =	ssyncadd.s32 $0xFFFFEC00  }
0x91: {  	[spmem:s11] =	stream.linear.scatter [tilespmem:s15], [sflag:$0x3], $0x1400, $0x38;
	[tilespmem:$0x1FB00] =	vst v63  }
0x92: {  	_ =	swait.ge [sflag:s14], $0x1400  }
0x93: {  	[sflag:s14] =	ssyncset.done $0x0  }
0x94: {  	s12 =	rddreg [dreg:$0x12];
	[sflag:s14] =	ssyncadd.s32 $0xFFFFEC00  }
0x95: {  	[spmem:s12] =	stream.linear.scatter [tilespmem:s15], [sflag:$0x3], $0x1400, $0x38;
	[tilespmem:$0x1FB00] =	vst v63  }
0x96: {  	_ =	swait.ge [sflag:s14], $0x1400  }
0x97: {  	[sflag:s14] =	ssyncset.done $0x0  }
0x98: {  	s13 =	rddreg [dreg:$0x13];
	[sflag:s14] =	ssyncadd.s32 $0xFFFFEC00  }
0x99: {  	[spmem:s13] =	stream.linear.scatter [tilespmem:s15], [sflag:$0x3], $0x1400, $0x38;
	[tilespmem:$0x1FB00] =	vst v63  }
0x9a: {  	_ =	swait.ge [sflag:s14], $0x1400  }
0x9b: {  	[sflag:s14] =	ssyncset.done $0x0  }
0x9c: {  	s11 =	rddreg [dreg:$0x14];
	[sflag:s14] =	ssyncadd.s32 $0xFFFFEC00  }
0x9d: {  	[spmem:s11] =	stream.linear.scatter [tilespmem:s15], [sflag:$0x3], $0x1400, $0x38;
	[tilespmem:$0x1FB00] =	vst v63  }
0x9e: {  	_ =	swait.ge [sflag:s14], $0x1400  }
0x9f: {  	[sflag:s14] =	ssyncset.done $0x0  }
0xa0: {  	s12 =	rddreg [dreg:$0x15];
	[sflag:s14] =	ssyncadd.s32 $0xFFFFEC00  }
0xa1: {  	[spmem:s12] =	stream.linear.scatter [tilespmem:s15], [sflag:$0x3], $0x1400, $0x38;
	[tilespmem:$0x1FB00] =	vst v63  }
0xa2: {  	_ =	swait.ge [sflag:s14], $0x1400  }
0xa3: {  	s11 =	simm.s32 $0x800;
	[sflag:s14] =	ssyncset.done $0x0  }
0xa4: {  	s12 =	simm.s32 $0x5000;
	s13 =	rddreg [dreg:$0x1a];
	[sflag:s14] =	ssyncadd.s32 $0xFFFFEC00  }
0xa5: {  	[tilespmem:s12], [sflag:$0x3] =	stream.strided.gather [hbm4b:s13+s11], $0x1000, s17, s11, $0x38;
	[tilespmem:$0x1FB00] =	vst v63  }
0xa6: {  	_ =	swait.ge [sflag:s14], $0x1000  }
0xa7: {  	[sflag:s14] =	ssyncset.done $0x0  }
0xa8: {  	s6 =	simm.s32 $0x0;
	[sflag:s14] =	ssyncadd.s32 $0xFFFFF000  }
0xa9: {  	v7 =	vld [tilespmem:s6+$0x5000]  }
0xaa: {  	s11 =	simm.s32 $0x40;
	v8 =	vld [tilespmem:s6+$0x5800]  }
.LBB2_4:
0xab: {  	_ = 	snop  }
0xac: {  	p1 =	sne.s32 s11, $0x1FC0  }
.Ltmp1:
0xad: {  	_ = 	snop;
	(pc) =	sbr.rel @p1 .LBB2_4-.Ltmp1, $4  }
0xae: {  	_ = 	snop  }
0xaf: {  	s12 =	sshra.s32 s11, $0x2;
	v9 =	vadd.f32 v8, v7  }
0xb0: {  	v7 =	vld [tilespmem:s12+$0x5000]  }
0xb1: {  	s11 =	sadd.s32 $0x40, s11;
	v8 =	vld [tilespmem:s12+$0x5800];
	[tilespmem:s6+$0x0] =	vst v9;
	s6 =	smov.u32 s12  }
0xb2: {  	_ =	sdelay $0x3  }
0xb3: {  	v7 =	vadd.f32 v8, v7;
	_ =	sdelay $0x1  }
0xb4: {  	s13 =	rddreg [dreg:$0x1c];
	s11 =	simm.s32 $0x800;
	s12 =	simm.s32 $0x5000;
	[tilespmem:s6+$0x0] =	vst v7  }
0xb5: {  	[tilespmem:s12], [sflag:$0x3] =	stream.strided.gather [hbm4b:s13+s11], $0x1000, s17, s11, $0x38;
	[tilespmem:$0x1FB00] =	vst v63  }
0xb6: {  	_ =	swait.ge [sflag:s14], $0x1000  }
0xb7: {  	[sflag:s14] =	ssyncset.done $0x0  }
0xb8: {  	s6 =	simm.s32 $0x0;
	[sflag:s14] =	ssyncadd.s32 $0xFFFFF000  }
0xb9: {  	v7 =	vld [tilespmem:s6+$0x5000]  }
0xba: {  	s11 =	simm.s32 $0x40;
	v8 =	vld [tilespmem:s6+$0x5800]  }
.LBB2_6:
0xbb: {  	_ = 	snop  }
0xbc: {  	p1 =	sne.s32 s11, $0x1FC0  }
.Ltmp2:
0xbd: {  	_ = 	snop;
	(pc) =	sbr.rel @p1 .LBB2_6-.Ltmp2, $4  }
0xbe: {  	_ = 	snop  }
0xbf: {  	s12 =	sshra.s32 s11, $0x2;
	v9 =	vadd.f32 v8, v7  }
0xc0: {  	v7 =	vld [tilespmem:s12+$0x5000]  }
0xc1: {  	s11 =	sadd.s32 $0x40, s11;
	v8 =	vld [tilespmem:s12+$0x5800];
	[tilespmem:s6+$0x800] =	vst v9;
	s6 =	smov.u32 s12  }
0xc2: {  	_ =	sdelay $0x3  }
0xc3: {  	v7 =	vadd.f32 v8, v7;
	_ =	sdelay $0x1  }
0xc4: {  	s13 =	rddreg [dreg:$0x1e];
	s11 =	simm.s32 $0x800;
	s12 =	simm.s32 $0x5000;
	[tilespmem:s6+$0x800] =	vst v7  }
0xc5: {  	[tilespmem:s12], [sflag:$0x3] =	stream.strided.gather [hbm4b:s13+s11], $0x1000, s17, s11, $0x38;
	[tilespmem:$0x1FB00] =	vst v63  }
0xc6: {  	_ =	swait.ge [sflag:s14], $0x1000  }
0xc7: {  	[sflag:s14] =	ssyncset.done $0x0  }
0xc8: {  	s6 =	simm.s32 $0x0;
	[sflag:s14] =	ssyncadd.s32 $0xFFFFF000  }
0xc9: {  	v7 =	vld [tilespmem:s6+$0x5000]  }
0xca: {  	s11 =	simm.s32 $0x40;
	v8 =	vld [tilespmem:s6+$0x5800]  }
.LBB2_8:
0xcb: {  	_ = 	snop  }
0xcc: {  	p1 =	sne.s32 s11, $0x1FC0  }
.Ltmp3:
0xcd: {  	_ = 	snop;
	(pc) =	sbr.rel @p1 .LBB2_8-.Ltmp3, $4  }
0xce: {  	_ = 	snop  }
0xcf: {  	s12 =	sshra.s32 s11, $0x2;
	v9 =	vadd.f32 v8, v7  }
0xd0: {  	v7 =	vld [tilespmem:s12+$0x5000]  }
0xd1: {  	s11 =	sadd.s32 $0x40, s11;
	v8 =	vld [tilespmem:s12+$0x5800];
	[tilespmem:s6+$0x1000] =	vst v9;
	s6 =	smov.u32 s12  }
0xd2: {  	_ =	sdelay $0x3  }
0xd3: {  	v7 =	vadd.f32 v8, v7;
	_ =	sdelay $0x1  }
0xd4: {  	s13 =	rddreg [dreg:$0x1f];
	s11 =	simm.s32 $0x800;
	s12 =	simm.s32 $0x5000;
	[tilespmem:s6+$0x1000] =	vst v7  }
0xd5: {  	[tilespmem:s12], [sflag:$0x3] =	stream.strided.gather [hbm4b:s13+s11], $0x1000, s17, s11, $0x38;
	[tilespmem:$0x1FB00] =	vst v63  }
0xd6: {  	_ =	swait.ge [sflag:s14], $0x1000  }
0xd7: {  	[sflag:s14] =	ssyncset.done $0x0  }
0xd8: {  	s6 =	simm.s32 $0x0;
	[sflag:s14] =	ssyncadd.s32 $0xFFFFF000  }
0xd9: {  	v7 =	vld [tilespmem:s6+$0x5000]  }
0xda: {  	s11 =	simm.s32 $0x40;
	v8 =	vld [tilespmem:s6+$0x5800]  }
.LBB2_10:
0xdb: {  	_ = 	snop  }
0xdc: {  	p1 =	sne.s32 s11, $0x1FC0  }
.Ltmp4:
0xdd: {  	_ = 	snop;
	(pc) =	sbr.rel @p1 .LBB2_10-.Ltmp4, $4  }
0xde: {  	_ = 	snop  }
0xdf: {  	s12 =	sshra.s32 s11, $0x2;
	v9 =	vadd.f32 v8, v7  }
0xe0: {  	v7 =	vld [tilespmem:s12+$0x5000]  }
0xe1: {  	s11 =	sadd.s32 $0x40, s11;
	v8 =	vld [tilespmem:s12+$0x5800];
	[tilespmem:s6+$0x1800] =	vst v9;
	s6 =	smov.u32 s12  }
0xe2: {  	_ =	sdelay $0x3  }
0xe3: {  	s13 =	sld [smem:$0x7FC];
	v7 =	vadd.f32 v8, v7;
	_ =	sdelay $0x1  }
0xe4: {  	s11 =	simm.s32 $0x800;
	s12 =	simm.s32 $0x5000;
	[tilespmem:s6+$0x1800] =	vst v7  }
0xe5: {  	[tilespmem:s12], [sflag:$0x3] =	stream.strided.gather [hbm4b:s13+s11], $0x1000, s17, s11, $0x38;
	[tilespmem:$0x1FB00] =	vst v63  }
0xe6: {  	_ =	swait.ge [sflag:s14], $0x1000  }
0xe7: {  	[sflag:s14] =	ssyncset.done $0x0  }
0xe8: {  	s6 =	simm.s32 $0x0;
	[sflag:s14] =	ssyncadd.s32 $0xFFFFF000  }
0xe9: {  	v7 =	vld [tilespmem:s6+$0x5000]  }
0xea: {  	s11 =	simm.s32 $0x40;
	v8 =	vld [tilespmem:s6+$0x5800]  }
.LBB2_12:
0xeb: {  	_ = 	snop  }
0xec: {  	p1 =	sne.s32 s11, $0x1FC0  }
.Ltmp5:
0xed: {  	_ = 	snop;
	(pc) =	sbr.rel @p1 .LBB2_12-.Ltmp5, $4  }
0xee: {  	_ = 	snop  }
0xef: {  	s12 =	sshra.s32 s11, $0x2;
	v9 =	vadd.f32 v8, v7  }
0xf0: {  	v7 =	vld [tilespmem:s12+$0x5000]  }
0xf1: {  	s11 =	sadd.s32 $0x40, s11;
	v8 =	vld [tilespmem:s12+$0x5800];
	[tilespmem:s6+$0x2000] =	vst v9;
	s6 =	smov.u32 s12  }
0xf2: {  	_ =	sdelay $0x3  }
0xf3: {  	v7 =	vadd.f32 v8, v7;
	_ =	sdelay $0x1  }
0xf4: {  	s11 =	simm.s32 $0x0;
	s12 =	rddreg [dreg:$0x1];
	[tilespmem:s6+$0x2000] =	vst v7  }
0xf5: {  	[tilespmem:s17], [sflag:$0x3] =	stream.linear.gather [hbm4b:s12+s11], $0x2800, $0x38;
	[tilespmem:$0x1FB00] =	vst v63  }
0xf6: {  	_ =	swait.ge [sflag:s14], $0x2800  }
0xf7: {  	[sflag:s14] =	ssyncset.done $0x0  }
0xf8: {  	[sflag:s14] =	ssyncadd.s32 $0xFFFFD800  }
0xf9: {  	[bflag:$0x0] =	sbarrier.arrive $0xFFFF  }
0xfa: {  	s13 =	rddreg [dreg:$0x16]  }
0xfb: {  	[tilespmem:s19], [sflag:$0x3] =	stream.linear.gather [hbm4b:s13+s11], $0x40, $0x38;
	[tilespmem:$0x1FB00] =	vst v63  }
0xfc: {  	_ =	swait.ge [sflag:s14], $0x40  }
0xfd: {  	[sflag:s14] =	ssyncset.done $0x0  }
0xfe: {  	s12 =	rddreg [dreg:$0x17];
	[sflag:s14] =	ssyncadd.s32 $0xFFFFFFC0  }
0xff: {  	[tilespmem:s20], [sflag:$0x3] =	stream.linear.gather [hbm4b:s12+s11], $0x40, $0x38;
	[tilespmem:$0x1FB00] =	vst v63  }
0x100: {  	_ =	swait.ge [sflag:s14], $0x40  }
0x101: {  	[sflag:s14] =	ssyncset.done $0x0  }
0x102: {  	s13 =	rddreg [dreg:$0x18];
	[sflag:s14] =	ssyncadd.s32 $0xFFFFFFC0  }
0x103: {  	[tilespmem:s21], [sflag:$0x3] =	stream.linear.gather [hbm4b:s13+s11], $0x40, $0x38;
	[tilespmem:$0x1FB00] =	vst v63  }
0x104: {  	_ =	swait.ge [sflag:s14], $0x40  }
0x105: {  	[sflag:s14] =	ssyncset.done $0x0  }
0x106: {  	s12 =	simm.s32 $0x0;
	[sflag:s14] =	ssyncadd.s32 $0xFFFFFFC0  }
0x107: {  	[tilespmem:s26], [sflag:$0x1] =	stream.indirect.gather [hbm4b:s7+s22], $0x80, s21, s22, $0xb8;
	[tilespmem:$0x1FB00] =	vst v63  }
.LBB2_14:
0x108: {  	s6 =	sshll.u32 s12, $0x7  }
0x109: {  	_ =	swait.ge [sflag:s28], $0x2000;
	s6 =	sadd.s32 s6, s30  }
0x10a: {  	[sflag:s28] =	ssyncset.done $0x0;
	s6 =	sshrl.u32 s6, $0x3  }
0x10b: {  	[sflag:s28] =	ssyncadd.s32 $0xFFFFE000;
	s13 =	sadd.s32 s23, s6  }
0x10c: {  	[tilespmem:s29], [sflag:$0x3] =	stream.linear.gather [hbm4b:s13+s11], $0x40, $0x38;
	[tilespmem:$0x1FB00] =	vst v63  }
0x10d: {  	_ =	swait.ge [sflag:s14], $0x40  }
0x10e: {  	[sflag:s14] =	ssyncset.done $0x0  }
0x10f: {  	s13 =	sadd.s32 s24, s6;
	[sflag:s14] =	ssyncadd.s32 $0xFFFFFFC0  }
0x110: {  	[tilespmem:s2], [sflag:$0x3] =	stream.linear.gather [hbm4b:s13+s11], $0x40, $0x38;
	[tilespmem:$0x1FB00] =	vst v63  }
0x111: {  	_ =	swait.ge [sflag:s14], $0x40  }
0x112: {  	[sflag:s14] =	ssyncset.done $0x0  }
0x113: {  	s6 =	sadd.s32 s25, s6;
	[sflag:s14] =	ssyncadd.s32 $0xFFFFFFC0  }
0x114: {  	[tilespmem:s1], [sflag:$0x3] =	stream.linear.gather [hbm4b:s6+s11], $0x40, $0x38;
	[tilespmem:$0x1FB00] =	vst v63  }
0x115: {  	_ =	swait.ge [sflag:s14], $0x40  }
0x116: {  	[sflag:s14] =	ssyncset.done $0x0  }
0x117: {  	[sflag:s14] =	ssyncadd.s32 $0xFFFFFFC0  }
0x118: {  	[tilespmem:s0], [sflag:$0x2] =	stream.indirect.gather [hbm4b:s7+s22], $0x80, s1, s22, $0xb8;
	[tilespmem:$0x1FB00] =	vst v63  }
0x119: {  	v7 =	vld [tilespmem:$0x6100];
	_ =	sdelay $0x7  }
0x11a: {  	v8 =	vld.idx.msk [tilespmem:v7+s11+$0x0], $0xffff;
	_ =	sdelay $0x4  }
0x11b: {  	v8 =	vadd.f32 $1.000000020e-16, v8;
	_ =	sdelay $0x1  }
0x11c: {  	(erf) = vrcp.f32 v8;
	_ =	sdelay $0x4  }
0x11d: {  	v8 =	vld [tilespmem:$0x6000]  }
0x11e: {  	v10 =	vld [tilespmem:$0x6110]  }
0x11f: {  	v9 =	vld.idx.msk [tilespmem:v7+s17+$0x0], $0xffff;
	_ =	sdelay $0x1  }
0x120: {  	v7 =	vpop (erf)  }
0x121: {  	v7 =	vmul.f32 v7, v8;
	_ =	sdelay $0x1  }
0x122: {  	v8 =	vmul.f32 v7, v9;
	_ =	sdelay $0x1  }
0x123: {  	[tilespmem:$0x6080] =	vst v8  }
0x124: {  	v8 =	vld.idx.msk [tilespmem:v10+s11+$0x0], $0xffff;
	_ =	sdelay $0x4  }
0x125: {  	v8 =	vadd.f32 $1.000000020e-16, v8;
	_ =	sdelay $0x1  }
0x126: {  	(erf) = vrcp.f32 v8;
	_ =	sdelay $0x4  }
0x127: {  	v8 =	vld [tilespmem:$0x6010]  }
0x128: {  	v9 =	vld.idx.msk [tilespmem:v10+s17+$0x0], $0xffff  }
0x129: {  	v10 =	vld [tilespmem:$0x6120];
	_ =	sdelay $0x1  }
0x12a: {  	v11 =	vpop (erf)  }
0x12b: {  	v8 =	vmul.f32 v11, v8;
	_ =	sdelay $0x1  }
0x12c: {  	v9 =	vmul.f32 v8, v9;
	_ =	sdelay $0x1  }
0x12d: {  	[tilespmem:$0x6090] =	vst v9  }
0x12e: {  	v9 =	vld.idx.msk [tilespmem:v10+s11+$0x0], $0xffff;
	_ =	sdelay $0x4  }
0x12f: {  	v9 =	vadd.f32 $1.000000020e-16, v9;
	_ =	sdelay $0x1  }
0x130: {  	(erf) = vrcp.f32 v9;
	_ =	sdelay $0x4  }
0x131: {  	v9 =	vld [tilespmem:$0x6020]  }
0x132: {  	v11 =	vld [tilespmem:$0x6130]  }
0x133: {  	v10 =	vld.idx.msk [tilespmem:v10+s17+$0x0], $0xffff;
	_ =	sdelay $0x1  }
0x134: {  	v12 =	vpop (erf)  }
0x135: {  	v9 =	vmul.f32 v12, v9;
	_ =	sdelay $0x1  }
0x136: {  	v10 =	vmul.f32 v9, v10;
	_ =	sdelay $0x1  }
0x137: {  	[tilespmem:$0x60A0] =	vst v10  }
0x138: {  	v10 =	vld.idx.msk [tilespmem:v11+s11+$0x0], $0xffff;
	_ =	sdelay $0x4  }
0x139: {  	v10 =	vadd.f32 $1.000000020e-16, v10;
	_ =	sdelay $0x1  }
0x13a: {  	(erf) = vrcp.f32 v10;
	_ =	sdelay $0x4  }
0x13b: {  	v10 =	vld [tilespmem:$0x6030]  }
0x13c: {  	v12 =	vmov s11  }
0x13d: {  	v12 =	vand.u32 $0x7F, v12;
	v11 =	vld.idx.msk [tilespmem:v11+s17+$0x0], $0xffff  }
0x13e: {  	v12 =	vbroadcast v12, $0x0  }
0x13f: {  	v13 =	vpop (erf)  }
0x140: {  	v10 =	vmul.f32 v13, v10;
	v13 =	vor.u32 v0, v12;
	_ =	sdelay $0x1  }
0x141: {  	v11 =	vmul.f32 v10, v11;
	_ =	sdelay $0x1  }
0x142: {  	[tilespmem:$0x60B0] =	vst v11  }
0x143: {  	v11 =	vld.idx.msk [tilespmem:v13+s26+$0x0], $0xffff;
	_ =	sdelay $0x2  }
0x144: {  	v14 =	vor.u32 v3, v12;
	_ =	sdelay $0x1  }
0x145: {  	v11 =	vmul.f32 v11, v7;
	_ =	sdelay $0x1  }
0x146: {  	[tilespmem:v13+s26+$0x0] =	vst.idx.msk $0xffff, v11  }
0x147: {  	v11 =	vld.idx.msk [tilespmem:v14+s26+$0x0], $0xffff;
	_ =	sdelay $0x2  }
0x148: {  	v13 =	vor.u32 v4, v12;
	_ =	sdelay $0x1  }
0x149: {  	v11 =	vmul.f32 v11, v8;
	_ =	sdelay $0x1  }
0x14a: {  	[tilespmem:v14+s26+$0x0] =	vst.idx.msk $0xffff, v11  }
0x14b: {  	v11 =	vld.idx.msk [tilespmem:v13+s26+$0x0], $0xffff;
	_ =	sdelay $0x2  }
0x14c: {  	v12 =	vor.u32 v5, v12;
	_ =	sdelay $0x1  }
0x14d: {  	v11 =	vmul.f32 v11, v9  }
0x14e: {  	s13 =	simm.s32 $0x1  }
0x14f: {  	[tilespmem:v13+s26+$0x0] =	vst.idx.msk $0xffff, v11;
	v11 =	vmov s13  }
0x150: {  	v14 =	vld.idx.msk [tilespmem:v12+s26+$0x0], $0xffff;
	v11 =	vand.u32 $0x7F, v11  }
0x151: {  	v11 =	vbroadcast v11, $0x0;
	_ =	sdelay $0x1  }
0x152: {  	v13 =	vor.u32 v0, v11;
	_ =	sdelay $0x1  }
0x153: {  	s6 =	simm.s32 $0x2;
	v14 =	vmul.f32 v14, v10  }
.LBB2_15:
0x154: {  	_ = 	snop  }
0x155: {  	p1 =	sne.s32 s6, $0x7F;
	s13 =	smov.u32 s6;
	s6 =	sadd.s32 $0x1, s6;
	[tilespmem:v12+s26+$0x0] =	vst.idx.msk $0xffff, v14  }
0x156: {  	v12 =	vld.idx.msk [tilespmem:v13+s26+$0x0], $0xffff;
	_ =	sdelay $0x3  }
0x157: {  	v14 =	vor.u32 v3, v11;
	_ =	sdelay $0x1  }
0x158: {  	v12 =	vmul.f32 v12, v7;
	_ =	sdelay $0x1  }
0x159: {  	[tilespmem:v13+s26+$0x0] =	vst.idx.msk $0xffff, v12  }
0x15a: {  	v12 =	vld.idx.msk [tilespmem:v14+s26+$0x0], $0xffff;
	_ =	sdelay $0x3  }
0x15b: {  	v13 =	vor.u32 v4, v11;
	_ =	sdelay $0x1  }
0x15c: {  	v12 =	vmul.f32 v12, v8;
	_ =	sdelay $0x1  }
0x15d: {  	[tilespmem:v14+s26+$0x0] =	vst.idx.msk $0xffff, v12  }
0x15e: {  	v14 =	vld.idx.msk [tilespmem:v13+s26+$0x0], $0xffff;
	_ =	sdelay $0x3  }
0x15f: {  	v12 =	vor.u32 v5, v11;
	_ =	sdelay $0x1  }
0x160: {  	v11 =	vmul.f32 v14, v9;
	_ =	sdelay $0x1  }
0x161: {  	[tilespmem:v13+s26+$0x0] =	vst.idx.msk $0xffff, v11  }
0x162: {  	v11 =	vmov s13;
	v14 =	vld.idx.msk [tilespmem:v12+s26+$0x0], $0xffff  }
0x163: {  	v11 =	vand.u32 $0x7F, v11  }
.Ltmp6:
0x164: {  	v11 =	vbroadcast v11, $0x0;
	(pc) =	sbr.rel @p1 .LBB2_15-.Ltmp6, $3  }
0x165: {  	_ = 	snop  }
0x166: {  	v13 =	vor.u32 v0, v11;
	_ =	sdelay $0x1  }
0x167: {  	v14 =	vmul.f32 v14, v10  }
0x168: {  	_ =	sdelay $0x3  }
0x169: {  	[tilespmem:v12+s26+$0x0] =	vst.idx.msk $0xffff, v14  }
0x16a: {  	v12 =	vld.idx.msk [tilespmem:v13+s26+$0x0], $0xffff;
	_ =	sdelay $0x2  }
0x16b: {  	v14 =	vor.u32 v3, v11;
	_ =	sdelay $0x1  }
0x16c: {  	v7 =	vmul.f32 v12, v7;
	_ =	sdelay $0x1  }
0x16d: {  	[tilespmem:v13+s26+$0x0] =	vst.idx.msk $0xffff, v7  }
0x16e: {  	v7 =	vld.idx.msk [tilespmem:v14+s26+$0x0], $0xffff;
	_ =	sdelay $0x2  }
0x16f: {  	v12 =	vor.u32 v4, v11;
	_ =	sdelay $0x1  }
0x170: {  	v7 =	vmul.f32 v7, v8;
	_ =	sdelay $0x1  }
0x171: {  	[tilespmem:v14+s26+$0x0] =	vst.idx.msk $0xffff, v7  }
0x172: {  	v7 =	vld.idx.msk [tilespmem:v12+s26+$0x0], $0xffff;
	_ =	sdelay $0x2  }
0x173: {  	v8 =	vor.u32 v5, v11;
	_ =	sdelay $0x1  }
0x174: {  	v7 =	vmul.f32 v7, v9;
	_ =	sdelay $0x1  }
0x175: {  	[tilespmem:v12+s26+$0x0] =	vst.idx.msk $0xffff, v7  }
0x176: {  	v7 =	vld.idx.msk [tilespmem:v8+s26+$0x0], $0xffff;
	_ =	sdelay $0x4  }
0x177: {  	v7 =	vmul.f32 v7, v10;
	_ =	sdelay $0x1  }
0x178: {  	[tilespmem:v8+s26+$0x0] =	vst.idx.msk $0xffff, v7  }
0x179: {  	[spmem:s4] =	stream.indirect.scatter.add.f32 [tilespmem:s26], [sflag:$0x3], $0x80, s20, s22, $0xb8;
	[tilespmem:$0x1FB00] =	vst v63  }
0x17a: {  	_ =	swait.ge [sflag:s14], $0x2000  }
0x17b: {  	[sflag:s14] =	ssyncset.done $0x0  }
0x17c: {  	[sflag:s14] =	ssyncadd.s32 $0xFFFFE000  }
0x17d: {  	[spmem:s3] =	stream.indirect.scatter.add.f32 [tilespmem:s8], [sflag:$0x3], $0x1, s21, s22, $0xb8;
	[tilespmem:$0x1FB00] =	vst v63  }
0x17e: {  	s6 =	sshll.u32 s12, $0x1;
	_ =	swait.ge [sflag:s14], $0x40  }
0x17f: {  	s6 =	smin.u32 s6, $0x4D;
	[sflag:s14] =	ssyncset.done $0x0  }
0x180: {  	s6 =	sshll.u32 s6, $0x6;
	[sflag:s14] =	ssyncadd.s32 $0xFFFFFFC0  }
0x181: {  	s6 =	sadd.s32 s6, s31;
	_ =	swait.ge [sflag:s9], $0x2000  }
0x182: {  	s6 =	sshrl.u32 s6, $0x3;
	[sflag:s9] =	ssyncset.done $0x0  }
0x183: {  	s13 =	sadd.s32 s23, s6;
	[sflag:s9] =	ssyncadd.s32 $0xFFFFE000  }
0x184: {  	[tilespmem:s19], [sflag:$0x3] =	stream.linear.gather [hbm4b:s13+s16], $0x40, $0x38;
	[tilespmem:$0x1FB00] =	vst v63  }
0x185: {  	_ =	swait.ge [sflag:s14], $0x40  }
0x186: {  	[sflag:s14] =	ssyncset.done $0x0  }
0x187: {  	s13 =	sadd.s32 s24, s6;
	[sflag:s14] =	ssyncadd.s32 $0xFFFFFFC0  }
0x188: {  	[tilespmem:s20], [sflag:$0x3] =	stream.linear.gather [hbm4b:s13+s16], $0x40, $0x38;
	[tilespmem:$0x1FB00] =	vst v63  }
0x189: {  	_ =	swait.ge [sflag:s14], $0x40  }
0x18a: {  	[sflag:s14] =	ssyncset.done $0x0  }
0x18b: {  	s6 =	sadd.s32 s25, s6;
	[sflag:s14] =	ssyncadd.s32 $0xFFFFFFC0  }
0x18c: {  	[tilespmem:s21], [sflag:$0x3] =	stream.linear.gather [hbm4b:s6+s16], $0x40, $0x38;
	[tilespmem:$0x1FB00] =	vst v63  }
0x18d: {  	_ =	swait.ge [sflag:s14], $0x40  }
0x18e: {  	[sflag:s14] =	ssyncset.done $0x0  }
0x18f: {  	[sflag:s14] =	ssyncadd.s32 $0xFFFFFFC0  }
0x190: {  	[tilespmem:s26], [sflag:$0x1] =	stream.indirect.gather [hbm4b:s7+s22], $0x80, s21, s22, $0xb8;
	[tilespmem:$0x1FB00] =	vst v63  }
0x191: {  	v7 =	vld [tilespmem:$0x6140];
	_ =	sdelay $0x7  }
0x192: {  	v8 =	vld.idx.msk [tilespmem:v7+s16+$0x0], $0xffff;
	_ =	sdelay $0x4  }
0x193: {  	v8 =	vadd.f32 $1.000000020e-16, v8;
	_ =	sdelay $0x1  }
0x194: {  	(erf) = vrcp.f32 v8;
	_ =	sdelay $0x4  }
0x195: {  	v8 =	vld [tilespmem:$0x6040]  }
0x196: {  	v10 =	vld [tilespmem:$0x6150]  }
0x197: {  	v9 =	vld.idx.msk [tilespmem:v7+s17+$0x0], $0xffff;
	_ =	sdelay $0x1  }
0x198: {  	v7 =	vpop (erf)  }
0x199: {  	v7 =	vmul.f32 v7, v8;
	_ =	sdelay $0x1  }
0x19a: {  	v8 =	vmul.f32 v7, v9;
	_ =	sdelay $0x1  }
0x19b: {  	[tilespmem:$0x60C0] =	vst v8  }
0x19c: {  	v8 =	vld.idx.msk [tilespmem:v10+s16+$0x0], $0xffff;
	_ =	sdelay $0x4  }
0x19d: {  	v8 =	vadd.f32 $1.000000020e-16, v8;
	_ =	sdelay $0x1  }
0x19e: {  	(erf) = vrcp.f32 v8;
	_ =	sdelay $0x4  }
0x19f: {  	v8 =	vld [tilespmem:$0x6050]  }
0x1a0: {  	v9 =	vld.idx.msk [tilespmem:v10+s17+$0x0], $0xffff  }
0x1a1: {  	v10 =	vld [tilespmem:$0x6160];
	_ =	sdelay $0x1  }
0x1a2: {  	v11 =	vpop (erf)  }
0x1a3: {  	v8 =	vmul.f32 v11, v8;
	_ =	sdelay $0x1  }
0x1a4: {  	v9 =	vmul.f32 v8, v9;
	_ =	sdelay $0x1  }
0x1a5: {  	[tilespmem:$0x60D0] =	vst v9  }
0x1a6: {  	v9 =	vld.idx.msk [tilespmem:v10+s16+$0x0], $0xffff;
	_ =	sdelay $0x4  }
0x1a7: {  	v9 =	vadd.f32 $1.000000020e-16, v9;
	_ =	sdelay $0x1  }
0x1a8: {  	(erf) = vrcp.f32 v9;
	_ =	sdelay $0x4  }
0x1a9: {  	v9 =	vld [tilespmem:$0x6060]  }
0x1aa: {  	v11 =	vld [tilespmem:$0x6170]  }
0x1ab: {  	v10 =	vld.idx.msk [tilespmem:v10+s17+$0x0], $0xffff;
	_ =	sdelay $0x1  }
0x1ac: {  	v12 =	vpop (erf)  }
0x1ad: {  	v9 =	vmul.f32 v12, v9;
	_ =	sdelay $0x1  }
0x1ae: {  	v10 =	vmul.f32 v9, v10;
	_ =	sdelay $0x1  }
0x1af: {  	[tilespmem:$0x60E0] =	vst v10  }
0x1b0: {  	v10 =	vld.idx.msk [tilespmem:v11+s16+$0x0], $0xffff;
	_ =	sdelay $0x4  }
0x1b1: {  	v10 =	vadd.f32 $1.000000020e-16, v10;
	_ =	sdelay $0x1  }
0x1b2: {  	(erf) = vrcp.f32 v10;
	_ =	sdelay $0x4  }
0x1b3: {  	v10 =	vld [tilespmem:$0x6070]  }
0x1b4: {  	v12 =	vmov s16  }
0x1b5: {  	v12 =	vand.u32 $0x7F, v12;
	v11 =	vld.idx.msk [tilespmem:v11+s17+$0x0], $0xffff  }
0x1b6: {  	v12 =	vbroadcast v12, $0x0  }
0x1b7: {  	v13 =	vpop (erf)  }
0x1b8: {  	v10 =	vmul.f32 v13, v10;
	v13 =	vor.u32 v0, v12;
	_ =	sdelay $0x1  }
0x1b9: {  	v11 =	vmul.f32 v10, v11;
	_ =	sdelay $0x1  }
0x1ba: {  	[tilespmem:$0x60F0] =	vst v11  }
0x1bb: {  	v11 =	vld.idx.msk [tilespmem:v13+s0+$0x0], $0xffff;
	_ =	sdelay $0x2  }
0x1bc: {  	v14 =	vor.u32 v3, v12;
	_ =	sdelay $0x1  }
0x1bd: {  	v11 =	vmul.f32 v11, v7;
	_ =	sdelay $0x1  }
0x1be: {  	[tilespmem:v13+s0+$0x0] =	vst.idx.msk $0xffff, v11  }
0x1bf: {  	v11 =	vld.idx.msk [tilespmem:v14+s0+$0x0], $0xffff;
	_ =	sdelay $0x2  }
0x1c0: {  	v13 =	vor.u32 v4, v12;
	_ =	sdelay $0x1  }
0x1c1: {  	v11 =	vmul.f32 v11, v8;
	_ =	sdelay $0x1  }
0x1c2: {  	[tilespmem:v14+s0+$0x0] =	vst.idx.msk $0xffff, v11  }
0x1c3: {  	v11 =	vld.idx.msk [tilespmem:v13+s0+$0x0], $0xffff;
	_ =	sdelay $0x2  }
0x1c4: {  	v12 =	vor.u32 v5, v12;
	_ =	sdelay $0x1  }
0x1c5: {  	v11 =	vmul.f32 v11, v9  }
0x1c6: {  	s13 =	simm.s32 $0x1  }
0x1c7: {  	[tilespmem:v13+s0+$0x0] =	vst.idx.msk $0xffff, v11;
	v11 =	vmov s13  }
0x1c8: {  	v14 =	vld.idx.msk [tilespmem:v12+s0+$0x0], $0xffff;
	v11 =	vand.u32 $0x7F, v11  }
0x1c9: {  	v11 =	vbroadcast v11, $0x0;
	_ =	sdelay $0x1  }
0x1ca: {  	v13 =	vor.u32 v0, v11;
	_ =	sdelay $0x1  }
0x1cb: {  	s6 =	simm.s32 $0x2;
	v14 =	vmul.f32 v14, v10  }
.LBB2_17:
0x1cc: {  	_ = 	snop  }
0x1cd: {  	p1 =	sne.s32 s6, $0x7F;
	s13 =	smov.u32 s6;
	s6 =	sadd.s32 $0x1, s6;
	[tilespmem:v12+s0+$0x0] =	vst.idx.msk $0xffff, v14  }
0x1ce: {  	v12 =	vld.idx.msk [tilespmem:v13+s0+$0x0], $0xffff;
	_ =	sdelay $0x3  }
0x1cf: {  	v14 =	vor.u32 v3, v11;
	_ =	sdelay $0x1  }
0x1d0: {  	v12 =	vmul.f32 v12, v7;
	_ =	sdelay $0x1  }
0x1d1: {  	[tilespmem:v13+s0+$0x0] =	vst.idx.msk $0xffff, v12  }
0x1d2: {  	v12 =	vld.idx.msk [tilespmem:v14+s0+$0x0], $0xffff;
	_ =	sdelay $0x3  }
0x1d3: {  	v13 =	vor.u32 v4, v11;
	_ =	sdelay $0x1  }
0x1d4: {  	v12 =	vmul.f32 v12, v8;
	_ =	sdelay $0x1  }
0x1d5: {  	[tilespmem:v14+s0+$0x0] =	vst.idx.msk $0xffff, v12  }
0x1d6: {  	v14 =	vld.idx.msk [tilespmem:v13+s0+$0x0], $0xffff;
	_ =	sdelay $0x3  }
0x1d7: {  	v12 =	vor.u32 v5, v11;
	_ =	sdelay $0x1  }
0x1d8: {  	v11 =	vmul.f32 v14, v9;
	_ =	sdelay $0x1  }
0x1d9: {  	[tilespmem:v13+s0+$0x0] =	vst.idx.msk $0xffff, v11  }
0x1da: {  	v11 =	vmov s13;
	v14 =	vld.idx.msk [tilespmem:v12+s0+$0x0], $0xffff  }
0x1db: {  	v11 =	vand.u32 $0x7F, v11  }
.Ltmp7:
0x1dc: {  	v11 =	vbroadcast v11, $0x0;
	(pc) =	sbr.rel @p1 .LBB2_17-.Ltmp7, $3  }
0x1dd: {  	_ = 	snop  }
0x1de: {  	v13 =	vor.u32 v0, v11;
	_ =	sdelay $0x1  }
0x1df: {  	v14 =	vmul.f32 v14, v10  }
0x1e0: {  	_ =	sdelay $0x3  }
0x1e1: {  	[tilespmem:v12+s0+$0x0] =	vst.idx.msk $0xffff, v14  }
0x1e2: {  	v12 =	vld.idx.msk [tilespmem:v13+s0+$0x0], $0xffff;
	_ =	sdelay $0x2  }
0x1e3: {  	v62 =	vor.u32 v3, v11;
	_ =	sdelay $0x1  }
0x1e4: {  	v7 =	vmul.f32 v12, v7;
	_ =	sdelay $0x1  }
0x1e5: {  	[tilespmem:v13+s0+$0x0] =	vst.idx.msk $0xffff, v7  }
0x1e6: {  	v7 =	vld.idx.msk [tilespmem:v62+s0+$0x0], $0xffff;
	_ =	sdelay $0x2  }
0x1e7: {  	v63 =	vor.u32 v4, v11;
	_ =	sdelay $0x1  }
0x1e8: {  	v7 =	vmul.f32 v7, v8;
	_ =	sdelay $0x1  }
0x1e9: {  	[tilespmem:v62+s0+$0x0] =	vst.idx.msk $0xffff, v7  }
0x1ea: {  	v7 =	vld.idx.msk [tilespmem:v63+s0+$0x0], $0xffff;
	_ =	sdelay $0x2  }
0x1eb: {  	v8 =	vor.u32 v5, v11;
	_ =	sdelay $0x1  }
0x1ec: {  	v7 =	vmul.f32 v7, v9;
	_ =	sdelay $0x1  }
0x1ed: {  	[tilespmem:v63+s0+$0x0] =	vst.idx.msk $0xffff, v7  }
0x1ee: {  	v7 =	vld.idx.msk [tilespmem:v8+s0+$0x0], $0xffff;
	_ =	sdelay $0x4  }
0x1ef: {  	v7 =	vmul.f32 v7, v10;
	_ =	sdelay $0x1  }
0x1f0: {  	[tilespmem:v8+s0+$0x0] =	vst.idx.msk $0xffff, v7  }
0x1f1: {  	[spmem:s4] =	stream.indirect.scatter.add.f32 [tilespmem:s0], [sflag:$0x3], $0x80, s2, s22, $0xb8;
	[tilespmem:$0x1FB00] =	vst v63  }
0x1f2: {  	s12 =	sadd.s32 $0x1, s12;
	_ =	swait.ge [sflag:s14], $0x2000  }
0x1f3: {  	p1 =	sne.s32 s12, $0x28;
	[sflag:s14] =	ssyncset.done $0x0  }
.Ltmp8:
0x1f4: {  	[sflag:s14] =	ssyncadd.s32 $0xFFFFE000;
	(pc) =	sbr.rel @p1 .LBB2_14-.Ltmp8, $4  }
0x1f5: {  	[spmem:s3] =	stream.indirect.scatter.add.f32 [tilespmem:s10], [sflag:$0x3], $0x1, s1, s22, $0xb8;
	[tilespmem:$0x1FB00] =	vst v63  }
0x1f6: {  	_ =	swait.ge [sflag:s14], $0x40  }
0x1f7: {  	[sflag:s14] =	ssyncset.done $0x0  }
0x1f8: {  	[sflag:s14] =	ssyncadd.s32 $0xFFFFFFC0  }
0x1f9: {  	_ =	swait.ge [sflag:s28], $0x2000  }
0x1fa: {  	[sflag:s28] =	ssyncset.done $0x0  }
0x1fb: {  	s6 =	simm.s32 $0x0;
	s11 =	simm.s32 $0x40;
	[sflag:s28] =	ssyncadd.s32 $0xFFFFE000  }
.LBB2_20:
0x1fc: {  	p1 =	sne.s32 s11, $0x9C0;
	v7 =	vld.idx.msk [tilespmem:v1+s6+$0x0 ss:$0x1], $0xffff;
	_ =	sdelay $0x3  }
.Ltmp9:
0x1fd: {  	(pc) =	sbr.rel @p1 .LBB2_20-.Ltmp9, $4  }
0x1fe: {  	_ = 	snop  }
0x1ff: {  	vm0 =	vgt.f32 v7, $0.0e+00  }
0x200: {  	v7 =	vsel vm0, $0x0, v6  }
0x201: {  	[tilespmem:s6+$0xB600] =	vst v7;
	s6 =	sshra.s32 s11, $0x2;
	s11 =	sadd.s32 $0x40, s11  }
0x202: {  	_ =	sdelay $0x3  }
0x203: {  	v7 =	vld.idx.msk [tilespmem:v1+s6+$0x0 ss:$0x1], $0xffff;
	_ =	sdelay $0x4  }
0x204: {  	vm0 =	vgt.f32 v7, $0.0e+00  }
0x205: {  	v7 =	vsel vm0, $0x0, v6  }
0x206: {  	[tilespmem:s6+$0xB600] =	vst v7  }
0x207: {  	[bflag:$0x0] =	sbarrier.arrive $0xFFFF  }
0x208: {  	s13 =	sld [smem:$0x7FD]  }
0x209: {  	s11 =	stileid.u32  }
0x20a: {  	s6 =	sshll.u32 s11, $0x6  }
0x20b: {  	s6 =	sor.u32 $0x1C03, s6;
	s12 =	rddreg [dreg:$0xf];
	s11 =	sshrl.u32 s13, $0x3  }
0x20c: {  	[hbm:s12], [sflag:s6] =	dma.local [spmem:s11], $0x50  }
0x20d: {  	_ =	swait.ge [sflag:s14], $0x50  }
0x20e: {  	[sflag:s14] =	ssyncset.done $0x0  }
0x20f: {  	s11 =	sshrl.u32 s18, $0x3;
	s12 =	rddreg [dreg:$0x19];
	[sflag:s14] =	ssyncadd.s32 $0xFFFFFFB0  }
0x210: {  	[hbm:s12], [sflag:s6] =	dma.local [spmem:s11], $0x2800  }
0x211: {  	_ =	swait.ge [sflag:s14], $0x2800  }
0x212: {  	s6 =	simm.s32 @!p0 $0x0;
	[sflag:s14] =	ssyncset.done $0x0  }
0x213: {  	s11 =	simm.s32 @!p0 $0xB600;
	s12 =	rddreg [dreg:$0x1b];
	[sflag:s14] =	ssyncadd.s32 $0xFFFFD800  }
0x214: {  	[hbm4b:s12+s6] =	stream.linear.scatter @!p0 [tilespmem:s11], [sflag:$0x3], $0x280, $0x38;
	[tilespmem:$0x1FB00] =	vst v63  }
0x215: {  	s6 =	simm.s32 @!p0 $0x3  }
0x216: {  	_ =	swait.ge @!p0 [sflag:s6], $0x280  }
0x217: {  	s5 =	sadd.s32 $0x1, s5;
	s12 =	rddreg [dreg:$0x1d]  }
0x218: {  	p1 =	sne.s32 s5, s12  }
.Ltmp10:
0x219: {  	_ = 	snop;
	(pc) =	sbr.rel @p1 .LBB2_1-.Ltmp10, $3  }
0x21a: {  	_ =	sdelay $0x1  }
0x21b: {  	[sflag:s6] =	ssyncset.done @!p0 $0x0  }
0x21c: {  	[sflag:s6] =	ssyncadd.s32 @!p0 $0xFFFFFD80  }
0x21d: {  	_ =	sfence.sel $0x180000  }
0x21e: {  	[bflag:$0x0] =	sbarrier.arrive $0xFFFF  }
0x21f: {  	_ =	strace $0x9000004D  }
0x220: {  	s0 =	stileid.u32;
	[bflag:$0x2] =	sbarrier.arrive $0xFFFF  }
0x221: {  	p0 =	sne.s32 s0, $0x0;
	s0 =	rddreg [dreg:$0x5]  }
0x222: {  	s0 =	sadd.s32 @!p0 $0x100000, s0  }
0x223: {  	[sflag:s0] =	ssyncadd.tile.s32 @!p0 $0x1;
	_ =	shalt  }
.Lfunc_end2:
_tile_overlayer_lowered:
.L_overlay_start_2:
0x224: {  	(tag) =	ssettag $0x2  }
0x225: {  	s0 =	rddreg [dreg:$0x0];
	s2 =	stileid.u32  }
0x226: {  	s1 =	rddreg [dreg:$0x1];
	p0 =	sne.s32 s2, $0x0  }
0x227: {  	s3 =	rddreg [dreg:$0x2];
	[bflag:$0x3] =	sbarrier.arrive $0xFFFF;
	s2 =	simm.s32 @!p0 $0x1C03  }
0x228: {  	[timem:s3], [sflag:s2] =	dma.local @!p0 [hbm:s0], s1  }
0x229: {  	s0 =	simm.s32 @!p0 $0x3  }
0x22a: {  	_ =	swait.ge @!p0 [sflag:s0], s1  }
0x22b: {  	s1 =	ssub.s32 @!p0 $0x0, s1;
	[sflag:s0] =	ssyncset.done @!p0 $0x0  }
0x22c: {  	[sflag:s0] =	ssyncadd.s32 @!p0 s1  }
0x22d: {  	[bflag:$0x3] =	sbarrier.arrive $0xFFFF  }
0x22e: {  	_ =	shalt  }

// kernel: kernel.9.cloned.1.call-start
scs
__scs_entry_jumppad:
0x0: {  	(pc) =	sbr.rel $0x88, $3  }
0x1: {  	(tag) =	ssettag $0x0;
	lr =	simm.s32 $0x1  }
0x2: {  	[smem:$0x3F95] =	sst lr;
	_ =	strace $0xD0000000  }
0x3: {  	_ = 	snop  }
0x4: {  	_ = 	snop  }
0x5: {  	_ = 	snop  }
0x6: {  	_ = 	snop  }
0x7: {  	_ = 	snop  }
__scs_overlays_trampoline_lowered:
0x8: {  	[smem:$0x3FA4] =	sst s0  }
0x9: {  	[smem:$0x3FA5] =	sst s1  }
0xa: {  	[smem:$0x3FA6] =	sst s2  }
0xb: {  	[smem:$0x3FA7] =	sst s3  }
0xc: {  	[smem:$0x3FA8] =	sst s4  }
0xd: {  	[smem:$0x3FA9] =	sst s5  }
0xe: {  	[smem:$0x3FAA] =	sst s6  }
0xf: {  	[smem:$0x3FAB] =	sst s7  }
0x10: {  	[smem:$0x3FAC] =	sst s8  }
0x11: {  	[smem:$0x3FAD] =	sst s9;
	s0 =	simm.s32 @!p0 $0x0  }
0x12: {  	s1 =	sld [smem:$0x3F93];
	s0 =	simm.s32 @p0 $0x1  }
0x13: {  	[smem:$0x3FAE] =	sst s0;
	s0 =	simm.s32 @!p1 $0x0  }
0x14: {  	s2 =	sld [smem:$0x3F92];
	s0 =	simm.s32 @p1 $0x1  }
0x15: {  	[smem:$0x3FAF] =	sst s0;
	s0 =	simm.s32 @!p2 $0x0  }
0x16: {  	s3 =	sld [smem:$0x3FDB];
	s0 =	simm.s32 @p2 $0x1  }
0x17: {  	s4 =	simm.s32 $0x1BF5;
	[smem:$0x3FB1] =	sst s0  }
0x18: {  	s0 =	sld [smem:$0x3F94];
	_ =	swait.ge [sflag:s4], $0x0  }
0x19: {  	s7 =	sld [smem:$0x3F95]  }
0x1a: {  	s8 =	sadd.s32 $0xFFFFE003, lr  }
0x1b: {  	s9 =	sadd.s32 $0xFFFFFEF7, lr;
	s5 =	simm.s32 $0xFFFFFFFF;
	p2 =	slt.u32 s8, $0xFFFFF086  }
0x1c: {  	p1 =	slt.u32 s9, $0xF7A;
	s5 =	simm.s32 @!p2 $0x0  }
0x1d: {  	s5 =	simm.s32 @p1 $0x1;
	p0 =	seq.s32 s7, s2  }
0x1e: {  	s7 =	smul.u32 @!p0 $0xF7A, s2;
	p2 =	seq.s32 @!p0 s5, $0x0  }
0x1f: {  	s9 =	smul.u32 $0xF7A, s1;
	s8 =	simm.s32 @!p0 $0x1BF5;
	p2 =	por !p2, p0  }
0x20: {  	[sflag:s8] =	ssyncset.s32 @!p0 $0xFFFFF086;
	s6 =	sadd.s32 @!p0 s3, s7;
	s7 =	simm.s32 @!p0 $0x108  }
0x21: {  	s3 =	sadd.s32 s3, s9;
	s6 =	sadd.s32 @!p0 $0x88, s6;
	s7 =	simm.s32 @p2 $0x1082  }
0x22: {  	[simem:s7], [sflag:s8] =	dma.local @!p0 [hbm:s6], $0xF7A  }
0x23: {  	s9 =	sor.u32 $0xD0000000, s2;
	s6 =	simm.s32 $0x108;
	_ =	swait.ge @!p0 [sflag:s8], $0x0  }
0x24: {  	s3 =	sadd.s32 $0x88, s3;
	s6 =	simm.s32 @!p1 $0x1082;
	[sflag:s4] =	ssyncset.s32 $0xFFFFF086  }
0x25: {  	[simem:s6], [sflag:s4] =	dma.local [hbm:s3], $0xF7A  }
0x26: {  	[smem:$0x3F95] =	sst s1;
	(tag) =	ssettag s2;
	_ =	strace s9  }
0x27: {  	s1 =	sld [smem:$0x3FA5]  }
0x28: {  	s2 =	sld [smem:$0x3FA6]  }
0x29: {  	s4 =	sld [smem:$0x3FA8]  }
0x2a: {  	p0 =	seq.s32 s5, $0x0;
	s5 =	sld [smem:$0x3FA9]  }
0x2b: {  	s6 =	sld [smem:$0x3FAA]  }
0x2c: {  	s7 =	sld [smem:$0x3FAB]  }
0x2d: {  	s3 =	simm.s32 $0x108;
	s8 =	sld [smem:$0x3FAC]  }
0x2e: {  	s3 =	simm.s32 @!p0 $0x1082;
	s9 =	sld [smem:$0x3FAD]  }
0x2f: {  	lr =	sadd.s32 s0, s3;
	s0 =	sld [smem:$0x3FA4]  }
0x30: {  	s3 =	sld [smem:$0x3FA7]  }
0x31: {  	[smem:$0x3FB0] =	sst s10  }
0x32: {  	s10 =	sld [smem:$0x3FAE];
	_ =	sdelay $0x3  }
0x33: {  	p0 =	seq.s32 s10, $0x1;
	s10 =	sld [smem:$0x3FB0];
	_ =	sdelay $0x3  }
0x34: {  	[smem:$0x3FB0] =	sst s10  }
0x35: {  	s10 =	sld [smem:$0x3FAF];
	_ =	sdelay $0x3  }
0x36: {  	p1 =	seq.s32 s10, $0x1;
	s10 =	sld [smem:$0x3FB0];
	_ =	sdelay $0x3  }
0x37: {  	[smem:$0x3FB0] =	sst s10  }
0x38: {  	s10 =	sld [smem:$0x3FB1]  }
0x39: {  	_ = 	snop;
	(pc) =	sbr.ind lr, $3  }
0x3a: {  	_ = 	snop  }
0x3b: {  	_ = 	snop  }
0x3c: {  	p2 =	seq.s32 s10, $0x1;
	s10 =	sld [smem:$0x3FB0]  }
0x3d: {  	_ =	shalt  }
0x3e: {  	_ =	shalt  }
0x3f: {  	_ =	shalt  }
0x40: {  	_ =	shalt  }
0x41: {  	_ =	shalt  }
0x42: {  	_ =	shalt  }
0x43: {  	_ =	shalt  }
0x44: {  	_ =	shalt  }
0x45: {  	_ =	shalt  }
0x46: {  	_ =	shalt  }
0x47: {  	_ =	shalt  }
0x48: {  	_ =	shalt  }
0x49: {  	_ =	shalt  }
0x4a: {  	_ =	shalt  }
0x4b: {  	_ =	shalt  }
0x4c: {  	_ =	shalt  }
0x4d: {  	_ =	shalt  }
0x4e: {  	_ =	shalt  }
0x4f: {  	_ =	shalt  }
0x50: {  	_ =	shalt  }
0x51: {  	_ =	shalt  }
0x52: {  	_ =	shalt  }
0x53: {  	_ =	shalt  }
0x54: {  	_ =	shalt  }
0x55: {  	_ =	shalt  }
0x56: {  	_ =	shalt  }
0x57: {  	_ =	shalt  }
0x58: {  	_ =	shalt  }
0x59: {  	_ =	shalt  }
0x5a: {  	_ =	shalt  }
0x5b: {  	_ =	shalt  }
0x5c: {  	_ =	shalt  }
0x5d: {  	_ =	shalt  }
0x5e: {  	_ =	shalt  }
0x5f: {  	_ =	shalt  }
0x60: {  	_ =	shalt  }
0x61: {  	_ =	shalt  }
0x62: {  	_ =	shalt  }
0x63: {  	_ =	shalt  }
0x64: {  	_ =	shalt  }
0x65: {  	_ =	shalt  }
0x66: {  	_ =	shalt  }
0x67: {  	_ =	shalt  }
0x68: {  	_ =	shalt  }
0x69: {  	_ =	shalt  }
0x6a: {  	_ =	shalt  }
0x6b: {  	_ =	shalt  }
0x6c: {  	_ =	shalt  }
0x6d: {  	_ =	shalt  }
0x6e: {  	_ =	shalt  }
0x6f: {  	_ =	shalt  }
0x70: {  	_ =	shalt  }
0x71: {  	_ =	shalt  }
0x72: {  	_ =	shalt  }
0x73: {  	_ =	shalt  }
0x74: {  	_ =	shalt  }
0x75: {  	_ =	shalt  }
0x76: {  	_ =	shalt  }
0x77: {  	_ =	shalt  }
0x78: {  	_ =	shalt  }
0x79: {  	_ =	shalt  }
0x7a: {  	_ =	shalt  }
0x7b: {  	_ =	shalt  }
0x7c: {  	_ =	shalt  }
0x7d: {  	_ =	shalt  }
0x7e: {  	_ =	shalt  }
0x7f: {  	_ =	shalt  }
0x80: {  	_ =	shalt  }
0x81: {  	_ =	shalt  }
0x82: {  	_ =	shalt  }
0x83: {  	_ =	shalt  }
0x84: {  	_ =	shalt  }
0x85: {  	_ =	shalt  }
0x86: {  	_ =	shalt  }
0x87: {  	_ =	shalt  }
.Lfunc_end0:
.L_simem_size_0:
called_computation_lowered:
.L_overlay_start_0:
0x88: {  	s2 =	sld [smem:$0x3FD9]  }
0x89: {  	s3 =	sld [smem:$0x3FFE];
	_ =	sdelay $0x1  }
0x8a: {  	s1 =	srdreg.scid  }
0x8b: {  	s0 =	sand.u32 $0x1, s1  }
0x8c: {  	s14 =	sshll.u32 s0, $0xA;
	s2 =	sadd.s32 s3, s2  }
0x8d: {  	s2 =	sadd.s32 s2, s14  }
0x8e: {  	[smem:$0x3FBC] =	sst s2  }
0x8f: {  	_ = 	snop  }
0x90: {  	s2 =	sld [smem:$0x3FD0];
	_ =	sdelay $0x2  }
0x91: {  	s15 =	simm.s32 $0xA;
	s4 =	simm.s32 $0x10  }
0x92: {  	[smem:s4], [sflag:s15] =	dma.local [hbm:s2], $0x1  }
0x93: {  	_ =	swait.eq [sflag:s15], $0x1  }
0x94: {  	[sflag:s15] =	ssyncset.done $0x0  }
0x95: {  	[sflag:s15] =	ssyncadd.s32 $0xFFFFFFFF  }
0x96: {  	s16 =	sld [smem:$0x11];
	(tm) =	ssettm $0x1  }
0x97: {  	s17 =	sld [smem:$0x3FFB];
	_ =	sdelay $0x3  }
0x98: {  	_ =	strace s17  }
0x99: {  	s3 =	sld [smem:$0x3FFC];
	_ =	sdelay $0x3  }
0x9a: {  	_ =	strace s3  }
0x9b: {  	s3 =	sld [smem:$0x3FFD];
	_ =	sdelay $0x3  }
0x9c: {  	_ =	strace s3  }
0x9d: {  	_ =	strace $0x8FFFFFFF  }
0x9e: {  	s18 =	sld [smem:$0x3FDB];
	_ =	sdelay $0x1  }
0x9f: {  	s19 =	simm.s32 $_scs_section_size  }
0xa0: {  	s5 =	simm.s32 $_size__tile_overlayer_lowered;
	s6 =	simm.s32 $_tile_overlayer_lowered  }
0xa1: {  	s22 =	simm.s32 $0x1BFF;
	s21 =	sshll.u32 s6, $0x1;
	s3 =	sadd.s32 s19, s18  }
0xa2: {  	s7 =	simm.s32 $0x0;
	s20 =	sshll.u32 s5, $0x1;
	s5 =	sadd.s32 s21, s3  }
0xa3: {  	[timem:s7], [sflag:s22] =	dma.local [hbm:s5], s20  }
0xa4: {  	_ =	swait.ge [sflag:s22], s20  }
0xa5: {  	s4 =	ssub.s32 $0x0, s20;
	[sflag:s22] =	ssyncset.done $0x0  }
0xa6: {  	[sflag:s22] =	ssyncadd.s32 s4;
	_ =	sdelay $0x1  }
0xa7: {  	s23 =	simm.s32 $0x1B8B  }
0xa8: {  	_ =	swait.ge [sflag:s23], $0x1  }
0xa9: {  	[sflag:s23] =	ssyncset.done $0x0  }
0xaa: {  	s25 =	simm.s32 $0x1B8E;
	s24 =	sld [smem:$0x3FFE];
	[sflag:s23] =	ssyncadd.s32 $0xFFFFFFFF  }
0xab: {  	s26 =	simm.s32 $execute0_lowered;
	[smem:$0x3FD2] =	sst s25  }
0xac: {  	s5 =	sshll.u32 s26, $0x1;
	_ =	strace $0x80000046;
	[dreg:$0x1] =	wrdreg $0xFFFFFFFF  }
0xad: {  	s28 =	simm.s32 $_size_execute0_lowered;
	s3 =	sadd.s32 s3, s5;
	[dreg:$0x0] =	wrdreg $0x0  }
0xae: {  	s5 =	sshll.u32 s28, $0x1;
	[dreg:$0x2] =	wrdreg s3  }
0xaf: {  	[dreg:$0x3] =	wrdreg s5  }
0xb0: {  	[dreg:$0x4] =	wrdreg $0xC0  }
0xb1: {  	_ =	task [dreg:s7], $0x5FFFF  }
0xb2: {  	[dreg:$0x1] =	wrdreg $0xFFFFFFFF  }
0xb3: {  	[dreg:$0x0] =	wrdreg $0x60  }
0xb4: {  	[dreg:$0x2] =	wrdreg s24  }
0xb5: {  	[dreg:$0x3] =	wrdreg s16  }
0xb6: {  	[dreg:$0x4] =	wrdreg $0x9  }
0xb7: {  	_ =	task.clear_ibuf [dreg:s7], $0x5FFFF;
	_ =	strace $0x90000046  }
0xb8: {  	s29 =	simm.s32 $0x9;
	_ =	strace $0x80000048  }
0xb9: {  	_ =	swait.ge [sflag:s29], $0x1  }
0xba: {  	[sflag:s29] =	ssyncadd.s32 $0xFFFFFFFF  }
0xbb: {  	_ =	strace $0x90000048  }
0xbc: {  	_ =	sfence  }
0xbd: {  	s30 =	sld [smem:$0x0];
	_ =	sdelay $0x2  }
0xbe: {  	s31 =	sshll.u32 s1, $0xD;
	s1 =	sshrl.u32 s1, $0x2  }
0xbf: {  	s3 =	sand.u32 $0x4000, s31;
	s1 =	sadd.s32 s1, s30  }
0xc0: {  	s0 =	sor.u32 s3, s0;
	s1 =	sshll.u32 s1, $0x11  }
0xc1: {  	s0 =	sor.u32 s1, s0  }
0xc2: {  	s0 =	sadd.s32 $0x8F2B, s0  }
0xc3: {  	[sflag:s0] =	ssyncadd.remote.s32 $0x1  }
0xc4: {  	_ =	sfence.sel $0xFFFF  }
0xc5: {  	[dreg:$0x0] =	wrdreg $0xFFFFFFFF;
	(pc) =	sbr.abs _section_cstart, $3  }
0xc6: {  	[dreg:$0x1] =	wrdreg $0xFFFFFFFF  }
0xc7: {  	_ =	task.clear_ibuf [dreg:s7], $0x2FFFF;
	_ =	strace $0x9FFFFFFF  }
0xc8: {  	(tm) =	ssettm $0x7FFFFFFF  }
0xc9: {  	_ =	shalt  }
tec
execute0_lowered:
.L_overlay_start_1:
0x0: {  	(tag) =	ssettag $0x1  }
0x1: {  	v0 =	vlaneseq.u32  }
0x2: {  	v4 =	vimm.s32 $0xEDCBA987;
	v5 =	vimm.s32 $0x65432100;
	v8 =	vimm.s32 $0xDCBA9876  }
0x3: {  	s0 =	srdreg.scid;
	v13 =	vimm.s32 $0xE40000;
	v14 =	vimm.s32 $0x87654321;
	v15 =	vimm.s32 $0x7060504  }
0x4: {  	s1 =	stileid.u32;
	s5 =	rddreg [dreg:$0x0];
	vm1 =	vcmask $0x3F08;
	vm3 =	vcmask $0x3F30;
	vm2 =	vcmask $0x3F10  }
0x5: {  	s9 =	rddreg [dreg:$0x1];
	vm4 =	vcmask $0x3F3C;
	s0 =	sand.u32 $0x1, s0;
	s1 =	sshll.u32 s1, $0x1;
	v3 =	vmul.u32 $0x180, v0;
	v6 =	vunpack.c.l.s4.s8 v4  }
0x6: {  	s15 =	simm.s32 $0x13040;
	s16 =	simm.s32 $0x7;
	v4 =	vimm.f32 $-1.000000020e+30;
	v7 =	vunpack.c.l.s4.s8 v5;
	v8 =	vunpack.c.l.s4.s8 v8;
	s2 =	sor.u32 s0, s1  }
0x7: {  	s21 =	simm.s32 $0x20;
	s22 =	simm.s32 $0x6000;
	v14 =	vunpack.c.l.s4.s8 v14;
	s1 =	smul.u32 $0x1400, s2;
	v5 =	vadd.s32 $0x100, v3;
	v9 =	vunpack.c.0.s8.s32 v6  }
0x8: {  	s28 =	simm.s32 $0x5;
	s29 =	simm.s32 $0x3000;
	s30 =	simm.s32 $0x9000;
	v6 =	vmul.u32 $0x80, v0;
	v10 =	vunpack.c.0.s8.s32 v7;
	v7 =	vimm.s32 $0x54321000  }
0x9: {  	s19 =	simm.s32 $0x1B070;
	s20 =	simm.s32 $0x1B080;
	v12 =	vunpack.c.0.s8.s32 v8;
	v16 =	vadd.s32 $0x1880, v3;
	v11 =	vunpack.c.l.s4.s8 v7;
	s3 =	sor.u32 $0x10, s1  }
0xa: {  	s17 =	simm.s32 $0x4;
	s18 =	simm.s32 $0x6;
	s4 =	sadd.s32 $0x2C200, s5;
	v7 =	vadd.s32 $0x80, v3;
	v9 =	vand.u32 $0xF, v9;
	v2 =	vor.u32 s3, v0  }
0xb: {  	s6 =	sadd.s32 $0x38D200, s5;
	s8 =	sadd.s32 $0xA4200, s5;
	s0 =	ssub.s32 $0x2, s0;
	v8 =	vcombine.low v10, v9;
	v9 =	vunpack.c.0.s8.s32 v11;
	v11 =	vimm.s32 $0xBA987654  }
0xc: {  	s25 =	sshrl.u32 s0, $0x1;
	s7 =	sshrl.u32 s1, $0x3;
	s3 =	simm.s32 $0x0;
	v10 =	vand.u32 $0xF, v12;
	v12 =	vimm.s32 $0x32100000;
	v11 =	vunpack.c.l.s4.s8 v11  }
0xd: {  	s2 =	smul.u32 $0x500, s2;
	s10 =	sadd.s32 s7, s5;
	[smem:$0x7FF] =	sst s3;
	v9 =	vcombine.low v9, v10;
	v10 =	vunpack.c.l.s4.s8 v12;
	v12 =	vunpack.c.l.s2.s4 v13  }
0xe: {  	v14 =	vunpack.c.0.s8.s32 v14;
	v1 =	vor.u32 s1, v0;
	s24 =	sadd.s32 $0x38E200, s10;
	_ =	strace $0x80000047;
	[dreg:$0x3] =	wrdreg s6;
	v13 =	vimm.s32 $0xFFEDCBA9  }
0xf: {  	s0 =	ssub.s32 s0, s25;
	s11 =	sadd.s32 $0x393200, s10;
	[dreg:$0x4] =	wrdreg s24;
	v11 =	vunpack.c.0.s8.s32 v11;
	v13 =	vunpack.c.l.s4.s8 v13;
	v12 =	vunpack.c.l.s4.s8 v12  }
0x10: {  	s25 =	simm.s32 $0x1;
	v1 =	vmin.u32 v1, $0x270FF;
	vm0 =	vlt.s32 v2, $0x270FF;
	s26 =	sadd.s32 $0x39D200, s10;
	[dreg:$0x5] =	wrdreg s11;
	v10 =	vunpack.c.0.s8.s32 v10  }
0x11: {  	s2 =	sadd.s32 s9, s2;
	s31 =	sadd.s32 $0x398200, s10;
	[dreg:$0x6] =	wrdreg s26;
	v11 =	vand.u32 $0xF, v11;
	v13 =	vunpack.c.0.s8.s32 v13;
	v12 =	vunpack.c.0.s8.s32 v12  }
0x12: {  	s0 =	smax.u32 s0, $0x1;
	s9 =	simm.s32 $0x0;
	v2 =	vnsel vm0, $0x270FF, v2;
	[dreg:$0x7] =	wrdreg s31;
	v10 =	vcombine.low v10, v11;
	v11 =	vunpack.c.0.s8.s32 v15  }
0x13: {  	s7 =	sadd.s32 $0x3A2200, s5;
	s6 =	sadd.s32 $0x11C200, s5;
	vm0 =	vcmask $0x3F04;
	[dreg:$0x8] =	wrdreg s2;
	v13 =	vcombine.low v14, v13;
	v12 =	vand.u32 $0x3, v12  }
0x14: {  	[dreg:$0x9] =	wrdreg s0;
	s24 =	simm.s32 $0xC000;
	s26 =	simm.s32 $0x3;
	v15 =	vadd.s32 $0x1800, v3;
	v14 =	vor.u32 $0x800, v6;
	v11 =	vsel vm3, v11, v12  }
0x15: {  	s2 =	simm.s32 $0xD000;
	s0 =	simm.s32 $0x1B060;
	s11 =	simm.s32 $0x0;
	vm3 =	vcmask $0x3F20;
	v12 =	vand.u32 $0xF, v13;
	v13 =	vadd.s32 $0x1900, v3  }
.LBB2_1:
0x16: {  	[dreg:$0xa] =	wrdreg s9;
	s5 =	simm.s32 $0x40;
	s9 =	simm.s32 $0x0  }
.LBB2_2:
0x17: {  	p0 =	sne.s32 s5, $0x9FC0;
	[tilespmem:s9+$0x1B080] =	vst v4;
	s9 =	smov.u32 s5;
	s5 =	sadd.s32 $0x40, s5  }
.Ltmp0:
0x18: {  	(pc) =	sbr.rel @p0 .LBB2_2-.Ltmp0, $2  }
0x19: {  	_ =	sdelay $0x2  }
0x1a: {  	s9 =	sshra.s32 s9, $0x2  }
0x1b: {  	[tilespmem:s9+$0x1B080] =	vst v4;
	s5 =	rddreg [dreg:$0x3]  }
0x1c: {  	[tilespmem:s15], [sflag:$0x7] =	stream.linear.gather [hbm4b:s5+s11], $0x8000, $0x38;
	[tilespmem:$0x1D880] =	vst v63  }
0x1d: {  	_ =	swait.ge [sflag:s16], $0x8000  }
0x1e: {  	[sflag:s16] =	ssyncset.done $0x0  }
0x1f: {  	s31 =	simm.s32 $0xE040;
	s23 =	rddreg [dreg:$0x4];
	[sflag:s16] =	ssyncadd.s32 $0xFFFF8000  }
0x20: {  	[tilespmem:s31], [sflag:$0x7] =	stream.linear.gather [hbm4b:s23+s11], $0x1400, $0x38;
	[tilespmem:$0x1D880] =	vst v63  }
0x21: {  	_ =	swait.ge [sflag:s16], $0x1400  }
0x22: {  	[sflag:s16] =	ssyncset.done $0x0  }
0x23: {  	s10 =	simm.s32 $0xF440;
	s12 =	rddreg [dreg:$0x5];
	[sflag:s16] =	ssyncadd.s32 $0xFFFFEC00  }
0x24: {  	[tilespmem:s10], [sflag:$0x7] =	stream.linear.gather [hbm4b:s12+s11], $0x1400, $0x38;
	[tilespmem:$0x1D880] =	vst v63  }
0x25: {  	_ =	swait.ge [sflag:s16], $0x1400  }
0x26: {  	[sflag:s16] =	ssyncset.done $0x0  }
0x27: {  	s12 =	simm.s32 $0x10840;
	s13 =	rddreg [dreg:$0x6];
	[sflag:s16] =	ssyncadd.s32 $0xFFFFEC00  }
0x28: {  	[tilespmem:s12], [sflag:$0x7] =	stream.linear.gather [hbm4b:s13+s11], $0x1400, $0x38;
	[tilespmem:$0x1D880] =	vst v63  }
0x29: {  	_ =	swait.ge [sflag:s16], $0x1400  }
0x2a: {  	[sflag:s16] =	ssyncset.done $0x0  }
0x2b: {  	s23 =	simm.s32 $0x11C40;
	s14 =	rddreg [dreg:$0x7];
	[sflag:s16] =	ssyncadd.s32 $0xFFFFEC00  }
0x2c: {  	[tilespmem:s23], [sflag:$0x7] =	stream.linear.gather [hbm4b:s14+s11], $0x1400, $0x38;
	[tilespmem:$0x1D880] =	vst v63  }
0x2d: {  	_ =	swait.ge [sflag:s16], $0x1400  }
0x2e: {  	[sflag:s16] =	ssyncset.done $0x0  }
0x2f: {  	[sflag:s16] =	ssyncadd.s32 $0xFFFFEC00  }
0x30: {  	[tilespmem:$0xE000] =	vst v1  }
0x31: {  	[tilespmem:$0xE010] =	vst v2  }
0x32: {  	[tilespmem:s11], [sflag:$0x1] =	stream.indirect.gather [hbm4b:s4+s21], $0x180, s31, s21, $0xb8;
	[tilespmem:$0x1D880] =	vst v63  }
0x33: {  	_ = 	snop  }
0x34: {  	[tilespmem:s22], [sflag:$0x3] =	stream.indirect.gather [hbm4b:s8+s21], $0x180, s10, s21, $0xb8;
	[tilespmem:$0x1D880] =	vst v63  }
0x35: {  	s12 =	simm.s32 $0x0;
	s31 =	simm.s32 $0xE000  }
0x36: {  	[tilespmem:s24], [sflag:$0x5] =	stream.indirect.gather [hbm4b:s6+s21], $0x80, s31, s21, $0xb8;
	[tilespmem:$0x1D880] =	vst v63  }
.LBB2_4:
0x37: {  	_ =	swait.ge [sflag:s25], $0x3000  }
0x38: {  	[sflag:s25] =	ssyncset.done $0x0  }
0x39: {  	[sflag:s25] =	ssyncadd.s32 $0xFFFFD000  }
0x3a: {  	_ =	swait.ge [sflag:s26], $0x3000  }
0x3b: {  	s14 =	sshll.u32 s12, $0x6;
	[sflag:s26] =	ssyncset.done $0x0  }
0x3c: {  	s10 =	sor.u32 $0x20, s14;
	[sflag:s26] =	ssyncadd.s32 $0xFFFFD000  }
0x3d: {  	s13 =	sadd.s32 s1, s10;
	_ =	swait.ge [sflag:s28], $0x1000  }
0x3e: {  	v17 =	vor.u32 s13, v0;
	s5 =	sor.u32 $0x10, s13;
	[sflag:s28] =	ssyncset.done $0x0  }
0x3f: {  	v17 =	vmin.u32 v17, $0x270FF;
	v18 =	vor.u32 s5, v0;
	[sflag:s28] =	ssyncadd.s32 $0xFFFFF000  }
0x40: {  	[tilespmem:$0xE020] =	vst v17;
	v17 =	vmin.u32 v18, $0x270FF  }
0x41: {  	s9 =	sadd.s32 $0xE060, s14;
	[tilespmem:$0xE030] =	vst v17  }
0x42: {  	[tilespmem:s29], [sflag:$0x2] =	stream.indirect.gather [hbm4b:s4+s21], $0x180, s9, s21, $0xb8;
	[tilespmem:$0x1D880] =	vst v63  }
0x43: {  	s23 =	sadd.s32 $0xF460, s14  }
0x44: {  	[tilespmem:s30], [sflag:$0x4] =	stream.indirect.gather [hbm4b:s8+s21], $0x180, s23, s21, $0xb8;
	[tilespmem:$0x1D880] =	vst v63  }
0x45: {  	s9 =	simm.s32 $0xE020  }
0x46: {  	[tilespmem:s2], [sflag:$0x6] =	stream.indirect.gather [hbm4b:s6+s21], $0x80, s9, s21, $0xb8;
	[tilespmem:$0x1D880] =	vst v63  }
0x47: {  	v17 =	vld [tilespmem:s14+$0x10840];
	_ =	sdelay $0x2  }
0x48: {  	v21 =	vor.u32 s11, v7;
	_ =	sdelay $0x1  }
0x49: {  	v18 =	vshll.u32 v17, $0x8  }
0x4a: {  	s23 =	simm.s32 $0x2;
	s9 =	simm.s32 $0x1;
	v19 =	vor.u32 $0x80, v18  }
0x4b: {  	v35 =	vmov s23;
	v22 =	vld [tilespmem:s14+$0x11C40];
	v26 =	vor.u32 s9, v7  }
0x4c: {  	v35 =	vand.u32 $0x7E, v35;
	v28 =	vld.idx.msk [tilespmem:v21+s3+$0x0], $0xffff  }
0x4d: {  	v21 =	vld.idx.msk [tilespmem:v21+s22+$0x0], $0xffff;
	v31 =	vmov s9;
	v37 =	vor.u32 v3, v35  }
0x4e: {  	v31 =	vand.u32 $0x7D, v31;
	v20 =	vadd.s32 v5, v17;
	v17 =	vld [tilespmem:s14+$0xE040]  }
0x4f: {  	v33 =	vor.u32 v3, v31;
	v23 =	vld.idx.msk [tilespmem:v19+s15+$0x0], $0xffff;
	v19 =	vmov s11  }
0x50: {  	v32 =	vld.idx.msk [tilespmem:v26+s3+$0x0], $0xffff;
	v27 =	vand.u32 $0x7C, v19  }
0x51: {  	v26 =	vld.idx.msk [tilespmem:v26+s22+$0x0], $0xffff;
	v29 =	vor.u32 v3, v27  }
0x52: {  	v59 =	vld.idx.msk [tilespmem:v37+s3+$0x0], $0xffff  }
0x53: {  	v37 =	vld.idx.msk [tilespmem:v37+s22+$0x0], $0xffff  }
0x54: {  	v38 =	vld.idx.msk [tilespmem:v33+s3+$0x0], $0xffff;
	v30 =	vor.u32 v6, v27;
	v27 =	vor.u32 v18, v27  }
0x55: {  	v33 =	vld.idx.msk [tilespmem:v33+s22+$0x0], $0xffff  }
0x56: {  	v34 =	vld.idx.msk [tilespmem:v29+s3+$0x0], $0xffff  }
0x57: {  	v36 =	vor.u32 v6, v31;
	v29 =	vld.idx.msk [tilespmem:v29+s22+$0x0], $0xffff  }
0x58: {  	v31 =	vor.u32 v18, v31;
	v24 =	vld.idx.msk [tilespmem:v20+s11+$0x0], $0xffff  }
0x59: {  	v39 =	vor.u32 v6, v35;
	v35 =	vor.u32 v18, v35;
	v27 =	vld.idx.msk [tilespmem:v27+s15+$0x0], $0xffff  }
0x5a: {  	v25 =	vor.u32 s23, v7;
	s23 =	simm.s32 $0x3;
	v20 =	vld.idx.msk [tilespmem:v20+s22+$0x0], $0xffff  }
0x5b: {  	v40 =	vmov s23;
	v30 =	vld.idx.msk [tilespmem:v30+s24+$0x0], $0xffff  }
0x5c: {  	v40 =	vand.u32 $0x7F, v40;
	v36 =	vld.idx.msk [tilespmem:v36+s24+$0x0], $0xffff;
	v22 =	vadd.f32 v23, v22;
	v23 =	vadd.f32 v29, v34  }
0x5d: {  	v29 =	vld.idx.msk [tilespmem:v31+s15+$0x0], $0xffff;
	v31 =	vor.u32 v3, v40  }
0x5e: {  	v61 =	vld.idx.msk [tilespmem:v35+s15+$0x0], $0xffff;
	v22 =	vadd.f32 v24, v22;
	v24 =	vadd.f32 v27, v23  }
0x5f: {  	s31 =	simm.s32 $0x4;
	v19 =	vld.idx.msk [tilespmem:v25+s3+$0x0], $0xffff;
	v33 =	vadd.f32 v33, v38;
	v27 =	vor.u32 v18, v40  }
0x60: {  	v25 =	vld.idx.msk [tilespmem:v25+s22+$0x0], $0xffff;
	v20 =	vadd.f32 v20, v22;
	v23 =	vor.u32 s31, v7;
	v60 =	vmul.f32 v24, v30  }
0x61: {  	v62 =	vor.u32 v6, v40;
	v22 =	vld.idx.msk [tilespmem:v39+s24+$0x0], $0xffff;
	v30 =	vor.u32 s23, v7  }
0x62: {  	v21 =	vmul.f32 v21, v28;
	v24 =	vld.idx.msk [tilespmem:v31+s3+$0x0], $0xffff;
	v29 =	vadd.f32 v29, v33;
	v20 =	vadd.f32 v60, v20  }
0x63: {  	v63 =	vadd.f32 v37, v59;
	v28 =	vld.idx.msk [tilespmem:v31+s22+$0x0], $0xffff  }
0x64: {  	s5 =	simm.s32 $0x6;
	v31 =	vmov s31;
	v29 =	vmul.f32 v29, v36;
	v27 =	vld.idx.msk [tilespmem:v27+s15+$0x0], $0xffff;
	v39 =	vadd.f32 v20, v21  }
0x65: {  	s9 =	simm.s32 $0x5;
	v35 =	vmul.f32 v26, v32;
	v33 =	vand.u32 $0x7C, v31;
	v21 =	vld.idx.msk [tilespmem:v23+s3+$0x0], $0xffff;
	v20 =	vor.u32 s5, v7  }
0x66: {  	v31 =	vor.u32 s9, v7;
	v36 =	vadd.f32 v61, v63;
	v26 =	vld.idx.msk [tilespmem:v30+s3+$0x0], $0xffff;
	v34 =	vadd.f32 v29, v39  }
0x67: {  	s23 =	simm.s32 $0x8;
	v32 =	vor.u32 v3, v33;
	v29 =	vld.idx.msk [tilespmem:v62+s24+$0x0], $0xffff  }
.LBB2_5:
0x68: {  	p0 =	sne.s32 s23, $0x7C;
	v34 =	vadd.f32 v34, v35;
	v22 =	vmul.f32 v36, v22;
	v30 =	vld.idx.msk [tilespmem:v30+s22+$0x0], $0xffff;
	v24 =	vadd.f32 v28, v24  }
0x69: {  	v28 =	vor.u32 v6, v33;
	v35 =	vld.idx.msk [tilespmem:v23+s22+$0x0], $0xffff;
	v23 =	vmov s9  }
0x6a: {  	v25 =	vmul.f32 v25, v19;
	v22 =	vadd.f32 v22, v34;
	v19 =	vld.idx.msk [tilespmem:v20+s3+$0x0], $0xffff;
	v24 =	vadd.f32 v27, v24  }
0x6b: {  	v27 =	vor.u32 v18, v33;
	v23 =	vand.u32 $0x7D, v23;
	v36 =	vld.idx.msk [tilespmem:v31+s3+$0x0], $0xffff  }
0x6c: {  	v33 =	vor.u32 v3, v23;
	v37 =	vld.idx.msk [tilespmem:v31+s22+$0x0], $0xffff;
	v22 =	vadd.f32 v22, v25;
	v24 =	vmul.f32 v24, v29  }
0x6d: {  	v29 =	vmov s5;
	v25 =	vld.idx.msk [tilespmem:v32+s3+$0x0], $0xffff  }
0x6e: {  	v31 =	vld.idx.msk [tilespmem:v32+s22+$0x0], $0xffff;
	v32 =	vor.u32 v6, v23;
	v22 =	vadd.f32 v24, v22;
	v24 =	vmul.f32 v30, v26  }
0x6f: {  	v23 =	vor.u32 v18, v23;
	v26 =	vld.idx.msk [tilespmem:v28+s24+$0x0], $0xffff;
	v28 =	vand.u32 $0x7E, v29  }
0x70: {  	v27 =	vld.idx.msk [tilespmem:v27+s15+$0x0], $0xffff;
	v29 =	vor.u32 v3, v28;
	v34 =	vadd.f32 v22, v24  }
0x71: {  	s5 =	sadd.s32 $0x3, s31;
	s31 =	smov.u32 s23;
	v24 =	vld.idx.msk [tilespmem:v33+s3+$0x0], $0xffff  }
0x72: {  	v22 =	vor.u32 v6, v28;
	v30 =	vld.idx.msk [tilespmem:v33+s22+$0x0], $0xffff;
	v33 =	vmov s5  }
0x73: {  	v28 =	vor.u32 v18, v28;
	v32 =	vld.idx.msk [tilespmem:v32+s24+$0x0], $0xffff;
	v33 =	vand.u32 $0x7F, v33  }
0x74: {  	v25 =	vadd.f32 v31, v25;
	v31 =	vld.idx.msk [tilespmem:v23+s15+$0x0], $0xffff;
	v38 =	vor.u32 v3, v33  }
0x75: {  	v39 =	vld.idx.msk [tilespmem:v29+s3+$0x0], $0xffff  }
0x76: {  	v25 =	vadd.f32 v27, v25;
	v27 =	vld.idx.msk [tilespmem:v29+s22+$0x0], $0xffff  }
0x77: {  	v29 =	vor.u32 v18, v33;
	v22 =	vld.idx.msk [tilespmem:v22+s24+$0x0], $0xffff  }
0x78: {  	v23 =	vor.u32 s23, v7;
	v25 =	vmul.f32 v25, v26;
	v26 =	vadd.f32 v30, v24;
	v40 =	vld.idx.msk [tilespmem:v28+s15+$0x0], $0xffff  }
0x79: {  	v41 =	vor.u32 v6, v33;
	v30 =	vor.u32 s5, v7;
	v24 =	vld.idx.msk [tilespmem:v38+s3+$0x0], $0xffff  }
0x7a: {  	v21 =	vmul.f32 v35, v21;
	v33 =	vadd.f32 v25, v34;
	v26 =	vadd.f32 v31, v26;
	v28 =	vld.idx.msk [tilespmem:v38+s22+$0x0], $0xffff  }
.Ltmp1:
0x7b: {  	v31 =	vmov s23;
	v25 =	vld.idx.msk [tilespmem:v20+s22+$0x0], $0xffff;
	(pc) =	sbr.rel @p0 .LBB2_5-.Ltmp1, $4  }
0x7c: {  	s9 =	sadd.s32 $0x1, s23;
	s5 =	sadd.s32 $0x2, s23;
	v34 =	vadd.f32 v33, v21;
	v26 =	vmul.f32 v26, v32;
	v32 =	vadd.f32 v27, v39;
	v27 =	vld.idx.msk [tilespmem:v29+s15+$0x0], $0xffff  }
0x7d: {  	v33 =	vand.u32 $0x7C, v31;
	v31 =	vor.u32 s9, v7;
	v20 =	vor.u32 s5, v7;
	v21 =	vld.idx.msk [tilespmem:v23+s3+$0x0], $0xffff  }
0x7e: {  	v35 =	vmul.f32 v37, v36;
	v34 =	vadd.f32 v26, v34;
	v36 =	vadd.f32 v40, v32;
	v29 =	vld.idx.msk [tilespmem:v41+s24+$0x0], $0xffff  }
0x7f: {  	s23 =	sadd.s32 $0x4, s23;
	v32 =	vor.u32 v3, v33;
	v26 =	vld.idx.msk [tilespmem:v30+s3+$0x0], $0xffff  }
0x80: {  	_ =	sdelay $0x3  }
0x81: {  	v30 =	vld.idx.msk [tilespmem:v30+s22+$0x0], $0xffff  }
0x82: {  	v23 =	vld.idx.msk [tilespmem:v23+s22+$0x0], $0xffff  }
0x83: {  	v37 =	vor.u32 v6, v33;
	v38 =	vmov s9;
	v39 =	vld.idx.msk [tilespmem:v20+s3+$0x0], $0xffff  }
0x84: {  	v62 =	vor.u32 v18, v33;
	v40 =	vld.idx.msk [tilespmem:v31+s3+$0x0], $0xffff;
	v38 =	vand.u32 $0x7D, v38  }
0x85: {  	v31 =	vld.idx.msk [tilespmem:v31+s22+$0x0], $0xffff;
	v63 =	vor.u32 v3, v38  }
0x86: {  	v34 =	vadd.f32 v34, v35;
	v22 =	vmul.f32 v36, v22;
	v24 =	vadd.f32 v28, v24;
	v28 =	vld.idx.msk [tilespmem:v32+s3+$0x0], $0xffff  }
0x87: {  	v41 =	vmov s5;
	v42 =	vld.idx.msk [tilespmem:v32+s22+$0x0], $0xffff;
	v19 =	vmul.f32 v25, v19;
	v43 =	vor.u32 v6, v38  }
0x88: {  	v22 =	vadd.f32 v22, v34;
	v44 =	vor.u32 v18, v38;
	v34 =	vand.u32 $0x7E, v41;
	v25 =	vld.idx.msk [tilespmem:v37+s24+$0x0], $0xffff  }
0x89: {  	v24 =	vadd.f32 v27, v24;
	v45 =	vor.u32 v3, v34;
	v27 =	vld.idx.msk [tilespmem:v62+s15+$0x0], $0xffff  }
0x8a: {  	s9 =	sadd.s32 $0x3, s31;
	v19 =	vadd.f32 v22, v19;
	v22 =	vld.idx.msk [tilespmem:v63+s3+$0x0], $0xffff  }
0x8b: {  	v47 =	vmov s9;
	v46 =	vor.u32 v6, v34;
	v24 =	vmul.f32 v24, v29;
	v29 =	vld.idx.msk [tilespmem:v63+s22+$0x0], $0xffff  }
0x8c: {  	v38 =	vand.u32 $0x7F, v47;
	v34 =	vor.u32 v18, v34;
	v28 =	vadd.f32 v42, v28;
	v36 =	vld.idx.msk [tilespmem:v43+s24+$0x0], $0xffff  }
0x8d: {  	v19 =	vadd.f32 v24, v19;
	v24 =	vmul.f32 v30, v26;
	v30 =	vor.u32 v3, v38;
	v26 =	vld.idx.msk [tilespmem:v44+s15+$0x0], $0xffff  }
0x8e: {  	v48 =	vld.idx.msk [tilespmem:v45+s3+$0x0], $0xffff;
	v27 =	vadd.f32 v27, v28  }
0x8f: {  	v19 =	vadd.f32 v19, v24;
	v24 =	vld.idx.msk [tilespmem:v45+s22+$0x0], $0xffff  }
0x90: {  	v18 =	vor.u32 v18, v38;
	v28 =	vld.idx.msk [tilespmem:v46+s24+$0x0], $0xffff;
	v25 =	vmul.f32 v27, v25;
	v22 =	vadd.f32 v29, v22  }
0x91: {  	v21 =	vmul.f32 v23, v21;
	v27 =	vld.idx.msk [tilespmem:v34+s15+$0x0], $0xffff  }
0x92: {  	v49 =	vld.idx.msk [tilespmem:v30+s3+$0x0], $0xffff;
	v29 =	vor.u32 v6, v38;
	v19 =	vadd.f32 v25, v19;
	v22 =	vadd.f32 v26, v22  }
0x93: {  	v23 =	vor.u32 s9, v7;
	v25 =	vld.idx.msk [tilespmem:v30+s22+$0x0], $0xffff  }
0x94: {  	v20 =	vld.idx.msk [tilespmem:v20+s22+$0x0], $0xffff;
	v19 =	vadd.f32 v19, v21;
	v21 =	vmul.f32 v22, v36;
	v22 =	vadd.f32 v24, v48  }
0x95: {  	v18 =	vld.idx.msk [tilespmem:v18+s15+$0x0], $0xffff  }
0x96: {  	v19 =	vadd.f32 v21, v19;
	v21 =	vmul.f32 v31, v40;
	v22 =	vadd.f32 v27, v22  }
0x97: {  	v24 =	vld.idx.msk [tilespmem:v29+s24+$0x0], $0xffff  }
0x98: {  	v26 =	vld.idx.msk [tilespmem:v23+s3+$0x0], $0xffff;
	v19 =	vadd.f32 v19, v21;
	v21 =	vmul.f32 v22, v28;
	v22 =	vadd.f32 v25, v49  }
0x99: {  	v23 =	vld.idx.msk [tilespmem:v23+s22+$0x0], $0xffff  }
0x9a: {  	v20 =	vmul.f32 v20, v39;
	v19 =	vadd.f32 v21, v19;
	v18 =	vadd.f32 v18, v22;
	_ =	sdelay $0x1  }
0x9b: {  	v19 =	vadd.f32 v19, v20;
	v18 =	vmul.f32 v18, v24;
	_ =	sdelay $0x1  }
0x9c: {  	v18 =	vadd.f32 v18, v19;
	v19 =	vmul.f32 v23, v26;
	_ =	sdelay $0x1  }
0x9d: {  	v18 =	vadd.f32 v18, v19  }
0x9e: {  	v17 =	vxor.u32 $0x80000000, v17  }
0x9f: {  	(xrf1) =	vsort.ascd.msk.u32 $0xffff, v17, v18;
	_ =	sdelay $0xd  }
0xa0: {  	[tilespmem:$0x1B040] =	vst v18;
	v17, v19, _ =	vpop (xrf1)  }
0xa1: {  	v17 =	vxor.u32 $0x80000000, v17;
	[tilespmem:$0x1B070] =	vst v19  }
0xa2: {  	[tilespmem:$0x1B060] =	vst v17  }
0xa3: {  	v18 =	vld.idx.msk [tilespmem:v8+s0+$0x0], $0xffff  }
0xa4: {  	v20 =	vld.idx.msk [tilespmem:v8+s19+$0x0], $0xffff;
	_ =	sdelay $0x3  }
0xa5: {  	vm5 =	veq.s32 v18, v17  }
0xa6: {  	v18 =	vmax.f32 v19, v20;
	vm5 =	vmand vm5, vm0  }
0xa7: {  	[tilespmem:$0x1B060] =	vst v17;
	v18 =	vsel vm5, v18, v19  }
0xa8: {  	[tilespmem:$0x1B070] =	vst v18  }
0xa9: {  	v19 =	vld.idx.msk [tilespmem:v9+s0+$0x0], $0xffff  }
0xaa: {  	v20 =	vld.idx.msk [tilespmem:v9+s19+$0x0], $0xffff;
	_ =	sdelay $0x3  }
0xab: {  	vm5 =	veq.s32 v19, v17  }
0xac: {  	v19 =	vmax.f32 v18, v20;
	vm5 =	vmand vm5, vm1  }
0xad: {  	[tilespmem:$0x1B060] =	vst v17;
	v18 =	vsel vm5, v19, v18  }
0xae: {  	[tilespmem:$0x1B070] =	vst v18  }
0xaf: {  	v19 =	vld.idx.msk [tilespmem:v10+s0+$0x0], $0xffff  }
0xb0: {  	v20 =	vld.idx.msk [tilespmem:v10+s19+$0x0], $0xffff;
	_ =	sdelay $0x3  }
0xb1: {  	vm5 =	veq.s32 v19, v17  }
0xb2: {  	v19 =	vmax.f32 v18, v20;
	vm5 =	vmand vm5, vm2  }
0xb3: {  	[tilespmem:$0x1B060] =	vst v17;
	v18 =	vsel vm5, v19, v18  }
0xb4: {  	[tilespmem:$0x1B070] =	vst v18  }
0xb5: {  	v19 =	vld.idx.msk [tilespmem:v11+s0+$0x0], $0xffff  }
0xb6: {  	v20 =	vld.idx.msk [tilespmem:v11+s19+$0x0], $0xffff;
	[tilespmem:$0x1B060] =	vst v17  }
0xb7: {  	v21 =	vld.idx.msk [tilespmem:v12+s0+$0x0], $0xffff;
	_ =	sdelay $0x4  }
0xb8: {  	vm5 =	vne.s32 v21, v17  }
0xb9: {  	v21 =	vld.idx.msk [tilespmem:v17+s20+$0x0], $0xffff;
	vm5 =	vmor vm5, vm4;
	_ =	sdelay $0x1  }
0xba: {  	vm6 =	veq.s32 v19, v17  }
0xbb: {  	v19 =	vmax.f32 v18, v20;
	vm6 =	vmand vm6, vm3  }
0xbc: {  	v18 =	vsel vm6, v19, v18  }
0xbd: {  	v18 =	vmax.f32 v21, v18  }
0xbe: {  	[tilespmem:v17+s20+$0x0] =	vst.idx.msk vm5, v18  }
0xbf: {  	v17 =	vld [tilespmem:s14+$0x10850];
	_ =	sdelay $0x1  }
0xc0: {  	s23 =	simm.s32 $0x1  }
0xc1: {  	v31 =	vmov s23;
	v26 =	vor.u32 s23, v16  }
0xc2: {  	v31 =	vand.u32 $0x7D, v31  }
0xc3: {  	v51 =	vor.u32 v15, v31;
	v18 =	vshll.u32 v17, $0x8  }
0xc4: {  	s9 =	simm.s32 $0x2;
	v19 =	vor.u32 $0x80, v18  }
0xc5: {  	v53 =	vmov s9;
	v22 =	vld [tilespmem:s14+$0x11C50]  }
0xc6: {  	v35 =	vand.u32 $0x7E, v53;
	v54 =	vor.u32 v14, v31;
	v50 =	vld.idx.msk [tilespmem:v26+s3+$0x0], $0xffff  }
0xc7: {  	v55 =	vor.u32 v15, v35;
	v26 =	vld.idx.msk [tilespmem:v26+s22+$0x0], $0xffff  }
0xc8: {  	s5 =	simm.s32 $0x0;
	v56 =	vld.idx.msk [tilespmem:v51+s3+$0x0], $0xffff  }
0xc9: {  	v21 =	vor.u32 s5, v16;
	v23 =	vld.idx.msk [tilespmem:v19+s15+$0x0], $0xffff;
	v19 =	vmov s5  }
0xca: {  	v33 =	vld.idx.msk [tilespmem:v51+s22+$0x0], $0xffff;
	v27 =	vand.u32 $0x7C, v19  }
0xcb: {  	v36 =	vld.idx.msk [tilespmem:v54+s24+$0x0], $0xffff;
	v29 =	vor.u32 v15, v27  }
0xcc: {  	v59 =	vld.idx.msk [tilespmem:v55+s3+$0x0], $0xffff  }
0xcd: {  	v37 =	vld.idx.msk [tilespmem:v55+s22+$0x0], $0xffff;
	v20 =	vadd.s32 v13, v17  }
0xce: {  	v28 =	vld.idx.msk [tilespmem:v21+s3+$0x0], $0xffff;
	v30 =	vor.u32 v14, v27;
	v27 =	vor.u32 v18, v27  }
0xcf: {  	v21 =	vld.idx.msk [tilespmem:v21+s22+$0x0], $0xffff  }
0xd0: {  	v52 =	vld.idx.msk [tilespmem:v29+s3+$0x0], $0xffff  }
0xd1: {  	v29 =	vld.idx.msk [tilespmem:v29+s22+$0x0], $0xffff  }
0xd2: {  	v31 =	vor.u32 v18, v31;
	v24 =	vld.idx.msk [tilespmem:v20+s5+$0x0], $0xffff  }
0xd3: {  	v57 =	vor.u32 v14, v35;
	v35 =	vor.u32 v18, v35;
	v27 =	vld.idx.msk [tilespmem:v27+s15+$0x0], $0xffff  }
0xd4: {  	v25 =	vor.u32 s9, v16;
	s23 =	simm.s32 $0x3;
	v20 =	vld.idx.msk [tilespmem:v20+s22+$0x0], $0xffff  }
0xd5: {  	v58 =	vmov s23;
	v30 =	vld.idx.msk [tilespmem:v30+s24+$0x0], $0xffff  }
0xd6: {  	v40 =	vand.u32 $0x7F, v58;
	v17 =	vld [tilespmem:s14+$0xE050];
	v22 =	vadd.f32 v23, v22;
	v23 =	vadd.f32 v29, v52  }
0xd7: {  	v29 =	vld.idx.msk [tilespmem:v31+s15+$0x0], $0xffff;
	v31 =	vor.u32 v15, v40  }
0xd8: {  	v61 =	vld.idx.msk [tilespmem:v35+s15+$0x0], $0xffff;
	v22 =	vadd.f32 v24, v22;
	v24 =	vadd.f32 v27, v23  }
0xd9: {  	s31 =	simm.s32 $0x4;
	v33 =	vadd.f32 v33, v56;
	v19 =	vld.idx.msk [tilespmem:v25+s3+$0x0], $0xffff;
	v27 =	vor.u32 v18, v40  }
0xda: {  	v25 =	vld.idx.msk [tilespmem:v25+s22+$0x0], $0xffff;
	v20 =	vadd.f32 v20, v22;
	v23 =	vor.u32 s31, v16;
	v60 =	vmul.f32 v24, v30  }
0xdb: {  	v62 =	vor.u32 v14, v40;
	v22 =	vld.idx.msk [tilespmem:v57+s24+$0x0], $0xffff;
	v30 =	vor.u32 s23, v16  }
0xdc: {  	v21 =	vmul.f32 v21, v28;
	v24 =	vld.idx.msk [tilespmem:v31+s3+$0x0], $0xffff;
	v29 =	vadd.f32 v29, v33;
	v20 =	vadd.f32 v60, v20  }
0xdd: {  	v63 =	vadd.f32 v37, v59;
	v28 =	vld.idx.msk [tilespmem:v31+s22+$0x0], $0xffff  }
0xde: {  	s5 =	simm.s32 $0x6;
	v31 =	vmov s31;
	v29 =	vmul.f32 v29, v36;
	v27 =	vld.idx.msk [tilespmem:v27+s15+$0x0], $0xffff;
	v39 =	vadd.f32 v20, v21  }
0xdf: {  	s9 =	simm.s32 $0x5;
	v35 =	vmul.f32 v26, v50;
	v33 =	vand.u32 $0x7C, v31;
	v21 =	vld.idx.msk [tilespmem:v23+s3+$0x0], $0xffff;
	v20 =	vor.u32 s5, v16  }
0xe0: {  	v31 =	vor.u32 s9, v16;
	v36 =	vadd.f32 v61, v63;
	v26 =	vld.idx.msk [tilespmem:v30+s3+$0x0], $0xffff;
	v34 =	vadd.f32 v29, v39  }
0xe1: {  	s23 =	simm.s32 $0x8;
	v32 =	vor.u32 v15, v33;
	v29 =	vld.idx.msk [tilespmem:v62+s24+$0x0], $0xffff  }
.LBB2_7:
0xe2: {  	p0 =	sne.s32 s23, $0x7C;
	v34 =	vadd.f32 v34, v35;
	v22 =	vmul.f32 v36, v22;
	v30 =	vld.idx.msk [tilespmem:v30+s22+$0x0], $0xffff;
	v24 =	vadd.f32 v28, v24  }
0xe3: {  	v28 =	vor.u32 v14, v33;
	v35 =	vld.idx.msk [tilespmem:v23+s22+$0x0], $0xffff;
	v23 =	vmov s9  }
0xe4: {  	v25 =	vmul.f32 v25, v19;
	v22 =	vadd.f32 v22, v34;
	v19 =	vld.idx.msk [tilespmem:v20+s3+$0x0], $0xffff;
	v24 =	vadd.f32 v27, v24  }
0xe5: {  	v27 =	vor.u32 v18, v33;
	v23 =	vand.u32 $0x7D, v23;
	v36 =	vld.idx.msk [tilespmem:v31+s3+$0x0], $0xffff  }
0xe6: {  	v33 =	vor.u32 v15, v23;
	v37 =	vld.idx.msk [tilespmem:v31+s22+$0x0], $0xffff;
	v22 =	vadd.f32 v22, v25;
	v24 =	vmul.f32 v24, v29  }
0xe7: {  	v29 =	vmov s5;
	v25 =	vld.idx.msk [tilespmem:v32+s3+$0x0], $0xffff  }
0xe8: {  	v31 =	vld.idx.msk [tilespmem:v32+s22+$0x0], $0xffff;
	v32 =	vor.u32 v14, v23;
	v22 =	vadd.f32 v24, v22;
	v24 =	vmul.f32 v30, v26  }
0xe9: {  	v23 =	vor.u32 v18, v23;
	v26 =	vld.idx.msk [tilespmem:v28+s24+$0x0], $0xffff;
	v28 =	vand.u32 $0x7E, v29  }
0xea: {  	v27 =	vld.idx.msk [tilespmem:v27+s15+$0x0], $0xffff;
	v29 =	vor.u32 v15, v28;
	v34 =	vadd.f32 v22, v24  }
0xeb: {  	s5 =	sadd.s32 $0x3, s31;
	s31 =	smov.u32 s23;
	v24 =	vld.idx.msk [tilespmem:v33+s3+$0x0], $0xffff  }
0xec: {  	v22 =	vor.u32 v14, v28;
	v30 =	vld.idx.msk [tilespmem:v33+s22+$0x0], $0xffff;
	v33 =	vmov s5  }
0xed: {  	v28 =	vor.u32 v18, v28;
	v32 =	vld.idx.msk [tilespmem:v32+s24+$0x0], $0xffff;
	v33 =	vand.u32 $0x7F, v33  }
0xee: {  	v25 =	vadd.f32 v31, v25;
	v31 =	vld.idx.msk [tilespmem:v23+s15+$0x0], $0xffff;
	v38 =	vor.u32 v15, v33  }
0xef: {  	v39 =	vld.idx.msk [tilespmem:v29+s3+$0x0], $0xffff  }
0xf0: {  	v25 =	vadd.f32 v27, v25;
	v27 =	vld.idx.msk [tilespmem:v29+s22+$0x0], $0xffff  }
0xf1: {  	v29 =	vor.u32 v18, v33;
	v22 =	vld.idx.msk [tilespmem:v22+s24+$0x0], $0xffff  }
0xf2: {  	v23 =	vor.u32 s23, v16;
	v25 =	vmul.f32 v25, v26;
	v26 =	vadd.f32 v30, v24;
	v40 =	vld.idx.msk [tilespmem:v28+s15+$0x0], $0xffff  }
0xf3: {  	v41 =	vor.u32 v14, v33;
	v30 =	vor.u32 s5, v16;
	v24 =	vld.idx.msk [tilespmem:v38+s3+$0x0], $0xffff  }
0xf4: {  	v21 =	vmul.f32 v35, v21;
	v33 =	vadd.f32 v25, v34;
	v26 =	vadd.f32 v31, v26;
	v28 =	vld.idx.msk [tilespmem:v38+s22+$0x0], $0xffff  }
.Ltmp2:
0xf5: {  	v31 =	vmov s23;
	v25 =	vld.idx.msk [tilespmem:v20+s22+$0x0], $0xffff;
	(pc) =	sbr.rel @p0 .LBB2_7-.Ltmp2, $4  }
0xf6: {  	s9 =	sadd.s32 $0x1, s23;
	s5 =	sadd.s32 $0x2, s23;
	v34 =	vadd.f32 v33, v21;
	v26 =	vmul.f32 v26, v32;
	v32 =	vadd.f32 v27, v39;
	v27 =	vld.idx.msk [tilespmem:v29+s15+$0x0], $0xffff  }
0xf7: {  	v33 =	vand.u32 $0x7C, v31;
	v31 =	vor.u32 s9, v16;
	v20 =	vor.u32 s5, v16;
	v21 =	vld.idx.msk [tilespmem:v23+s3+$0x0], $0xffff  }
0xf8: {  	v35 =	vmul.f32 v37, v36;
	v34 =	vadd.f32 v26, v34;
	v36 =	vadd.f32 v40, v32;
	v29 =	vld.idx.msk [tilespmem:v41+s24+$0x0], $0xffff  }
0xf9: {  	s23 =	sadd.s32 $0x4, s23;
	v32 =	vor.u32 v15, v33;
	v26 =	vld.idx.msk [tilespmem:v30+s3+$0x0], $0xffff  }
0xfa: {  	_ =	sdelay $0x3  }
0xfb: {  	v30 =	vld.idx.msk [tilespmem:v30+s22+$0x0], $0xffff  }
0xfc: {  	v23 =	vld.idx.msk [tilespmem:v23+s22+$0x0], $0xffff  }
0xfd: {  	v37 =	vor.u32 v14, v33;
	v38 =	vmov s9;
	v39 =	vld.idx.msk [tilespmem:v20+s3+$0x0], $0xffff  }
0xfe: {  	v62 =	vor.u32 v18, v33;
	v40 =	vld.idx.msk [tilespmem:v31+s3+$0x0], $0xffff;
	v38 =	vand.u32 $0x7D, v38  }
0xff: {  	v31 =	vld.idx.msk [tilespmem:v31+s22+$0x0], $0xffff;
	v63 =	vor.u32 v15, v38  }
0x100: {  	v34 =	vadd.f32 v34, v35;
	v22 =	vmul.f32 v36, v22;
	v24 =	vadd.f32 v28, v24;
	v28 =	vld.idx.msk [tilespmem:v32+s3+$0x0], $0xffff  }
0x101: {  	v41 =	vmov s5;
	v42 =	vld.idx.msk [tilespmem:v32+s22+$0x0], $0xffff;
	v19 =	vmul.f32 v25, v19;
	v43 =	vor.u32 v14, v38  }
0x102: {  	v22 =	vadd.f32 v22, v34;
	v44 =	vor.u32 v18, v38;
	v34 =	vand.u32 $0x7E, v41;
	v25 =	vld.idx.msk [tilespmem:v37+s24+$0x0], $0xffff  }
0x103: {  	v24 =	vadd.f32 v27, v24;
	v45 =	vor.u32 v15, v34;
	v27 =	vld.idx.msk [tilespmem:v62+s15+$0x0], $0xffff  }
0x104: {  	s23 =	sadd.s32 $0x3, s31;
	v19 =	vadd.f32 v22, v19;
	v22 =	vld.idx.msk [tilespmem:v63+s3+$0x0], $0xffff  }
0x105: {  	v47 =	vmov s23;
	v46 =	vor.u32 v14, v34;
	v24 =	vmul.f32 v24, v29;
	v29 =	vld.idx.msk [tilespmem:v63+s22+$0x0], $0xffff  }
0x106: {  	v38 =	vand.u32 $0x7F, v47;
	v34 =	vor.u32 v18, v34;
	v28 =	vadd.f32 v42, v28;
	v36 =	vld.idx.msk [tilespmem:v43+s24+$0x0], $0xffff  }
0x107: {  	v19 =	vadd.f32 v24, v19;
	v24 =	vmul.f32 v30, v26;
	v30 =	vor.u32 v15, v38;
	v26 =	vld.idx.msk [tilespmem:v44+s15+$0x0], $0xffff  }
0x108: {  	v48 =	vld.idx.msk [tilespmem:v45+s3+$0x0], $0xffff;
	v27 =	vadd.f32 v27, v28  }
0x109: {  	v19 =	vadd.f32 v19, v24;
	v24 =	vld.idx.msk [tilespmem:v45+s22+$0x0], $0xffff  }
0x10a: {  	v18 =	vor.u32 v18, v38;
	v28 =	vld.idx.msk [tilespmem:v46+s24+$0x0], $0xffff;
	v25 =	vmul.f32 v27, v25;
	v22 =	vadd.f32 v29, v22  }
0x10b: {  	v21 =	vmul.f32 v23, v21;
	v27 =	vld.idx.msk [tilespmem:v34+s15+$0x0], $0xffff  }
0x10c: {  	v49 =	vld.idx.msk [tilespmem:v30+s3+$0x0], $0xffff;
	v29 =	vor.u32 v14, v38;
	v19 =	vadd.f32 v25, v19;
	v22 =	vadd.f32 v26, v22  }
0x10d: {  	v23 =	vor.u32 s23, v16;
	v25 =	vld.idx.msk [tilespmem:v30+s22+$0x0], $0xffff  }
0x10e: {  	v20 =	vld.idx.msk [tilespmem:v20+s22+$0x0], $0xffff;
	v19 =	vadd.f32 v19, v21;
	v21 =	vmul.f32 v22, v36;
	v22 =	vadd.f32 v24, v48  }
0x10f: {  	v18 =	vld.idx.msk [tilespmem:v18+s15+$0x0], $0xffff  }
0x110: {  	v19 =	vadd.f32 v21, v19;
	v21 =	vmul.f32 v31, v40;
	v22 =	vadd.f32 v27, v22  }
0x111: {  	v24 =	vld.idx.msk [tilespmem:v29+s24+$0x0], $0xffff  }
0x112: {  	v26 =	vld.idx.msk [tilespmem:v23+s3+$0x0], $0xffff;
	v19 =	vadd.f32 v19, v21;
	v21 =	vmul.f32 v22, v28;
	v22 =	vadd.f32 v25, v49  }
0x113: {  	v23 =	vld.idx.msk [tilespmem:v23+s22+$0x0], $0xffff  }
0x114: {  	v20 =	vmul.f32 v20, v39;
	v19 =	vadd.f32 v21, v19;
	v18 =	vadd.f32 v18, v22;
	_ =	sdelay $0x1  }
0x115: {  	v19 =	vadd.f32 v19, v20;
	v18 =	vmul.f32 v18, v24;
	_ =	sdelay $0x1  }
0x116: {  	v18 =	vadd.f32 v18, v19;
	v19 =	vmul.f32 v23, v26;
	_ =	sdelay $0x1  }
0x117: {  	v18 =	vadd.f32 v18, v19  }
0x118: {  	v17 =	vxor.u32 $0x80000000, v17  }
0x119: {  	(xrf1) =	vsort.ascd.msk.u32 $0xffff, v17, v18;
	_ =	sdelay $0xd  }
0x11a: {  	[tilespmem:$0x1B050] =	vst v18;
	v17, v19, _ =	vpop (xrf1)  }
0x11b: {  	v17 =	vxor.u32 $0x80000000, v17;
	[tilespmem:$0x1B070] =	vst v19  }
0x11c: {  	[tilespmem:$0x1B060] =	vst v17  }
0x11d: {  	v18 =	vld.idx.msk [tilespmem:v8+s0+$0x0], $0xffff  }
0x11e: {  	v20 =	vld.idx.msk [tilespmem:v8+s19+$0x0], $0xffff;
	_ =	sdelay $0x3  }
0x11f: {  	vm5 =	veq.s32 v18, v17  }
0x120: {  	v18 =	vmax.f32 v19, v20;
	vm5 =	vmand vm5, vm0  }
0x121: {  	[tilespmem:$0x1B060] =	vst v17;
	v18 =	vsel vm5, v18, v19  }
0x122: {  	[tilespmem:$0x1B070] =	vst v18  }
0x123: {  	v19 =	vld.idx.msk [tilespmem:v9+s0+$0x0], $0xffff  }
0x124: {  	v20 =	vld.idx.msk [tilespmem:v9+s19+$0x0], $0xffff;
	_ =	sdelay $0x3  }
0x125: {  	vm5 =	veq.s32 v19, v17  }
0x126: {  	v19 =	vmax.f32 v18, v20;
	vm5 =	vmand vm5, vm1  }
0x127: {  	[tilespmem:$0x1B060] =	vst v17;
	v18 =	vsel vm5, v19, v18  }
0x128: {  	[tilespmem:$0x1B070] =	vst v18  }
0x129: {  	v19 =	vld.idx.msk [tilespmem:v10+s0+$0x0], $0xffff  }
0x12a: {  	v20 =	vld.idx.msk [tilespmem:v10+s19+$0x0], $0xffff;
	_ =	sdelay $0x3  }
0x12b: {  	vm5 =	veq.s32 v19, v17  }
0x12c: {  	v19 =	vmax.f32 v18, v20;
	vm5 =	vmand vm5, vm2  }
0x12d: {  	[tilespmem:$0x1B060] =	vst v17;
	v18 =	vsel vm5, v19, v18  }
0x12e: {  	[tilespmem:$0x1B070] =	vst v18  }
0x12f: {  	v19 =	vld.idx.msk [tilespmem:v11+s0+$0x0], $0xffff  }
0x130: {  	v20 =	vld.idx.msk [tilespmem:v11+s19+$0x0], $0xffff;
	[tilespmem:$0x1B060] =	vst v17  }
0x131: {  	v21 =	vld.idx.msk [tilespmem:v12+s0+$0x0], $0xffff;
	_ =	sdelay $0x4  }
0x132: {  	vm5 =	vne.s32 v21, v17  }
0x133: {  	v21 =	vld.idx.msk [tilespmem:v17+s20+$0x0], $0xffff;
	vm5 =	vmor vm5, vm4;
	_ =	sdelay $0x1  }
0x134: {  	vm6 =	veq.s32 v19, v17  }
0x135: {  	v19 =	vmax.f32 v18, v20;
	vm6 =	vmand vm6, vm3  }
0x136: {  	s31 =	sadd.s32 s1, s14;
	v18 =	vsel vm6, v19, v18  }
0x137: {  	s5 =	sshrl.u32 s31, $0x3;
	v18 =	vmax.f32 v21, v18  }
0x138: {  	s9 =	simm.s32 $0x0;
	s5 =	sadd.s32 s7, s5;
	s23 =	simm.s32 $0x1B040;
	[tilespmem:v17+s20+$0x0] =	vst.idx.msk vm5, v18  }
0x139: {  	[hbm4b:s5+s9] =	stream.linear.scatter [tilespmem:s23], [sflag:$0x7], $0x20, $0x38;
	[tilespmem:$0x1D880] =	vst v63  }
0x13a: {  	_ =	swait.ge [sflag:s16], $0x20  }
0x13b: {  	[sflag:s16] =	ssyncset.done $0x0  }
0x13c: {  	s5 =	simm.s32 $0x2;
	[sflag:s16] =	ssyncadd.s32 $0xFFFFFFE0  }
0x13d: {  	_ =	swait.ge [sflag:s5], $0x3000  }
0x13e: {  	[sflag:s5] =	ssyncset.done $0x0  }
0x13f: {  	s31 =	sshll.u32 s12, $0x1;
	[sflag:s5] =	ssyncadd.s32 $0xFFFFD000  }
0x140: {  	s5 =	smin.u32 s31, $0x9D;
	_ =	swait.ge [sflag:s17], $0x3000  }
0x141: {  	s5 =	sshll.u32 s5, $0x5;
	[sflag:s17] =	ssyncset.done $0x0  }
0x142: {  	s23 =	sadd.s32 s1, s5;
	[sflag:s17] =	ssyncadd.s32 $0xFFFFD000  }
0x143: {  	s31 =	sadd.s32 $0x40, s23;
	_ =	swait.ge [sflag:s18], $0x1000  }
0x144: {  	s23 =	sadd.s32 $0x50, s23;
	v17 =	vor.u32 s31, v0;
	[sflag:s18] =	ssyncset.done $0x0  }
0x145: {  	v18 =	vor.u32 s23, v0;
	v17 =	vmin.u32 v17, $0x270FF;
	[sflag:s18] =	ssyncadd.s32 $0xFFFFF000  }
0x146: {  	[tilespmem:$0xE000] =	vst v17;
	v17 =	vmin.u32 v18, $0x270FF  }
0x147: {  	s31 =	sadd.s32 $0xE080, s5;
	[tilespmem:$0xE010] =	vst v17  }
0x148: {  	[tilespmem:s9], [sflag:$0x1] =	stream.indirect.gather [hbm4b:s4+s21], $0x180, s31, s21, $0xb8;
	[tilespmem:$0x1D880] =	vst v63  }
0x149: {  	s5 =	sadd.s32 $0xF480, s5  }
0x14a: {  	[tilespmem:s22], [sflag:$0x3] =	stream.indirect.gather [hbm4b:s8+s21], $0x180, s5, s21, $0xb8;
	[tilespmem:$0x1D880] =	vst v63  }
0x14b: {  	s23 =	simm.s32 $0xE000  }
0x14c: {  	[tilespmem:s24], [sflag:$0x5] =	stream.indirect.gather [hbm4b:s6+s21], $0x80, s23, s21, $0xb8;
	[tilespmem:$0x1D880] =	vst v63  }
0x14d: {  	v17 =	vld [tilespmem:s10+$0x10840];
	_ =	sdelay $0x1  }
0x14e: {  	s31 =	simm.s32 $0x2  }
0x14f: {  	v21 =	vor.u32 s9, v7;
	v53 =	vmov s31  }
0x150: {  	v35 =	vand.u32 $0x7E, v53  }
0x151: {  	v55 =	vor.u32 v3, v35;
	v18 =	vshll.u32 v17, $0x8  }
0x152: {  	v19 =	vor.u32 $0x80, v18  }
0x153: {  	v22 =	vld [tilespmem:s10+$0x11C40]  }
0x154: {  	s23 =	simm.s32 $0x1;
	v28 =	vld.idx.msk [tilespmem:v21+s29+$0x0], $0xffff  }
0x155: {  	v26 =	vor.u32 s23, v7;
	v21 =	vld.idx.msk [tilespmem:v21+s30+$0x0], $0xffff;
	v31 =	vmov s23  }
0x156: {  	v31 =	vand.u32 $0x7D, v31;
	v59 =	vld.idx.msk [tilespmem:v55+s29+$0x0], $0xffff  }
0x157: {  	v51 =	vor.u32 v3, v31;
	v23 =	vld.idx.msk [tilespmem:v19+s15+$0x0], $0xffff;
	v19 =	vmov s9  }
0x158: {  	v37 =	vld.idx.msk [tilespmem:v55+s30+$0x0], $0xffff;
	v27 =	vand.u32 $0x7C, v19  }
0x159: {  	v20 =	vadd.s32 v5, v17;
	v17 =	vld [tilespmem:s10+$0xE040];
	v29 =	vor.u32 v3, v27  }
0x15a: {  	v50 =	vld.idx.msk [tilespmem:v26+s29+$0x0], $0xffff  }
0x15b: {  	v26 =	vld.idx.msk [tilespmem:v26+s30+$0x0], $0xffff  }
0x15c: {  	v56 =	vld.idx.msk [tilespmem:v51+s29+$0x0], $0xffff;
	v30 =	vor.u32 v6, v27;
	v27 =	vor.u32 v18, v27  }
0x15d: {  	v33 =	vld.idx.msk [tilespmem:v51+s30+$0x0], $0xffff  }
0x15e: {  	v52 =	vld.idx.msk [tilespmem:v29+s29+$0x0], $0xffff  }
0x15f: {  	v54 =	vor.u32 v6, v31;
	v29 =	vld.idx.msk [tilespmem:v29+s30+$0x0], $0xffff  }
0x160: {  	v31 =	vor.u32 v18, v31;
	v24 =	vld.idx.msk [tilespmem:v20+s29+$0x0], $0xffff  }
0x161: {  	v57 =	vor.u32 v6, v35;
	v35 =	vor.u32 v18, v35;
	v27 =	vld.idx.msk [tilespmem:v27+s15+$0x0], $0xffff  }
0x162: {  	v25 =	vor.u32 s31, v7;
	s31 =	simm.s32 $0x3;
	v20 =	vld.idx.msk [tilespmem:v20+s30+$0x0], $0xffff  }
0x163: {  	v58 =	vmov s31;
	v30 =	vld.idx.msk [tilespmem:v30+s2+$0x0], $0xffff  }
0x164: {  	v40 =	vand.u32 $0x7F, v58;
	v36 =	vld.idx.msk [tilespmem:v54+s2+$0x0], $0xffff;
	v22 =	vadd.f32 v23, v22;
	v23 =	vadd.f32 v29, v52  }
0x165: {  	v29 =	vld.idx.msk [tilespmem:v31+s15+$0x0], $0xffff;
	v31 =	vor.u32 v3, v40  }
0x166: {  	v61 =	vld.idx.msk [tilespmem:v35+s15+$0x0], $0xffff;
	v22 =	vadd.f32 v24, v22;
	v24 =	vadd.f32 v27, v23  }
0x167: {  	s10 =	simm.s32 $0x4;
	v19 =	vld.idx.msk [tilespmem:v25+s29+$0x0], $0xffff;
	v33 =	vadd.f32 v33, v56;
	v27 =	vor.u32 v18, v40  }
0x168: {  	v25 =	vld.idx.msk [tilespmem:v25+s30+$0x0], $0xffff;
	v20 =	vadd.f32 v20, v22;
	v23 =	vor.u32 s10, v7;
	v60 =	vmul.f32 v24, v30  }
0x169: {  	v62 =	vor.u32 v6, v40;
	v22 =	vld.idx.msk [tilespmem:v57+s2+$0x0], $0xffff;
	v30 =	vor.u32 s31, v7  }
0x16a: {  	v21 =	vmul.f32 v21, v28;
	v24 =	vld.idx.msk [tilespmem:v31+s29+$0x0], $0xffff;
	v29 =	vadd.f32 v29, v33;
	v20 =	vadd.f32 v60, v20  }
0x16b: {  	v63 =	vadd.f32 v37, v59;
	v28 =	vld.idx.msk [tilespmem:v31+s30+$0x0], $0xffff  }
0x16c: {  	s5 =	simm.s32 $0x6;
	v31 =	vmov s10;
	v29 =	vmul.f32 v29, v36;
	v27 =	vld.idx.msk [tilespmem:v27+s15+$0x0], $0xffff;
	v39 =	vadd.f32 v20, v21  }
0x16d: {  	s9 =	simm.s32 $0x5;
	v35 =	vmul.f32 v26, v50;
	v33 =	vand.u32 $0x7C, v31;
	v21 =	vld.idx.msk [tilespmem:v23+s29+$0x0], $0xffff;
	v20 =	vor.u32 s5, v7  }
0x16e: {  	v31 =	vor.u32 s9, v7;
	v36 =	vadd.f32 v61, v63;
	v26 =	vld.idx.msk [tilespmem:v30+s29+$0x0], $0xffff;
	v34 =	vadd.f32 v29, v39  }
0x16f: {  	s23 =	simm.s32 $0x8;
	v32 =	vor.u32 v3, v33;
	v29 =	vld.idx.msk [tilespmem:v62+s2+$0x0], $0xffff  }
.LBB2_9:
0x170: {  	p0 =	sne.s32 s23, $0x7C;
	v34 =	vadd.f32 v34, v35;
	v22 =	vmul.f32 v36, v22;
	v30 =	vld.idx.msk [tilespmem:v30+s30+$0x0], $0xffff;
	v24 =	vadd.f32 v28, v24  }
0x171: {  	v28 =	vor.u32 v6, v33;
	v35 =	vld.idx.msk [tilespmem:v23+s30+$0x0], $0xffff;
	v23 =	vmov s9  }
0x172: {  	v25 =	vmul.f32 v25, v19;
	v22 =	vadd.f32 v22, v34;
	v19 =	vld.idx.msk [tilespmem:v20+s29+$0x0], $0xffff;
	v24 =	vadd.f32 v27, v24  }
0x173: {  	v27 =	vor.u32 v18, v33;
	v23 =	vand.u32 $0x7D, v23;
	v36 =	vld.idx.msk [tilespmem:v31+s29+$0x0], $0xffff  }
0x174: {  	v33 =	vor.u32 v3, v23;
	v37 =	vld.idx.msk [tilespmem:v31+s30+$0x0], $0xffff;
	v22 =	vadd.f32 v22, v25;
	v24 =	vmul.f32 v24, v29  }
0x175: {  	v29 =	vmov s5;
	v25 =	vld.idx.msk [tilespmem:v32+s29+$0x0], $0xffff  }
0x176: {  	v31 =	vld.idx.msk [tilespmem:v32+s30+$0x0], $0xffff;
	v32 =	vor.u32 v6, v23;
	v22 =	vadd.f32 v24, v22;
	v24 =	vmul.f32 v30, v26  }
0x177: {  	v23 =	vor.u32 v18, v23;
	v26 =	vld.idx.msk [tilespmem:v28+s2+$0x0], $0xffff;
	v28 =	vand.u32 $0x7E, v29  }
0x178: {  	v27 =	vld.idx.msk [tilespmem:v27+s15+$0x0], $0xffff;
	v29 =	vor.u32 v3, v28;
	v34 =	vadd.f32 v22, v24  }
0x179: {  	s5 =	sadd.s32 $0x3, s10;
	s10 =	smov.u32 s23;
	v24 =	vld.idx.msk [tilespmem:v33+s29+$0x0], $0xffff  }
0x17a: {  	v22 =	vor.u32 v6, v28;
	v30 =	vld.idx.msk [tilespmem:v33+s30+$0x0], $0xffff;
	v33 =	vmov s5  }
0x17b: {  	v28 =	vor.u32 v18, v28;
	v32 =	vld.idx.msk [tilespmem:v32+s2+$0x0], $0xffff;
	v33 =	vand.u32 $0x7F, v33  }
0x17c: {  	v25 =	vadd.f32 v31, v25;
	v31 =	vld.idx.msk [tilespmem:v23+s15+$0x0], $0xffff;
	v38 =	vor.u32 v3, v33  }
0x17d: {  	v39 =	vld.idx.msk [tilespmem:v29+s29+$0x0], $0xffff  }
0x17e: {  	v25 =	vadd.f32 v27, v25;
	v27 =	vld.idx.msk [tilespmem:v29+s30+$0x0], $0xffff  }
0x17f: {  	v29 =	vor.u32 v18, v33;
	v22 =	vld.idx.msk [tilespmem:v22+s2+$0x0], $0xffff  }
0x180: {  	v23 =	vor.u32 s23, v7;
	v25 =	vmul.f32 v25, v26;
	v26 =	vadd.f32 v30, v24;
	v40 =	vld.idx.msk [tilespmem:v28+s15+$0x0], $0xffff  }
0x181: {  	v41 =	vor.u32 v6, v33;
	v30 =	vor.u32 s5, v7;
	v24 =	vld.idx.msk [tilespmem:v38+s29+$0x0], $0xffff  }
0x182: {  	v21 =	vmul.f32 v35, v21;
	v33 =	vadd.f32 v25, v34;
	v26 =	vadd.f32 v31, v26;
	v28 =	vld.idx.msk [tilespmem:v38+s30+$0x0], $0xffff  }
.Ltmp3:
0x183: {  	v31 =	vmov s23;
	v25 =	vld.idx.msk [tilespmem:v20+s30+$0x0], $0xffff;
	(pc) =	sbr.rel @p0 .LBB2_9-.Ltmp3, $4  }
0x184: {  	s9 =	sadd.s32 $0x1, s23;
	s5 =	sadd.s32 $0x2, s23;
	v34 =	vadd.f32 v33, v21;
	v26 =	vmul.f32 v26, v32;
	v32 =	vadd.f32 v27, v39;
	v27 =	vld.idx.msk [tilespmem:v29+s15+$0x0], $0xffff  }
0x185: {  	v33 =	vand.u32 $0x7C, v31;
	v31 =	vor.u32 s9, v7;
	v20 =	vor.u32 s5, v7;
	v21 =	vld.idx.msk [tilespmem:v23+s29+$0x0], $0xffff  }
0x186: {  	v35 =	vmul.f32 v37, v36;
	v34 =	vadd.f32 v26, v34;
	v36 =	vadd.f32 v40, v32;
	v29 =	vld.idx.msk [tilespmem:v41+s2+$0x0], $0xffff  }
0x187: {  	s23 =	sadd.s32 $0x4, s23;
	v32 =	vor.u32 v3, v33;
	v26 =	vld.idx.msk [tilespmem:v30+s29+$0x0], $0xffff  }
0x188: {  	_ =	sdelay $0x3  }
0x189: {  	v30 =	vld.idx.msk [tilespmem:v30+s30+$0x0], $0xffff  }
0x18a: {  	v23 =	vld.idx.msk [tilespmem:v23+s30+$0x0], $0xffff  }
0x18b: {  	v37 =	vor.u32 v6, v33;
	v38 =	vmov s9;
	v39 =	vld.idx.msk [tilespmem:v20+s29+$0x0], $0xffff  }
0x18c: {  	v62 =	vor.u32 v18, v33;
	v40 =	vld.idx.msk [tilespmem:v31+s29+$0x0], $0xffff;
	v38 =	vand.u32 $0x7D, v38  }
0x18d: {  	v31 =	vld.idx.msk [tilespmem:v31+s30+$0x0], $0xffff;
	v63 =	vor.u32 v3, v38  }
0x18e: {  	v34 =	vadd.f32 v34, v35;
	v22 =	vmul.f32 v36, v22;
	v24 =	vadd.f32 v28, v24;
	v28 =	vld.idx.msk [tilespmem:v32+s29+$0x0], $0xffff  }
0x18f: {  	v41 =	vmov s5;
	v42 =	vld.idx.msk [tilespmem:v32+s30+$0x0], $0xffff;
	v19 =	vmul.f32 v25, v19;
	v43 =	vor.u32 v6, v38  }
0x190: {  	v22 =	vadd.f32 v22, v34;
	v44 =	vor.u32 v18, v38;
	v34 =	vand.u32 $0x7E, v41;
	v25 =	vld.idx.msk [tilespmem:v37+s2+$0x0], $0xffff  }
0x191: {  	v24 =	vadd.f32 v27, v24;
	v45 =	vor.u32 v3, v34;
	v27 =	vld.idx.msk [tilespmem:v62+s15+$0x0], $0xffff  }
0x192: {  	s9 =	sadd.s32 $0x3, s10;
	v19 =	vadd.f32 v22, v19;
	v22 =	vld.idx.msk [tilespmem:v63+s29+$0x0], $0xffff  }
0x193: {  	v47 =	vmov s9;
	v46 =	vor.u32 v6, v34;
	v24 =	vmul.f32 v24, v29;
	v29 =	vld.idx.msk [tilespmem:v63+s30+$0x0], $0xffff  }
0x194: {  	v38 =	vand.u32 $0x7F, v47;
	v34 =	vor.u32 v18, v34;
	v28 =	vadd.f32 v42, v28;
	v36 =	vld.idx.msk [tilespmem:v43+s2+$0x0], $0xffff  }
0x195: {  	v19 =	vadd.f32 v24, v19;
	v24 =	vmul.f32 v30, v26;
	v30 =	vor.u32 v3, v38;
	v26 =	vld.idx.msk [tilespmem:v44+s15+$0x0], $0xffff  }
0x196: {  	v48 =	vld.idx.msk [tilespmem:v45+s29+$0x0], $0xffff;
	v27 =	vadd.f32 v27, v28  }
0x197: {  	v19 =	vadd.f32 v19, v24;
	v24 =	vld.idx.msk [tilespmem:v45+s30+$0x0], $0xffff  }
0x198: {  	v18 =	vor.u32 v18, v38;
	v28 =	vld.idx.msk [tilespmem:v46+s2+$0x0], $0xffff;
	v25 =	vmul.f32 v27, v25;
	v22 =	vadd.f32 v29, v22  }
0x199: {  	v21 =	vmul.f32 v23, v21;
	v27 =	vld.idx.msk [tilespmem:v34+s15+$0x0], $0xffff  }
0x19a: {  	v49 =	vld.idx.msk [tilespmem:v30+s29+$0x0], $0xffff;
	v29 =	vor.u32 v6, v38;
	v19 =	vadd.f32 v25, v19;
	v22 =	vadd.f32 v26, v22  }
0x19b: {  	v23 =	vor.u32 s9, v7;
	v25 =	vld.idx.msk [tilespmem:v30+s30+$0x0], $0xffff  }
0x19c: {  	v20 =	vld.idx.msk [tilespmem:v20+s30+$0x0], $0xffff;
	v19 =	vadd.f32 v19, v21;
	v21 =	vmul.f32 v22, v36;
	v22 =	vadd.f32 v24, v48  }
0x19d: {  	v18 =	vld.idx.msk [tilespmem:v18+s15+$0x0], $0xffff  }
0x19e: {  	v19 =	vadd.f32 v21, v19;
	v21 =	vmul.f32 v31, v40;
	v22 =	vadd.f32 v27, v22  }
0x19f: {  	v24 =	vld.idx.msk [tilespmem:v29+s2+$0x0], $0xffff  }
0x1a0: {  	v26 =	vld.idx.msk [tilespmem:v23+s29+$0x0], $0xffff;
	v19 =	vadd.f32 v19, v21;
	v21 =	vmul.f32 v22, v28;
	v22 =	vadd.f32 v25, v49  }
0x1a1: {  	v23 =	vld.idx.msk [tilespmem:v23+s30+$0x0], $0xffff  }
0x1a2: {  	v20 =	vmul.f32 v20, v39;
	v19 =	vadd.f32 v21, v19;
	v18 =	vadd.f32 v18, v22;
	_ =	sdelay $0x1  }
0x1a3: {  	v19 =	vadd.f32 v19, v20;
	v18 =	vmul.f32 v18, v24;
	_ =	sdelay $0x1  }
0x1a4: {  	v18 =	vadd.f32 v18, v19;
	v19 =	vmul.f32 v23, v26;
	_ =	sdelay $0x1  }
0x1a5: {  	v18 =	vadd.f32 v18, v19  }
0x1a6: {  	v17 =	vxor.u32 $0x80000000, v17  }
0x1a7: {  	(xrf1) =	vsort.ascd.msk.u32 $0xffff, v17, v18;
	_ =	sdelay $0xd  }
0x1a8: {  	[tilespmem:$0x1B040] =	vst v18;
	v17, v19, _ =	vpop (xrf1)  }
0x1a9: {  	v17 =	vxor.u32 $0x80000000, v17;
	[tilespmem:$0x1B070] =	vst v19  }
0x1aa: {  	[tilespmem:$0x1B060] =	vst v17  }
0x1ab: {  	v18 =	vld.idx.msk [tilespmem:v8+s0+$0x0], $0xffff  }
0x1ac: {  	v20 =	vld.idx.msk [tilespmem:v8+s19+$0x0], $0xffff;
	_ =	sdelay $0x3  }
0x1ad: {  	vm5 =	veq.s32 v18, v17  }
0x1ae: {  	v18 =	vmax.f32 v19, v20;
	vm5 =	vmand vm5, vm0  }
0x1af: {  	[tilespmem:$0x1B060] =	vst v17;
	v18 =	vsel vm5, v18, v19  }
0x1b0: {  	[tilespmem:$0x1B070] =	vst v18  }
0x1b1: {  	v19 =	vld.idx.msk [tilespmem:v9+s0+$0x0], $0xffff  }
0x1b2: {  	v20 =	vld.idx.msk [tilespmem:v9+s19+$0x0], $0xffff;
	_ =	sdelay $0x3  }
0x1b3: {  	vm5 =	veq.s32 v19, v17  }
0x1b4: {  	v19 =	vmax.f32 v18, v20;
	vm5 =	vmand vm5, vm1  }
0x1b5: {  	[tilespmem:$0x1B060] =	vst v17;
	v18 =	vsel vm5, v19, v18  }
0x1b6: {  	[tilespmem:$0x1B070] =	vst v18  }
0x1b7: {  	v19 =	vld.idx.msk [tilespmem:v10+s0+$0x0], $0xffff  }
0x1b8: {  	v20 =	vld.idx.msk [tilespmem:v10+s19+$0x0], $0xffff;
	_ =	sdelay $0x3  }
0x1b9: {  	vm5 =	veq.s32 v19, v17  }
0x1ba: {  	v19 =	vmax.f32 v18, v20;
	vm5 =	vmand vm5, vm2  }
0x1bb: {  	[tilespmem:$0x1B060] =	vst v17;
	v18 =	vsel vm5, v19, v18  }
0x1bc: {  	[tilespmem:$0x1B070] =	vst v18  }
0x1bd: {  	v19 =	vld.idx.msk [tilespmem:v11+s0+$0x0], $0xffff  }
0x1be: {  	v20 =	vld.idx.msk [tilespmem:v11+s19+$0x0], $0xffff;
	[tilespmem:$0x1B060] =	vst v17  }
0x1bf: {  	v21 =	vld.idx.msk [tilespmem:v12+s0+$0x0], $0xffff;
	_ =	sdelay $0x4  }
0x1c0: {  	vm5 =	vne.s32 v21, v17  }
0x1c1: {  	v21 =	vld.idx.msk [tilespmem:v17+s20+$0x0], $0xffff;
	vm5 =	vmor vm5, vm4;
	_ =	sdelay $0x1  }
0x1c2: {  	vm6 =	veq.s32 v19, v17  }
0x1c3: {  	v19 =	vmax.f32 v18, v20;
	vm6 =	vmand vm6, vm3  }
0x1c4: {  	v18 =	vsel vm6, v19, v18  }
0x1c5: {  	v18 =	vmax.f32 v21, v18  }
0x1c6: {  	[tilespmem:v17+s20+$0x0] =	vst.idx.msk vm5, v18  }
0x1c7: {  	v17 =	vld [tilespmem:s14+$0x10870];
	_ =	sdelay $0x1  }
0x1c8: {  	s23 =	simm.s32 $0x1  }
0x1c9: {  	v31 =	vmov s23;
	v26 =	vor.u32 s23, v16  }
0x1ca: {  	v31 =	vand.u32 $0x7D, v31  }
0x1cb: {  	v51 =	vor.u32 v15, v31;
	v18 =	vshll.u32 v17, $0x8  }
0x1cc: {  	v19 =	vor.u32 $0x80, v18  }
0x1cd: {  	v22 =	vld [tilespmem:s14+$0x11C70]  }
0x1ce: {  	s10 =	simm.s32 $0x0;
	v54 =	vor.u32 v14, v31;
	v50 =	vld.idx.msk [tilespmem:v26+s29+$0x0], $0xffff  }
0x1cf: {  	v21 =	vor.u32 s10, v16;
	v26 =	vld.idx.msk [tilespmem:v26+s30+$0x0], $0xffff  }
0x1d0: {  	v56 =	vld.idx.msk [tilespmem:v51+s29+$0x0], $0xffff  }
0x1d1: {  	v23 =	vld.idx.msk [tilespmem:v19+s15+$0x0], $0xffff;
	v19 =	vmov s10  }
0x1d2: {  	v33 =	vld.idx.msk [tilespmem:v51+s30+$0x0], $0xffff;
	v20 =	vadd.s32 v13, v17;
	v27 =	vand.u32 $0x7C, v19  }
0x1d3: {  	v36 =	vld.idx.msk [tilespmem:v54+s2+$0x0], $0xffff;
	v29 =	vor.u32 v15, v27  }
0x1d4: {  	v28 =	vld.idx.msk [tilespmem:v21+s29+$0x0], $0xffff  }
0x1d5: {  	v21 =	vld.idx.msk [tilespmem:v21+s30+$0x0], $0xffff  }
0x1d6: {  	v17 =	vld [tilespmem:s14+$0xE070];
	s14 =	simm.s32 $0x2;
	v30 =	vor.u32 v14, v27;
	v27 =	vor.u32 v18, v27  }
0x1d7: {  	v25 =	vor.u32 s14, v16;
	v53 =	vmov s14;
	v24 =	vld.idx.msk [tilespmem:v20+s29+$0x0], $0xffff  }
0x1d8: {  	v35 =	vand.u32 $0x7E, v53;
	v52 =	vld.idx.msk [tilespmem:v29+s29+$0x0], $0xffff  }
0x1d9: {  	v55 =	vor.u32 v15, v35;
	v29 =	vld.idx.msk [tilespmem:v29+s30+$0x0], $0xffff  }
0x1da: {  	v31 =	vor.u32 v18, v31;
	v20 =	vld.idx.msk [tilespmem:v20+s30+$0x0], $0xffff  }
0x1db: {  	v27 =	vld.idx.msk [tilespmem:v27+s15+$0x0], $0xffff  }
0x1dc: {  	s31 =	simm.s32 $0x3;
	v19 =	vld.idx.msk [tilespmem:v25+s29+$0x0], $0xffff  }
0x1dd: {  	v58 =	vmov s31;
	v57 =	vor.u32 v14, v35;
	v35 =	vor.u32 v18, v35;
	v30 =	vld.idx.msk [tilespmem:v30+s2+$0x0], $0xffff  }
0x1de: {  	v40 =	vand.u32 $0x7F, v58;
	v59 =	vld.idx.msk [tilespmem:v55+s29+$0x0], $0xffff;
	v22 =	vadd.f32 v23, v22;
	v23 =	vadd.f32 v29, v52  }
0x1df: {  	v29 =	vld.idx.msk [tilespmem:v31+s15+$0x0], $0xffff;
	v31 =	vor.u32 v15, v40  }
0x1e0: {  	v37 =	vld.idx.msk [tilespmem:v55+s30+$0x0], $0xffff;
	v22 =	vadd.f32 v24, v22;
	v24 =	vadd.f32 v27, v23  }
0x1e1: {  	v33 =	vadd.f32 v33, v56;
	s10 =	simm.s32 $0x4;
	v25 =	vld.idx.msk [tilespmem:v25+s30+$0x0], $0xffff;
	v27 =	vor.u32 v18, v40  }
0x1e2: {  	v61 =	vld.idx.msk [tilespmem:v35+s15+$0x0], $0xffff;
	v20 =	vadd.f32 v20, v22;
	v23 =	vor.u32 s10, v16;
	v60 =	vmul.f32 v24, v30  }
0x1e3: {  	v62 =	vor.u32 v14, v40;
	v22 =	vld.idx.msk [tilespmem:v57+s2+$0x0], $0xffff;
	v30 =	vor.u32 s31, v16  }
0x1e4: {  	v21 =	vmul.f32 v21, v28;
	v24 =	vld.idx.msk [tilespmem:v31+s29+$0x0], $0xffff;
	v29 =	vadd.f32 v29, v33;
	v20 =	vadd.f32 v60, v20  }
0x1e5: {  	v63 =	vadd.f32 v37, v59;
	v28 =	vld.idx.msk [tilespmem:v31+s30+$0x0], $0xffff  }
0x1e6: {  	s5 =	simm.s32 $0x6;
	v31 =	vmov s10;
	v29 =	vmul.f32 v29, v36;
	v27 =	vld.idx.msk [tilespmem:v27+s15+$0x0], $0xffff;
	v39 =	vadd.f32 v20, v21  }
0x1e7: {  	s9 =	simm.s32 $0x5;
	v35 =	vmul.f32 v26, v50;
	v33 =	vand.u32 $0x7C, v31;
	v21 =	vld.idx.msk [tilespmem:v23+s29+$0x0], $0xffff;
	v20 =	vor.u32 s5, v16  }
0x1e8: {  	v31 =	vor.u32 s9, v16;
	v36 =	vadd.f32 v61, v63;
	v26 =	vld.idx.msk [tilespmem:v30+s29+$0x0], $0xffff;
	v34 =	vadd.f32 v29, v39  }
0x1e9: {  	s14 =	simm.s32 $0x8;
	v32 =	vor.u32 v15, v33;
	v29 =	vld.idx.msk [tilespmem:v62+s2+$0x0], $0xffff  }
.LBB2_11:
0x1ea: {  	p0 =	sne.s32 s14, $0x7C;
	v34 =	vadd.f32 v34, v35;
	v22 =	vmul.f32 v36, v22;
	v30 =	vld.idx.msk [tilespmem:v30+s30+$0x0], $0xffff;
	v24 =	vadd.f32 v28, v24  }
0x1eb: {  	v28 =	vor.u32 v14, v33;
	v35 =	vld.idx.msk [tilespmem:v23+s30+$0x0], $0xffff;
	v23 =	vmov s9  }
0x1ec: {  	v25 =	vmul.f32 v25, v19;
	v22 =	vadd.f32 v22, v34;
	v19 =	vld.idx.msk [tilespmem:v20+s29+$0x0], $0xffff;
	v24 =	vadd.f32 v27, v24  }
0x1ed: {  	v27 =	vor.u32 v18, v33;
	v23 =	vand.u32 $0x7D, v23;
	v36 =	vld.idx.msk [tilespmem:v31+s29+$0x0], $0xffff  }
0x1ee: {  	v33 =	vor.u32 v15, v23;
	v37 =	vld.idx.msk [tilespmem:v31+s30+$0x0], $0xffff;
	v22 =	vadd.f32 v22, v25;
	v24 =	vmul.f32 v24, v29  }
0x1ef: {  	v29 =	vmov s5;
	v25 =	vld.idx.msk [tilespmem:v32+s29+$0x0], $0xffff  }
0x1f0: {  	v31 =	vld.idx.msk [tilespmem:v32+s30+$0x0], $0xffff;
	v32 =	vor.u32 v14, v23;
	v22 =	vadd.f32 v24, v22;
	v24 =	vmul.f32 v30, v26  }
0x1f1: {  	v23 =	vor.u32 v18, v23;
	v26 =	vld.idx.msk [tilespmem:v28+s2+$0x0], $0xffff;
	v28 =	vand.u32 $0x7E, v29  }
0x1f2: {  	v27 =	vld.idx.msk [tilespmem:v27+s15+$0x0], $0xffff;
	v29 =	vor.u32 v15, v28;
	v34 =	vadd.f32 v22, v24  }
0x1f3: {  	s5 =	sadd.s32 $0x3, s10;
	s10 =	smov.u32 s14;
	v24 =	vld.idx.msk [tilespmem:v33+s29+$0x0], $0xffff  }
0x1f4: {  	v22 =	vor.u32 v14, v28;
	v30 =	vld.idx.msk [tilespmem:v33+s30+$0x0], $0xffff;
	v33 =	vmov s5  }
0x1f5: {  	v28 =	vor.u32 v18, v28;
	v32 =	vld.idx.msk [tilespmem:v32+s2+$0x0], $0xffff;
	v33 =	vand.u32 $0x7F, v33  }
0x1f6: {  	v25 =	vadd.f32 v31, v25;
	v31 =	vld.idx.msk [tilespmem:v23+s15+$0x0], $0xffff;
	v38 =	vor.u32 v15, v33  }
0x1f7: {  	v39 =	vld.idx.msk [tilespmem:v29+s29+$0x0], $0xffff  }
0x1f8: {  	v25 =	vadd.f32 v27, v25;
	v27 =	vld.idx.msk [tilespmem:v29+s30+$0x0], $0xffff  }
0x1f9: {  	v29 =	vor.u32 v18, v33;
	v22 =	vld.idx.msk [tilespmem:v22+s2+$0x0], $0xffff  }
0x1fa: {  	v23 =	vor.u32 s14, v16;
	v25 =	vmul.f32 v25, v26;
	v26 =	vadd.f32 v30, v24;
	v40 =	vld.idx.msk [tilespmem:v28+s15+$0x0], $0xffff  }
0x1fb: {  	v41 =	vor.u32 v14, v33;
	v30 =	vor.u32 s5, v16;
	v24 =	vld.idx.msk [tilespmem:v38+s29+$0x0], $0xffff  }
0x1fc: {  	v21 =	vmul.f32 v35, v21;
	v33 =	vadd.f32 v25, v34;
	v26 =	vadd.f32 v31, v26;
	v28 =	vld.idx.msk [tilespmem:v38+s30+$0x0], $0xffff  }
.Ltmp4:
0x1fd: {  	v31 =	vmov s14;
	v25 =	vld.idx.msk [tilespmem:v20+s30+$0x0], $0xffff;
	(pc) =	sbr.rel @p0 .LBB2_11-.Ltmp4, $4  }
0x1fe: {  	s9 =	sadd.s32 $0x1, s14;
	s5 =	sadd.s32 $0x2, s14;
	v34 =	vadd.f32 v33, v21;
	v26 =	vmul.f32 v26, v32;
	v32 =	vadd.f32 v27, v39;
	v27 =	vld.idx.msk [tilespmem:v29+s15+$0x0], $0xffff  }
0x1ff: {  	v33 =	vand.u32 $0x7C, v31;
	v31 =	vor.u32 s9, v16;
	v20 =	vor.u32 s5, v16;
	v21 =	vld.idx.msk [tilespmem:v23+s29+$0x0], $0xffff  }
0x200: {  	v35 =	vmul.f32 v37, v36;
	v34 =	vadd.f32 v26, v34;
	v36 =	vadd.f32 v40, v32;
	v29 =	vld.idx.msk [tilespmem:v41+s2+$0x0], $0xffff  }
0x201: {  	s14 =	sadd.s32 $0x4, s14;
	v32 =	vor.u32 v15, v33;
	v26 =	vld.idx.msk [tilespmem:v30+s29+$0x0], $0xffff  }
0x202: {  	_ =	sdelay $0x3  }
0x203: {  	v30 =	vld.idx.msk [tilespmem:v30+s30+$0x0], $0xffff  }
0x204: {  	v23 =	vld.idx.msk [tilespmem:v23+s30+$0x0], $0xffff  }
0x205: {  	v37 =	vor.u32 v14, v33;
	v38 =	vmov s9;
	v39 =	vld.idx.msk [tilespmem:v20+s29+$0x0], $0xffff  }
0x206: {  	v47 =	vor.u32 v18, v33;
	v40 =	vld.idx.msk [tilespmem:v31+s29+$0x0], $0xffff;
	v38 =	vand.u32 $0x7D, v38  }
0x207: {  	v31 =	vld.idx.msk [tilespmem:v31+s30+$0x0], $0xffff;
	v48 =	vor.u32 v15, v38  }
0x208: {  	v34 =	vadd.f32 v34, v35;
	v22 =	vmul.f32 v36, v22;
	v49 =	vld.idx.msk [tilespmem:v32+s29+$0x0], $0xffff  }
0x209: {  	v24 =	vadd.f32 v28, v24;
	v50 =	vmov s5;
	v51 =	vld.idx.msk [tilespmem:v32+s30+$0x0], $0xffff;
	v52 =	vor.u32 v14, v38  }
0x20a: {  	v22 =	vadd.f32 v22, v34;
	v54 =	vor.u32 v18, v38;
	v34 =	vand.u32 $0x7E, v50;
	v53 =	vld.idx.msk [tilespmem:v37+s2+$0x0], $0xffff  }
0x20b: {  	s14 =	sadd.s32 $0x3, s10;
	v56 =	vor.u32 v15, v34;
	v55 =	vld.idx.msk [tilespmem:v47+s15+$0x0], $0xffff  }
0x20c: {  	v19 =	vmul.f32 v25, v19;
	v60 =	vmov s14;
	v24 =	vadd.f32 v27, v24;
	v57 =	vld.idx.msk [tilespmem:v48+s29+$0x0], $0xffff  }
0x20d: {  	v62 =	vand.u32 $0x7F, v60;
	v59 =	vor.u32 v14, v34;
	v34 =	vor.u32 v18, v34;
	v58 =	vld.idx.msk [tilespmem:v48+s30+$0x0], $0xffff  }
0x20e: {  	v19 =	vadd.f32 v22, v19;
	v24 =	vmul.f32 v24, v29;
	v28 =	vadd.f32 v51, v49;
	v61 =	vld.idx.msk [tilespmem:v52+s2+$0x0], $0xffff  }
0x20f: {  	v41 =	vor.u32 v15, v62;
	v38 =	vld.idx.msk [tilespmem:v54+s15+$0x0], $0xffff  }
0x210: {  	v63 =	vmul.f32 v30, v26;
	v19 =	vadd.f32 v24, v19;
	v42 =	vld.idx.msk [tilespmem:v56+s29+$0x0], $0xffff;
	v27 =	vadd.f32 v55, v28  }
0x211: {  	v18 =	vor.u32 v18, v62;
	v43 =	vld.idx.msk [tilespmem:v56+s30+$0x0], $0xffff  }
0x212: {  	v19 =	vadd.f32 v19, v63;
	v44 =	vld.idx.msk [tilespmem:v59+s2+$0x0], $0xffff;
	v25 =	vmul.f32 v27, v53;
	v22 =	vadd.f32 v58, v57  }
0x213: {  	v46 =	vor.u32 v14, v62;
	v45 =	vld.idx.msk [tilespmem:v34+s15+$0x0], $0xffff  }
0x214: {  	v21 =	vmul.f32 v23, v21;
	v47 =	vld.idx.msk [tilespmem:v41+s29+$0x0], $0xffff;
	v19 =	vadd.f32 v25, v19;
	v22 =	vadd.f32 v38, v22  }
0x215: {  	v48 =	vor.u32 s14, v16;
	v49 =	vld.idx.msk [tilespmem:v41+s30+$0x0], $0xffff  }
0x216: {  	v50 =	vld.idx.msk [tilespmem:v20+s30+$0x0], $0xffff;
	v52 =	vadd.f32 v43, v42;
	v19 =	vadd.f32 v19, v21;
	v51 =	vmul.f32 v22, v61  }
0x217: {  	v18 =	vld.idx.msk [tilespmem:v18+s15+$0x0], $0xffff  }
0x218: {  	v53 =	vmul.f32 v31, v40;
	v22 =	vadd.f32 v45, v52;
	v19 =	vadd.f32 v51, v19  }
0x219: {  	v54 =	vld.idx.msk [tilespmem:v46+s2+$0x0], $0xffff  }
0x21a: {  	v55 =	vld.idx.msk [tilespmem:v48+s29+$0x0], $0xffff;
	v57 =	vadd.f32 v49, v47;
	v56 =	vmul.f32 v22, v44;
	v19 =	vadd.f32 v19, v53  }
0x21b: {  	v23 =	vld.idx.msk [tilespmem:v48+s30+$0x0], $0xffff  }
0x21c: {  	v20 =	vmul.f32 v50, v39;
	v18 =	vadd.f32 v18, v57;
	v19 =	vadd.f32 v56, v19;
	_ =	sdelay $0x1  }
0x21d: {  	v18 =	vmul.f32 v18, v54;
	v19 =	vadd.f32 v19, v20;
	_ =	sdelay $0x1  }
0x21e: {  	v18 =	vadd.f32 v18, v19;
	v19 =	vmul.f32 v23, v55;
	_ =	sdelay $0x1  }
0x21f: {  	v18 =	vadd.f32 v18, v19  }
0x220: {  	v17 =	vxor.u32 $0x80000000, v17  }
0x221: {  	(xrf1) =	vsort.ascd.msk.u32 $0xffff, v17, v18;
	_ =	sdelay $0xd  }
0x222: {  	[tilespmem:$0x1B050] =	vst v18;
	v17, v19, _ =	vpop (xrf1)  }
0x223: {  	v17 =	vxor.u32 $0x80000000, v17;
	[tilespmem:$0x1B070] =	vst v19  }
0x224: {  	[tilespmem:$0x1B060] =	vst v17  }
0x225: {  	v18 =	vld.idx.msk [tilespmem:v8+s0+$0x0], $0xffff  }
0x226: {  	v58 =	vld.idx.msk [tilespmem:v8+s19+$0x0], $0xffff;
	_ =	sdelay $0x3  }
0x227: {  	vm5 =	veq.s32 v18, v17  }
0x228: {  	v18 =	vmax.f32 v19, v58;
	vm5 =	vmand vm5, vm0  }
0x229: {  	[tilespmem:$0x1B060] =	vst v17;
	v18 =	vsel vm5, v18, v19  }
0x22a: {  	[tilespmem:$0x1B070] =	vst v18  }
0x22b: {  	v19 =	vld.idx.msk [tilespmem:v9+s0+$0x0], $0xffff  }
0x22c: {  	v59 =	vld.idx.msk [tilespmem:v9+s19+$0x0], $0xffff;
	_ =	sdelay $0x3  }
0x22d: {  	vm5 =	veq.s32 v19, v17  }
0x22e: {  	v19 =	vmax.f32 v18, v59;
	vm5 =	vmand vm5, vm1  }
0x22f: {  	[tilespmem:$0x1B060] =	vst v17;
	v18 =	vsel vm5, v19, v18  }
0x230: {  	[tilespmem:$0x1B070] =	vst v18  }
0x231: {  	v19 =	vld.idx.msk [tilespmem:v10+s0+$0x0], $0xffff  }
0x232: {  	v60 =	vld.idx.msk [tilespmem:v10+s19+$0x0], $0xffff;
	_ =	sdelay $0x3  }
0x233: {  	vm5 =	veq.s32 v19, v17  }
0x234: {  	v19 =	vmax.f32 v18, v60;
	vm5 =	vmand vm5, vm2  }
0x235: {  	[tilespmem:$0x1B060] =	vst v17;
	v18 =	vsel vm5, v19, v18  }
0x236: {  	[tilespmem:$0x1B070] =	vst v18  }
0x237: {  	v19 =	vld.idx.msk [tilespmem:v11+s0+$0x0], $0xffff  }
0x238: {  	v61 =	vld.idx.msk [tilespmem:v11+s19+$0x0], $0xffff;
	[tilespmem:$0x1B060] =	vst v17  }
0x239: {  	v62 =	vld.idx.msk [tilespmem:v12+s0+$0x0], $0xffff;
	_ =	sdelay $0x4  }
0x23a: {  	vm5 =	vne.s32 v62, v17  }
0x23b: {  	v63 =	vld.idx.msk [tilespmem:v17+s20+$0x0], $0xffff;
	vm5 =	vmor vm5, vm4;
	_ =	sdelay $0x1  }
0x23c: {  	vm6 =	veq.s32 v19, v17  }
0x23d: {  	v19 =	vmax.f32 v18, v61;
	vm6 =	vmand vm6, vm3  }
0x23e: {  	s12 =	sadd.s32 $0x1, s12;
	v18 =	vsel vm6, v19, v18  }
0x23f: {  	s23 =	sshrl.u32 s13, $0x3;
	p0 =	sne.s32 s12, $0x50;
	v18 =	vmax.f32 v63, v18  }
.Ltmp5:
0x240: {  	s31 =	simm.s32 $0x1B040;
	s5 =	sadd.s32 s7, s23;
	[tilespmem:v17+s20+$0x0] =	vst.idx.msk vm5, v18;
	(pc) =	sbr.rel @p0 .LBB2_4-.Ltmp5, $4  }
0x241: {  	[hbm4b:s5+s3] =	stream.linear.scatter [tilespmem:s31], [sflag:$0x7], $0x20, $0x38;
	[tilespmem:$0x1D880] =	vst v63  }
0x242: {  	_ =	swait.ge [sflag:s16], $0x20  }
0x243: {  	[sflag:s16] =	ssyncset.done $0x0  }
0x244: {  	[sflag:s16] =	ssyncadd.s32 $0xFFFFFFE0  }
0x245: {  	_ =	swait.ge [sflag:s25], $0x3000  }
0x246: {  	[sflag:s25] =	ssyncset.done $0x0  }
0x247: {  	[sflag:s25] =	ssyncadd.s32 $0xFFFFD000  }
0x248: {  	_ =	swait.ge [sflag:s26], $0x3000  }
0x249: {  	[sflag:s26] =	ssyncset.done $0x0  }
0x24a: {  	[sflag:s26] =	ssyncadd.s32 $0xFFFFD000  }
0x24b: {  	_ =	swait.ge [sflag:s28], $0x1000  }
0x24c: {  	[sflag:s28] =	ssyncset.done $0x0  }
0x24d: {  	s5 =	rddreg [dreg:$0x8];
	[sflag:s28] =	ssyncadd.s32 $0xFFFFF000  }
0x24e: {  	[hbm4b:s5+s3] =	stream.linear.scatter [tilespmem:s20], [sflag:$0x7], $0x2800, $0x38;
	[tilespmem:$0x1D880] =	vst v63  }
0x24f: {  	_ =	swait.ge [sflag:s16], $0x2800  }
0x250: {  	s9 =	rddreg [dreg:$0xa]  }
0x251: {  	s31 =	rddreg [dreg:$0x9];
	s9 =	sadd.s32 $0x1, s9  }
0x252: {  	p0 =	sne.s32 s9, s31  }
.Ltmp6:
0x253: {  	_ = 	snop;
	(pc) =	sbr.rel @p0 .LBB2_1-.Ltmp6, $3  }
0x254: {  	_ =	sdelay $0x1  }
0x255: {  	[sflag:s16] =	ssyncset.done $0x0  }
0x256: {  	[sflag:s16] =	ssyncadd.s32 $0xFFFFD800  }
0x257: {  	_ =	sfence.sel $0x180000  }
0x258: {  	[bflag:$0x0] =	sbarrier.arrive $0xFFFF  }
0x259: {  	_ =	strace $0x90000047  }
0x25a: {  	s0 =	stileid.u32;
	[bflag:$0x2] =	sbarrier.arrive $0xFFFF  }
0x25b: {  	p0 =	sne.s32 s0, $0x0;
	s0 =	rddreg [dreg:$0x2]  }
0x25c: {  	s0 =	sadd.s32 @!p0 $0x100000, s0  }
0x25d: {  	[sflag:s0] =	ssyncadd.tile.s32 @!p0 $0x1;
	_ =	shalt  }
.Lfunc_end2:
_tile_overlayer_lowered:
.L_overlay_start_2:
0x25e: {  	(tag) =	ssettag $0x2  }
0x25f: {  	s0 =	rddreg [dreg:$0x0];
	s2 =	stileid.u32  }
0x260: {  	s1 =	rddreg [dreg:$0x1];
	p0 =	sne.s32 s2, $0x0  }
0x261: {  	s3 =	rddreg [dreg:$0x2];
	[bflag:$0x3] =	sbarrier.arrive $0xFFFF;
	s2 =	simm.s32 @!p0 $0x1C07  }
0x262: {  	[timem:s3], [sflag:s2] =	dma.local @!p0 [hbm:s0], s1  }
0x263: {  	s0 =	simm.s32 @!p0 $0x7  }
0x264: {  	_ =	swait.ge @!p0 [sflag:s0], s1  }
0x265: {  	s1 =	ssub.s32 @!p0 $0x0, s1;
	[sflag:s0] =	ssyncset.done @!p0 $0x0  }
0x266: {  	[sflag:s0] =	ssyncadd.s32 @!p0 s1  }
0x267: {  	[bflag:$0x3] =	sbarrier.arrive $0xFFFF  }
0x268: {  	_ =	shalt  }

</sc_bundles>
